<compile_context>
chip_gen: v7x
topology: tpu7x:2x2x1
jax: 0.10.2.dev20260603
libtpu: 0.0.44.dev20260713+nightly
codegen_flags: <defaults>
</compile_context>

<pallas_src>
import jax
import jax.numpy as jnp
from jax import lax
from jax.experimental import pallas as pl
from jax.experimental.pallas import tpu as pltpu
from jax.experimental.pallas import tpu_sc as plsc

_N = 5000
_MAX_DET = 100
_IOU_THRESH = 0.5
_SCORE_THRESH = 0.05
_L = 16
_KSLOTS = 112
_STAGE1 = 128


def _splat(v):
    return jnp.full((_L,), v, jnp.int32)


def _nms_body(bx0_hbm, by0_hbm, bx1_hbm, by1_hbm, scores_hbm, order_hbm,
              out_hbm,
              bx0_v, by0_v, bx1_v, by1_v, scores_v, order_v,
              kx0, ky0, kx1, ky1, ka, supf, out_v,
              sx0, sy0, sx1, sy1, ss):
    cid = lax.axis_index("c")
    sid = lax.axis_index("s")

    pltpu.sync_copy(bx0_hbm, bx0_v)
    pltpu.sync_copy(by0_hbm, by0_v)
    pltpu.sync_copy(bx1_hbm, bx1_v)
    pltpu.sync_copy(by1_hbm, by1_v)
    pltpu.sync_copy(scores_hbm, scores_v)
    pltpu.sync_copy(order_hbm, order_v)

    neg = jnp.full((_L,), -1e6, jnp.float32)
    zero = jnp.zeros((_L,), jnp.float32)
    for k in range(_KSLOTS // _L):
        sl = pl.ds(k * _L, _L)
        kx0[sl] = neg
        ky0[sl] = neg
        kx1[sl] = neg
        ky1[sl] = neg
        ka[sl] = zero

    lane0 = lax.iota(jnp.int32, _L) == 0

    for b in range(_STAGE1 // _L):
        sl = pl.ds(b * _L, _L)
        idx = order_v[sl]
        sx0[sl] = plsc.load_gather(bx0_v, [idx])
        sy0[sl] = plsc.load_gather(by0_v, [idx])
        sx1[sl] = plsc.load_gather(bx1_v, [idx])
        sy1[sl] = plsc.load_gather(by1_v, [idx])
        ss[sl] = plsc.load_gather(scores_v, [idx])

    _bcast_dn = lax.GatherDimensionNumbers(
        offset_dims=(), collapsed_slice_dims=(0,), start_index_map=(0,))

    def bcast_lane(vec, lane):
        idx = (_splat(0) + lane)[:, None]
        return lax.gather(vec, idx, _bcast_dn, slice_sizes=(1,),
                          mode=lax.GatherScatterMode.PROMISE_IN_BOUNDS)

    def load_box_fast(c):
        base = pl.multiple_of((c // _L) * _L, _L)
        lane = c % _L
        sl = pl.ds(base, _L)
        x0 = bcast_lane(sx0[sl], lane)
        y0 = bcast_lane(sy0[sl], lane)
        x1 = bcast_lane(sx1[sl], lane)
        y1 = bcast_lane(sy1[sl], lane)
        s = bcast_lane(ss[sl], lane)
        return x0, y0, x1, y1, s

    def load_box(i):
        ov = plsc.load_gather(order_v, [_splat(0) + i])
        x0 = plsc.load_gather(bx0_v, [ov])
        y0 = plsc.load_gather(by0_v, [ov])
        x1 = plsc.load_gather(bx1_v, [ov])
        y1 = plsc.load_gather(by1_v, [ov])
        s = plsc.load_gather(scores_v, [ov])
        return x0, y0, x1, y1, s

    def emit_row(kv, x0, y0, x1, y1, s, mask):
        base = kv * 5
        plsc.store_scatter(out_v, [base], x0, mask=mask)
        plsc.store_scatter(out_v, [base + 1], y0, mask=mask)
        plsc.store_scatter(out_v, [base + 2], x1, mask=mask)
        plsc.store_scatter(out_v, [base + 3], y1, mask=mask)
        plsc.store_scatter(out_v, [base + 4], s, mask=mask)

    def iou_one(x0, y0, x1, y1, area, cx0, cy0, cx1, cy1, ca):
        ltx = jnp.maximum(x0, cx0)
        lty = jnp.maximum(y0, cy0)
        rbx = jnp.minimum(x1, cx1)
        rby = jnp.minimum(y1, cy1)
        w = jnp.maximum(rbx - ltx, jnp.float32(0.0))
        h = jnp.maximum(rby - lty, jnp.float32(0.0))
        inter = w * h
        return inter / ((area + ca) - inter + jnp.float32(1e-9))

    def max_iou_vs_kept(x0, y0, x1, y1, area, nslots=_KSLOTS // _L):
        maxiou = jnp.zeros((_L,), jnp.float32)
        for kk in range(nslots):
            sl = pl.ds(kk * _L, _L)
            iou = iou_one(x0, y0, x1, y1, area,
                          kx0[sl], ky0[sl], kx1[sl], ky1[sl], ka[sl])
            maxiou = jnp.maximum(maxiou, iou)
        return maxiou

    def pair_max_iou(a, b, nslots):
        ax0, ay0, ax1, ay1, a_area = a
        bx0, by0, bx1, by1, b_area = b
        a_max = jnp.zeros((_L,), jnp.float32)
        b_max = jnp.zeros((_L,), jnp.float32)
        for kk in range(nslots):
            sl = pl.ds(kk * _L, _L)
            cx0 = kx0[sl]
            cy0 = ky0[sl]
            cx1 = kx1[sl]
            cy1 = ky1[sl]
            ca = ka[sl]
            a_max = jnp.maximum(a_max, iou_one(ax0, ay0, ax1, ay1, a_area,
                                               cx0, cy0, cx1, cy1, ca))
            b_max = jnp.maximum(b_max, iou_one(bx0, by0, bx1, by1, b_area,
                                               cx0, cy0, cx1, cy1, ca))
        return a_max, b_max

    def keep_candidate(kv, x0, y0, x1, y1, s, area, keep_mask):
        plsc.store_scatter(kx0, [kv], x0, mask=keep_mask)
        plsc.store_scatter(ky0, [kv], y0, mask=keep_mask)
        plsc.store_scatter(kx1, [kv], x1, mask=keep_mask)
        plsc.store_scatter(ky1, [kv], y1, mask=keep_mask)
        plsc.store_scatter(ka, [kv], area, mask=keep_mask)
        emit_row(kv, x0, y0, x1, y1, s, keep_mask)

    def make_scan_step_fast(nslots):
        return lambda ii, kvec: scan_step_fast(ii, kvec, nslots)

    def scan_step_fast(ii, kvec, nslots):
        i = ii * 2
        ax0, ay0, ax1, ay1, as_ = load_box_fast(i)
        bx0, by0, bx1, by1, bs_ = load_box_fast(i + 1)
        a_area = (ax1 - ax0) * (ay1 - ay0)
        b_area = (bx1 - bx0) * (by1 - by0)
        a_max, b_max = pair_max_iou((ax0, ay0, ax1, ay1, a_area),
                                    (bx0, by0, bx1, by1, b_area), nslots)

        a_cnt = plsc.all_reduce_population_count(a_max > _IOU_THRESH)
        a_sup = (a_cnt > 0) | (as_ < _SCORE_THRESH)
        a_i32 = a_sup.astype(jnp.int32)
        a_nd = kvec < _MAX_DET
        keep_candidate(kvec, ax0, ay0, ax1, ay1, as_, a_area,
                       lane0 & jnp.logical_not(a_sup) & a_nd)
        plsc.store_scatter(supf, [_splat(0) + i], a_i32,
                           mask=lane0 & a_nd)

        ltx = jnp.maximum(ax0, bx0)
        lty = jnp.maximum(ay0, by0)
        rbx = jnp.minimum(ax1, bx1)
        rby = jnp.minimum(ay1, by1)
        w = jnp.maximum(rbx - ltx, jnp.float32(0.0))
        h = jnp.maximum(rby - lty, jnp.float32(0.0))
        inter = w * h
        iou_ab = inter / ((a_area + b_area) - inter + jnp.float32(1e-9))

        b_cnt = plsc.all_reduce_population_count(b_max > _IOU_THRESH)
        b_sup = ((b_cnt > 0) | (bs_ < _SCORE_THRESH)
                 | (jnp.logical_not(a_sup) & (iou_ab > _IOU_THRESH)))
        b_i32 = b_sup.astype(jnp.int32)
        kvec_b = kvec + jnp.where(a_nd, 1 - a_i32, 0)
        b_nd = kvec_b < _MAX_DET
        keep_candidate(kvec_b, bx0, by0, bx1, by1, bs_, b_area,
                       lane0 & jnp.logical_not(b_sup) & b_nd)
        plsc.store_scatter(supf, [_splat(0) + (i + 1)], b_i32,
                           mask=lane0 & b_nd)
        return kvec_b + jnp.where(b_nd, 1 - b_i32, 0)

    def scan_step(i, k):
        done = k >= _MAX_DET

        @pl.when(jnp.logical_not(done))
        def _step():
            x0, y0, x1, y1, s = load_box(i)
            area = (x1 - x0) * (y1 - y0)
            maxiou = max_iou_vs_kept(x0, y0, x1, y1, area)
            cnt = plsc.all_reduce_population_count(maxiou > _IOU_THRESH)
            sup_vec = (cnt > 0) | (s < _SCORE_THRESH)
            sup_i32 = sup_vec.astype(jnp.int32)
            keep_candidate(_splat(0) + k, x0, y0, x1, y1, s, area,
                           lane0 & jnp.logical_not(sup_vec))
            plsc.store_scatter(supf, [_splat(0) + i], sup_i32, mask=lane0)

        sup_rb = jnp.max(plsc.load_gather(supf, [_splat(0) + i]))
        return k + jnp.where(done, 0, 1 - sup_rb)

    kvec_mid = lax.fori_loop(0, 26, make_scan_step_fast(4),
                             jnp.zeros((_L,), jnp.int32))
    kvec_end = lax.fori_loop(26, _STAGE1 // 2, make_scan_step_fast(7),
                             kvec_mid)
    k_end = jnp.max(kvec_end)

    @pl.when(k_end < _MAX_DET)
    def _slow_tail():
        k_mid = lax.fori_loop(_STAGE1, _N, scan_step, k_end)

        def fill_step(j, k):
            fdone = k >= _MAX_DET
            sj = jnp.max(plsc.load_gather(supf, [_splat(0) + j]))
            x0, y0, x1, y1, s = load_box(j)
            emit = lane0 & (sj == 1) & jnp.logical_not(fdone)
            emit_row(_splat(0) + k, x0, y0, x1, y1, s, emit)
            return k + jnp.where(fdone, 0, sj)

        lax.fori_loop(0, _N, fill_step, k_mid)

    @pl.when((cid == 0) & (sid == 0))
    def _store():
        pltpu.sync_copy(out_v, out_hbm)


def _make_nms():
    mesh = plsc.VectorSubcoreMesh(core_axis_name="c", subcore_axis_name="s",
                                  num_cores=1, num_subcores=16)
    return pl.kernel(
        _nms_body,
        out_type=jax.ShapeDtypeStruct((_MAX_DET * 5,), jnp.float32),
        mesh=mesh,
        scratch_types=[
            pltpu.VMEM((_N,), jnp.float32),
            pltpu.VMEM((_N,), jnp.float32),
            pltpu.VMEM((_N,), jnp.float32),
            pltpu.VMEM((_N,), jnp.float32),
            pltpu.VMEM((_N,), jnp.float32),
            pltpu.VMEM((_N,), jnp.int32),
            pltpu.VMEM((_KSLOTS,), jnp.float32),
            pltpu.VMEM((_KSLOTS,), jnp.float32),
            pltpu.VMEM((_KSLOTS,), jnp.float32),
            pltpu.VMEM((_KSLOTS,), jnp.float32),
            pltpu.VMEM((_KSLOTS,), jnp.float32),
            pltpu.VMEM((_N,), jnp.int32),
            pltpu.VMEM((_MAX_DET * 5,), jnp.float32),
            pltpu.VMEM((_STAGE1,), jnp.float32),
            pltpu.VMEM((_STAGE1,), jnp.float32),
            pltpu.VMEM((_STAGE1,), jnp.float32),
            pltpu.VMEM((_STAGE1,), jnp.float32),
            pltpu.VMEM((_STAGE1,), jnp.float32),
        ],
        compiler_params=pltpu.CompilerParams(needs_layout_passes=False),
        name="sc_greedy_nms",
    )


def _nms_fast_body(bx0_hbm, by0_hbm, bx1_hbm, by1_hbm, scores_hbm,
                   topi_hbm, out_hbm, kflag_hbm,
                   topi_v, sx0, sy0, sx1, sy1, ss,
                   kx0, ky0, kx1, ky1, ka, out_v, kflag_v, sem):
    cid = lax.axis_index("c")
    sid = lax.axis_index("s")

    pltpu.sync_copy(topi_hbm, topi_v)
    copies = [pltpu.async_copy(h.at[topi_v], d, sem)
              for h, d in ((bx0_hbm, sx0), (by0_hbm, sy0), (bx1_hbm, sx1),
                           (by1_hbm, sy1), (scores_hbm, ss))]
    for c in copies:
        c.wait()

    neg = jnp.full((_L,), -1e6, jnp.float32)
    zero = jnp.zeros((_L,), jnp.float32)
    for k in range(_KSLOTS // _L):
        sl = pl.ds(k * _L, _L)
        kx0[sl] = neg
        ky0[sl] = neg
        kx1[sl] = neg
        ky1[sl] = neg
        ka[sl] = zero

    lane0 = lax.iota(jnp.int32, _L) == 0

    _bcast_dn = lax.GatherDimensionNumbers(
        offset_dims=(), collapsed_slice_dims=(0,), start_index_map=(0,))

    def bcast_lane(vec, lane):
        idx = (_splat(0) + lane)[:, None]
        return lax.gather(vec, idx, _bcast_dn, slice_sizes=(1,),
                          mode=lax.GatherScatterMode.PROMISE_IN_BOUNDS)

    def load_box_fast(c):
        base = pl.multiple_of((c // _L) * _L, _L)
        lane = c % _L
        sl = pl.ds(base, _L)
        return (bcast_lane(sx0[sl], lane), bcast_lane(sy0[sl], lane),
                bcast_lane(sx1[sl], lane), bcast_lane(sy1[sl], lane),
                bcast_lane(ss[sl], lane))

    def emit_row(kv, x0, y0, x1, y1, s, mask):
        base = kv * 5
        plsc.store_scatter(out_v, [base], x0, mask=mask)
        plsc.store_scatter(out_v, [base + 1], y0, mask=mask)
        plsc.store_scatter(out_v, [base + 2], x1, mask=mask)
        plsc.store_scatter(out_v, [base + 3], y1, mask=mask)
        plsc.store_scatter(out_v, [base + 4], s, mask=mask)

    def iou_one(x0, y0, x1, y1, area, cx0, cy0, cx1, cy1, ca):
        ltx = jnp.maximum(x0, cx0)
        lty = jnp.maximum(y0, cy0)
        rbx = jnp.minimum(x1, cx1)
        rby = jnp.minimum(y1, cy1)
        w = jnp.maximum(rbx - ltx, jnp.float32(0.0))
        h = jnp.maximum(rby - lty, jnp.float32(0.0))
        inter = w * h
        return inter / ((area + ca) - inter + jnp.float32(1e-9))

    def keep_candidate(kv, x0, y0, x1, y1, s, area, keep_mask):
        plsc.store_scatter(kx0, [kv], x0, mask=keep_mask)
        plsc.store_scatter(ky0, [kv], y0, mask=keep_mask)
        plsc.store_scatter(kx1, [kv], x1, mask=keep_mask)
        plsc.store_scatter(ky1, [kv], y1, mask=keep_mask)
        plsc.store_scatter(ka, [kv], area, mask=keep_mask)
        emit_row(kv, x0, y0, x1, y1, s, keep_mask)

    def scan_step_fast(ii, kvec, nslots):
        i = ii * 2
        ax0, ay0, ax1, ay1, as_ = load_box_fast(i)
        bx0, by0, bx1, by1, bs_ = load_box_fast(i + 1)
        a_area = (ax1 - ax0) * (ay1 - ay0)
        b_area = (bx1 - bx0) * (by1 - by0)
        a_max = jnp.zeros((_L,), jnp.float32)
        b_max = jnp.zeros((_L,), jnp.float32)
        for kk in range(nslots):
            sl = pl.ds(kk * _L, _L)
            cx0 = kx0[sl]
            cy0 = ky0[sl]
            cx1 = kx1[sl]
            cy1 = ky1[sl]
            ca = ka[sl]
            a_max = jnp.maximum(a_max, iou_one(ax0, ay0, ax1, ay1, a_area,
                                               cx0, cy0, cx1, cy1, ca))
            b_max = jnp.maximum(b_max, iou_one(bx0, by0, bx1, by1, b_area,
                                               cx0, cy0, cx1, cy1, ca))

        a_cnt = plsc.all_reduce_population_count(a_max > _IOU_THRESH)
        a_sup = (a_cnt > 0) | (as_ < _SCORE_THRESH)
        a_i32 = a_sup.astype(jnp.int32)
        a_nd = kvec < _MAX_DET
        keep_candidate(kvec, ax0, ay0, ax1, ay1, as_, a_area,
                       lane0 & jnp.logical_not(a_sup) & a_nd)

        iou_ab = iou_one(ax0, ay0, ax1, ay1, a_area,
                         bx0, by0, bx1, by1, b_area)
        b_cnt = plsc.all_reduce_population_count(b_max > _IOU_THRESH)
        b_sup = ((b_cnt > 0) | (bs_ < _SCORE_THRESH)
                 | (jnp.logical_not(a_sup) & (iou_ab > _IOU_THRESH)))
        b_i32 = b_sup.astype(jnp.int32)
        kvec_b = kvec + jnp.where(a_nd, 1 - a_i32, 0)
        b_nd = kvec_b < _MAX_DET
        keep_candidate(kvec_b, bx0, by0, bx1, by1, bs_, b_area,
                       lane0 & jnp.logical_not(b_sup) & b_nd)
        return kvec_b + jnp.where(b_nd, 1 - b_i32, 0)

    kvec_mid = lax.fori_loop(0, 26, lambda ii, kv: scan_step_fast(ii, kv, 4),
                             jnp.zeros((_L,), jnp.int32))
    kvec_end = lax.fori_loop(26, _STAGE1 // 2,
                             lambda ii, kv: scan_step_fast(ii, kv, 7),
                             kvec_mid)
    kflag_v[pl.ds(0, _L)] = kvec_end

    @pl.when((cid == 0) & (sid == 0))
    def _store():
        pltpu.sync_copy(out_v, out_hbm)
        pltpu.sync_copy(kflag_v, kflag_hbm)


def _make_fast():
    mesh = plsc.VectorSubcoreMesh(core_axis_name="c", subcore_axis_name="s",
                                  num_cores=1, num_subcores=16)
    return pl.kernel(
        _nms_fast_body,
        out_type=[jax.ShapeDtypeStruct((_MAX_DET * 5,), jnp.float32),
                  jax.ShapeDtypeStruct((_L,), jnp.int32)],
        mesh=mesh,
        scratch_types=[
            pltpu.VMEM((_STAGE1,), jnp.int32),
            pltpu.VMEM((_STAGE1,), jnp.float32),
            pltpu.VMEM((_STAGE1,), jnp.float32),
            pltpu.VMEM((_STAGE1,), jnp.float32),
            pltpu.VMEM((_STAGE1,), jnp.float32),
            pltpu.VMEM((_STAGE1,), jnp.float32),
            pltpu.VMEM((_KSLOTS,), jnp.float32),
            pltpu.VMEM((_KSLOTS,), jnp.float32),
            pltpu.VMEM((_KSLOTS,), jnp.float32),
            pltpu.VMEM((_KSLOTS,), jnp.float32),
            pltpu.VMEM((_KSLOTS,), jnp.float32),
            pltpu.VMEM((_MAX_DET * 5,), jnp.float32),
            pltpu.VMEM((_L,), jnp.int32),
            pltpu.SemaphoreType.DMA,
        ],
        compiler_params=pltpu.CompilerParams(needs_layout_passes=False),
        name="sc_greedy_nms_fast",
    )


def kernel(boxes, scores):
    _, topi = lax.top_k(scores, _STAGE1)
    topi, boxes, scores = lax.optimization_barrier(
        (topi.astype(jnp.int32), boxes, scores))
    flat, kflag = _make_fast()(boxes[:, 0], boxes[:, 1], boxes[:, 2],
                               boxes[:, 3], scores, topi)

    def _full(args):
        bxs, scs = args
        order = jnp.argsort(-scs).astype(jnp.int32)
        return _make_nms()(bxs[:, 0], bxs[:, 1], bxs[:, 2], bxs[:, 3],
                           scs, order)

    flat = lax.cond(kflag[0] >= _MAX_DET, lambda args: flat, _full,
                    (boxes, scores))
    return flat.reshape(_MAX_DET, 5)

# --- scband reference (transcript-rebuilt; emitter-appended) ---
"""Pipeline reference for scband-ro-ihead-4922032521541 (READ-ONLY COPY).

The authoritative reference and input builder live on the scoring server;
editing this copy changes nothing except your own understanding.
"""

import jax, jax.numpy as jnp
import numpy as np

N = 5000
MAX_DET = 100          # box_detections_perimg
IOU_THRESH = 0.5       # box_nms_thresh
SCORE_THRESH = 0.05    # box_score_thresh


def setup_inputs(seed: int = 0) -> dict:
    key = jax.random.key(seed)
    k1, k2, k3 = jax.random.split(key, 3)
    # valid xyxy boxes in a 1024x1024 image
    cxcy = jax.random.uniform(k1, (N, 2), minval=0.0, maxval=1024.0)
    wh = jax.random.uniform(k2, (N, 2), minval=8.0, maxval=256.0)
    boxes = jnp.concatenate([cxcy - wh / 2.0, cxcy + wh / 2.0], axis=1).astype(jnp.float32)
    scores = jax.random.uniform(k3, (N,), dtype=jnp.float32)
    return {"boxes": boxes, "scores": scores}


def _box_iou(a, b):
    area_a = (a[:, 2] - a[:, 0]) * (a[:, 3] - a[:, 1])
    area_b = (b[:, 2] - b[:, 0]) * (b[:, 3] - b[:, 1])
    lt = jnp.maximum(a[:, None, :2], b[None, :, :2])
    rb = jnp.minimum(a[:, None, 2:], b[None, :, 2:])
    wh = jnp.clip(rb - lt, 0.0)
    inter = wh[..., 0] * wh[..., 1]
    return inter / (area_a[:, None] + area_b[None, :] - inter + 1e-9)


def _nms_keep(boxes, scores):
    # greedy class-agnostic NMS; returns MAX_DET kept indices (score-ordered)
    order = jnp.argsort(-scores)
    b = boxes[order]
    s = scores[order]
    iou = _box_iou(b, b)
    n = b.shape[0]
    idx = jnp.arange(n)
    init_sup = s < SCORE_THRESH

    def body(i, sup):
        new = sup | ((iou[i] > IOU_THRESH) & (idx > i))
        return jnp.where(sup[i], sup, new)

    sup = jax.lax.fori_loop(0, n, body, init_sup)
    masked = jnp.where(sup, -jnp.inf, s)
    _, top_pos = jax.lax.top_k(masked, MAX_DET)
    keep = order[top_pos]
    return keep


def reference(boxes, scores):
    keep = _nms_keep(jax.lax.stop_gradient(boxes), jax.lax.stop_gradient(scores))
    out_boxes = boxes[keep]
    out_scores = scores[keep]
    return jnp.concatenate([out_boxes, out_scores[:, None]], axis=1)

if __name__ == "__main__":
    import jax
    _d = setup_inputs()
    print(jax.jit(kernel)(*tuple(_d.values())))

</pallas_src>

<mosaic_0001>
#map = affine_map<(d0, d1) -> (0)>
module attributes {stable_mosaic.version = 14 : i64} {
  func.func @sc_greedy_nms(%arg0: i32, %arg1: i32, %arg2: memref<5000xf32, #tpu.memory_space<hbm>>, %arg3: memref<5000xf32, #tpu.memory_space<hbm>>, %arg4: memref<5000xf32, #tpu.memory_space<hbm>>, %arg5: memref<5000xf32, #tpu.memory_space<hbm>>, %arg6: memref<5000xf32, #tpu.memory_space<hbm>>, %arg7: memref<5000xi32, #tpu.memory_space<hbm>>, %arg8: memref<500xf32, #tpu.memory_space<hbm>>, %arg9: memref<5000xf32, #tpu.memory_space<vmem>>, %arg10: memref<5000xf32, #tpu.memory_space<vmem>>, %arg11: memref<5000xf32, #tpu.memory_space<vmem>>, %arg12: memref<5000xf32, #tpu.memory_space<vmem>>, %arg13: memref<5000xf32, #tpu.memory_space<vmem>>, %arg14: memref<5000xi32, #tpu.memory_space<vmem>>, %arg15: memref<112xf32, #tpu.memory_space<vmem>>, %arg16: memref<112xf32, #tpu.memory_space<vmem>>, %arg17: memref<112xf32, #tpu.memory_space<vmem>>, %arg18: memref<112xf32, #tpu.memory_space<vmem>>, %arg19: memref<112xf32, #tpu.memory_space<vmem>>, %arg20: memref<5000xi32, #tpu.memory_space<vmem>>, %arg21: memref<500xf32, #tpu.memory_space<vmem>>, %arg22: memref<128xf32, #tpu.memory_space<vmem>>, %arg23: memref<128xf32, #tpu.memory_space<vmem>>, %arg24: memref<128xf32, #tpu.memory_space<vmem>>, %arg25: memref<128xf32, #tpu.memory_space<vmem>>, %arg26: memref<128xf32, #tpu.memory_space<vmem>>) attributes {dimension_semantics = [#tpu.dimension_semantics<core_parallel>, #tpu.dimension_semantics<subcore_parallel>], iteration_bounds = array<i64: 1, 16>, scalar_prefetch = 0 : i64, scratch_operands = 18 : i64, tpu.core_type = #tpu.core_type<sc_vector_subcore>, window_params = [{transform_indices = #map}, {transform_indices = #map}, {transform_indices = #map}, {transform_indices = #map}, {transform_indices = #map}, {transform_indices = #map}, {transform_indices = #map}]} {
    "tpu.region"() ({
      %run_scoped3A = tpu.sem_alloc : memref<!tpu.dma_semaphore, #tpu.memory_space<semaphore_mem>>
      tpu.enqueue_dma source(%arg2 : memref<5000xf32, #tpu.memory_space<hbm>>) target(%arg9 : memref<5000xf32, #tpu.memory_space<vmem>>) target_semaphore(%run_scoped3A : memref<!tpu.dma_semaphore, #tpu.memory_space<semaphore_mem>>)
      tpu.wait_dma2 semaphore(%run_scoped3A : memref<!tpu.dma_semaphore, #tpu.memory_space<semaphore_mem>>) src(%arg2 : memref<5000xf32, #tpu.memory_space<hbm>>) dst(%arg9 : memref<5000xf32, #tpu.memory_space<vmem>>)
      tpu.yield
    }) : () -> ()
    "tpu.region"() ({
      %run_scoped3A = tpu.sem_alloc : memref<!tpu.dma_semaphore, #tpu.memory_space<semaphore_mem>>
      tpu.enqueue_dma source(%arg3 : memref<5000xf32, #tpu.memory_space<hbm>>) target(%arg10 : memref<5000xf32, #tpu.memory_space<vmem>>) target_semaphore(%run_scoped3A : memref<!tpu.dma_semaphore, #tpu.memory_space<semaphore_mem>>)
      tpu.wait_dma2 semaphore(%run_scoped3A : memref<!tpu.dma_semaphore, #tpu.memory_space<semaphore_mem>>) src(%arg3 : memref<5000xf32, #tpu.memory_space<hbm>>) dst(%arg10 : memref<5000xf32, #tpu.memory_space<vmem>>)
      tpu.yield
    }) : () -> ()
    "tpu.region"() ({
      %run_scoped3A = tpu.sem_alloc : memref<!tpu.dma_semaphore, #tpu.memory_space<semaphore_mem>>
      tpu.enqueue_dma source(%arg4 : memref<5000xf32, #tpu.memory_space<hbm>>) target(%arg11 : memref<5000xf32, #tpu.memory_space<vmem>>) target_semaphore(%run_scoped3A : memref<!tpu.dma_semaphore, #tpu.memory_space<semaphore_mem>>)
      tpu.wait_dma2 semaphore(%run_scoped3A : memref<!tpu.dma_semaphore, #tpu.memory_space<semaphore_mem>>) src(%arg4 : memref<5000xf32, #tpu.memory_space<hbm>>) dst(%arg11 : memref<5000xf32, #tpu.memory_space<vmem>>)
      tpu.yield
    }) : () -> ()
    "tpu.region"() ({
      %run_scoped3A = tpu.sem_alloc : memref<!tpu.dma_semaphore, #tpu.memory_space<semaphore_mem>>
      tpu.enqueue_dma source(%arg5 : memref<5000xf32, #tpu.memory_space<hbm>>) target(%arg12 : memref<5000xf32, #tpu.memory_space<vmem>>) target_semaphore(%run_scoped3A : memref<!tpu.dma_semaphore, #tpu.memory_space<semaphore_mem>>)
      tpu.wait_dma2 semaphore(%run_scoped3A : memref<!tpu.dma_semaphore, #tpu.memory_space<semaphore_mem>>) src(%arg5 : memref<5000xf32, #tpu.memory_space<hbm>>) dst(%arg12 : memref<5000xf32, #tpu.memory_space<vmem>>)
      tpu.yield
    }) : () -> ()
    "tpu.region"() ({
      %run_scoped3A = tpu.sem_alloc : memref<!tpu.dma_semaphore, #tpu.memory_space<semaphore_mem>>
      tpu.enqueue_dma source(%arg6 : memref<5000xf32, #tpu.memory_space<hbm>>) target(%arg13 : memref<5000xf32, #tpu.memory_space<vmem>>) target_semaphore(%run_scoped3A : memref<!tpu.dma_semaphore, #tpu.memory_space<semaphore_mem>>)
      tpu.wait_dma2 semaphore(%run_scoped3A : memref<!tpu.dma_semaphore, #tpu.memory_space<semaphore_mem>>) src(%arg6 : memref<5000xf32, #tpu.memory_space<hbm>>) dst(%arg13 : memref<5000xf32, #tpu.memory_space<vmem>>)
      tpu.yield
    }) : () -> ()
    "tpu.region"() ({
      %run_scoped3A = tpu.sem_alloc : memref<!tpu.dma_semaphore, #tpu.memory_space<semaphore_mem>>
      tpu.enqueue_dma source(%arg7 : memref<5000xi32, #tpu.memory_space<hbm>>) target(%arg14 : memref<5000xi32, #tpu.memory_space<vmem>>) target_semaphore(%run_scoped3A : memref<!tpu.dma_semaphore, #tpu.memory_space<semaphore_mem>>)
      tpu.wait_dma2 semaphore(%run_scoped3A : memref<!tpu.dma_semaphore, #tpu.memory_space<semaphore_mem>>) src(%arg7 : memref<5000xi32, #tpu.memory_space<hbm>>) dst(%arg14 : memref<5000xi32, #tpu.memory_space<vmem>>)
      tpu.yield
    }) : () -> ()
    %broadcast_in_dim3A = arith.constant -1.000000e+06 : f32
    %broadcast_in_dim3A_0 = vector.broadcast %broadcast_in_dim3A : f32 to vector<16xf32>
    %broadcast_in_dim3A_1 = arith.constant 0.000000e+00 : f32
    %broadcast_in_dim3A_2 = vector.broadcast %broadcast_in_dim3A_1 : f32 to vector<16xf32>
    %swap3A = arith.constant 0 : index
    %swap3A_3 = tpu.vector_load %arg15[%swap3A] {strides = array<i32>} : memref<112xf32, #tpu.memory_space<vmem>>, vector<16xf32>,
    tpu.vector_store %arg15[%swap3A], %broadcast_in_dim3A_0 {strides = array<i32>} : memref<112xf32, #tpu.memory_space<vmem>>, vector<16xf32>,
    %swap3A_4 = arith.constant 0 : index
    %swap3A_5 = tpu.vector_load %arg16[%swap3A_4] {strides = array<i32>} : memref<112xf32, #tpu.memory_space<vmem>>, vector<16xf32>,
    tpu.vector_store %arg16[%swap3A_4], %broadcast_in_dim3A_0 {strides = array<i32>} : memref<112xf32, #tpu.memory_space<vmem>>, vector<16xf32>,
    %swap3A_6 = arith.constant 0 : index
    %swap3A_7 = tpu.vector_load %arg17[%swap3A_6] {strides = array<i32>} : memref<112xf32, #tpu.memory_space<vmem>>, vector<16xf32>,
    tpu.vector_store %arg17[%swap3A_6], %broadcast_in_dim3A_0 {strides = array<i32>} : memref<112xf32, #tpu.memory_space<vmem>>, vector<16xf32>,
    %swap3A_8 = arith.constant 0 : index
    %swap3A_9 = tpu.vector_load %arg18[%swap3A_8] {strides = array<i32>} : memref<112xf32, #tpu.memory_space<vmem>>, vector<16xf32>,
    tpu.vector_store %arg18[%swap3A_8], %broadcast_in_dim3A_0 {strides = array<i32>} : memref<112xf32, #tpu.memory_space<vmem>>, vector<16xf32>,
    %swap3A_10 = arith.constant 0 : index
    %swap3A_11 = tpu.vector_load %arg19[%swap3A_10] {strides = array<i32>} : memref<112xf32, #tpu.memory_space<vmem>>, vector<16xf32>,
    tpu.vector_store %arg19[%swap3A_10], %broadcast_in_dim3A_2 {strides = array<i32>} : memref<112xf32, #tpu.memory_space<vmem>>, vector<16xf32>,
    %swap3A_12 = arith.constant 16 : index
    %swap3A_13 = tpu.vector_load %arg15[%swap3A_12] {strides = array<i32>} : memref<112xf32, #tpu.memory_space<vmem>>, vector<16xf32>,
    tpu.vector_store %arg15[%swap3A_12], %broadcast_in_dim3A_0 {strides = array<i32>} : memref<112xf32, #tpu.memory_space<vmem>>, vector<16xf32>,
    %swap3A_14 = arith.constant 16 : index
    %swap3A_15 = tpu.vector_load %arg16[%swap3A_14] {strides = array<i32>} : memref<112xf32, #tpu.memory_space<vmem>>, vector<16xf32>,
    tpu.vector_store %arg16[%swap3A_14], %broadcast_in_dim3A_0 {strides = array<i32>} : memref<112xf32, #tpu.memory_space<vmem>>, vector<16xf32>,
    %swap3A_16 = arith.constant 16 : index
    %swap3A_17 = tpu.vector_load %arg17[%swap3A_16] {strides = array<i32>} : memref<112xf32, #tpu.memory_space<vmem>>, vector<16xf32>,
    tpu.vector_store %arg17[%swap3A_16], %broadcast_in_dim3A_0 {strides = array<i32>} : memref<112xf32, #tpu.memory_space<vmem>>, vector<16xf32>,
    %swap3A_18 = arith.constant 16 : index
    %swap3A_19 = tpu.vector_load %arg18[%swap3A_18] {strides = array<i32>} : memref<112xf32, #tpu.memory_space<vmem>>, vector<16xf32>,
    tpu.vector_store %arg18[%swap3A_18], %broadcast_in_dim3A_0 {strides = array<i32>} : memref<112xf32, #tpu.memory_space<vmem>>, vector<16xf32>,
    %swap3A_20 = arith.constant 16 : index
    %swap3A_21 = tpu.vector_load %arg19[%swap3A_20] {strides = array<i32>} : memref<112xf32, #tpu.memory_space<vmem>>, vector<16xf32>,
    tpu.vector_store %arg19[%swap3A_20], %broadcast_in_dim3A_2 {strides = array<i32>} : memref<112xf32, #tpu.memory_space<vmem>>, vector<16xf32>,
    %swap3A_22 = arith.constant 32 : index
    %swap3A_23 = tpu.vector_load %arg15[%swap3A_22] {strides = array<i32>} : memref<112xf32, #tpu.memory_space<vmem>>, vector<16xf32>,
    tpu.vector_store %arg15[%swap3A_22], %broadcast_in_dim3A_0 {strides = array<i32>} : memref<112xf32, #tpu.memory_space<vmem>>, vector<16xf32>,
    %swap3A_24 = arith.constant 32 : index
    %swap3A_25 = tpu.vector_load %arg16[%swap3A_24] {strides = array<i32>} : memref<112xf32, #tpu.memory_space<vmem>>, vector<16xf32>,
    tpu.vector_store %arg16[%swap3A_24], %broadcast_in_dim3A_0 {strides = array<i32>} : memref<112xf32, #tpu.memory_space<vmem>>, vector<16xf32>,
    %swap3A_26 = arith.constant 32 : index
    %swap3A_27 = tpu.vector_load %arg17[%swap3A_26] {strides = array<i32>} : memref<112xf32, #tpu.memory_space<vmem>>, vector<16xf32>,
    tpu.vector_store %arg17[%swap3A_26], %broadcast_in_dim3A_0 {strides = array<i32>} : memref<112xf32, #tpu.memory_space<vmem>>, vector<16xf32>,
    %swap3A_28 = arith.constant 32 : index
    %swap3A_29 = tpu.vector_load %arg18[%swap3A_28] {strides = array<i32>} : memref<112xf32, #tpu.memory_space<vmem>>, vector<16xf32>,
    tpu.vector_store %arg18[%swap3A_28], %broadcast_in_dim3A_0 {strides = array<i32>} : memref<112xf32, #tpu.memory_space<vmem>>, vector<16xf32>,
    %swap3A_30 = arith.constant 32 : index
    %swap3A_31 = tpu.vector_load %arg19[%swap3A_30] {strides = array<i32>} : memref<112xf32, #tpu.memory_space<vmem>>, vector<16xf32>,
    tpu.vector_store %arg19[%swap3A_30], %broadcast_in_dim3A_2 {strides = array<i32>} : memref<112xf32, #tpu.memory_space<vmem>>, vector<16xf32>,
    %swap3A_32 = arith.constant 48 : index
    %swap3A_33 = tpu.vector_load %arg15[%swap3A_32] {strides = array<i32>} : memref<112xf32, #tpu.memory_space<vmem>>, vector<16xf32>,
    tpu.vector_store %arg15[%swap3A_32], %broadcast_in_dim3A_0 {strides = array<i32>} : memref<112xf32, #tpu.memory_space<vmem>>, vector<16xf32>,
    %swap3A_34 = arith.constant 48 : index
    %swap3A_35 = tpu.vector_load %arg16[%swap3A_34] {strides = array<i32>} : memref<112xf32, #tpu.memory_space<vmem>>, vector<16xf32>,
    tpu.vector_store %arg16[%swap3A_34], %broadcast_in_dim3A_0 {strides = array<i32>} : memref<112xf32, #tpu.memory_space<vmem>>, vector<16xf32>,
    %swap3A_36 = arith.constant 48 : index
    %swap3A_37 = tpu.vector_load %arg17[%swap3A_36] {strides = array<i32>} : memref<112xf32, #tpu.memory_space<vmem>>, vector<16xf32>,
    tpu.vector_store %arg17[%swap3A_36], %broadcast_in_dim3A_0 {strides = array<i32>} : memref<112xf32, #tpu.memory_space<vmem>>, vector<16xf32>,
    %swap3A_38 = arith.constant 48 : index
    %swap3A_39 = tpu.vector_load %arg18[%swap3A_38] {strides = array<i32>} : memref<112xf32, #tpu.memory_space<vmem>>, vector<16xf32>,
    tpu.vector_store %arg18[%swap3A_38], %broadcast_in_dim3A_0 {strides = array<i32>} : memref<112xf32, #tpu.memory_space<vmem>>, vector<16xf32>,
    %swap3A_40 = arith.constant 48 : index
    %swap3A_41 = tpu.vector_load %arg19[%swap3A_40] {strides = array<i32>} : memref<112xf32, #tpu.memory_space<vmem>>, vector<16xf32>,
    tpu.vector_store %arg19[%swap3A_40], %broadcast_in_dim3A_2 {strides = array<i32>} : memref<112xf32, #tpu.memory_space<vmem>>, vector<16xf32>,
    %swap3A_42 = arith.constant 64 : index
    %swap3A_43 = tpu.vector_load %arg15[%swap3A_42] {strides = array<i32>} : memref<112xf32, #tpu.memory_space<vmem>>, vector<16xf32>,
    tpu.vector_store %arg15[%swap3A_42], %broadcast_in_dim3A_0 {strides = array<i32>} : memref<112xf32, #tpu.memory_space<vmem>>, vector<16xf32>,
    %swap3A_44 = arith.constant 64 : index
    %swap3A_45 = tpu.vector_load %arg16[%swap3A_44] {strides = array<i32>} : memref<112xf32, #tpu.memory_space<vmem>>, vector<16xf32>,
    tpu.vector_store %arg16[%swap3A_44], %broadcast_in_dim3A_0 {strides = array<i32>} : memref<112xf32, #tpu.memory_space<vmem>>, vector<16xf32>,
    %swap3A_46 = arith.constant 64 : index
    %swap3A_47 = tpu.vector_load %arg17[%swap3A_46] {strides = array<i32>} : memref<112xf32, #tpu.memory_space<vmem>>, vector<16xf32>,
    tpu.vector_store %arg17[%swap3A_46], %broadcast_in_dim3A_0 {strides = array<i32>} : memref<112xf32, #tpu.memory_space<vmem>>, vector<16xf32>,
    %swap3A_48 = arith.constant 64 : index
    %swap3A_49 = tpu.vector_load %arg18[%swap3A_48] {strides = array<i32>} : memref<112xf32, #tpu.memory_space<vmem>>, vector<16xf32>,
    tpu.vector_store %arg18[%swap3A_48], %broadcast_in_dim3A_0 {strides = array<i32>} : memref<112xf32, #tpu.memory_space<vmem>>, vector<16xf32>,
    %swap3A_50 = arith.constant 64 : index
    %swap3A_51 = tpu.vector_load %arg19[%swap3A_50] {strides = array<i32>} : memref<112xf32, #tpu.memory_space<vmem>>, vector<16xf32>,
    tpu.vector_store %arg19[%swap3A_50], %broadcast_in_dim3A_2 {strides = array<i32>} : memref<112xf32, #tpu.memory_space<vmem>>, vector<16xf32>,
    %swap3A_52 = arith.constant 80 : index
    %swap3A_53 = tpu.vector_load %arg15[%swap3A_52] {strides = array<i32>} : memref<112xf32, #tpu.memory_space<vmem>>, vector<16xf32>,
    tpu.vector_store %arg15[%swap3A_52], %broadcast_in_dim3A_0 {strides = array<i32>} : memref<112xf32, #tpu.memory_space<vmem>>, vector<16xf32>,
    %swap3A_54 = arith.constant 80 : index
    %swap3A_55 = tpu.vector_load %arg16[%swap3A_54] {strides = array<i32>} : memref<112xf32, #tpu.memory_space<vmem>>, vector<16xf32>,
    tpu.vector_store %arg16[%swap3A_54], %broadcast_in_dim3A_0 {strides = array<i32>} : memref<112xf32, #tpu.memory_space<vmem>>, vector<16xf32>,
    %swap3A_56 = arith.constant 80 : index
    %swap3A_57 = tpu.vector_load %arg17[%swap3A_56] {strides = array<i32>} : memref<112xf32, #tpu.memory_space<vmem>>, vector<16xf32>,
    tpu.vector_store %arg17[%swap3A_56], %broadcast_in_dim3A_0 {strides = array<i32>} : memref<112xf32, #tpu.memory_space<vmem>>, vector<16xf32>,
    %swap3A_58 = arith.constant 80 : index
    %swap3A_59 = tpu.vector_load %arg18[%swap3A_58] {strides = array<i32>} : memref<112xf32, #tpu.memory_space<vmem>>, vector<16xf32>,
    tpu.vector_store %arg18[%swap3A_58], %broadcast_in_dim3A_0 {strides = array<i32>} : memref<112xf32, #tpu.memory_space<vmem>>, vector<16xf32>,
    %swap3A_60 = arith.constant 80 : index
    %swap3A_61 = tpu.vector_load %arg19[%swap3A_60] {strides = array<i32>} : memref<112xf32, #tpu.memory_space<vmem>>, vector<16xf32>,
    tpu.vector_store %arg19[%swap3A_60], %broadcast_in_dim3A_2 {strides = array<i32>} : memref<112xf32, #tpu.memory_space<vmem>>, vector<16xf32>,
    %swap3A_62 = arith.constant 96 : index
    %swap3A_63 = tpu.vector_load %arg15[%swap3A_62] {strides = array<i32>} : memref<112xf32, #tpu.memory_space<vmem>>, vector<16xf32>,
    tpu.vector_store %arg15[%swap3A_62], %broadcast_in_dim3A_0 {strides = array<i32>} : memref<112xf32, #tpu.memory_space<vmem>>, vector<16xf32>,
    %swap3A_64 = arith.constant 96 : index
    %swap3A_65 = tpu.vector_load %arg16[%swap3A_64] {strides = array<i32>} : memref<112xf32, #tpu.memory_space<vmem>>, vector<16xf32>,
    tpu.vector_store %arg16[%swap3A_64], %broadcast_in_dim3A_0 {strides = array<i32>} : memref<112xf32, #tpu.memory_space<vmem>>, vector<16xf32>,
    %swap3A_66 = arith.constant 96 : index
    %swap3A_67 = tpu.vector_load %arg17[%swap3A_66] {strides = array<i32>} : memref<112xf32, #tpu.memory_space<vmem>>, vector<16xf32>,
    tpu.vector_store %arg17[%swap3A_66], %broadcast_in_dim3A_0 {strides = array<i32>} : memref<112xf32, #tpu.memory_space<vmem>>, vector<16xf32>,
    %swap3A_68 = arith.constant 96 : index
    %swap3A_69 = tpu.vector_load %arg18[%swap3A_68] {strides = array<i32>} : memref<112xf32, #tpu.memory_space<vmem>>, vector<16xf32>,
    tpu.vector_store %arg18[%swap3A_68], %broadcast_in_dim3A_0 {strides = array<i32>} : memref<112xf32, #tpu.memory_space<vmem>>, vector<16xf32>,
    %swap3A_70 = arith.constant 96 : index
    %swap3A_71 = tpu.vector_load %arg19[%swap3A_70] {strides = array<i32>} : memref<112xf32, #tpu.memory_space<vmem>>, vector<16xf32>,
    tpu.vector_store %arg19[%swap3A_70], %broadcast_in_dim3A_2 {strides = array<i32>} : memref<112xf32, #tpu.memory_space<vmem>>, vector<16xf32>,
    %iota3A = tpu.iota {dimensions = array<i32: 0>} : vector<16xi32>
    %eq3A = arith.constant 0 : i32
    %eq3A_72 = vector.broadcast %eq3A : i32 to vector<16xi32>
    %eq3A_73 = arith.cmpi eq, %iota3A, %eq3A_72 : vector<16xi32>
    %get3A = arith.constant 0 : index
    %get3A_74 = tpu.vector_load %arg14[%get3A] {strides = array<i32>} : memref<5000xi32, #tpu.memory_space<vmem>>, vector<16xi32>,
    %gather3A = tpu.vector_load_idx %arg9[%get3A_74] : memref<5000xf32, #tpu.memory_space<vmem>>[vector<16xi32>], vector<16xf32>,
    %swap3A_75 = arith.constant 0 : index
    %swap3A_76 = tpu.vector_load %arg22[%swap3A_75] {strides = array<i32>} : memref<128xf32, #tpu.memory_space<vmem>>, vector<16xf32>,
    tpu.vector_store %arg22[%swap3A_75], %gather3A {strides = array<i32>} : memref<128xf32, #tpu.memory_space<vmem>>, vector<16xf32>,
    %gather3A_77 = tpu.vector_load_idx %arg10[%get3A_74] : memref<5000xf32, #tpu.memory_space<vmem>>[vector<16xi32>], vector<16xf32>,
    %swap3A_78 = arith.constant 0 : index
    %swap3A_79 = tpu.vector_load %arg23[%swap3A_78] {strides = array<i32>} : memref<128xf32, #tpu.memory_space<vmem>>, vector<16xf32>,
    tpu.vector_store %arg23[%swap3A_78], %gather3A_77 {strides = array<i32>} : memref<128xf32, #tpu.memory_space<vmem>>, vector<16xf32>,
    %gather3A_80 = tpu.vector_load_idx %arg11[%get3A_74] : memref<5000xf32, #tpu.memory_space<vmem>>[vector<16xi32>], vector<16xf32>,
    %swap3A_81 = arith.constant 0 : index
    %swap3A_82 = tpu.vector_load %arg24[%swap3A_81] {strides = array<i32>} : memref<128xf32, #tpu.memory_space<vmem>>, vector<16xf32>,
    tpu.vector_store %arg24[%swap3A_81], %gather3A_80 {strides = array<i32>} : memref<128xf32, #tpu.memory_space<vmem>>, vector<16xf32>,
    %gather3A_83 = tpu.vector_load_idx %arg12[%get3A_74] : memref<5000xf32, #tpu.memory_space<vmem>>[vector<16xi32>], vector<16xf32>,
    %swap3A_84 = arith.constant 0 : index
    %swap3A_85 = tpu.vector_load %arg25[%swap3A_84] {strides = array<i32>} : memref<128xf32, #tpu.memory_space<vmem>>, vector<16xf32>,
    tpu.vector_store %arg25[%swap3A_84], %gather3A_83 {strides = array<i32>} : memref<128xf32, #tpu.memory_space<vmem>>, vector<16xf32>,
    %gather3A_86 = tpu.vector_load_idx %arg13[%get3A_74] : memref<5000xf32, #tpu.memory_space<vmem>>[vector<16xi32>], vector<16xf32>,
    %swap3A_87 = arith.constant 0 : index
    %swap3A_88 = tpu.vector_load %arg26[%swap3A_87] {strides = array<i32>} : memref<128xf32, #tpu.memory_space<vmem>>, vector<16xf32>,
    tpu.vector_store %arg26[%swap3A_87], %gather3A_86 {strides = array<i32>} : memref<128xf32, #tpu.memory_space<vmem>>, vector<16xf32>,
    %get3A_89 = arith.constant 16 : index
    %get3A_90 = tpu.vector_load %arg14[%get3A_89] {strides = array<i32>} : memref<5000xi32, #tpu.memory_space<vmem>>, vector<16xi32>,
    %gather3A_91 = tpu.vector_load_idx %arg9[%get3A_90] : memref<5000xf32, #tpu.memory_space<vmem>>[vector<16xi32>], vector<16xf32>,
    %swap3A_92 = arith.constant 16 : index
    %swap3A_93 = tpu.vector_load %arg22[%swap3A_92] {strides = array<i32>} : memref<128xf32, #tpu.memory_space<vmem>>, vector<16xf32>,
    tpu.vector_store %arg22[%swap3A_92], %gather3A_91 {strides = array<i32>} : memref<128xf32, #tpu.memory_space<vmem>>, vector<16xf32>,
    %gather3A_94 = tpu.vector_load_idx %arg10[%get3A_90] : memref<5000xf32, #tpu.memory_space<vmem>>[vector<16xi32>], vector<16xf32>,
    %swap3A_95 = arith.constant 16 : index
    %swap3A_96 = tpu.vector_load %arg23[%swap3A_95] {strides = array<i32>} : memref<128xf32, #tpu.memory_space<vmem>>, vector<16xf32>,
    tpu.vector_store %arg23[%swap3A_95], %gather3A_94 {strides = array<i32>} : memref<128xf32, #tpu.memory_space<vmem>>, vector<16xf32>,
    %gather3A_97 = tpu.vector_load_idx %arg11[%get3A_90] : memref<5000xf32, #tpu.memory_space<vmem>>[vector<16xi32>], vector<16xf32>,
    %swap3A_98 = arith.constant 16 : index
    %swap3A_99 = tpu.vector_load %arg24[%swap3A_98] {strides = array<i32>} : memref<128xf32, #tpu.memory_space<vmem>>, vector<16xf32>,
    tpu.vector_store %arg24[%swap3A_98], %gather3A_97 {strides = array<i32>} : memref<128xf32, #tpu.memory_space<vmem>>, vector<16xf32>,
    %gather3A_100 = tpu.vector_load_idx %arg12[%get3A_90] : memref<5000xf32, #tpu.memory_space<vmem>>[vector<16xi32>], vector<16xf32>,
    %swap3A_101 = arith.constant 16 : index
    %swap3A_102 = tpu.vector_load %arg25[%swap3A_101] {strides = array<i32>} : memref<128xf32, #tpu.memory_space<vmem>>, vector<16xf32>,
    tpu.vector_store %arg25[%swap3A_101], %gather3A_100 {strides = array<i32>} : memref<128xf32, #tpu.memory_space<vmem>>, vector<16xf32>,
    %gather3A_103 = tpu.vector_load_idx %arg13[%get3A_90] : memref<5000xf32, #tpu.memory_space<vmem>>[vector<16xi32>], vector<16xf32>,
    %swap3A_104 = arith.constant 16 : index
    %swap3A_105 = tpu.vector_load %arg26[%swap3A_104] {strides = array<i32>} : memref<128xf32, #tpu.memory_space<vmem>>, vector<16xf32>,
    tpu.vector_store %arg26[%swap3A_104], %gather3A_103 {strides = array<i32>} : memref<128xf32, #tpu.memory_space<vmem>>, vector<16xf32>,
    %get3A_106 = arith.constant 32 : index
    %get3A_107 = tpu.vector_load %arg14[%get3A_106] {strides = array<i32>} : memref<5000xi32, #tpu.memory_space<vmem>>, vector<16xi32>,
    %gather3A_108 = tpu.vector_load_idx %arg9[%get3A_107] : memref<5000xf32, #tpu.memory_space<vmem>>[vector<16xi32>], vector<16xf32>,
    %swap3A_109 = arith.constant 32 : index
    %swap3A_110 = tpu.vector_load %arg22[%swap3A_109] {strides = array<i32>} : memref<128xf32, #tpu.memory_space<vmem>>, vector<16xf32>,
    tpu.vector_store %arg22[%swap3A_109], %gather3A_108 {strides = array<i32>} : memref<128xf32, #tpu.memory_space<vmem>>, vector<16xf32>,
    %gather3A_111 = tpu.vector_load_idx %arg10[%get3A_107] : memref<5000xf32, #tpu.memory_space<vmem>>[vector<16xi32>], vector<16xf32>,
    %swap3A_112 = arith.constant 32 : index
    %swap3A_113 = tpu.vector_load %arg23[%swap3A_112] {strides = array<i32>} : memref<128xf32, #tpu.memory_space<vmem>>, vector<16xf32>,
    tpu.vector_store %arg23[%swap3A_112], %gather3A_111 {strides = array<i32>} : memref<128xf32, #tpu.memory_space<vmem>>, vector<16xf32>,
    %gather3A_114 = tpu.vector_load_idx %arg11[%get3A_107] : memref<5000xf32, #tpu.memory_space<vmem>>[vector<16xi32>], vector<16xf32>,
    %swap3A_115 = arith.constant 32 : index
    %swap3A_116 = tpu.vector_load %arg24[%swap3A_115] {strides = array<i32>} : memref<128xf32, #tpu.memory_space<vmem>>, vector<16xf32>,
    tpu.vector_store %arg24[%swap3A_115], %gather3A_114 {strides = array<i32>} : memref<128xf32, #tpu.memory_space<vmem>>, vector<16xf32>,
    %gather3A_117 = tpu.vector_load_idx %arg12[%get3A_107] : memref<5000xf32, #tpu.memory_space<vmem>>[vector<16xi32>], vector<16xf32>,
    %swap3A_118 = arith.constant 32 : index
    %swap3A_119 = tpu.vector_load %arg25[%swap3A_118] {strides = array<i32>} : memref<128xf32, #tpu.memory_space<vmem>>, vector<16xf32>,
    tpu.vector_store %arg25[%swap3A_118], %gather3A_117 {strides = array<i32>} : memref<128xf32, #tpu.memory_space<vmem>>, vector<16xf32>,
    %gather3A_120 = tpu.vector_load_idx %arg13[%get3A_107] : memref<5000xf32, #tpu.memory_space<vmem>>[vector<16xi32>], vector<16xf32>,
    %swap3A_121 = arith.constant 32 : index
    %swap3A_122 = tpu.vector_load %arg26[%swap3A_121] {strides = array<i32>} : memref<128xf32, #tpu.memory_space<vmem>>, vector<16xf32>,
    tpu.vector_store %arg26[%swap3A_121], %gather3A_120 {strides = array<i32>} : memref<128xf32, #tpu.memory_space<vmem>>, vector<16xf32>,
    %get3A_123 = arith.constant 48 : index
    %get3A_124 = tpu.vector_load %arg14[%get3A_123] {strides = array<i32>} : memref<5000xi32, #tpu.memory_space<vmem>>, vector<16xi32>,
    %gather3A_125 = tpu.vector_load_idx %arg9[%get3A_124] : memref<5000xf32, #tpu.memory_space<vmem>>[vector<16xi32>], vector<16xf32>,
    %swap3A_126 = arith.constant 48 : index
    %swap3A_127 = tpu.vector_load %arg22[%swap3A_126] {strides = array<i32>} : memref<128xf32, #tpu.memory_space<vmem>>, vector<16xf32>,
    tpu.vector_store %arg22[%swap3A_126], %gather3A_125 {strides = array<i32>} : memref<128xf32, #tpu.memory_space<vmem>>, vector<16xf32>,
    %gather3A_128 = tpu.vector_load_idx %arg10[%get3A_124] : memref<5000xf32, #tpu.memory_space<vmem>>[vector<16xi32>], vector<16xf32>,
    %swap3A_129 = arith.constant 48 : index
    %swap3A_130 = tpu.vector_load %arg23[%swap3A_129] {strides = array<i32>} : memref<128xf32, #tpu.memory_space<vmem>>, vector<16xf32>,
    tpu.vector_store %arg23[%swap3A_129], %gather3A_128 {strides = array<i32>} : memref<128xf32, #tpu.memory_space<vmem>>, vector<16xf32>,
    %gather3A_131 = tpu.vector_load_idx %arg11[%get3A_124] : memref<5000xf32, #tpu.memory_space<vmem>>[vector<16xi32>], vector<16xf32>,
    %swap3A_132 = arith.constant 48 : index
    %swap3A_133 = tpu.vector_load %arg24[%swap3A_132] {strides = array<i32>} : memref<128xf32, #tpu.memory_space<vmem>>, vector<16xf32>,
    tpu.vector_store %arg24[%swap3A_132], %gather3A_131 {strides = array<i32>} : memref<128xf32, #tpu.memory_space<vmem>>, vector<16xf32>,
    %gather3A_134 = tpu.vector_load_idx %arg12[%get3A_124] : memref<5000xf32, #tpu.memory_space<vmem>>[vector<16xi32>], vector<16xf32>,
    %swap3A_135 = arith.constant 48 : index
    %swap3A_136 = tpu.vector_load %arg25[%swap3A_135] {strides = array<i32>} : memref<128xf32, #tpu.memory_space<vmem>>, vector<16xf32>,
    tpu.vector_store %arg25[%swap3A_135], %gather3A_134 {strides = array<i32>} : memref<128xf32, #tpu.memory_space<vmem>>, vector<16xf32>,
    %gather3A_137 = tpu.vector_load_idx %arg13[%get3A_124] : memref<5000xf32, #tpu.memory_space<vmem>>[vector<16xi32>], vector<16xf32>,
    %swap3A_138 = arith.constant 48 : index
    %swap3A_139 = tpu.vector_load %arg26[%swap3A_138] {strides = array<i32>} : memref<128xf32, #tpu.memory_space<vmem>>, vector<16xf32>,
    tpu.vector_store %arg26[%swap3A_138], %gather3A_137 {strides = array<i32>} : memref<128xf32, #tpu.memory_space<vmem>>, vector<16xf32>,
    %get3A_140 = arith.constant 64 : index
    %get3A_141 = tpu.vector_load %arg14[%get3A_140] {strides = array<i32>} : memref<5000xi32, #tpu.memory_space<vmem>>, vector<16xi32>,
    %gather3A_142 = tpu.vector_load_idx %arg9[%get3A_141] : memref<5000xf32, #tpu.memory_space<vmem>>[vector<16xi32>], vector<16xf32>,
    %swap3A_143 = arith.constant 64 : index
    %swap3A_144 = tpu.vector_load %arg22[%swap3A_143] {strides = array<i32>} : memref<128xf32, #tpu.memory_space<vmem>>, vector<16xf32>,
    tpu.vector_store %arg22[%swap3A_143], %gather3A_142 {strides = array<i32>} : memref<128xf32, #tpu.memory_space<vmem>>, vector<16xf32>,
    %gather3A_145 = tpu.vector_load_idx %arg10[%get3A_141] : memref<5000xf32, #tpu.memory_space<vmem>>[vector<16xi32>], vector<16xf32>,
    %swap3A_146 = arith.constant 64 : index
    %swap3A_147 = tpu.vector_load %arg23[%swap3A_146] {strides = array<i32>} : memref<128xf32, #tpu.memory_space<vmem>>, vector<16xf32>,
    tpu.vector_store %arg23[%swap3A_146], %gather3A_145 {strides = array<i32>} : memref<128xf32, #tpu.memory_space<vmem>>, vector<16xf32>,
    %gather3A_148 = tpu.vector_load_idx %arg11[%get3A_141] : memref<5000xf32, #tpu.memory_space<vmem>>[vector<16xi32>], vector<16xf32>,
    %swap3A_149 = arith.constant 64 : index
    %swap3A_150 = tpu.vector_load %arg24[%swap3A_149] {strides = array<i32>} : memref<128xf32, #tpu.memory_space<vmem>>, vector<16xf32>,
    tpu.vector_store %arg24[%swap3A_149], %gather3A_148 {strides = array<i32>} : memref<128xf32, #tpu.memory_space<vmem>>, vector<16xf32>,
    %gather3A_151 = tpu.vector_load_idx %arg12[%get3A_141] : memref<5000xf32, #tpu.memory_space<vmem>>[vector<16xi32>], vector<16xf32>,
    %swap3A_152 = arith.constant 64 : index
    %swap3A_153 = tpu.vector_load %arg25[%swap3A_152] {strides = array<i32>} : memref<128xf32, #tpu.memory_space<vmem>>, vector<16xf32>,
    tpu.vector_store %arg25[%swap3A_152], %gather3A_151 {strides = array<i32>} : memref<128xf32, #tpu.memory_space<vmem>>, vector<16xf32>,
    %gather3A_154 = tpu.vector_load_idx %arg13[%get3A_141] : memref<5000xf32, #tpu.memory_space<vmem>>[vector<16xi32>], vector<16xf32>,
    %swap3A_155 = arith.constant 64 : index
    %swap3A_156 = tpu.vector_load %arg26[%swap3A_155] {strides = array<i32>} : memref<128xf32, #tpu.memory_space<vmem>>, vector<16xf32>,
    tpu.vector_store %arg26[%swap3A_155], %gather3A_154 {strides = array<i32>} : memref<128xf32, #tpu.memory_space<vmem>>, vector<16xf32>,
    %get3A_157 = arith.constant 80 : index
    %get3A_158 = tpu.vector_load %arg14[%get3A_157] {strides = array<i32>} : memref<5000xi32, #tpu.memory_space<vmem>>, vector<16xi32>,
    %gather3A_159 = tpu.vector_load_idx %arg9[%get3A_158] : memref<5000xf32, #tpu.memory_space<vmem>>[vector<16xi32>], vector<16xf32>,
    %swap3A_160 = arith.constant 80 : index
    %swap3A_161 = tpu.vector_load %arg22[%swap3A_160] {strides = array<i32>} : memref<128xf32, #tpu.memory_space<vmem>>, vector<16xf32>,
    tpu.vector_store %arg22[%swap3A_160], %gather3A_159 {strides = array<i32>} : memref<128xf32, #tpu.memory_space<vmem>>, vector<16xf32>,
    %gather3A_162 = tpu.vector_load_idx %arg10[%get3A_158] : memref<5000xf32, #tpu.memory_space<vmem>>[vector<16xi32>], vector<16xf32>,
    %swap3A_163 = arith.constant 80 : index
    %swap3A_164 = tpu.vector_load %arg23[%swap3A_163] {strides = array<i32>} : memref<128xf32, #tpu.memory_space<vmem>>, vector<16xf32>,
    tpu.vector_store %arg23[%swap3A_163], %gather3A_162 {strides = array<i32>} : memref<128xf32, #tpu.memory_space<vmem>>, vector<16xf32>,
    %gather3A_165 = tpu.vector_load_idx %arg11[%get3A_158] : memref<5000xf32, #tpu.memory_space<vmem>>[vector<16xi32>], vector<16xf32>,
    %swap3A_166 = arith.constant 80 : index
    %swap3A_167 = tpu.vector_load %arg24[%swap3A_166] {strides = array<i32>} : memref<128xf32, #tpu.memory_space<vmem>>, vector<16xf32>,
    tpu.vector_store %arg24[%swap3A_166], %gather3A_165 {strides = array<i32>} : memref<128xf32, #tpu.memory_space<vmem>>, vector<16xf32>,
    %gather3A_168 = tpu.vector_load_idx %arg12[%get3A_158] : memref<5000xf32, #tpu.memory_space<vmem>>[vector<16xi32>], vector<16xf32>,
    %swap3A_169 = arith.constant 80 : index
    %swap3A_170 = tpu.vector_load %arg25[%swap3A_169] {strides = array<i32>} : memref<128xf32, #tpu.memory_space<vmem>>, vector<16xf32>,
    tpu.vector_store %arg25[%swap3A_169], %gather3A_168 {strides = array<i32>} : memref<128xf32, #tpu.memory_space<vmem>>, vector<16xf32>,
    %gather3A_171 = tpu.vector_load_idx %arg13[%get3A_158] : memref<5000xf32, #tpu.memory_space<vmem>>[vector<16xi32>], vector<16xf32>,
    %swap3A_172 = arith.constant 80 : index
    %swap3A_173 = tpu.vector_load %arg26[%swap3A_172] {strides = array<i32>} : memref<128xf32, #tpu.memory_space<vmem>>, vector<16xf32>,
    tpu.vector_store %arg26[%swap3A_172], %gather3A_171 {strides = array<i32>} : memref<128xf32, #tpu.memory_space<vmem>>, vector<16xf32>,
    %get3A_174 = arith.constant 96 : index
    %get3A_175 = tpu.vector_load %arg14[%get3A_174] {strides = array<i32>} : memref<5000xi32, #tpu.memory_space<vmem>>, vector<16xi32>,
    %gather3A_176 = tpu.vector_load_idx %arg9[%get3A_175] : memref<5000xf32, #tpu.memory_space<vmem>>[vector<16xi32>], vector<16xf32>,
    %swap3A_177 = arith.constant 96 : index
    %swap3A_178 = tpu.vector_load %arg22[%swap3A_177] {strides = array<i32>} : memref<128xf32, #tpu.memory_space<vmem>>, vector<16xf32>,
    tpu.vector_store %arg22[%swap3A_177], %gather3A_176 {strides = array<i32>} : memref<128xf32, #tpu.memory_space<vmem>>, vector<16xf32>,
    %gather3A_179 = tpu.vector_load_idx %arg10[%get3A_175] : memref<5000xf32, #tpu.memory_space<vmem>>[vector<16xi32>], vector<16xf32>,
    %swap3A_180 = arith.constant 96 : index
    %swap3A_181 = tpu.vector_load %arg23[%swap3A_180] {strides = array<i32>} : memref<128xf32, #tpu.memory_space<vmem>>, vector<16xf32>,
    tpu.vector_store %arg23[%swap3A_180], %gather3A_179 {strides = array<i32>} : memref<128xf32, #tpu.memory_space<vmem>>, vector<16xf32>,
    %gather3A_182 = tpu.vector_load_idx %arg11[%get3A_175] : memref<5000xf32, #tpu.memory_space<vmem>>[vector<16xi32>], vector<16xf32>,
    %swap3A_183 = arith.constant 96 : index
    %swap3A_184 = tpu.vector_load %arg24[%swap3A_183] {strides = array<i32>} : memref<128xf32, #tpu.memory_space<vmem>>, vector<16xf32>,
    tpu.vector_store %arg24[%swap3A_183], %gather3A_182 {strides = array<i32>} : memref<128xf32, #tpu.memory_space<vmem>>, vector<16xf32>,
    %gather3A_185 = tpu.vector_load_idx %arg12[%get3A_175] : memref<5000xf32, #tpu.memory_space<vmem>>[vector<16xi32>], vector<16xf32>,
    %swap3A_186 = arith.constant 96 : index
    %swap3A_187 = tpu.vector_load %arg25[%swap3A_186] {strides = array<i32>} : memref<128xf32, #tpu.memory_space<vmem>>, vector<16xf32>,
    tpu.vector_store %arg25[%swap3A_186], %gather3A_185 {strides = array<i32>} : memref<128xf32, #tpu.memory_space<vmem>>, vector<16xf32>,
    %gather3A_188 = tpu.vector_load_idx %arg13[%get3A_175] : memref<5000xf32, #tpu.memory_space<vmem>>[vector<16xi32>], vector<16xf32>,
    %swap3A_189 = arith.constant 96 : index
    %swap3A_190 = tpu.vector_load %arg26[%swap3A_189] {strides = array<i32>} : memref<128xf32, #tpu.memory_space<vmem>>, vector<16xf32>,
    tpu.vector_store %arg26[%swap3A_189], %gather3A_188 {strides = array<i32>} : memref<128xf32, #tpu.memory_space<vmem>>, vector<16xf32>,
    %get3A_191 = arith.constant 112 : index
    %get3A_192 = tpu.vector_load %arg14[%get3A_191] {strides = array<i32>} : memref<5000xi32, #tpu.memory_space<vmem>>, vector<16xi32>,
    %gather3A_193 = tpu.vector_load_idx %arg9[%get3A_192] : memref<5000xf32, #tpu.memory_space<vmem>>[vector<16xi32>], vector<16xf32>,
    %swap3A_194 = arith.constant 112 : index
    %swap3A_195 = tpu.vector_load %arg22[%swap3A_194] {strides = array<i32>} : memref<128xf32, #tpu.memory_space<vmem>>, vector<16xf32>,
    tpu.vector_store %arg22[%swap3A_194], %gather3A_193 {strides = array<i32>} : memref<128xf32, #tpu.memory_space<vmem>>, vector<16xf32>,
    %gather3A_196 = tpu.vector_load_idx %arg10[%get3A_192] : memref<5000xf32, #tpu.memory_space<vmem>>[vector<16xi32>], vector<16xf32>,
    %swap3A_197 = arith.constant 112 : index
    %swap3A_198 = tpu.vector_load %arg23[%swap3A_197] {strides = array<i32>} : memref<128xf32, #tpu.memory_space<vmem>>, vector<16xf32>,
    tpu.vector_store %arg23[%swap3A_197], %gather3A_196 {strides = array<i32>} : memref<128xf32, #tpu.memory_space<vmem>>, vector<16xf32>,
    %gather3A_199 = tpu.vector_load_idx %arg11[%get3A_192] : memref<5000xf32, #tpu.memory_space<vmem>>[vector<16xi32>], vector<16xf32>,
    %swap3A_200 = arith.constant 112 : index
    %swap3A_201 = tpu.vector_load %arg24[%swap3A_200] {strides = array<i32>} : memref<128xf32, #tpu.memory_space<vmem>>, vector<16xf32>,
    tpu.vector_store %arg24[%swap3A_200], %gather3A_199 {strides = array<i32>} : memref<128xf32, #tpu.memory_space<vmem>>, vector<16xf32>,
    %gather3A_202 = tpu.vector_load_idx %arg12[%get3A_192] : memref<5000xf32, #tpu.memory_space<vmem>>[vector<16xi32>], vector<16xf32>,
    %swap3A_203 = arith.constant 112 : index
    %swap3A_204 = tpu.vector_load %arg25[%swap3A_203] {strides = array<i32>} : memref<128xf32, #tpu.memory_space<vmem>>, vector<16xf32>,
    tpu.vector_store %arg25[%swap3A_203], %gather3A_202 {strides = array<i32>} : memref<128xf32, #tpu.memory_space<vmem>>, vector<16xf32>,
    %gather3A_205 = tpu.vector_load_idx %arg13[%get3A_192] : memref<5000xf32, #tpu.memory_space<vmem>>[vector<16xi32>], vector<16xf32>,
    %swap3A_206 = arith.constant 112 : index
    %swap3A_207 = tpu.vector_load %arg26[%swap3A_206] {strides = array<i32>} : memref<128xf32, #tpu.memory_space<vmem>>, vector<16xf32>,
    tpu.vector_store %arg26[%swap3A_206], %gather3A_205 {strides = array<i32>} : memref<128xf32, #tpu.memory_space<vmem>>, vector<16xf32>,
    %broadcast_in_dim3A_208 = arith.constant 0 : i32
    %broadcast_in_dim3A_209 = vector.broadcast %broadcast_in_dim3A_208 : i32 to vector<16xi32>
    %scan3A = arith.constant 0 : i32
    %scan3A_210 = arith.constant 26 : i32
    %scan3A_211 = arith.addi %scan3A, %scan3A_210 : i32
    %scan3A_212 = arith.constant 1 : i32
    %scan3A_213 = scf.for %scan3A_237 = %scan3A to %scan3A_211 step %scan3A_212 iter_args(%scan3A_238 = %broadcast_in_dim3A_209) -> (vector<16xi32>)  : i32 {
      %mul3A = arith.constant 2 : i32
      %mul3A_239 = arith.muli %scan3A_237, %mul3A : i32
      %jit3A = arith.constant 16 : i32
      %div3A = arith.divsi %mul3A_239, %jit3A : i32
      %sign3A = arith.constant 0 : i32
      %sign3A_240 = arith.cmpi sgt, %mul3A_239, %sign3A : i32
      %sign3A_241 = arith.extui %sign3A_240 : i1 to i32
      %sign3A_242 = arith.constant 0 : i32
      %sign3A_243 = arith.cmpi slt, %mul3A_239, %sign3A_242 : i32
      %sign3A_244 = arith.extui %sign3A_243 : i1 to i32
      %sign3A_245 = arith.subi %sign3A_241, %sign3A_244 : i32
      %sign3A_246 = arith.constant 0 : i32
      %sign3A_247 = arith.cmpi sgt, %jit3A, %sign3A_246 : i32
      %sign3A_248 = arith.extui %sign3A_247 : i1 to i32
      %sign3A_249 = arith.constant 0 : i32
      %sign3A_250 = arith.cmpi slt, %jit3A, %sign3A_249 : i32
      %sign3A_251 = arith.extui %sign3A_250 : i1 to i32
      %sign3A_252 = arith.subi %sign3A_248, %sign3A_251 : i32
      %ne3A = arith.cmpi ne, %sign3A_245, %sign3A_252 : i32
      %rem3A = arith.remsi %mul3A_239, %jit3A : i32
      %ne3A_253 = arith.constant 0 : i32
      %ne3A_254 = arith.cmpi ne, %rem3A, %ne3A_253 : i32
      %and3A_255 = arith.andi %ne3A, %ne3A_254 : i1
      %sub3A = arith.constant 1 : i32
      %sub3A_256 = arith.subi %div3A, %sub3A : i32
      %select_n3A = arith.select %and3A_255, %sub3A_256, %div3A : i32
      %mul3A_257 = arith.constant 16 : i32
      %mul3A_258 = arith.muli %select_n3A, %mul3A_257 : i32
      %multiple_of3A = tpu.assume_multiple %mul3A_258, 16 : i32
      %jit3A_259 = arith.constant 16 : i32
      %eq3A_260 = arith.constant 0 : i32
      %eq3A_261 = arith.cmpi eq, %jit3A_259, %eq3A_260 : i32
      %jit3A_262 = arith.constant 1 : i32
      %select_n3A_263 = arith.select %eq3A_261, %jit3A_262, %jit3A_259 : i32
      %rem3A_264 = arith.remsi %mul3A_239, %select_n3A_263 : i32
      %ne3A_265 = arith.constant 0 : i32
      %ne3A_266 = arith.cmpi ne, %rem3A_264, %ne3A_265 : i32
      %lt3A_267 = arith.constant 0 : i32
      %lt3A_268 = arith.cmpi slt, %rem3A_264, %lt3A_267 : i32
      %lt3A_269 = arith.constant 0 : i32
      %lt3A_270 = arith.cmpi slt, %select_n3A_263, %lt3A_269 : i32
      %ne3A_271 = arith.xori %lt3A_268, %lt3A_270 : i1
      %and3A_272 = arith.andi %ne3A_271, %ne3A_266 : i1
      %add3A = arith.addi %rem3A_264, %select_n3A_263 : i32
      %select_n3A_273 = arith.select %and3A_272, %add3A, %rem3A_264 : i32
      %get3A_274 = arith.index_cast %multiple_of3A : i32 to index
      %get3A_275 = tpu.vector_load %arg22[%get3A_274] {strides = array<i32>} : memref<128xf32, #tpu.memory_space<vmem>>, vector<16xf32>,
      %broadcast_in_dim3A_276 = arith.constant 0 : i32
      %broadcast_in_dim3A_277 = vector.broadcast %broadcast_in_dim3A_276 : i32 to vector<16xi32>
      %add3A_278 = vector.broadcast %select_n3A_273 : i32 to vector<16xi32>
      %add3A_279 = arith.addi %broadcast_in_dim3A_277, %add3A_278 : vector<16xi32>
      %broadcast_in_dim3A_280 = vector.shape_cast %add3A_279 : vector<16xi32> to vector<16x1xi32>
      %gather3A_281 = vector.shape_cast %broadcast_in_dim3A_280 : vector<16x1xi32> to vector<16xi32>
      %gather3A_282 = tpu.dynamic_gather %get3A_275[%gather3A_281] in [0] : vector<16xf32>, vector<16xi32> -> vector<16xf32>
      %get3A_283 = arith.index_cast %multiple_of3A : i32 to index
      %get3A_284 = tpu.vector_load %arg23[%get3A_283] {strides = array<i32>} : memref<128xf32, #tpu.memory_space<vmem>>, vector<16xf32>,
      %broadcast_in_dim3A_285 = arith.constant 0 : i32
      %broadcast_in_dim3A_286 = vector.broadcast %broadcast_in_dim3A_285 : i32 to vector<16xi32>
      %add3A_287 = vector.broadcast %select_n3A_273 : i32 to vector<16xi32>
      %add3A_288 = arith.addi %broadcast_in_dim3A_286, %add3A_287 : vector<16xi32>
      %broadcast_in_dim3A_289 = vector.shape_cast %add3A_288 : vector<16xi32> to vector<16x1xi32>
      %gather3A_290 = vector.shape_cast %broadcast_in_dim3A_289 : vector<16x1xi32> to vector<16xi32>
      %gather3A_291 = tpu.dynamic_gather %get3A_284[%gather3A_290] in [0] : vector<16xf32>, vector<16xi32> -> vector<16xf32>
      %get3A_292 = arith.index_cast %multiple_of3A : i32 to index
      %get3A_293 = tpu.vector_load %arg24[%get3A_292] {strides = array<i32>} : memref<128xf32, #tpu.memory_space<vmem>>, vector<16xf32>,
      %broadcast_in_dim3A_294 = arith.constant 0 : i32
      %broadcast_in_dim3A_295 = vector.broadcast %broadcast_in_dim3A_294 : i32 to vector<16xi32>
      %add3A_296 = vector.broadcast %select_n3A_273 : i32 to vector<16xi32>
      %add3A_297 = arith.addi %broadcast_in_dim3A_295, %add3A_296 : vector<16xi32>
      %broadcast_in_dim3A_298 = vector.shape_cast %add3A_297 : vector<16xi32> to vector<16x1xi32>
      %gather3A_299 = vector.shape_cast %broadcast_in_dim3A_298 : vector<16x1xi32> to vector<16xi32>
      %gather3A_300 = tpu.dynamic_gather %get3A_293[%gather3A_299] in [0] : vector<16xf32>, vector<16xi32> -> vector<16xf32>
      %get3A_301 = arith.index_cast %multiple_of3A : i32 to index
      %get3A_302 = tpu.vector_load %arg25[%get3A_301] {strides = array<i32>} : memref<128xf32, #tpu.memory_space<vmem>>, vector<16xf32>,
      %broadcast_in_dim3A_303 = arith.constant 0 : i32
      %broadcast_in_dim3A_304 = vector.broadcast %broadcast_in_dim3A_303 : i32 to vector<16xi32>
      %add3A_305 = vector.broadcast %select_n3A_273 : i32 to vector<16xi32>
      %add3A_306 = arith.addi %broadcast_in_dim3A_304, %add3A_305 : vector<16xi32>
      %broadcast_in_dim3A_307 = vector.shape_cast %add3A_306 : vector<16xi32> to vector<16x1xi32>
      %gather3A_308 = vector.shape_cast %broadcast_in_dim3A_307 : vector<16x1xi32> to vector<16xi32>
      %gather3A_309 = tpu.dynamic_gather %get3A_302[%gather3A_308] in [0] : vector<16xf32>, vector<16xi32> -> vector<16xf32>
      %get3A_310 = arith.index_cast %multiple_of3A : i32 to index
      %get3A_311 = tpu.vector_load %arg26[%get3A_310] {strides = array<i32>} : memref<128xf32, #tpu.memory_space<vmem>>, vector<16xf32>,
      %broadcast_in_dim3A_312 = arith.constant 0 : i32
      %broadcast_in_dim3A_313 = vector.broadcast %broadcast_in_dim3A_312 : i32 to vector<16xi32>
      %add3A_314 = vector.broadcast %select_n3A_273 : i32 to vector<16xi32>
      %add3A_315 = arith.addi %broadcast_in_dim3A_313, %add3A_314 : vector<16xi32>
      %broadcast_in_dim3A_316 = vector.shape_cast %add3A_315 : vector<16xi32> to vector<16x1xi32>
      %gather3A_317 = vector.shape_cast %broadcast_in_dim3A_316 : vector<16x1xi32> to vector<16xi32>
      %gather3A_318 = tpu.dynamic_gather %get3A_311[%gather3A_317] in [0] : vector<16xf32>, vector<16xi32> -> vector<16xf32>
      %add3A_319 = arith.constant 1 : i32
      %add3A_320 = arith.addi %mul3A_239, %add3A_319 : i32
      %jit3A_321 = arith.constant 16 : i32
      %div3A_322 = arith.divsi %add3A_320, %jit3A_321 : i32
      %sign3A_323 = arith.constant 0 : i32
      %sign3A_324 = arith.cmpi sgt, %add3A_320, %sign3A_323 : i32
      %sign3A_325 = arith.extui %sign3A_324 : i1 to i32
      %sign3A_326 = arith.constant 0 : i32
      %sign3A_327 = arith.cmpi slt, %add3A_320, %sign3A_326 : i32
      %sign3A_328 = arith.extui %sign3A_327 : i1 to i32
      %sign3A_329 = arith.subi %sign3A_325, %sign3A_328 : i32
      %sign3A_330 = arith.constant 0 : i32
      %sign3A_331 = arith.cmpi sgt, %jit3A_321, %sign3A_330 : i32
      %sign3A_332 = arith.extui %sign3A_331 : i1 to i32
      %sign3A_333 = arith.constant 0 : i32
      %sign3A_334 = arith.cmpi slt, %jit3A_321, %sign3A_333 : i32
      %sign3A_335 = arith.extui %sign3A_334 : i1 to i32
      %sign3A_336 = arith.subi %sign3A_332, %sign3A_335 : i32
      %ne3A_337 = arith.cmpi ne, %sign3A_329, %sign3A_336 : i32
      %rem3A_338 = arith.remsi %add3A_320, %jit3A_321 : i32
      %ne3A_339 = arith.constant 0 : i32
      %ne3A_340 = arith.cmpi ne, %rem3A_338, %ne3A_339 : i32
      %and3A_341 = arith.andi %ne3A_337, %ne3A_340 : i1
      %sub3A_342 = arith.constant 1 : i32
      %sub3A_343 = arith.subi %div3A_322, %sub3A_342 : i32
      %select_n3A_344 = arith.select %and3A_341, %sub3A_343, %div3A_322 : i32
      %mul3A_345 = arith.constant 16 : i32
      %mul3A_346 = arith.muli %select_n3A_344, %mul3A_345 : i32
      %multiple_of3A_347 = tpu.assume_multiple %mul3A_346, 16 : i32
      %jit3A_348 = arith.constant 16 : i32
      %eq3A_349 = arith.constant 0 : i32
      %eq3A_350 = arith.cmpi eq, %jit3A_348, %eq3A_349 : i32
      %jit3A_351 = arith.constant 1 : i32
      %select_n3A_352 = arith.select %eq3A_350, %jit3A_351, %jit3A_348 : i32
      %rem3A_353 = arith.remsi %add3A_320, %select_n3A_352 : i32
      %ne3A_354 = arith.constant 0 : i32
      %ne3A_355 = arith.cmpi ne, %rem3A_353, %ne3A_354 : i32
      %lt3A_356 = arith.constant 0 : i32
      %lt3A_357 = arith.cmpi slt, %rem3A_353, %lt3A_356 : i32
      %lt3A_358 = arith.constant 0 : i32
      %lt3A_359 = arith.cmpi slt, %select_n3A_352, %lt3A_358 : i32
      %ne3A_360 = arith.xori %lt3A_357, %lt3A_359 : i1
      %and3A_361 = arith.andi %ne3A_360, %ne3A_355 : i1
      %add3A_362 = arith.addi %rem3A_353, %select_n3A_352 : i32
      %select_n3A_363 = arith.select %and3A_361, %add3A_362, %rem3A_353 : i32
      %get3A_364 = arith.index_cast %multiple_of3A_347 : i32 to index
      %get3A_365 = tpu.vector_load %arg22[%get3A_364] {strides = array<i32>} : memref<128xf32, #tpu.memory_space<vmem>>, vector<16xf32>,
      %broadcast_in_dim3A_366 = arith.constant 0 : i32
      %broadcast_in_dim3A_367 = vector.broadcast %broadcast_in_dim3A_366 : i32 to vector<16xi32>
      %add3A_368 = vector.broadcast %select_n3A_363 : i32 to vector<16xi32>
      %add3A_369 = arith.addi %broadcast_in_dim3A_367, %add3A_368 : vector<16xi32>
      %broadcast_in_dim3A_370 = vector.shape_cast %add3A_369 : vector<16xi32> to vector<16x1xi32>
      %gather3A_371 = vector.shape_cast %broadcast_in_dim3A_370 : vector<16x1xi32> to vector<16xi32>
      %gather3A_372 = tpu.dynamic_gather %get3A_365[%gather3A_371] in [0] : vector<16xf32>, vector<16xi32> -> vector<16xf32>
      %get3A_373 = arith.index_cast %multiple_of3A_347 : i32 to index
      %get3A_374 = tpu.vector_load %arg23[%get3A_373] {strides = array<i32>} : memref<128xf32, #tpu.memory_space<vmem>>, vector<16xf32>,
      %broadcast_in_dim3A_375 = arith.constant 0 : i32
      %broadcast_in_dim3A_376 = vector.broadcast %broadcast_in_dim3A_375 : i32 to vector<16xi32>
      %add3A_377 = vector.broadcast %select_n3A_363 : i32 to vector<16xi32>
      %add3A_378 = arith.addi %broadcast_in_dim3A_376, %add3A_377 : vector<16xi32>
      %broadcast_in_dim3A_379 = vector.shape_cast %add3A_378 : vector<16xi32> to vector<16x1xi32>
      %gather3A_380 = vector.shape_cast %broadcast_in_dim3A_379 : vector<16x1xi32> to vector<16xi32>
      %gather3A_381 = tpu.dynamic_gather %get3A_374[%gather3A_380] in [0] : vector<16xf32>, vector<16xi32> -> vector<16xf32>
      %get3A_382 = arith.index_cast %multiple_of3A_347 : i32 to index
      %get3A_383 = tpu.vector_load %arg24[%get3A_382] {strides = array<i32>} : memref<128xf32, #tpu.memory_space<vmem>>, vector<16xf32>,
      %broadcast_in_dim3A_384 = arith.constant 0 : i32
      %broadcast_in_dim3A_385 = vector.broadcast %broadcast_in_dim3A_384 : i32 to vector<16xi32>
      %add3A_386 = vector.broadcast %select_n3A_363 : i32 to vector<16xi32>
      %add3A_387 = arith.addi %broadcast_in_dim3A_385, %add3A_386 : vector<16xi32>
      %broadcast_in_dim3A_388 = vector.shape_cast %add3A_387 : vector<16xi32> to vector<16x1xi32>
      %gather3A_389 = vector.shape_cast %broadcast_in_dim3A_388 : vector<16x1xi32> to vector<16xi32>
      %gather3A_390 = tpu.dynamic_gather %get3A_383[%gather3A_389] in [0] : vector<16xf32>, vector<16xi32> -> vector<16xf32>
      %get3A_391 = arith.index_cast %multiple_of3A_347 : i32 to index
      %get3A_392 = tpu.vector_load %arg25[%get3A_391] {strides = array<i32>} : memref<128xf32, #tpu.memory_space<vmem>>, vector<16xf32>,
      %broadcast_in_dim3A_393 = arith.constant 0 : i32
      %broadcast_in_dim3A_394 = vector.broadcast %broadcast_in_dim3A_393 : i32 to vector<16xi32>
      %add3A_395 = vector.broadcast %select_n3A_363 : i32 to vector<16xi32>
      %add3A_396 = arith.addi %broadcast_in_dim3A_394, %add3A_395 : vector<16xi32>
      %broadcast_in_dim3A_397 = vector.shape_cast %add3A_396 : vector<16xi32> to vector<16x1xi32>
      %gather3A_398 = vector.shape_cast %broadcast_in_dim3A_397 : vector<16x1xi32> to vector<16xi32>
      %gather3A_399 = tpu.dynamic_gather %get3A_392[%gather3A_398] in [0] : vector<16xf32>, vector<16xi32> -> vector<16xf32>
      %get3A_400 = arith.index_cast %multiple_of3A_347 : i32 to index
      %get3A_401 = tpu.vector_load %arg26[%get3A_400] {strides = array<i32>} : memref<128xf32, #tpu.memory_space<vmem>>, vector<16xf32>,
      %broadcast_in_dim3A_402 = arith.constant 0 : i32
      %broadcast_in_dim3A_403 = vector.broadcast %broadcast_in_dim3A_402 : i32 to vector<16xi32>
      %add3A_404 = vector.broadcast %select_n3A_363 : i32 to vector<16xi32>
      %add3A_405 = arith.addi %broadcast_in_dim3A_403, %add3A_404 : vector<16xi32>
      %broadcast_in_dim3A_406 = vector.shape_cast %add3A_405 : vector<16xi32> to vector<16x1xi32>
      %gather3A_407 = vector.shape_cast %broadcast_in_dim3A_406 : vector<16x1xi32> to vector<16xi32>
      %gather3A_408 = tpu.dynamic_gather %get3A_401[%gather3A_407] in [0] : vector<16xf32>, vector<16xi32> -> vector<16xf32>
      %sub3A_409 = arith.subf %gather3A_300, %gather3A_282 : vector<16xf32>
      %sub3A_410 = arith.subf %gather3A_309, %gather3A_291 : vector<16xf32>
      %mul3A_411 = arith.mulf %sub3A_409, %sub3A_410 : vector<16xf32>
      %sub3A_412 = arith.subf %gather3A_390, %gather3A_372 : vector<16xf32>
      %sub3A_413 = arith.subf %gather3A_399, %gather3A_381 : vector<16xf32>
      %mul3A_414 = arith.mulf %sub3A_412, %sub3A_413 : vector<16xf32>
      %broadcast_in_dim3A_415 = arith.constant 0.000000e+00 : f32
      %broadcast_in_dim3A_416 = vector.broadcast %broadcast_in_dim3A_415 : f32 to vector<16xf32>
      %broadcast_in_dim3A_417 = arith.constant 0.000000e+00 : f32
      %broadcast_in_dim3A_418 = vector.broadcast %broadcast_in_dim3A_417 : f32 to vector<16xf32>
      %get3A_419 = arith.constant 0 : index
      %get3A_420 = tpu.vector_load %arg15[%get3A_419] {strides = array<i32>} : memref<112xf32, #tpu.memory_space<vmem>>, vector<16xf32>,
      %get3A_421 = arith.constant 0 : index
      %get3A_422 = tpu.vector_load %arg16[%get3A_421] {strides = array<i32>} : memref<112xf32, #tpu.memory_space<vmem>>, vector<16xf32>,
      %get3A_423 = arith.constant 0 : index
      %get3A_424 = tpu.vector_load %arg17[%get3A_423] {strides = array<i32>} : memref<112xf32, #tpu.memory_space<vmem>>, vector<16xf32>,
      %get3A_425 = arith.constant 0 : index
      %get3A_426 = tpu.vector_load %arg18[%get3A_425] {strides = array<i32>} : memref<112xf32, #tpu.memory_space<vmem>>, vector<16xf32>,
      %get3A_427 = arith.constant 0 : index
      %get3A_428 = tpu.vector_load %arg19[%get3A_427] {strides = array<i32>} : memref<112xf32, #tpu.memory_space<vmem>>, vector<16xf32>,
      %max3A = arith.maximumf %gather3A_282, %get3A_420 : vector<16xf32>
      %max3A_429 = arith.maximumf %gather3A_291, %get3A_422 : vector<16xf32>
      %min3A = arith.minimumf %gather3A_300, %get3A_424 : vector<16xf32>
      %min3A_430 = arith.minimumf %gather3A_309, %get3A_426 : vector<16xf32>
      %sub3A_431 = arith.subf %min3A, %max3A : vector<16xf32>
      %max3A_432 = arith.constant 0.000000e+00 : f32
      %max3A_433 = vector.broadcast %max3A_432 : f32 to vector<16xf32>
      %max3A_434 = arith.maximumf %sub3A_431, %max3A_433 : vector<16xf32>
      %sub3A_435 = arith.subf %min3A_430, %max3A_429 : vector<16xf32>
      %max3A_436 = arith.constant 0.000000e+00 : f32
      %max3A_437 = vector.broadcast %max3A_436 : f32 to vector<16xf32>
      %max3A_438 = arith.maximumf %sub3A_435, %max3A_437 : vector<16xf32>
      %mul3A_439 = arith.mulf %max3A_434, %max3A_438 : vector<16xf32>
      %add3A_440 = arith.addf %mul3A_411, %get3A_428 : vector<16xf32>
      %sub3A_441 = arith.subf %add3A_440, %mul3A_439 : vector<16xf32>
      %add3A_442 = arith.constant 9.99999971E-10 : f32
      %add3A_443 = vector.broadcast %add3A_442 : f32 to vector<16xf32>
      %add3A_444 = arith.addf %sub3A_441, %add3A_443 : vector<16xf32>
      %div3A_445 = arith.divf %mul3A_439, %add3A_444 : vector<16xf32>
      %max3A_446 = arith.maximumf %broadcast_in_dim3A_416, %div3A_445 : vector<16xf32>
      %max3A_447 = arith.maximumf %gather3A_372, %get3A_420 : vector<16xf32>
      %max3A_448 = arith.maximumf %gather3A_381, %get3A_422 : vector<16xf32>
      %min3A_449 = arith.minimumf %gather3A_390, %get3A_424 : vector<16xf32>
      %min3A_450 = arith.minimumf %gather3A_399, %get3A_426 : vector<16xf32>
      %sub3A_451 = arith.subf %min3A_449, %max3A_447 : vector<16xf32>
      %max3A_452 = arith.constant 0.000000e+00 : f32
      %max3A_453 = vector.broadcast %max3A_452 : f32 to vector<16xf32>
      %max3A_454 = arith.maximumf %sub3A_451, %max3A_453 : vector<16xf32>
      %sub3A_455 = arith.subf %min3A_450, %max3A_448 : vector<16xf32>
      %max3A_456 = arith.constant 0.000000e+00 : f32
      %max3A_457 = vector.broadcast %max3A_456 : f32 to vector<16xf32>
      %max3A_458 = arith.maximumf %sub3A_455, %max3A_457 : vector<16xf32>
      %mul3A_459 = arith.mulf %max3A_454, %max3A_458 : vector<16xf32>
      %add3A_460 = arith.addf %mul3A_414, %get3A_428 : vector<16xf32>
      %sub3A_461 = arith.subf %add3A_460, %mul3A_459 : vector<16xf32>
      %add3A_462 = arith.constant 9.99999971E-10 : f32
      %add3A_463 = vector.broadcast %add3A_462 : f32 to vector<16xf32>
      %add3A_464 = arith.addf %sub3A_461, %add3A_463 : vector<16xf32>
      %div3A_465 = arith.divf %mul3A_459, %add3A_464 : vector<16xf32>
      %max3A_466 = arith.maximumf %broadcast_in_dim3A_418, %div3A_465 : vector<16xf32>
      %get3A_467 = arith.constant 16 : index
      %get3A_468 = tpu.vector_load %arg15[%get3A_467] {strides = array<i32>} : memref<112xf32, #tpu.memory_space<vmem>>, vector<16xf32>,
      %get3A_469 = arith.constant 16 : index
      %get3A_470 = tpu.vector_load %arg16[%get3A_469] {strides = array<i32>} : memref<112xf32, #tpu.memory_space<vmem>>, vector<16xf32>,
      %get3A_471 = arith.constant 16 : index
      %get3A_472 = tpu.vector_load %arg17[%get3A_471] {strides = array<i32>} : memref<112xf32, #tpu.memory_space<vmem>>, vector<16xf32>,
      %get3A_473 = arith.constant 16 : index
      %get3A_474 = tpu.vector_load %arg18[%get3A_473] {strides = array<i32>} : memref<112xf32, #tpu.memory_space<vmem>>, vector<16xf32>,
      %get3A_475 = arith.constant 16 : index
      %get3A_476 = tpu.vector_load %arg19[%get3A_475] {strides = array<i32>} : memref<112xf32, #tpu.memory_space<vmem>>, vector<16xf32>,
      %max3A_477 = arith.maximumf %gather3A_282, %get3A_468 : vector<16xf32>
      %max3A_478 = arith.maximumf %gather3A_291, %get3A_470 : vector<16xf32>
      %min3A_479 = arith.minimumf %gather3A_300, %get3A_472 : vector<16xf32>
      %min3A_480 = arith.minimumf %gather3A_309, %get3A_474 : vector<16xf32>
      %sub3A_481 = arith.subf %min3A_479, %max3A_477 : vector<16xf32>
      %max3A_482 = arith.constant 0.000000e+00 : f32
      %max3A_483 = vector.broadcast %max3A_482 : f32 to vector<16xf32>
      %max3A_484 = arith.maximumf %sub3A_481, %max3A_483 : vector<16xf32>
      %sub3A_485 = arith.subf %min3A_480, %max3A_478 : vector<16xf32>
      %max3A_486 = arith.constant 0.000000e+00 : f32
      %max3A_487 = vector.broadcast %max3A_486 : f32 to vector<16xf32>
      %max3A_488 = arith.maximumf %sub3A_485, %max3A_487 : vector<16xf32>
      %mul3A_489 = arith.mulf %max3A_484, %max3A_488 : vector<16xf32>
      %add3A_490 = arith.addf %mul3A_411, %get3A_476 : vector<16xf32>
      %sub3A_491 = arith.subf %add3A_490, %mul3A_489 : vector<16xf32>
      %add3A_492 = arith.constant 9.99999971E-10 : f32
      %add3A_493 = vector.broadcast %add3A_492 : f32 to vector<16xf32>
      %add3A_494 = arith.addf %sub3A_491, %add3A_493 : vector<16xf32>
      %div3A_495 = arith.divf %mul3A_489, %add3A_494 : vector<16xf32>
      %max3A_496 = arith.maximumf %max3A_446, %div3A_495 : vector<16xf32>
      %max3A_497 = arith.maximumf %gather3A_372, %get3A_468 : vector<16xf32>
      %max3A_498 = arith.maximumf %gather3A_381, %get3A_470 : vector<16xf32>
      %min3A_499 = arith.minimumf %gather3A_390, %get3A_472 : vector<16xf32>
      %min3A_500 = arith.minimumf %gather3A_399, %get3A_474 : vector<16xf32>
      %sub3A_501 = arith.subf %min3A_499, %max3A_497 : vector<16xf32>
      %max3A_502 = arith.constant 0.000000e+00 : f32
      %max3A_503 = vector.broadcast %max3A_502 : f32 to vector<16xf32>
      %max3A_504 = arith.maximumf %sub3A_501, %max3A_503 : vector<16xf32>
      %sub3A_505 = arith.subf %min3A_500, %max3A_498 : vector<16xf32>
      %max3A_506 = arith.constant 0.000000e+00 : f32
      %max3A_507 = vector.broadcast %max3A_506 : f32 to vector<16xf32>
      %max3A_508 = arith.maximumf %sub3A_505, %max3A_507 : vector<16xf32>
      %mul3A_509 = arith.mulf %max3A_504, %max3A_508 : vector<16xf32>
      %add3A_510 = arith.addf %mul3A_414, %get3A_476 : vector<16xf32>
      %sub3A_511 = arith.subf %add3A_510, %mul3A_509 : vector<16xf32>
      %add3A_512 = arith.constant 9.99999971E-10 : f32
      %add3A_513 = vector.broadcast %add3A_512 : f32 to vector<16xf32>
      %add3A_514 = arith.addf %sub3A_511, %add3A_513 : vector<16xf32>
      %div3A_515 = arith.divf %mul3A_509, %add3A_514 : vector<16xf32>
      %max3A_516 = arith.maximumf %max3A_466, %div3A_515 : vector<16xf32>
      %get3A_517 = arith.constant 32 : index
      %get3A_518 = tpu.vector_load %arg15[%get3A_517] {strides = array<i32>} : memref<112xf32, #tpu.memory_space<vmem>>, vector<16xf32>,
      %get3A_519 = arith.constant 32 : index
      %get3A_520 = tpu.vector_load %arg16[%get3A_519] {strides = array<i32>} : memref<112xf32, #tpu.memory_space<vmem>>, vector<16xf32>,
      %get3A_521 = arith.constant 32 : index
      %get3A_522 = tpu.vector_load %arg17[%get3A_521] {strides = array<i32>} : memref<112xf32, #tpu.memory_space<vmem>>, vector<16xf32>,
      %get3A_523 = arith.constant 32 : index
      %get3A_524 = tpu.vector_load %arg18[%get3A_523] {strides = array<i32>} : memref<112xf32, #tpu.memory_space<vmem>>, vector<16xf32>,
      %get3A_525 = arith.constant 32 : index
      %get3A_526 = tpu.vector_load %arg19[%get3A_525] {strides = array<i32>} : memref<112xf32, #tpu.memory_space<vmem>>, vector<16xf32>,
      %max3A_527 = arith.maximumf %gather3A_282, %get3A_518 : vector<16xf32>
      %max3A_528 = arith.maximumf %gather3A_291, %get3A_520 : vector<16xf32>
      %min3A_529 = arith.minimumf %gather3A_300, %get3A_522 : vector<16xf32>
      %min3A_530 = arith.minimumf %gather3A_309, %get3A_524 : vector<16xf32>
      %sub3A_531 = arith.subf %min3A_529, %max3A_527 : vector<16xf32>
      %max3A_532 = arith.constant 0.000000e+00 : f32
      %max3A_533 = vector.broadcast %max3A_532 : f32 to vector<16xf32>
      %max3A_534 = arith.maximumf %sub3A_531, %max3A_533 : vector<16xf32>
      %sub3A_535 = arith.subf %min3A_530, %max3A_528 : vector<16xf32>
      %max3A_536 = arith.constant 0.000000e+00 : f32
      %max3A_537 = vector.broadcast %max3A_536 : f32 to vector<16xf32>
      %max3A_538 = arith.maximumf %sub3A_535, %max3A_537 : vector<16xf32>
      %mul3A_539 = arith.mulf %max3A_534, %max3A_538 : vector<16xf32>
      %add3A_540 = arith.addf %mul3A_411, %get3A_526 : vector<16xf32>
      %sub3A_541 = arith.subf %add3A_540, %mul3A_539 : vector<16xf32>
      %add3A_542 = arith.constant 9.99999971E-10 : f32
      %add3A_543 = vector.broadcast %add3A_542 : f32 to vector<16xf32>
      %add3A_544 = arith.addf %sub3A_541, %add3A_543 : vector<16xf32>
      %div3A_545 = arith.divf %mul3A_539, %add3A_544 : vector<16xf32>
      %max3A_546 = arith.maximumf %max3A_496, %div3A_545 : vector<16xf32>
      %max3A_547 = arith.maximumf %gather3A_372, %get3A_518 : vector<16xf32>
      %max3A_548 = arith.maximumf %gather3A_381, %get3A_520 : vector<16xf32>
      %min3A_549 = arith.minimumf %gather3A_390, %get3A_522 : vector<16xf32>
      %min3A_550 = arith.minimumf %gather3A_399, %get3A_524 : vector<16xf32>
      %sub3A_551 = arith.subf %min3A_549, %max3A_547 : vector<16xf32>
      %max3A_552 = arith.constant 0.000000e+00 : f32
      %max3A_553 = vector.broadcast %max3A_552 : f32 to vector<16xf32>
      %max3A_554 = arith.maximumf %sub3A_551, %max3A_553 : vector<16xf32>
      %sub3A_555 = arith.subf %min3A_550, %max3A_548 : vector<16xf32>
      %max3A_556 = arith.constant 0.000000e+00 : f32
      %max3A_557 = vector.broadcast %max3A_556 : f32 to vector<16xf32>
      %max3A_558 = arith.maximumf %sub3A_555, %max3A_557 : vector<16xf32>
      %mul3A_559 = arith.mulf %max3A_554, %max3A_558 : vector<16xf32>
      %add3A_560 = arith.addf %mul3A_414, %get3A_526 : vector<16xf32>
      %sub3A_561 = arith.subf %add3A_560, %mul3A_559 : vector<16xf32>
      %add3A_562 = arith.constant 9.99999971E-10 : f32
      %add3A_563 = vector.broadcast %add3A_562 : f32 to vector<16xf32>
      %add3A_564 = arith.addf %sub3A_561, %add3A_563 : vector<16xf32>
      %div3A_565 = arith.divf %mul3A_559, %add3A_564 : vector<16xf32>
      %max3A_566 = arith.maximumf %max3A_516, %div3A_565 : vector<16xf32>
      %get3A_567 = arith.constant 48 : index
      %get3A_568 = tpu.vector_load %arg15[%get3A_567] {strides = array<i32>} : memref<112xf32, #tpu.memory_space<vmem>>, vector<16xf32>,
      %get3A_569 = arith.constant 48 : index
      %get3A_570 = tpu.vector_load %arg16[%get3A_569] {strides = array<i32>} : memref<112xf32, #tpu.memory_space<vmem>>, vector<16xf32>,
      %get3A_571 = arith.constant 48 : index
      %get3A_572 = tpu.vector_load %arg17[%get3A_571] {strides = array<i32>} : memref<112xf32, #tpu.memory_space<vmem>>, vector<16xf32>,
      %get3A_573 = arith.constant 48 : index
      %get3A_574 = tpu.vector_load %arg18[%get3A_573] {strides = array<i32>} : memref<112xf32, #tpu.memory_space<vmem>>, vector<16xf32>,
      %get3A_575 = arith.constant 48 : index
      %get3A_576 = tpu.vector_load %arg19[%get3A_575] {strides = array<i32>} : memref<112xf32, #tpu.memory_space<vmem>>, vector<16xf32>,
      %max3A_577 = arith.maximumf %gather3A_282, %get3A_568 : vector<16xf32>
      %max3A_578 = arith.maximumf %gather3A_291, %get3A_570 : vector<16xf32>
      %min3A_579 = arith.minimumf %gather3A_300, %get3A_572 : vector<16xf32>
      %min3A_580 = arith.minimumf %gather3A_309, %get3A_574 : vector<16xf32>
      %sub3A_581 = arith.subf %min3A_579, %max3A_577 : vector<16xf32>
      %max3A_582 = arith.constant 0.000000e+00 : f32
      %max3A_583 = vector.broadcast %max3A_582 : f32 to vector<16xf32>
      %max3A_584 = arith.maximumf %sub3A_581, %max3A_583 : vector<16xf32>
      %sub3A_585 = arith.subf %min3A_580, %max3A_578 : vector<16xf32>
      %max3A_586 = arith.constant 0.000000e+00 : f32
      %max3A_587 = vector.broadcast %max3A_586 : f32 to vector<16xf32>
      %max3A_588 = arith.maximumf %sub3A_585, %max3A_587 : vector<16xf32>
      %mul3A_589 = arith.mulf %max3A_584, %max3A_588 : vector<16xf32>
      %add3A_590 = arith.addf %mul3A_411, %get3A_576 : vector<16xf32>
      %sub3A_591 = arith.subf %add3A_590, %mul3A_589 : vector<16xf32>
      %add3A_592 = arith.constant 9.99999971E-10 : f32
      %add3A_593 = vector.broadcast %add3A_592 : f32 to vector<16xf32>
      %add3A_594 = arith.addf %sub3A_591, %add3A_593 : vector<16xf32>
      %div3A_595 = arith.divf %mul3A_589, %add3A_594 : vector<16xf32>
      %max3A_596 = arith.maximumf %max3A_546, %div3A_595 : vector<16xf32>
      %max3A_597 = arith.maximumf %gather3A_372, %get3A_568 : vector<16xf32>
      %max3A_598 = arith.maximumf %gather3A_381, %get3A_570 : vector<16xf32>
      %min3A_599 = arith.minimumf %gather3A_390, %get3A_572 : vector<16xf32>
      %min3A_600 = arith.minimumf %gather3A_399, %get3A_574 : vector<16xf32>
      %sub3A_601 = arith.subf %min3A_599, %max3A_597 : vector<16xf32>
      %max3A_602 = arith.constant 0.000000e+00 : f32
      %max3A_603 = vector.broadcast %max3A_602 : f32 to vector<16xf32>
      %max3A_604 = arith.maximumf %sub3A_601, %max3A_603 : vector<16xf32>
      %sub3A_605 = arith.subf %min3A_600, %max3A_598 : vector<16xf32>
      %max3A_606 = arith.constant 0.000000e+00 : f32
      %max3A_607 = vector.broadcast %max3A_606 : f32 to vector<16xf32>
      %max3A_608 = arith.maximumf %sub3A_605, %max3A_607 : vector<16xf32>
      %mul3A_609 = arith.mulf %max3A_604, %max3A_608 : vector<16xf32>
      %add3A_610 = arith.addf %mul3A_414, %get3A_576 : vector<16xf32>
      %sub3A_611 = arith.subf %add3A_610, %mul3A_609 : vector<16xf32>
      %add3A_612 = arith.constant 9.99999971E-10 : f32
      %add3A_613 = vector.broadcast %add3A_612 : f32 to vector<16xf32>
      %add3A_614 = arith.addf %sub3A_611, %add3A_613 : vector<16xf32>
      %div3A_615 = arith.divf %mul3A_609, %add3A_614 : vector<16xf32>
      %max3A_616 = arith.maximumf %max3A_566, %div3A_615 : vector<16xf32>
      %gt3A = arith.constant 5.000000e-01 : f32
      %gt3A_617 = vector.broadcast %gt3A : f32 to vector<16xf32>
      %gt3A_618 = arith.cmpf ogt, %max3A_596, %gt3A_617 : vector<16xf32>
      %all_reduce_population_count3A = tpu.all_reduce %gt3A_618 {dim = 0 : i64, kind = #tpu.reduction_kind<sum>} : vector<16xi1> -> vector<16xi32>
      %gt3A_619 = arith.constant 0 : i32
      %gt3A_620 = vector.broadcast %gt3A_619 : i32 to vector<16xi32>
      %gt3A_621 = arith.cmpi sgt, %all_reduce_population_count3A, %gt3A_620 : vector<16xi32>
      %lt3A_622 = arith.constant 5.000000e-02 : f32
      %lt3A_623 = vector.broadcast %lt3A_622 : f32 to vector<16xf32>
      %lt3A_624 = arith.cmpf olt, %gather3A_318, %lt3A_623 : vector<16xf32>
      %or3A = arith.ori %gt3A_621, %lt3A_624 : vector<16xi1>
      %convert_element_type3A_625 = arith.extui %or3A : vector<16xi1> to vector<16xi32>
      %lt3A_626 = arith.constant 100 : i32
      %lt3A_627 = vector.broadcast %lt3A_626 : i32 to vector<16xi32>
      %lt3A_628 = arith.cmpi slt, %scan3A_238, %lt3A_627 : vector<16xi32>
      %not3A = arith.constant dense<true> : vector<16xi1>
      %not3A_629 = arith.xori %or3A, %not3A : vector<16xi1>
      %and3A_630 = arith.andi %eq3A_73, %not3A_629 : vector<16xi1>
      %and3A_631 = arith.andi %and3A_630, %lt3A_628 : vector<16xi1>
      tpu.vector_store_idx %arg15[%scan3A_238], %gather3A_282 masked %and3A_631 : memref<112xf32, #tpu.memory_space<vmem>>[vector<16xi32>], vector<16xf32>, vector<16xi1>
      tpu.vector_store_idx %arg16[%scan3A_238], %gather3A_291 masked %and3A_631 : memref<112xf32, #tpu.memory_space<vmem>>[vector<16xi32>], vector<16xf32>, vector<16xi1>
      tpu.vector_store_idx %arg17[%scan3A_238], %gather3A_300 masked %and3A_631 : memref<112xf32, #tpu.memory_space<vmem>>[vector<16xi32>], vector<16xf32>, vector<16xi1>
      tpu.vector_store_idx %arg18[%scan3A_238], %gather3A_309 masked %and3A_631 : memref<112xf32, #tpu.memory_space<vmem>>[vector<16xi32>], vector<16xf32>, vector<16xi1>
      tpu.vector_store_idx %arg19[%scan3A_238], %mul3A_411 masked %and3A_631 : memref<112xf32, #tpu.memory_space<vmem>>[vector<16xi32>], vector<16xf32>, vector<16xi1>
      %mul3A_632 = arith.constant 5 : i32
      %mul3A_633 = vector.broadcast %mul3A_632 : i32 to vector<16xi32>
      %mul3A_634 = arith.muli %scan3A_238, %mul3A_633 : vector<16xi32>
      tpu.vector_store_idx %arg21[%mul3A_634], %gather3A_282 masked %and3A_631 : memref<500xf32, #tpu.memory_space<vmem>>[vector<16xi32>], vector<16xf32>, vector<16xi1>
      %add3A_635 = arith.constant 1 : i32
      %add3A_636 = vector.broadcast %add3A_635 : i32 to vector<16xi32>
      %add3A_637 = arith.addi %mul3A_634, %add3A_636 : vector<16xi32>
      tpu.vector_store_idx %arg21[%add3A_637], %gather3A_291 masked %and3A_631 : memref<500xf32, #tpu.memory_space<vmem>>[vector<16xi32>], vector<16xf32>, vector<16xi1>
      %add3A_638 = arith.constant 2 : i32
      %add3A_639 = vector.broadcast %add3A_638 : i32 to vector<16xi32>
      %add3A_640 = arith.addi %mul3A_634, %add3A_639 : vector<16xi32>
      tpu.vector_store_idx %arg21[%add3A_640], %gather3A_300 masked %and3A_631 : memref<500xf32, #tpu.memory_space<vmem>>[vector<16xi32>], vector<16xf32>, vector<16xi1>
      %add3A_641 = arith.constant 3 : i32
      %add3A_642 = vector.broadcast %add3A_641 : i32 to vector<16xi32>
      %add3A_643 = arith.addi %mul3A_634, %add3A_642 : vector<16xi32>
      tpu.vector_store_idx %arg21[%add3A_643], %gather3A_309 masked %and3A_631 : memref<500xf32, #tpu.memory_space<vmem>>[vector<16xi32>], vector<16xf32>, vector<16xi1>
      %add3A_644 = arith.constant 4 : i32
      %add3A_645 = vector.broadcast %add3A_644 : i32 to vector<16xi32>
      %add3A_646 = arith.addi %mul3A_634, %add3A_645 : vector<16xi32>
      tpu.vector_store_idx %arg21[%add3A_646], %gather3A_318 masked %and3A_631 : memref<500xf32, #tpu.memory_space<vmem>>[vector<16xi32>], vector<16xf32>, vector<16xi1>
      %broadcast_in_dim3A_647 = arith.constant 0 : i32
      %broadcast_in_dim3A_648 = vector.broadcast %broadcast_in_dim3A_647 : i32 to vector<16xi32>
      %add3A_649 = vector.broadcast %mul3A_239 : i32 to vector<16xi32>
      %add3A_650 = arith.addi %broadcast_in_dim3A_648, %add3A_649 : vector<16xi32>
      %and3A_651 = arith.andi %eq3A_73, %lt3A_628 : vector<16xi1>
      tpu.vector_store_idx %arg20[%add3A_650], %convert_element_type3A_625 masked %and3A_651 : memref<5000xi32, #tpu.memory_space<vmem>>[vector<16xi32>], vector<16xi32>, vector<16xi1>
      %max3A_652 = arith.maximumf %gather3A_282, %gather3A_372 : vector<16xf32>
      %max3A_653 = arith.maximumf %gather3A_291, %gather3A_381 : vector<16xf32>
      %min3A_654 = arith.minimumf %gather3A_300, %gather3A_390 : vector<16xf32>
      %min3A_655 = arith.minimumf %gather3A_309, %gather3A_399 : vector<16xf32>
      %sub3A_656 = arith.subf %min3A_654, %max3A_652 : vector<16xf32>
      %max3A_657 = arith.constant 0.000000e+00 : f32
      %max3A_658 = vector.broadcast %max3A_657 : f32 to vector<16xf32>
      %max3A_659 = arith.maximumf %sub3A_656, %max3A_658 : vector<16xf32>
      %sub3A_660 = arith.subf %min3A_655, %max3A_653 : vector<16xf32>
      %max3A_661 = arith.constant 0.000000e+00 : f32
      %max3A_662 = vector.broadcast %max3A_661 : f32 to vector<16xf32>
      %max3A_663 = arith.maximumf %sub3A_660, %max3A_662 : vector<16xf32>
      %mul3A_664 = arith.mulf %max3A_659, %max3A_663 : vector<16xf32>
      %add3A_665 = arith.addf %mul3A_411, %mul3A_414 : vector<16xf32>
      %sub3A_666 = arith.subf %add3A_665, %mul3A_664 : vector<16xf32>
      %add3A_667 = arith.constant 9.99999971E-10 : f32
      %add3A_668 = vector.broadcast %add3A_667 : f32 to vector<16xf32>
      %add3A_669 = arith.addf %sub3A_666, %add3A_668 : vector<16xf32>
      %div3A_670 = arith.divf %mul3A_664, %add3A_669 : vector<16xf32>
      %gt3A_671 = arith.constant 5.000000e-01 : f32
      %gt3A_672 = vector.broadcast %gt3A_671 : f32 to vector<16xf32>
      %gt3A_673 = arith.cmpf ogt, %max3A_616, %gt3A_672 : vector<16xf32>
      %all_reduce_population_count3A_674 = tpu.all_reduce %gt3A_673 {dim = 0 : i64, kind = #tpu.reduction_kind<sum>} : vector<16xi1> -> vector<16xi32>
      %gt3A_675 = arith.constant 0 : i32
      %gt3A_676 = vector.broadcast %gt3A_675 : i32 to vector<16xi32>
      %gt3A_677 = arith.cmpi sgt, %all_reduce_population_count3A_674, %gt3A_676 : vector<16xi32>
      %lt3A_678 = arith.constant 5.000000e-02 : f32
      %lt3A_679 = vector.broadcast %lt3A_678 : f32 to vector<16xf32>
      %lt3A_680 = arith.cmpf olt, %gather3A_408, %lt3A_679 : vector<16xf32>
      %or3A_681 = arith.ori %gt3A_677, %lt3A_680 : vector<16xi1>
      %not3A_682 = arith.constant dense<true> : vector<16xi1>
      %not3A_683 = arith.xori %or3A, %not3A_682 : vector<16xi1>
      %gt3A_684 = arith.constant 5.000000e-01 : f32
      %gt3A_685 = vector.broadcast %gt3A_684 : f32 to vector<16xf32>
      %gt3A_686 = arith.cmpf ogt, %div3A_670, %gt3A_685 : vector<16xf32>
      %and3A_687 = arith.andi %not3A_683, %gt3A_686 : vector<16xi1>
      %or3A_688 = arith.ori %or3A_681, %and3A_687 : vector<16xi1>
      %convert_element_type3A_689 = arith.extui %or3A_688 : vector<16xi1> to vector<16xi32>
      %sub3A_690 = arith.constant 1 : i32
      %sub3A_691 = vector.broadcast %sub3A_690 : i32 to vector<16xi32>
      %sub3A_692 = arith.subi %sub3A_691, %convert_element_type3A_625 : vector<16xi32>
      %jit3A_693 = arith.constant 0 : i32
      %broadcast_in_dim3A_694 = vector.broadcast %jit3A_693 : i32 to vector<16xi32>
      %select_n3A_695 = arith.select %lt3A_628, %sub3A_692, %broadcast_in_dim3A_694 : vector<16xi1>, vector<16xi32>
      %add3A_696 = arith.addi %scan3A_238, %select_n3A_695 : vector<16xi32>
      %lt3A_697 = arith.constant 100 : i32
      %lt3A_698 = vector.broadcast %lt3A_697 : i32 to vector<16xi32>
      %lt3A_699 = arith.cmpi slt, %add3A_696, %lt3A_698 : vector<16xi32>
      %not3A_700 = arith.constant dense<true> : vector<16xi1>
      %not3A_701 = arith.xori %or3A_688, %not3A_700 : vector<16xi1>
      %and3A_702 = arith.andi %eq3A_73, %not3A_701 : vector<16xi1>
      %and3A_703 = arith.andi %and3A_702, %lt3A_699 : vector<16xi1>
      tpu.vector_store_idx %arg15[%add3A_696], %gather3A_372 masked %and3A_703 : memref<112xf32, #tpu.memory_space<vmem>>[vector<16xi32>], vector<16xf32>, vector<16xi1>
      tpu.vector_store_idx %arg16[%add3A_696], %gather3A_381 masked %and3A_703 : memref<112xf32, #tpu.memory_space<vmem>>[vector<16xi32>], vector<16xf32>, vector<16xi1>
      tpu.vector_store_idx %arg17[%add3A_696], %gather3A_390 masked %and3A_703 : memref<112xf32, #tpu.memory_space<vmem>>[vector<16xi32>], vector<16xf32>, vector<16xi1>
      tpu.vector_store_idx %arg18[%add3A_696], %gather3A_399 masked %and3A_703 : memref<112xf32, #tpu.memory_space<vmem>>[vector<16xi32>], vector<16xf32>, vector<16xi1>
      tpu.vector_store_idx %arg19[%add3A_696], %mul3A_414 masked %and3A_703 : memref<112xf32, #tpu.memory_space<vmem>>[vector<16xi32>], vector<16xf32>, vector<16xi1>
      %mul3A_704 = arith.constant 5 : i32
      %mul3A_705 = vector.broadcast %mul3A_704 : i32 to vector<16xi32>
      %mul3A_706 = arith.muli %add3A_696, %mul3A_705 : vector<16xi32>
      tpu.vector_store_idx %arg21[%mul3A_706], %gather3A_372 masked %and3A_703 : memref<500xf32, #tpu.memory_space<vmem>>[vector<16xi32>], vector<16xf32>, vector<16xi1>
      %add3A_707 = arith.constant 1 : i32
      %add3A_708 = vector.broadcast %add3A_707 : i32 to vector<16xi32>
      %add3A_709 = arith.addi %mul3A_706, %add3A_708 : vector<16xi32>
      tpu.vector_store_idx %arg21[%add3A_709], %gather3A_381 masked %and3A_703 : memref<500xf32, #tpu.memory_space<vmem>>[vector<16xi32>], vector<16xf32>, vector<16xi1>
      %add3A_710 = arith.constant 2 : i32
      %add3A_711 = vector.broadcast %add3A_710 : i32 to vector<16xi32>
      %add3A_712 = arith.addi %mul3A_706, %add3A_711 : vector<16xi32>
      tpu.vector_store_idx %arg21[%add3A_712], %gather3A_390 masked %and3A_703 : memref<500xf32, #tpu.memory_space<vmem>>[vector<16xi32>], vector<16xf32>, vector<16xi1>
      %add3A_713 = arith.constant 3 : i32
      %add3A_714 = vector.broadcast %add3A_713 : i32 to vector<16xi32>
      %add3A_715 = arith.addi %mul3A_706, %add3A_714 : vector<16xi32>
      tpu.vector_store_idx %arg21[%add3A_715], %gather3A_399 masked %and3A_703 : memref<500xf32, #tpu.memory_space<vmem>>[vector<16xi32>], vector<16xf32>, vector<16xi1>
      %add3A_716 = arith.constant 4 : i32
      %add3A_717 = vector.broadcast %add3A_716 : i32 to vector<16xi32>
      %add3A_718 = arith.addi %mul3A_706, %add3A_717 : vector<16xi32>
      tpu.vector_store_idx %arg21[%add3A_718], %gather3A_408 masked %and3A_703 : memref<500xf32, #tpu.memory_space<vmem>>[vector<16xi32>], vector<16xf32>, vector<16xi1>
      %broadcast_in_dim3A_719 = arith.constant 0 : i32
      %broadcast_in_dim3A_720 = vector.broadcast %broadcast_in_dim3A_719 : i32 to vector<16xi32>
      %add3A_721 = arith.constant 1 : i32
      %add3A_722 = arith.addi %mul3A_239, %add3A_721 : i32
      %add3A_723 = vector.broadcast %add3A_722 : i32 to vector<16xi32>
      %add3A_724 = arith.addi %broadcast_in_dim3A_720, %add3A_723 : vector<16xi32>
      %and3A_725 = arith.andi %eq3A_73, %lt3A_699 : vector<16xi1>
      tpu.vector_store_idx %arg20[%add3A_724], %convert_element_type3A_689 masked %and3A_725 : memref<5000xi32, #tpu.memory_space<vmem>>[vector<16xi32>], vector<16xi32>, vector<16xi1>
      %sub3A_726 = arith.constant 1 : i32
      %sub3A_727 = vector.broadcast %sub3A_726 : i32 to vector<16xi32>
      %sub3A_728 = arith.subi %sub3A_727, %convert_element_type3A_689 : vector<16xi32>
      %jit3A_729 = arith.constant 0 : i32
      %broadcast_in_dim3A_730 = vector.broadcast %jit3A_729 : i32 to vector<16xi32>
      %select_n3A_731 = arith.select %lt3A_699, %sub3A_728, %broadcast_in_dim3A_730 : vector<16xi1>, vector<16xi32>
      %add3A_732 = arith.addi %add3A_696, %select_n3A_731 : vector<16xi32>
      scf.yield %add3A_732 : vector<16xi32>
    }
    %scan3A_214 = arith.constant 26 : i32
    %scan3A_215 = arith.constant 26 : i32
    %scan3A_216 = arith.constant 38 : i32
    %scan3A_217 = arith.addi %scan3A_215, %scan3A_216 : i32
    %scan3A_218 = arith.constant 1 : i32
    %scan3A_219 = scf.for %scan3A_237 = %scan3A_215 to %scan3A_217 step %scan3A_218 iter_args(%scan3A_238 = %scan3A_213) -> (vector<16xi32>)  : i32 {
      %mul3A = arith.constant 2 : i32
      %mul3A_239 = arith.muli %scan3A_237, %mul3A : i32
      %jit3A = arith.constant 16 : i32
      %div3A = arith.divsi %mul3A_239, %jit3A : i32
      %sign3A = arith.constant 0 : i32
      %sign3A_240 = arith.cmpi sgt, %mul3A_239, %sign3A : i32
      %sign3A_241 = arith.extui %sign3A_240 : i1 to i32
      %sign3A_242 = arith.constant 0 : i32
      %sign3A_243 = arith.cmpi slt, %mul3A_239, %sign3A_242 : i32
      %sign3A_244 = arith.extui %sign3A_243 : i1 to i32
      %sign3A_245 = arith.subi %sign3A_241, %sign3A_244 : i32
      %sign3A_246 = arith.constant 0 : i32
      %sign3A_247 = arith.cmpi sgt, %jit3A, %sign3A_246 : i32
      %sign3A_248 = arith.extui %sign3A_247 : i1 to i32
      %sign3A_249 = arith.constant 0 : i32
      %sign3A_250 = arith.cmpi slt, %jit3A, %sign3A_249 : i32
      %sign3A_251 = arith.extui %sign3A_250 : i1 to i32
      %sign3A_252 = arith.subi %sign3A_248, %sign3A_251 : i32
      %ne3A = arith.cmpi ne, %sign3A_245, %sign3A_252 : i32
      %rem3A = arith.remsi %mul3A_239, %jit3A : i32
      %ne3A_253 = arith.constant 0 : i32
      %ne3A_254 = arith.cmpi ne, %rem3A, %ne3A_253 : i32
      %and3A_255 = arith.andi %ne3A, %ne3A_254 : i1
      %sub3A = arith.constant 1 : i32
      %sub3A_256 = arith.subi %div3A, %sub3A : i32
      %select_n3A = arith.select %and3A_255, %sub3A_256, %div3A : i32
      %mul3A_257 = arith.constant 16 : i32
      %mul3A_258 = arith.muli %select_n3A, %mul3A_257 : i32
      %multiple_of3A = tpu.assume_multiple %mul3A_258, 16 : i32
      %jit3A_259 = arith.constant 16 : i32
      %eq3A_260 = arith.constant 0 : i32
      %eq3A_261 = arith.cmpi eq, %jit3A_259, %eq3A_260 : i32
      %jit3A_262 = arith.constant 1 : i32
      %select_n3A_263 = arith.select %eq3A_261, %jit3A_262, %jit3A_259 : i32
      %rem3A_264 = arith.remsi %mul3A_239, %select_n3A_263 : i32
      %ne3A_265 = arith.constant 0 : i32
      %ne3A_266 = arith.cmpi ne, %rem3A_264, %ne3A_265 : i32
      %lt3A_267 = arith.constant 0 : i32
      %lt3A_268 = arith.cmpi slt, %rem3A_264, %lt3A_267 : i32
      %lt3A_269 = arith.constant 0 : i32
      %lt3A_270 = arith.cmpi slt, %select_n3A_263, %lt3A_269 : i32
      %ne3A_271 = arith.xori %lt3A_268, %lt3A_270 : i1
      %and3A_272 = arith.andi %ne3A_271, %ne3A_266 : i1
      %add3A = arith.addi %rem3A_264, %select_n3A_263 : i32
      %select_n3A_273 = arith.select %and3A_272, %add3A, %rem3A_264 : i32
      %get3A_274 = arith.index_cast %multiple_of3A : i32 to index
      %get3A_275 = tpu.vector_load %arg22[%get3A_274] {strides = array<i32>} : memref<128xf32, #tpu.memory_space<vmem>>, vector<16xf32>,
      %broadcast_in_dim3A_276 = arith.constant 0 : i32
      %broadcast_in_dim3A_277 = vector.broadcast %broadcast_in_dim3A_276 : i32 to vector<16xi32>
      %add3A_278 = vector.broadcast %select_n3A_273 : i32 to vector<16xi32>
      %add3A_279 = arith.addi %broadcast_in_dim3A_277, %add3A_278 : vector<16xi32>
      %broadcast_in_dim3A_280 = vector.shape_cast %add3A_279 : vector<16xi32> to vector<16x1xi32>
      %gather3A_281 = vector.shape_cast %broadcast_in_dim3A_280 : vector<16x1xi32> to vector<16xi32>
      %gather3A_282 = tpu.dynamic_gather %get3A_275[%gather3A_281] in [0] : vector<16xf32>, vector<16xi32> -> vector<16xf32>
      %get3A_283 = arith.index_cast %multiple_of3A : i32 to index
      %get3A_284 = tpu.vector_load %arg23[%get3A_283] {strides = array<i32>} : memref<128xf32, #tpu.memory_space<vmem>>, vector<16xf32>,
      %broadcast_in_dim3A_285 = arith.constant 0 : i32
      %broadcast_in_dim3A_286 = vector.broadcast %broadcast_in_dim3A_285 : i32 to vector<16xi32>
      %add3A_287 = vector.broadcast %select_n3A_273 : i32 to vector<16xi32>
      %add3A_288 = arith.addi %broadcast_in_dim3A_286, %add3A_287 : vector<16xi32>
      %broadcast_in_dim3A_289 = vector.shape_cast %add3A_288 : vector<16xi32> to vector<16x1xi32>
      %gather3A_290 = vector.shape_cast %broadcast_in_dim3A_289 : vector<16x1xi32> to vector<16xi32>
      %gather3A_291 = tpu.dynamic_gather %get3A_284[%gather3A_290] in [0] : vector<16xf32>, vector<16xi32> -> vector<16xf32>
      %get3A_292 = arith.index_cast %multiple_of3A : i32 to index
      %get3A_293 = tpu.vector_load %arg24[%get3A_292] {strides = array<i32>} : memref<128xf32, #tpu.memory_space<vmem>>, vector<16xf32>,
      %broadcast_in_dim3A_294 = arith.constant 0 : i32
      %broadcast_in_dim3A_295 = vector.broadcast %broadcast_in_dim3A_294 : i32 to vector<16xi32>
      %add3A_296 = vector.broadcast %select_n3A_273 : i32 to vector<16xi32>
      %add3A_297 = arith.addi %broadcast_in_dim3A_295, %add3A_296 : vector<16xi32>
      %broadcast_in_dim3A_298 = vector.shape_cast %add3A_297 : vector<16xi32> to vector<16x1xi32>
      %gather3A_299 = vector.shape_cast %broadcast_in_dim3A_298 : vector<16x1xi32> to vector<16xi32>
      %gather3A_300 = tpu.dynamic_gather %get3A_293[%gather3A_299] in [0] : vector<16xf32>, vector<16xi32> -> vector<16xf32>
      %get3A_301 = arith.index_cast %multiple_of3A : i32 to index
      %get3A_302 = tpu.vector_load %arg25[%get3A_301] {strides = array<i32>} : memref<128xf32, #tpu.memory_space<vmem>>, vector<16xf32>,
      %broadcast_in_dim3A_303 = arith.constant 0 : i32
      %broadcast_in_dim3A_304 = vector.broadcast %broadcast_in_dim3A_303 : i32 to vector<16xi32>
      %add3A_305 = vector.broadcast %select_n3A_273 : i32 to vector<16xi32>
      %add3A_306 = arith.addi %broadcast_in_dim3A_304, %add3A_305 : vector<16xi32>
      %broadcast_in_dim3A_307 = vector.shape_cast %add3A_306 : vector<16xi32> to vector<16x1xi32>
      %gather3A_308 = vector.shape_cast %broadcast_in_dim3A_307 : vector<16x1xi32> to vector<16xi32>
      %gather3A_309 = tpu.dynamic_gather %get3A_302[%gather3A_308] in [0] : vector<16xf32>, vector<16xi32> -> vector<16xf32>
      %get3A_310 = arith.index_cast %multiple_of3A : i32 to index
      %get3A_311 = tpu.vector_load %arg26[%get3A_310] {strides = array<i32>} : memref<128xf32, #tpu.memory_space<vmem>>, vector<16xf32>,
      %broadcast_in_dim3A_312 = arith.constant 0 : i32
      %broadcast_in_dim3A_313 = vector.broadcast %broadcast_in_dim3A_312 : i32 to vector<16xi32>
      %add3A_314 = vector.broadcast %select_n3A_273 : i32 to vector<16xi32>
      %add3A_315 = arith.addi %broadcast_in_dim3A_313, %add3A_314 : vector<16xi32>
      %broadcast_in_dim3A_316 = vector.shape_cast %add3A_315 : vector<16xi32> to vector<16x1xi32>
      %gather3A_317 = vector.shape_cast %broadcast_in_dim3A_316 : vector<16x1xi32> to vector<16xi32>
      %gather3A_318 = tpu.dynamic_gather %get3A_311[%gather3A_317] in [0] : vector<16xf32>, vector<16xi32> -> vector<16xf32>
      %add3A_319 = arith.constant 1 : i32
      %add3A_320 = arith.addi %mul3A_239, %add3A_319 : i32
      %jit3A_321 = arith.constant 16 : i32
      %div3A_322 = arith.divsi %add3A_320, %jit3A_321 : i32
      %sign3A_323 = arith.constant 0 : i32
      %sign3A_324 = arith.cmpi sgt, %add3A_320, %sign3A_323 : i32
      %sign3A_325 = arith.extui %sign3A_324 : i1 to i32
      %sign3A_326 = arith.constant 0 : i32
      %sign3A_327 = arith.cmpi slt, %add3A_320, %sign3A_326 : i32
      %sign3A_328 = arith.extui %sign3A_327 : i1 to i32
      %sign3A_329 = arith.subi %sign3A_325, %sign3A_328 : i32
      %sign3A_330 = arith.constant 0 : i32
      %sign3A_331 = arith.cmpi sgt, %jit3A_321, %sign3A_330 : i32
      %sign3A_332 = arith.extui %sign3A_331 : i1 to i32
      %sign3A_333 = arith.constant 0 : i32
      %sign3A_334 = arith.cmpi slt, %jit3A_321, %sign3A_333 : i32
      %sign3A_335 = arith.extui %sign3A_334 : i1 to i32
      %sign3A_336 = arith.subi %sign3A_332, %sign3A_335 : i32
      %ne3A_337 = arith.cmpi ne, %sign3A_329, %sign3A_336 : i32
      %rem3A_338 = arith.remsi %add3A_320, %jit3A_321 : i32
      %ne3A_339 = arith.constant 0 : i32
      %ne3A_340 = arith.cmpi ne, %rem3A_338, %ne3A_339 : i32
      %and3A_341 = arith.andi %ne3A_337, %ne3A_340 : i1
      %sub3A_342 = arith.constant 1 : i32
      %sub3A_343 = arith.subi %div3A_322, %sub3A_342 : i32
      %select_n3A_344 = arith.select %and3A_341, %sub3A_343, %div3A_322 : i32
      %mul3A_345 = arith.constant 16 : i32
      %mul3A_346 = arith.muli %select_n3A_344, %mul3A_345 : i32
      %multiple_of3A_347 = tpu.assume_multiple %mul3A_346, 16 : i32
      %jit3A_348 = arith.constant 16 : i32
      %eq3A_349 = arith.constant 0 : i32
      %eq3A_350 = arith.cmpi eq, %jit3A_348, %eq3A_349 : i32
      %jit3A_351 = arith.constant 1 : i32
      %select_n3A_352 = arith.select %eq3A_350, %jit3A_351, %jit3A_348 : i32
      %rem3A_353 = arith.remsi %add3A_320, %select_n3A_352 : i32
      %ne3A_354 = arith.constant 0 : i32
      %ne3A_355 = arith.cmpi ne, %rem3A_353, %ne3A_354 : i32
      %lt3A_356 = arith.constant 0 : i32
      %lt3A_357 = arith.cmpi slt, %rem3A_353, %lt3A_356 : i32
      %lt3A_358 = arith.constant 0 : i32
      %lt3A_359 = arith.cmpi slt, %select_n3A_352, %lt3A_358 : i32
      %ne3A_360 = arith.xori %lt3A_357, %lt3A_359 : i1
      %and3A_361 = arith.andi %ne3A_360, %ne3A_355 : i1
      %add3A_362 = arith.addi %rem3A_353, %select_n3A_352 : i32
      %select_n3A_363 = arith.select %and3A_361, %add3A_362, %rem3A_353 : i32
      %get3A_364 = arith.index_cast %multiple_of3A_347 : i32 to index
      %get3A_365 = tpu.vector_load %arg22[%get3A_364] {strides = array<i32>} : memref<128xf32, #tpu.memory_space<vmem>>, vector<16xf32>,
      %broadcast_in_dim3A_366 = arith.constant 0 : i32
      %broadcast_in_dim3A_367 = vector.broadcast %broadcast_in_dim3A_366 : i32 to vector<16xi32>
      %add3A_368 = vector.broadcast %select_n3A_363 : i32 to vector<16xi32>
      %add3A_369 = arith.addi %broadcast_in_dim3A_367, %add3A_368 : vector<16xi32>
      %broadcast_in_dim3A_370 = vector.shape_cast %add3A_369 : vector<16xi32> to vector<16x1xi32>
      %gather3A_371 = vector.shape_cast %broadcast_in_dim3A_370 : vector<16x1xi32> to vector<16xi32>
      %gather3A_372 = tpu.dynamic_gather %get3A_365[%gather3A_371] in [0] : vector<16xf32>, vector<16xi32> -> vector<16xf32>
      %get3A_373 = arith.index_cast %multiple_of3A_347 : i32 to index
      %get3A_374 = tpu.vector_load %arg23[%get3A_373] {strides = array<i32>} : memref<128xf32, #tpu.memory_space<vmem>>, vector<16xf32>,
      %broadcast_in_dim3A_375 = arith.constant 0 : i32
      %broadcast_in_dim3A_376 = vector.broadcast %broadcast_in_dim3A_375 : i32 to vector<16xi32>
      %add3A_377 = vector.broadcast %select_n3A_363 : i32 to vector<16xi32>
      %add3A_378 = arith.addi %broadcast_in_dim3A_376, %add3A_377 : vector<16xi32>
      %broadcast_in_dim3A_379 = vector.shape_cast %add3A_378 : vector<16xi32> to vector<16x1xi32>
      %gather3A_380 = vector.shape_cast %broadcast_in_dim3A_379 : vector<16x1xi32> to vector<16xi32>
      %gather3A_381 = tpu.dynamic_gather %get3A_374[%gather3A_380] in [0] : vector<16xf32>, vector<16xi32> -> vector<16xf32>
      %get3A_382 = arith.index_cast %multiple_of3A_347 : i32 to index
      %get3A_383 = tpu.vector_load %arg24[%get3A_382] {strides = array<i32>} : memref<128xf32, #tpu.memory_space<vmem>>, vector<16xf32>,
      %broadcast_in_dim3A_384 = arith.constant 0 : i32
      %broadcast_in_dim3A_385 = vector.broadcast %broadcast_in_dim3A_384 : i32 to vector<16xi32>
      %add3A_386 = vector.broadcast %select_n3A_363 : i32 to vector<16xi32>
      %add3A_387 = arith.addi %broadcast_in_dim3A_385, %add3A_386 : vector<16xi32>
      %broadcast_in_dim3A_388 = vector.shape_cast %add3A_387 : vector<16xi32> to vector<16x1xi32>
      %gather3A_389 = vector.shape_cast %broadcast_in_dim3A_388 : vector<16x1xi32> to vector<16xi32>
      %gather3A_390 = tpu.dynamic_gather %get3A_383[%gather3A_389] in [0] : vector<16xf32>, vector<16xi32> -> vector<16xf32>
      %get3A_391 = arith.index_cast %multiple_of3A_347 : i32 to index
      %get3A_392 = tpu.vector_load %arg25[%get3A_391] {strides = array<i32>} : memref<128xf32, #tpu.memory_space<vmem>>, vector<16xf32>,
      %broadcast_in_dim3A_393 = arith.constant 0 : i32
      %broadcast_in_dim3A_394 = vector.broadcast %broadcast_in_dim3A_393 : i32 to vector<16xi32>
      %add3A_395 = vector.broadcast %select_n3A_363 : i32 to vector<16xi32>
      %add3A_396 = arith.addi %broadcast_in_dim3A_394, %add3A_395 : vector<16xi32>
      %broadcast_in_dim3A_397 = vector.shape_cast %add3A_396 : vector<16xi32> to vector<16x1xi32>
      %gather3A_398 = vector.shape_cast %broadcast_in_dim3A_397 : vector<16x1xi32> to vector<16xi32>
      %gather3A_399 = tpu.dynamic_gather %get3A_392[%gather3A_398] in [0] : vector<16xf32>, vector<16xi32> -> vector<16xf32>
      %get3A_400 = arith.index_cast %multiple_of3A_347 : i32 to index
      %get3A_401 = tpu.vector_load %arg26[%get3A_400] {strides = array<i32>} : memref<128xf32, #tpu.memory_space<vmem>>, vector<16xf32>,
      %broadcast_in_dim3A_402 = arith.constant 0 : i32
      %broadcast_in_dim3A_403 = vector.broadcast %broadcast_in_dim3A_402 : i32 to vector<16xi32>
      %add3A_404 = vector.broadcast %select_n3A_363 : i32 to vector<16xi32>
      %add3A_405 = arith.addi %broadcast_in_dim3A_403, %add3A_404 : vector<16xi32>
      %broadcast_in_dim3A_406 = vector.shape_cast %add3A_405 : vector<16xi32> to vector<16x1xi32>
      %gather3A_407 = vector.shape_cast %broadcast_in_dim3A_406 : vector<16x1xi32> to vector<16xi32>
      %gather3A_408 = tpu.dynamic_gather %get3A_401[%gather3A_407] in [0] : vector<16xf32>, vector<16xi32> -> vector<16xf32>
      %sub3A_409 = arith.subf %gather3A_300, %gather3A_282 : vector<16xf32>
      %sub3A_410 = arith.subf %gather3A_309, %gather3A_291 : vector<16xf32>
      %mul3A_411 = arith.mulf %sub3A_409, %sub3A_410 : vector<16xf32>
      %sub3A_412 = arith.subf %gather3A_390, %gather3A_372 : vector<16xf32>
      %sub3A_413 = arith.subf %gather3A_399, %gather3A_381 : vector<16xf32>
      %mul3A_414 = arith.mulf %sub3A_412, %sub3A_413 : vector<16xf32>
      %broadcast_in_dim3A_415 = arith.constant 0.000000e+00 : f32
      %broadcast_in_dim3A_416 = vector.broadcast %broadcast_in_dim3A_415 : f32 to vector<16xf32>
      %broadcast_in_dim3A_417 = arith.constant 0.000000e+00 : f32
      %broadcast_in_dim3A_418 = vector.broadcast %broadcast_in_dim3A_417 : f32 to vector<16xf32>
      %get3A_419 = arith.constant 0 : index
      %get3A_420 = tpu.vector_load %arg15[%get3A_419] {strides = array<i32>} : memref<112xf32, #tpu.memory_space<vmem>>, vector<16xf32>,
      %get3A_421 = arith.constant 0 : index
      %get3A_422 = tpu.vector_load %arg16[%get3A_421] {strides = array<i32>} : memref<112xf32, #tpu.memory_space<vmem>>, vector<16xf32>,
      %get3A_423 = arith.constant 0 : index
      %get3A_424 = tpu.vector_load %arg17[%get3A_423] {strides = array<i32>} : memref<112xf32, #tpu.memory_space<vmem>>, vector<16xf32>,
      %get3A_425 = arith.constant 0 : index
      %get3A_426 = tpu.vector_load %arg18[%get3A_425] {strides = array<i32>} : memref<112xf32, #tpu.memory_space<vmem>>, vector<16xf32>,
      %get3A_427 = arith.constant 0 : index
      %get3A_428 = tpu.vector_load %arg19[%get3A_427] {strides = array<i32>} : memref<112xf32, #tpu.memory_space<vmem>>, vector<16xf32>,
      %max3A = arith.maximumf %gather3A_282, %get3A_420 : vector<16xf32>
      %max3A_429 = arith.maximumf %gather3A_291, %get3A_422 : vector<16xf32>
      %min3A = arith.minimumf %gather3A_300, %get3A_424 : vector<16xf32>
      %min3A_430 = arith.minimumf %gather3A_309, %get3A_426 : vector<16xf32>
      %sub3A_431 = arith.subf %min3A, %max3A : vector<16xf32>
      %max3A_432 = arith.constant 0.000000e+00 : f32
      %max3A_433 = vector.broadcast %max3A_432 : f32 to vector<16xf32>
      %max3A_434 = arith.maximumf %sub3A_431, %max3A_433 : vector<16xf32>
      %sub3A_435 = arith.subf %min3A_430, %max3A_429 : vector<16xf32>
      %max3A_436 = arith.constant 0.000000e+00 : f32
      %max3A_437 = vector.broadcast %max3A_436 : f32 to vector<16xf32>
      %max3A_438 = arith.maximumf %sub3A_435, %max3A_437 : vector<16xf32>
      %mul3A_439 = arith.mulf %max3A_434, %max3A_438 : vector<16xf32>
      %add3A_440 = arith.addf %mul3A_411, %get3A_428 : vector<16xf32>
      %sub3A_441 = arith.subf %add3A_440, %mul3A_439 : vector<16xf32>
      %add3A_442 = arith.constant 9.99999971E-10 : f32
      %add3A_443 = vector.broadcast %add3A_442 : f32 to vector<16xf32>
      %add3A_444 = arith.addf %sub3A_441, %add3A_443 : vector<16xf32>
      %div3A_445 = arith.divf %mul3A_439, %add3A_444 : vector<16xf32>
      %max3A_446 = arith.maximumf %broadcast_in_dim3A_416, %div3A_445 : vector<16xf32>
      %max3A_447 = arith.maximumf %gather3A_372, %get3A_420 : vector<16xf32>
      %max3A_448 = arith.maximumf %gather3A_381, %get3A_422 : vector<16xf32>
      %min3A_449 = arith.minimumf %gather3A_390, %get3A_424 : vector<16xf32>
      %min3A_450 = arith.minimumf %gather3A_399, %get3A_426 : vector<16xf32>
      %sub3A_451 = arith.subf %min3A_449, %max3A_447 : vector<16xf32>
      %max3A_452 = arith.constant 0.000000e+00 : f32
      %max3A_453 = vector.broadcast %max3A_452 : f32 to vector<16xf32>
      %max3A_454 = arith.maximumf %sub3A_451, %max3A_453 : vector<16xf32>
      %sub3A_455 = arith.subf %min3A_450, %max3A_448 : vector<16xf32>
      %max3A_456 = arith.constant 0.000000e+00 : f32
      %max3A_457 = vector.broadcast %max3A_456 : f32 to vector<16xf32>
      %max3A_458 = arith.maximumf %sub3A_455, %max3A_457 : vector<16xf32>
      %mul3A_459 = arith.mulf %max3A_454, %max3A_458 : vector<16xf32>
      %add3A_460 = arith.addf %mul3A_414, %get3A_428 : vector<16xf32>
      %sub3A_461 = arith.subf %add3A_460, %mul3A_459 : vector<16xf32>
      %add3A_462 = arith.constant 9.99999971E-10 : f32
      %add3A_463 = vector.broadcast %add3A_462 : f32 to vector<16xf32>
      %add3A_464 = arith.addf %sub3A_461, %add3A_463 : vector<16xf32>
      %div3A_465 = arith.divf %mul3A_459, %add3A_464 : vector<16xf32>
      %max3A_466 = arith.maximumf %broadcast_in_dim3A_418, %div3A_465 : vector<16xf32>
      %get3A_467 = arith.constant 16 : index
      %get3A_468 = tpu.vector_load %arg15[%get3A_467] {strides = array<i32>} : memref<112xf32, #tpu.memory_space<vmem>>, vector<16xf32>,
      %get3A_469 = arith.constant 16 : index
      %get3A_470 = tpu.vector_load %arg16[%get3A_469] {strides = array<i32>} : memref<112xf32, #tpu.memory_space<vmem>>, vector<16xf32>,
      %get3A_471 = arith.constant 16 : index
      %get3A_472 = tpu.vector_load %arg17[%get3A_471] {strides = array<i32>} : memref<112xf32, #tpu.memory_space<vmem>>, vector<16xf32>,
      %get3A_473 = arith.constant 16 : index
      %get3A_474 = tpu.vector_load %arg18[%get3A_473] {strides = array<i32>} : memref<112xf32, #tpu.memory_space<vmem>>, vector<16xf32>,
      %get3A_475 = arith.constant 16 : index
      %get3A_476 = tpu.vector_load %arg19[%get3A_475] {strides = array<i32>} : memref<112xf32, #tpu.memory_space<vmem>>, vector<16xf32>,
      %max3A_477 = arith.maximumf %gather3A_282, %get3A_468 : vector<16xf32>
      %max3A_478 = arith.maximumf %gather3A_291, %get3A_470 : vector<16xf32>
      %min3A_479 = arith.minimumf %gather3A_300, %get3A_472 : vector<16xf32>
      %min3A_480 = arith.minimumf %gather3A_309, %get3A_474 : vector<16xf32>
      %sub3A_481 = arith.subf %min3A_479, %max3A_477 : vector<16xf32>
      %max3A_482 = arith.constant 0.000000e+00 : f32
      %max3A_483 = vector.broadcast %max3A_482 : f32 to vector<16xf32>
      %max3A_484 = arith.maximumf %sub3A_481, %max3A_483 : vector<16xf32>
      %sub3A_485 = arith.subf %min3A_480, %max3A_478 : vector<16xf32>
      %max3A_486 = arith.constant 0.000000e+00 : f32
      %max3A_487 = vector.broadcast %max3A_486 : f32 to vector<16xf32>
      %max3A_488 = arith.maximumf %sub3A_485, %max3A_487 : vector<16xf32>
      %mul3A_489 = arith.mulf %max3A_484, %max3A_488 : vector<16xf32>
      %add3A_490 = arith.addf %mul3A_411, %get3A_476 : vector<16xf32>
      %sub3A_491 = arith.subf %add3A_490, %mul3A_489 : vector<16xf32>
      %add3A_492 = arith.constant 9.99999971E-10 : f32
      %add3A_493 = vector.broadcast %add3A_492 : f32 to vector<16xf32>
      %add3A_494 = arith.addf %sub3A_491, %add3A_493 : vector<16xf32>
      %div3A_495 = arith.divf %mul3A_489, %add3A_494 : vector<16xf32>
      %max3A_496 = arith.maximumf %max3A_446, %div3A_495 : vector<16xf32>
      %max3A_497 = arith.maximumf %gather3A_372, %get3A_468 : vector<16xf32>
      %max3A_498 = arith.maximumf %gather3A_381, %get3A_470 : vector<16xf32>
      %min3A_499 = arith.minimumf %gather3A_390, %get3A_472 : vector<16xf32>
      %min3A_500 = arith.minimumf %gather3A_399, %get3A_474 : vector<16xf32>
      %sub3A_501 = arith.subf %min3A_499, %max3A_497 : vector<16xf32>
      %max3A_502 = arith.constant 0.000000e+00 : f32
      %max3A_503 = vector.broadcast %max3A_502 : f32 to vector<16xf32>
      %max3A_504 = arith.maximumf %sub3A_501, %max3A_503 : vector<16xf32>
      %sub3A_505 = arith.subf %min3A_500, %max3A_498 : vector<16xf32>
      %max3A_506 = arith.constant 0.000000e+00 : f32
      %max3A_507 = vector.broadcast %max3A_506 : f32 to vector<16xf32>
      %max3A_508 = arith.maximumf %sub3A_505, %max3A_507 : vector<16xf32>
      %mul3A_509 = arith.mulf %max3A_504, %max3A_508 : vector<16xf32>
      %add3A_510 = arith.addf %mul3A_414, %get3A_476 : vector<16xf32>
      %sub3A_511 = arith.subf %add3A_510, %mul3A_509 : vector<16xf32>
      %add3A_512 = arith.constant 9.99999971E-10 : f32
      %add3A_513 = vector.broadcast %add3A_512 : f32 to vector<16xf32>
      %add3A_514 = arith.addf %sub3A_511, %add3A_513 : vector<16xf32>
      %div3A_515 = arith.divf %mul3A_509, %add3A_514 : vector<16xf32>
      %max3A_516 = arith.maximumf %max3A_466, %div3A_515 : vector<16xf32>
      %get3A_517 = arith.constant 32 : index
      %get3A_518 = tpu.vector_load %arg15[%get3A_517] {strides = array<i32>} : memref<112xf32, #tpu.memory_space<vmem>>, vector<16xf32>,
      %get3A_519 = arith.constant 32 : index
      %get3A_520 = tpu.vector_load %arg16[%get3A_519] {strides = array<i32>} : memref<112xf32, #tpu.memory_space<vmem>>, vector<16xf32>,
      %get3A_521 = arith.constant 32 : index
      %get3A_522 = tpu.vector_load %arg17[%get3A_521] {strides = array<i32>} : memref<112xf32, #tpu.memory_space<vmem>>, vector<16xf32>,
      %get3A_523 = arith.constant 32 : index
      %get3A_524 = tpu.vector_load %arg18[%get3A_523] {strides = array<i32>} : memref<112xf32, #tpu.memory_space<vmem>>, vector<16xf32>,
      %get3A_525 = arith.constant 32 : index
      %get3A_526 = tpu.vector_load %arg19[%get3A_525] {strides = array<i32>} : memref<112xf32, #tpu.memory_space<vmem>>, vector<16xf32>,
      %max3A_527 = arith.maximumf %gather3A_282, %get3A_518 : vector<16xf32>
      %max3A_528 = arith.maximumf %gather3A_291, %get3A_520 : vector<16xf32>
      %min3A_529 = arith.minimumf %gather3A_300, %get3A_522 : vector<16xf32>
      %min3A_530 = arith.minimumf %gather3A_309, %get3A_524 : vector<16xf32>
      %sub3A_531 = arith.subf %min3A_529, %max3A_527 : vector<16xf32>
      %max3A_532 = arith.constant 0.000000e+00 : f32
      %max3A_533 = vector.broadcast %max3A_532 : f32 to vector<16xf32>
      %max3A_534 = arith.maximumf %sub3A_531, %max3A_533 : vector<16xf32>
      %sub3A_535 = arith.subf %min3A_530, %max3A_528 : vector<16xf32>
      %max3A_536 = arith.constant 0.000000e+00 : f32
      %max3A_537 = vector.broadcast %max3A_536 : f32 to vector<16xf32>
      %max3A_538 = arith.maximumf %sub3A_535, %max3A_537 : vector<16xf32>
      %mul3A_539 = arith.mulf %max3A_534, %max3A_538 : vector<16xf32>
      %add3A_540 = arith.addf %mul3A_411, %get3A_526 : vector<16xf32>
      %sub3A_541 = arith.subf %add3A_540, %mul3A_539 : vector<16xf32>
      %add3A_542 = arith.constant 9.99999971E-10 : f32
      %add3A_543 = vector.broadcast %add3A_542 : f32 to vector<16xf32>
      %add3A_544 = arith.addf %sub3A_541, %add3A_543 : vector<16xf32>
      %div3A_545 = arith.divf %mul3A_539, %add3A_544 : vector<16xf32>
      %max3A_546 = arith.maximumf %max3A_496, %div3A_545 : vector<16xf32>
      %max3A_547 = arith.maximumf %gather3A_372, %get3A_518 : vector<16xf32>
      %max3A_548 = arith.maximumf %gather3A_381, %get3A_520 : vector<16xf32>
      %min3A_549 = arith.minimumf %gather3A_390, %get3A_522 : vector<16xf32>
      %min3A_550 = arith.minimumf %gather3A_399, %get3A_524 : vector<16xf32>
      %sub3A_551 = arith.subf %min3A_549, %max3A_547 : vector<16xf32>
      %max3A_552 = arith.constant 0.000000e+00 : f32
      %max3A_553 = vector.broadcast %max3A_552 : f32 to vector<16xf32>
      %max3A_554 = arith.maximumf %sub3A_551, %max3A_553 : vector<16xf32>
      %sub3A_555 = arith.subf %min3A_550, %max3A_548 : vector<16xf32>
      %max3A_556 = arith.constant 0.000000e+00 : f32
      %max3A_557 = vector.broadcast %max3A_556 : f32 to vector<16xf32>
      %max3A_558 = arith.maximumf %sub3A_555, %max3A_557 : vector<16xf32>
      %mul3A_559 = arith.mulf %max3A_554, %max3A_558 : vector<16xf32>
      %add3A_560 = arith.addf %mul3A_414, %get3A_526 : vector<16xf32>
      %sub3A_561 = arith.subf %add3A_560, %mul3A_559 : vector<16xf32>
      %add3A_562 = arith.constant 9.99999971E-10 : f32
      %add3A_563 = vector.broadcast %add3A_562 : f32 to vector<16xf32>
      %add3A_564 = arith.addf %sub3A_561, %add3A_563 : vector<16xf32>
      %div3A_565 = arith.divf %mul3A_559, %add3A_564 : vector<16xf32>
      %max3A_566 = arith.maximumf %max3A_516, %div3A_565 : vector<16xf32>
      %get3A_567 = arith.constant 48 : index
      %get3A_568 = tpu.vector_load %arg15[%get3A_567] {strides = array<i32>} : memref<112xf32, #tpu.memory_space<vmem>>, vector<16xf32>,
      %get3A_569 = arith.constant 48 : index
      %get3A_570 = tpu.vector_load %arg16[%get3A_569] {strides = array<i32>} : memref<112xf32, #tpu.memory_space<vmem>>, vector<16xf32>,
      %get3A_571 = arith.constant 48 : index
      %get3A_572 = tpu.vector_load %arg17[%get3A_571] {strides = array<i32>} : memref<112xf32, #tpu.memory_space<vmem>>, vector<16xf32>,
      %get3A_573 = arith.constant 48 : index
      %get3A_574 = tpu.vector_load %arg18[%get3A_573] {strides = array<i32>} : memref<112xf32, #tpu.memory_space<vmem>>, vector<16xf32>,
      %get3A_575 = arith.constant 48 : index
      %get3A_576 = tpu.vector_load %arg19[%get3A_575] {strides = array<i32>} : memref<112xf32, #tpu.memory_space<vmem>>, vector<16xf32>,
      %max3A_577 = arith.maximumf %gather3A_282, %get3A_568 : vector<16xf32>
      %max3A_578 = arith.maximumf %gather3A_291, %get3A_570 : vector<16xf32>
      %min3A_579 = arith.minimumf %gather3A_300, %get3A_572 : vector<16xf32>
      %min3A_580 = arith.minimumf %gather3A_309, %get3A_574 : vector<16xf32>
      %sub3A_581 = arith.subf %min3A_579, %max3A_577 : vector<16xf32>
      %max3A_582 = arith.constant 0.000000e+00 : f32
      %max3A_583 = vector.broadcast %max3A_582 : f32 to vector<16xf32>
      %max3A_584 = arith.maximumf %sub3A_581, %max3A_583 : vector<16xf32>
      %sub3A_585 = arith.subf %min3A_580, %max3A_578 : vector<16xf32>
      %max3A_586 = arith.constant 0.000000e+00 : f32
      %max3A_587 = vector.broadcast %max3A_586 : f32 to vector<16xf32>
      %max3A_588 = arith.maximumf %sub3A_585, %max3A_587 : vector<16xf32>
      %mul3A_589 = arith.mulf %max3A_584, %max3A_588 : vector<16xf32>
      %add3A_590 = arith.addf %mul3A_411, %get3A_576 : vector<16xf32>
      %sub3A_591 = arith.subf %add3A_590, %mul3A_589 : vector<16xf32>
      %add3A_592 = arith.constant 9.99999971E-10 : f32
      %add3A_593 = vector.broadcast %add3A_592 : f32 to vector<16xf32>
      %add3A_594 = arith.addf %sub3A_591, %add3A_593 : vector<16xf32>
      %div3A_595 = arith.divf %mul3A_589, %add3A_594 : vector<16xf32>
      %max3A_596 = arith.maximumf %max3A_546, %div3A_595 : vector<16xf32>
      %max3A_597 = arith.maximumf %gather3A_372, %get3A_568 : vector<16xf32>
      %max3A_598 = arith.maximumf %gather3A_381, %get3A_570 : vector<16xf32>
      %min3A_599 = arith.minimumf %gather3A_390, %get3A_572 : vector<16xf32>
      %min3A_600 = arith.minimumf %gather3A_399, %get3A_574 : vector<16xf32>
      %sub3A_601 = arith.subf %min3A_599, %max3A_597 : vector<16xf32>
      %max3A_602 = arith.constant 0.000000e+00 : f32
      %max3A_603 = vector.broadcast %max3A_602 : f32 to vector<16xf32>
      %max3A_604 = arith.maximumf %sub3A_601, %max3A_603 : vector<16xf32>
      %sub3A_605 = arith.subf %min3A_600, %max3A_598 : vector<16xf32>
      %max3A_606 = arith.constant 0.000000e+00 : f32
      %max3A_607 = vector.broadcast %max3A_606 : f32 to vector<16xf32>
      %max3A_608 = arith.maximumf %sub3A_605, %max3A_607 : vector<16xf32>
      %mul3A_609 = arith.mulf %max3A_604, %max3A_608 : vector<16xf32>
      %add3A_610 = arith.addf %mul3A_414, %get3A_576 : vector<16xf32>
      %sub3A_611 = arith.subf %add3A_610, %mul3A_609 : vector<16xf32>
      %add3A_612 = arith.constant 9.99999971E-10 : f32
      %add3A_613 = vector.broadcast %add3A_612 : f32 to vector<16xf32>
      %add3A_614 = arith.addf %sub3A_611, %add3A_613 : vector<16xf32>
      %div3A_615 = arith.divf %mul3A_609, %add3A_614 : vector<16xf32>
      %max3A_616 = arith.maximumf %max3A_566, %div3A_615 : vector<16xf32>
      %get3A_617 = arith.constant 64 : index
      %get3A_618 = tpu.vector_load %arg15[%get3A_617] {strides = array<i32>} : memref<112xf32, #tpu.memory_space<vmem>>, vector<16xf32>,
      %get3A_619 = arith.constant 64 : index
      %get3A_620 = tpu.vector_load %arg16[%get3A_619] {strides = array<i32>} : memref<112xf32, #tpu.memory_space<vmem>>, vector<16xf32>,
      %get3A_621 = arith.constant 64 : index
      %get3A_622 = tpu.vector_load %arg17[%get3A_621] {strides = array<i32>} : memref<112xf32, #tpu.memory_space<vmem>>, vector<16xf32>,
      %get3A_623 = arith.constant 64 : index
      %get3A_624 = tpu.vector_load %arg18[%get3A_623] {strides = array<i32>} : memref<112xf32, #tpu.memory_space<vmem>>, vector<16xf32>,
      %get3A_625 = arith.constant 64 : index
      %get3A_626 = tpu.vector_load %arg19[%get3A_625] {strides = array<i32>} : memref<112xf32, #tpu.memory_space<vmem>>, vector<16xf32>,
      %max3A_627 = arith.maximumf %gather3A_282, %get3A_618 : vector<16xf32>
      %max3A_628 = arith.maximumf %gather3A_291, %get3A_620 : vector<16xf32>
      %min3A_629 = arith.minimumf %gather3A_300, %get3A_622 : vector<16xf32>
      %min3A_630 = arith.minimumf %gather3A_309, %get3A_624 : vector<16xf32>
      %sub3A_631 = arith.subf %min3A_629, %max3A_627 : vector<16xf32>
      %max3A_632 = arith.constant 0.000000e+00 : f32
      %max3A_633 = vector.broadcast %max3A_632 : f32 to vector<16xf32>
      %max3A_634 = arith.maximumf %sub3A_631, %max3A_633 : vector<16xf32>
      %sub3A_635 = arith.subf %min3A_630, %max3A_628 : vector<16xf32>
      %max3A_636 = arith.constant 0.000000e+00 : f32
      %max3A_637 = vector.broadcast %max3A_636 : f32 to vector<16xf32>
      %max3A_638 = arith.maximumf %sub3A_635, %max3A_637 : vector<16xf32>
      %mul3A_639 = arith.mulf %max3A_634, %max3A_638 : vector<16xf32>
      %add3A_640 = arith.addf %mul3A_411, %get3A_626 : vector<16xf32>
      %sub3A_641 = arith.subf %add3A_640, %mul3A_639 : vector<16xf32>
      %add3A_642 = arith.constant 9.99999971E-10 : f32
      %add3A_643 = vector.broadcast %add3A_642 : f32 to vector<16xf32>
      %add3A_644 = arith.addf %sub3A_641, %add3A_643 : vector<16xf32>
      %div3A_645 = arith.divf %mul3A_639, %add3A_644 : vector<16xf32>
      %max3A_646 = arith.maximumf %max3A_596, %div3A_645 : vector<16xf32>
      %max3A_647 = arith.maximumf %gather3A_372, %get3A_618 : vector<16xf32>
      %max3A_648 = arith.maximumf %gather3A_381, %get3A_620 : vector<16xf32>
      %min3A_649 = arith.minimumf %gather3A_390, %get3A_622 : vector<16xf32>
      %min3A_650 = arith.minimumf %gather3A_399, %get3A_624 : vector<16xf32>
      %sub3A_651 = arith.subf %min3A_649, %max3A_647 : vector<16xf32>
      %max3A_652 = arith.constant 0.000000e+00 : f32
      %max3A_653 = vector.broadcast %max3A_652 : f32 to vector<16xf32>
      %max3A_654 = arith.maximumf %sub3A_651, %max3A_653 : vector<16xf32>
      %sub3A_655 = arith.subf %min3A_650, %max3A_648 : vector<16xf32>
      %max3A_656 = arith.constant 0.000000e+00 : f32
      %max3A_657 = vector.broadcast %max3A_656 : f32 to vector<16xf32>
      %max3A_658 = arith.maximumf %sub3A_655, %max3A_657 : vector<16xf32>
      %mul3A_659 = arith.mulf %max3A_654, %max3A_658 : vector<16xf32>
      %add3A_660 = arith.addf %mul3A_414, %get3A_626 : vector<16xf32>
      %sub3A_661 = arith.subf %add3A_660, %mul3A_659 : vector<16xf32>
      %add3A_662 = arith.constant 9.99999971E-10 : f32
      %add3A_663 = vector.broadcast %add3A_662 : f32 to vector<16xf32>
      %add3A_664 = arith.addf %sub3A_661, %add3A_663 : vector<16xf32>
      %div3A_665 = arith.divf %mul3A_659, %add3A_664 : vector<16xf32>
      %max3A_666 = arith.maximumf %max3A_616, %div3A_665 : vector<16xf32>
      %get3A_667 = arith.constant 80 : index
      %get3A_668 = tpu.vector_load %arg15[%get3A_667] {strides = array<i32>} : memref<112xf32, #tpu.memory_space<vmem>>, vector<16xf32>,
      %get3A_669 = arith.constant 80 : index
      %get3A_670 = tpu.vector_load %arg16[%get3A_669] {strides = array<i32>} : memref<112xf32, #tpu.memory_space<vmem>>, vector<16xf32>,
      %get3A_671 = arith.constant 80 : index
      %get3A_672 = tpu.vector_load %arg17[%get3A_671] {strides = array<i32>} : memref<112xf32, #tpu.memory_space<vmem>>, vector<16xf32>,
      %get3A_673 = arith.constant 80 : index
      %get3A_674 = tpu.vector_load %arg18[%get3A_673] {strides = array<i32>} : memref<112xf32, #tpu.memory_space<vmem>>, vector<16xf32>,
      %get3A_675 = arith.constant 80 : index
      %get3A_676 = tpu.vector_load %arg19[%get3A_675] {strides = array<i32>} : memref<112xf32, #tpu.memory_space<vmem>>, vector<16xf32>,
      %max3A_677 = arith.maximumf %gather3A_282, %get3A_668 : vector<16xf32>
      %max3A_678 = arith.maximumf %gather3A_291, %get3A_670 : vector<16xf32>
      %min3A_679 = arith.minimumf %gather3A_300, %get3A_672 : vector<16xf32>
      %min3A_680 = arith.minimumf %gather3A_309, %get3A_674 : vector<16xf32>
      %sub3A_681 = arith.subf %min3A_679, %max3A_677 : vector<16xf32>
      %max3A_682 = arith.constant 0.000000e+00 : f32
      %max3A_683 = vector.broadcast %max3A_682 : f32 to vector<16xf32>
      %max3A_684 = arith.maximumf %sub3A_681, %max3A_683 : vector<16xf32>
      %sub3A_685 = arith.subf %min3A_680, %max3A_678 : vector<16xf32>
      %max3A_686 = arith.constant 0.000000e+00 : f32
      %max3A_687 = vector.broadcast %max3A_686 : f32 to vector<16xf32>
      %max3A_688 = arith.maximumf %sub3A_685, %max3A_687 : vector<16xf32>
      %mul3A_689 = arith.mulf %max3A_684, %max3A_688 : vector<16xf32>
      %add3A_690 = arith.addf %mul3A_411, %get3A_676 : vector<16xf32>
      %sub3A_691 = arith.subf %add3A_690, %mul3A_689 : vector<16xf32>
      %add3A_692 = arith.constant 9.99999971E-10 : f32
      %add3A_693 = vector.broadcast %add3A_692 : f32 to vector<16xf32>
      %add3A_694 = arith.addf %sub3A_691, %add3A_693 : vector<16xf32>
      %div3A_695 = arith.divf %mul3A_689, %add3A_694 : vector<16xf32>
      %max3A_696 = arith.maximumf %max3A_646, %div3A_695 : vector<16xf32>
      %max3A_697 = arith.maximumf %gather3A_372, %get3A_668 : vector<16xf32>
      %max3A_698 = arith.maximumf %gather3A_381, %get3A_670 : vector<16xf32>
      %min3A_699 = arith.minimumf %gather3A_390, %get3A_672 : vector<16xf32>
      %min3A_700 = arith.minimumf %gather3A_399, %get3A_674 : vector<16xf32>
      %sub3A_701 = arith.subf %min3A_699, %max3A_697 : vector<16xf32>
      %max3A_702 = arith.constant 0.000000e+00 : f32
      %max3A_703 = vector.broadcast %max3A_702 : f32 to vector<16xf32>
      %max3A_704 = arith.maximumf %sub3A_701, %max3A_703 : vector<16xf32>
      %sub3A_705 = arith.subf %min3A_700, %max3A_698 : vector<16xf32>
      %max3A_706 = arith.constant 0.000000e+00 : f32
      %max3A_707 = vector.broadcast %max3A_706 : f32 to vector<16xf32>
      %max3A_708 = arith.maximumf %sub3A_705, %max3A_707 : vector<16xf32>
      %mul3A_709 = arith.mulf %max3A_704, %max3A_708 : vector<16xf32>
      %add3A_710 = arith.addf %mul3A_414, %get3A_676 : vector<16xf32>
      %sub3A_711 = arith.subf %add3A_710, %mul3A_709 : vector<16xf32>
      %add3A_712 = arith.constant 9.99999971E-10 : f32
      %add3A_713 = vector.broadcast %add3A_712 : f32 to vector<16xf32>
      %add3A_714 = arith.addf %sub3A_711, %add3A_713 : vector<16xf32>
      %div3A_715 = arith.divf %mul3A_709, %add3A_714 : vector<16xf32>
      %max3A_716 = arith.maximumf %max3A_666, %div3A_715 : vector<16xf32>
      %get3A_717 = arith.constant 96 : index
      %get3A_718 = tpu.vector_load %arg15[%get3A_717] {strides = array<i32>} : memref<112xf32, #tpu.memory_space<vmem>>, vector<16xf32>,
      %get3A_719 = arith.constant 96 : index
      %get3A_720 = tpu.vector_load %arg16[%get3A_719] {strides = array<i32>} : memref<112xf32, #tpu.memory_space<vmem>>, vector<16xf32>,
      %get3A_721 = arith.constant 96 : index
      %get3A_722 = tpu.vector_load %arg17[%get3A_721] {strides = array<i32>} : memref<112xf32, #tpu.memory_space<vmem>>, vector<16xf32>,
      %get3A_723 = arith.constant 96 : index
      %get3A_724 = tpu.vector_load %arg18[%get3A_723] {strides = array<i32>} : memref<112xf32, #tpu.memory_space<vmem>>, vector<16xf32>,
      %get3A_725 = arith.constant 96 : index
      %get3A_726 = tpu.vector_load %arg19[%get3A_725] {strides = array<i32>} : memref<112xf32, #tpu.memory_space<vmem>>, vector<16xf32>,
      %max3A_727 = arith.maximumf %gather3A_282, %get3A_718 : vector<16xf32>
      %max3A_728 = arith.maximumf %gather3A_291, %get3A_720 : vector<16xf32>
      %min3A_729 = arith.minimumf %gather3A_300, %get3A_722 : vector<16xf32>
      %min3A_730 = arith.minimumf %gather3A_309, %get3A_724 : vector<16xf32>
      %sub3A_731 = arith.subf %min3A_729, %max3A_727 : vector<16xf32>
      %max3A_732 = arith.constant 0.000000e+00 : f32
      %max3A_733 = vector.broadcast %max3A_732 : f32 to vector<16xf32>
      %max3A_734 = arith.maximumf %sub3A_731, %max3A_733 : vector<16xf32>
      %sub3A_735 = arith.subf %min3A_730, %max3A_728 : vector<16xf32>
      %max3A_736 = arith.constant 0.000000e+00 : f32
      %max3A_737 = vector.broadcast %max3A_736 : f32 to vector<16xf32>
      %max3A_738 = arith.maximumf %sub3A_735, %max3A_737 : vector<16xf32>
      %mul3A_739 = arith.mulf %max3A_734, %max3A_738 : vector<16xf32>
      %add3A_740 = arith.addf %mul3A_411, %get3A_726 : vector<16xf32>
      %sub3A_741 = arith.subf %add3A_740, %mul3A_739 : vector<16xf32>
      %add3A_742 = arith.constant 9.99999971E-10 : f32
      %add3A_743 = vector.broadcast %add3A_742 : f32 to vector<16xf32>
      %add3A_744 = arith.addf %sub3A_741, %add3A_743 : vector<16xf32>
      %div3A_745 = arith.divf %mul3A_739, %add3A_744 : vector<16xf32>
      %max3A_746 = arith.maximumf %max3A_696, %div3A_745 : vector<16xf32>
      %max3A_747 = arith.maximumf %gather3A_372, %get3A_718 : vector<16xf32>
      %max3A_748 = arith.maximumf %gather3A_381, %get3A_720 : vector<16xf32>
      %min3A_749 = arith.minimumf %gather3A_390, %get3A_722 : vector<16xf32>
      %min3A_750 = arith.minimumf %gather3A_399, %get3A_724 : vector<16xf32>
      %sub3A_751 = arith.subf %min3A_749, %max3A_747 : vector<16xf32>
      %max3A_752 = arith.constant 0.000000e+00 : f32
      %max3A_753 = vector.broadcast %max3A_752 : f32 to vector<16xf32>
      %max3A_754 = arith.maximumf %sub3A_751, %max3A_753 : vector<16xf32>
      %sub3A_755 = arith.subf %min3A_750, %max3A_748 : vector<16xf32>
      %max3A_756 = arith.constant 0.000000e+00 : f32
      %max3A_757 = vector.broadcast %max3A_756 : f32 to vector<16xf32>
      %max3A_758 = arith.maximumf %sub3A_755, %max3A_757 : vector<16xf32>
      %mul3A_759 = arith.mulf %max3A_754, %max3A_758 : vector<16xf32>
      %add3A_760 = arith.addf %mul3A_414, %get3A_726 : vector<16xf32>
      %sub3A_761 = arith.subf %add3A_760, %mul3A_759 : vector<16xf32>
      %add3A_762 = arith.constant 9.99999971E-10 : f32
      %add3A_763 = vector.broadcast %add3A_762 : f32 to vector<16xf32>
      %add3A_764 = arith.addf %sub3A_761, %add3A_763 : vector<16xf32>
      %div3A_765 = arith.divf %mul3A_759, %add3A_764 : vector<16xf32>
      %max3A_766 = arith.maximumf %max3A_716, %div3A_765 : vector<16xf32>
      %gt3A = arith.constant 5.000000e-01 : f32
      %gt3A_767 = vector.broadcast %gt3A : f32 to vector<16xf32>
      %gt3A_768 = arith.cmpf ogt, %max3A_746, %gt3A_767 : vector<16xf32>
      %all_reduce_population_count3A = tpu.all_reduce %gt3A_768 {dim = 0 : i64, kind = #tpu.reduction_kind<sum>} : vector<16xi1> -> vector<16xi32>
      %gt3A_769 = arith.constant 0 : i32
      %gt3A_770 = vector.broadcast %gt3A_769 : i32 to vector<16xi32>
      %gt3A_771 = arith.cmpi sgt, %all_reduce_population_count3A, %gt3A_770 : vector<16xi32>
      %lt3A_772 = arith.constant 5.000000e-02 : f32
      %lt3A_773 = vector.broadcast %lt3A_772 : f32 to vector<16xf32>
      %lt3A_774 = arith.cmpf olt, %gather3A_318, %lt3A_773 : vector<16xf32>
      %or3A = arith.ori %gt3A_771, %lt3A_774 : vector<16xi1>
      %convert_element_type3A_775 = arith.extui %or3A : vector<16xi1> to vector<16xi32>
      %lt3A_776 = arith.constant 100 : i32
      %lt3A_777 = vector.broadcast %lt3A_776 : i32 to vector<16xi32>
      %lt3A_778 = arith.cmpi slt, %scan3A_238, %lt3A_777 : vector<16xi32>
      %not3A = arith.constant dense<true> : vector<16xi1>
      %not3A_779 = arith.xori %or3A, %not3A : vector<16xi1>
      %and3A_780 = arith.andi %eq3A_73, %not3A_779 : vector<16xi1>
      %and3A_781 = arith.andi %and3A_780, %lt3A_778 : vector<16xi1>
      tpu.vector_store_idx %arg15[%scan3A_238], %gather3A_282 masked %and3A_781 : memref<112xf32, #tpu.memory_space<vmem>>[vector<16xi32>], vector<16xf32>, vector<16xi1>
      tpu.vector_store_idx %arg16[%scan3A_238], %gather3A_291 masked %and3A_781 : memref<112xf32, #tpu.memory_space<vmem>>[vector<16xi32>], vector<16xf32>, vector<16xi1>
      tpu.vector_store_idx %arg17[%scan3A_238], %gather3A_300 masked %and3A_781 : memref<112xf32, #tpu.memory_space<vmem>>[vector<16xi32>], vector<16xf32>, vector<16xi1>
      tpu.vector_store_idx %arg18[%scan3A_238], %gather3A_309 masked %and3A_781 : memref<112xf32, #tpu.memory_space<vmem>>[vector<16xi32>], vector<16xf32>, vector<16xi1>
      tpu.vector_store_idx %arg19[%scan3A_238], %mul3A_411 masked %and3A_781 : memref<112xf32, #tpu.memory_space<vmem>>[vector<16xi32>], vector<16xf32>, vector<16xi1>
      %mul3A_782 = arith.constant 5 : i32
      %mul3A_783 = vector.broadcast %mul3A_782 : i32 to vector<16xi32>
      %mul3A_784 = arith.muli %scan3A_238, %mul3A_783 : vector<16xi32>
      tpu.vector_store_idx %arg21[%mul3A_784], %gather3A_282 masked %and3A_781 : memref<500xf32, #tpu.memory_space<vmem>>[vector<16xi32>], vector<16xf32>, vector<16xi1>
      %add3A_785 = arith.constant 1 : i32
      %add3A_786 = vector.broadcast %add3A_785 : i32 to vector<16xi32>
      %add3A_787 = arith.addi %mul3A_784, %add3A_786 : vector<16xi32>
      tpu.vector_store_idx %arg21[%add3A_787], %gather3A_291 masked %and3A_781 : memref<500xf32, #tpu.memory_space<vmem>>[vector<16xi32>], vector<16xf32>, vector<16xi1>
      %add3A_788 = arith.constant 2 : i32
      %add3A_789 = vector.broadcast %add3A_788 : i32 to vector<16xi32>
      %add3A_790 = arith.addi %mul3A_784, %add3A_789 : vector<16xi32>
      tpu.vector_store_idx %arg21[%add3A_790], %gather3A_300 masked %and3A_781 : memref<500xf32, #tpu.memory_space<vmem>>[vector<16xi32>], vector<16xf32>, vector<16xi1>
      %add3A_791 = arith.constant 3 : i32
      %add3A_792 = vector.broadcast %add3A_791 : i32 to vector<16xi32>
      %add3A_793 = arith.addi %mul3A_784, %add3A_792 : vector<16xi32>
      tpu.vector_store_idx %arg21[%add3A_793], %gather3A_309 masked %and3A_781 : memref<500xf32, #tpu.memory_space<vmem>>[vector<16xi32>], vector<16xf32>, vector<16xi1>
      %add3A_794 = arith.constant 4 : i32
      %add3A_795 = vector.broadcast %add3A_794 : i32 to vector<16xi32>
      %add3A_796 = arith.addi %mul3A_784, %add3A_795 : vector<16xi32>
      tpu.vector_store_idx %arg21[%add3A_796], %gather3A_318 masked %and3A_781 : memref<500xf32, #tpu.memory_space<vmem>>[vector<16xi32>], vector<16xf32>, vector<16xi1>
      %broadcast_in_dim3A_797 = arith.constant 0 : i32
      %broadcast_in_dim3A_798 = vector.broadcast %broadcast_in_dim3A_797 : i32 to vector<16xi32>
      %add3A_799 = vector.broadcast %mul3A_239 : i32 to vector<16xi32>
      %add3A_800 = arith.addi %broadcast_in_dim3A_798, %add3A_799 : vector<16xi32>
      %and3A_801 = arith.andi %eq3A_73, %lt3A_778 : vector<16xi1>
      tpu.vector_store_idx %arg20[%add3A_800], %convert_element_type3A_775 masked %and3A_801 : memref<5000xi32, #tpu.memory_space<vmem>>[vector<16xi32>], vector<16xi32>, vector<16xi1>
      %max3A_802 = arith.maximumf %gather3A_282, %gather3A_372 : vector<16xf32>
      %max3A_803 = arith.maximumf %gather3A_291, %gather3A_381 : vector<16xf32>
      %min3A_804 = arith.minimumf %gather3A_300, %gather3A_390 : vector<16xf32>
      %min3A_805 = arith.minimumf %gather3A_309, %gather3A_399 : vector<16xf32>
      %sub3A_806 = arith.subf %min3A_804, %max3A_802 : vector<16xf32>
      %max3A_807 = arith.constant 0.000000e+00 : f32
      %max3A_808 = vector.broadcast %max3A_807 : f32 to vector<16xf32>
      %max3A_809 = arith.maximumf %sub3A_806, %max3A_808 : vector<16xf32>
      %sub3A_810 = arith.subf %min3A_805, %max3A_803 : vector<16xf32>
      %max3A_811 = arith.constant 0.000000e+00 : f32
      %max3A_812 = vector.broadcast %max3A_811 : f32 to vector<16xf32>
      %max3A_813 = arith.maximumf %sub3A_810, %max3A_812 : vector<16xf32>
      %mul3A_814 = arith.mulf %max3A_809, %max3A_813 : vector<16xf32>
      %add3A_815 = arith.addf %mul3A_411, %mul3A_414 : vector<16xf32>
      %sub3A_816 = arith.subf %add3A_815, %mul3A_814 : vector<16xf32>
      %add3A_817 = arith.constant 9.99999971E-10 : f32
      %add3A_818 = vector.broadcast %add3A_817 : f32 to vector<16xf32>
      %add3A_819 = arith.addf %sub3A_816, %add3A_818 : vector<16xf32>
      %div3A_820 = arith.divf %mul3A_814, %add3A_819 : vector<16xf32>
      %gt3A_821 = arith.constant 5.000000e-01 : f32
      %gt3A_822 = vector.broadcast %gt3A_821 : f32 to vector<16xf32>
      %gt3A_823 = arith.cmpf ogt, %max3A_766, %gt3A_822 : vector<16xf32>
      %all_reduce_population_count3A_824 = tpu.all_reduce %gt3A_823 {dim = 0 : i64, kind = #tpu.reduction_kind<sum>} : vector<16xi1> -> vector<16xi32>
      %gt3A_825 = arith.constant 0 : i32
      %gt3A_826 = vector.broadcast %gt3A_825 : i32 to vector<16xi32>
      %gt3A_827 = arith.cmpi sgt, %all_reduce_population_count3A_824, %gt3A_826 : vector<16xi32>
      %lt3A_828 = arith.constant 5.000000e-02 : f32
      %lt3A_829 = vector.broadcast %lt3A_828 : f32 to vector<16xf32>
      %lt3A_830 = arith.cmpf olt, %gather3A_408, %lt3A_829 : vector<16xf32>
      %or3A_831 = arith.ori %gt3A_827, %lt3A_830 : vector<16xi1>
      %not3A_832 = arith.constant dense<true> : vector<16xi1>
      %not3A_833 = arith.xori %or3A, %not3A_832 : vector<16xi1>
      %gt3A_834 = arith.constant 5.000000e-01 : f32
      %gt3A_835 = vector.broadcast %gt3A_834 : f32 to vector<16xf32>
      %gt3A_836 = arith.cmpf ogt, %div3A_820, %gt3A_835 : vector<16xf32>
      %and3A_837 = arith.andi %not3A_833, %gt3A_836 : vector<16xi1>
      %or3A_838 = arith.ori %or3A_831, %and3A_837 : vector<16xi1>
      %convert_element_type3A_839 = arith.extui %or3A_838 : vector<16xi1> to vector<16xi32>
      %sub3A_840 = arith.constant 1 : i32
      %sub3A_841 = vector.broadcast %sub3A_840 : i32 to vector<16xi32>
      %sub3A_842 = arith.subi %sub3A_841, %convert_element_type3A_775 : vector<16xi32>
      %jit3A_843 = arith.constant 0 : i32
      %broadcast_in_dim3A_844 = vector.broadcast %jit3A_843 : i32 to vector<16xi32>
      %select_n3A_845 = arith.select %lt3A_778, %sub3A_842, %broadcast_in_dim3A_844 : vector<16xi1>, vector<16xi32>
      %add3A_846 = arith.addi %scan3A_238, %select_n3A_845 : vector<16xi32>
      %lt3A_847 = arith.constant 100 : i32
      %lt3A_848 = vector.broadcast %lt3A_847 : i32 to vector<16xi32>
      %lt3A_849 = arith.cmpi slt, %add3A_846, %lt3A_848 : vector<16xi32>
      %not3A_850 = arith.constant dense<true> : vector<16xi1>
      %not3A_851 = arith.xori %or3A_838, %not3A_850 : vector<16xi1>
      %and3A_852 = arith.andi %eq3A_73, %not3A_851 : vector<16xi1>
      %and3A_853 = arith.andi %and3A_852, %lt3A_849 : vector<16xi1>
      tpu.vector_store_idx %arg15[%add3A_846], %gather3A_372 masked %and3A_853 : memref<112xf32, #tpu.memory_space<vmem>>[vector<16xi32>], vector<16xf32>, vector<16xi1>
      tpu.vector_store_idx %arg16[%add3A_846], %gather3A_381 masked %and3A_853 : memref<112xf32, #tpu.memory_space<vmem>>[vector<16xi32>], vector<16xf32>, vector<16xi1>
      tpu.vector_store_idx %arg17[%add3A_846], %gather3A_390 masked %and3A_853 : memref<112xf32, #tpu.memory_space<vmem>>[vector<16xi32>], vector<16xf32>, vector<16xi1>
      tpu.vector_store_idx %arg18[%add3A_846], %gather3A_399 masked %and3A_853 : memref<112xf32, #tpu.memory_space<vmem>>[vector<16xi32>], vector<16xf32>, vector<16xi1>
      tpu.vector_store_idx %arg19[%add3A_846], %mul3A_414 masked %and3A_853 : memref<112xf32, #tpu.memory_space<vmem>>[vector<16xi32>], vector<16xf32>, vector<16xi1>
      %mul3A_854 = arith.constant 5 : i32
      %mul3A_855 = vector.broadcast %mul3A_854 : i32 to vector<16xi32>
      %mul3A_856 = arith.muli %add3A_846, %mul3A_855 : vector<16xi32>
      tpu.vector_store_idx %arg21[%mul3A_856], %gather3A_372 masked %and3A_853 : memref<500xf32, #tpu.memory_space<vmem>>[vector<16xi32>], vector<16xf32>, vector<16xi1>
      %add3A_857 = arith.constant 1 : i32
      %add3A_858 = vector.broadcast %add3A_857 : i32 to vector<16xi32>
      %add3A_859 = arith.addi %mul3A_856, %add3A_858 : vector<16xi32>
      tpu.vector_store_idx %arg21[%add3A_859], %gather3A_381 masked %and3A_853 : memref<500xf32, #tpu.memory_space<vmem>>[vector<16xi32>], vector<16xf32>, vector<16xi1>
      %add3A_860 = arith.constant 2 : i32
      %add3A_861 = vector.broadcast %add3A_860 : i32 to vector<16xi32>
      %add3A_862 = arith.addi %mul3A_856, %add3A_861 : vector<16xi32>
      tpu.vector_store_idx %arg21[%add3A_862], %gather3A_390 masked %and3A_853 : memref<500xf32, #tpu.memory_space<vmem>>[vector<16xi32>], vector<16xf32>, vector<16xi1>
      %add3A_863 = arith.constant 3 : i32
      %add3A_864 = vector.broadcast %add3A_863 : i32 to vector<16xi32>
      %add3A_865 = arith.addi %mul3A_856, %add3A_864 : vector<16xi32>
      tpu.vector_store_idx %arg21[%add3A_865], %gather3A_399 masked %and3A_853 : memref<500xf32, #tpu.memory_space<vmem>>[vector<16xi32>], vector<16xf32>, vector<16xi1>
      %add3A_866 = arith.constant 4 : i32
      %add3A_867 = vector.broadcast %add3A_866 : i32 to vector<16xi32>
      %add3A_868 = arith.addi %mul3A_856, %add3A_867 : vector<16xi32>
      tpu.vector_store_idx %arg21[%add3A_868], %gather3A_408 masked %and3A_853 : memref<500xf32, #tpu.memory_space<vmem>>[vector<16xi32>], vector<16xf32>, vector<16xi1>
      %broadcast_in_dim3A_869 = arith.constant 0 : i32
      %broadcast_in_dim3A_870 = vector.broadcast %broadcast_in_dim3A_869 : i32 to vector<16xi32>
      %add3A_871 = arith.constant 1 : i32
      %add3A_872 = arith.addi %mul3A_239, %add3A_871 : i32
      %add3A_873 = vector.broadcast %add3A_872 : i32 to vector<16xi32>
      %add3A_874 = arith.addi %broadcast_in_dim3A_870, %add3A_873 : vector<16xi32>
      %and3A_875 = arith.andi %eq3A_73, %lt3A_849 : vector<16xi1>
      tpu.vector_store_idx %arg20[%add3A_874], %convert_element_type3A_839 masked %and3A_875 : memref<5000xi32, #tpu.memory_space<vmem>>[vector<16xi32>], vector<16xi32>, vector<16xi1>
      %sub3A_876 = arith.constant 1 : i32
      %sub3A_877 = vector.broadcast %sub3A_876 : i32 to vector<16xi32>
      %sub3A_878 = arith.subi %sub3A_877, %convert_element_type3A_839 : vector<16xi32>
      %jit3A_879 = arith.constant 0 : i32
      %broadcast_in_dim3A_880 = vector.broadcast %jit3A_879 : i32 to vector<16xi32>
      %select_n3A_881 = arith.select %lt3A_849, %sub3A_878, %broadcast_in_dim3A_880 : vector<16xi1>, vector<16xi32>
      %add3A_882 = arith.addi %add3A_846, %select_n3A_881 : vector<16xi32>
      scf.yield %add3A_882 : vector<16xi32>
    }
    %scan3A_220 = arith.constant 38 : i32
    %reduce_max3A = arith.constant true
    %reduce_max3A_221 = vector.broadcast %reduce_max3A : i1 to vector<16xi1>
    %reduce_max3A_222 = arith.constant -2147483648 : i32
    %reduce_max3A_223 = vector.broadcast %reduce_max3A_222 : i32 to vector<16xi32>
    %reduce_max3A_224 = arith.xori %scan3A_219, %reduce_max3A_223 : vector<16xi32>
    %reduce_max3A_225 = tpu.scan <max>, %reduce_max3A_224 masked %reduce_max3A_221 : vector<16xi32>, vector<16xi1> -> vector<16xi32>
    %reduce_max3A_226 = arith.xori %reduce_max3A_225, %reduce_max3A_223 : vector<16xi32>
    %reduce_max3A_227 = vector.extract %reduce_max3A_226[15] : i32 from vector<16xi32>
    %lt3A = arith.constant 100 : i32
    %lt3A_228 = arith.cmpi slt, %reduce_max3A_227, %lt3A : i32
    %convert_element_type3A = arith.extui %lt3A_228 : i1 to i32
    %cond3A = arith.constant 0 : i32
    %cond3A_229 = arith.cmpi ne, %convert_element_type3A, %cond3A : i32
    scf.if %cond3A_229 {
      %scan3A_237 = arith.constant 128 : i32
      %scan3A_238 = arith.constant 4872 : i32
      %scan3A_239 = arith.addi %scan3A_237, %scan3A_238 : i32
      %scan3A_240 = arith.constant 1 : i32
      %scan3A_241 = scf.for %scan3A_249 = %scan3A_237 to %scan3A_239 step %scan3A_240 iter_args(%scan3A_250 = %reduce_max3A_227) -> (i32)  : i32 {
        %ge3A = arith.constant 100 : i32
        %ge3A_251 = arith.cmpi sge, %scan3A_250, %ge3A : i32
        %not3A = arith.constant true
        %not3A_252 = arith.xori %ge3A_251, %not3A : i1
        %convert_element_type3A_253 = arith.extui %not3A_252 : i1 to i32
        %cond3A_254 = arith.constant 0 : i32
        %cond3A_255 = arith.cmpi ne, %convert_element_type3A_253, %cond3A_254 : i32
        scf.if %cond3A_255 {
          %broadcast_in_dim3A_270 = arith.constant 0 : i32
          %broadcast_in_dim3A_271 = vector.broadcast %broadcast_in_dim3A_270 : i32 to vector<16xi32>
          %add3A_272 = vector.broadcast %scan3A_249 : i32 to vector<16xi32>
          %add3A_273 = arith.addi %broadcast_in_dim3A_271, %add3A_272 : vector<16xi32>
          %gather3A_274 = tpu.vector_load_idx %arg14[%add3A_273] : memref<5000xi32, #tpu.memory_space<vmem>>[vector<16xi32>], vector<16xi32>,
          %gather3A_275 = tpu.vector_load_idx %arg9[%gather3A_274] : memref<5000xf32, #tpu.memory_space<vmem>>[vector<16xi32>], vector<16xf32>,
          %gather3A_276 = tpu.vector_load_idx %arg10[%gather3A_274] : memref<5000xf32, #tpu.memory_space<vmem>>[vector<16xi32>], vector<16xf32>,
          %gather3A_277 = tpu.vector_load_idx %arg11[%gather3A_274] : memref<5000xf32, #tpu.memory_space<vmem>>[vector<16xi32>], vector<16xf32>,
          %gather3A_278 = tpu.vector_load_idx %arg12[%gather3A_274] : memref<5000xf32, #tpu.memory_space<vmem>>[vector<16xi32>], vector<16xf32>,
          %gather3A_279 = tpu.vector_load_idx %arg13[%gather3A_274] : memref<5000xf32, #tpu.memory_space<vmem>>[vector<16xi32>], vector<16xf32>,
          %sub3A_280 = arith.subf %gather3A_277, %gather3A_275 : vector<16xf32>
          %sub3A_281 = arith.subf %gather3A_278, %gather3A_276 : vector<16xf32>
          %mul3A = arith.mulf %sub3A_280, %sub3A_281 : vector<16xf32>
          %broadcast_in_dim3A_282 = arith.constant 0.000000e+00 : f32
          %broadcast_in_dim3A_283 = vector.broadcast %broadcast_in_dim3A_282 : f32 to vector<16xf32>
          %get3A_284 = arith.constant 0 : index
          %get3A_285 = tpu.vector_load %arg15[%get3A_284] {strides = array<i32>} : memref<112xf32, #tpu.memory_space<vmem>>, vector<16xf32>,
          %get3A_286 = arith.constant 0 : index
          %get3A_287 = tpu.vector_load %arg16[%get3A_286] {strides = array<i32>} : memref<112xf32, #tpu.memory_space<vmem>>, vector<16xf32>,
          %get3A_288 = arith.constant 0 : index
          %get3A_289 = tpu.vector_load %arg17[%get3A_288] {strides = array<i32>} : memref<112xf32, #tpu.memory_space<vmem>>, vector<16xf32>,
          %get3A_290 = arith.constant 0 : index
          %get3A_291 = tpu.vector_load %arg18[%get3A_290] {strides = array<i32>} : memref<112xf32, #tpu.memory_space<vmem>>, vector<16xf32>,
          %get3A_292 = arith.constant 0 : index
          %get3A_293 = tpu.vector_load %arg19[%get3A_292] {strides = array<i32>} : memref<112xf32, #tpu.memory_space<vmem>>, vector<16xf32>,
          %max3A = arith.maximumf %gather3A_275, %get3A_285 : vector<16xf32>
          %max3A_294 = arith.maximumf %gather3A_276, %get3A_287 : vector<16xf32>
          %min3A = arith.minimumf %gather3A_277, %get3A_289 : vector<16xf32>
          %min3A_295 = arith.minimumf %gather3A_278, %get3A_291 : vector<16xf32>
          %sub3A_296 = arith.subf %min3A, %max3A : vector<16xf32>
          %max3A_297 = arith.constant 0.000000e+00 : f32
          %max3A_298 = vector.broadcast %max3A_297 : f32 to vector<16xf32>
          %max3A_299 = arith.maximumf %sub3A_296, %max3A_298 : vector<16xf32>
          %sub3A_300 = arith.subf %min3A_295, %max3A_294 : vector<16xf32>
          %max3A_301 = arith.constant 0.000000e+00 : f32
          %max3A_302 = vector.broadcast %max3A_301 : f32 to vector<16xf32>
          %max3A_303 = arith.maximumf %sub3A_300, %max3A_302 : vector<16xf32>
          %mul3A_304 = arith.mulf %max3A_299, %max3A_303 : vector<16xf32>
          %add3A_305 = arith.addf %mul3A, %get3A_293 : vector<16xf32>
          %sub3A_306 = arith.subf %add3A_305, %mul3A_304 : vector<16xf32>
          %add3A_307 = arith.constant 9.99999971E-10 : f32
          %add3A_308 = vector.broadcast %add3A_307 : f32 to vector<16xf32>
          %add3A_309 = arith.addf %sub3A_306, %add3A_308 : vector<16xf32>
          %div3A = arith.divf %mul3A_304, %add3A_309 : vector<16xf32>
          %max3A_310 = arith.maximumf %broadcast_in_dim3A_283, %div3A : vector<16xf32>
          %get3A_311 = arith.constant 16 : index
          %get3A_312 = tpu.vector_load %arg15[%get3A_311] {strides = array<i32>} : memref<112xf32, #tpu.memory_space<vmem>>, vector<16xf32>,
          %get3A_313 = arith.constant 16 : index
          %get3A_314 = tpu.vector_load %arg16[%get3A_313] {strides = array<i32>} : memref<112xf32, #tpu.memory_space<vmem>>, vector<16xf32>,
          %get3A_315 = arith.constant 16 : index
          %get3A_316 = tpu.vector_load %arg17[%get3A_315] {strides = array<i32>} : memref<112xf32, #tpu.memory_space<vmem>>, vector<16xf32>,
          %get3A_317 = arith.constant 16 : index
          %get3A_318 = tpu.vector_load %arg18[%get3A_317] {strides = array<i32>} : memref<112xf32, #tpu.memory_space<vmem>>, vector<16xf32>,
          %get3A_319 = arith.constant 16 : index
          %get3A_320 = tpu.vector_load %arg19[%get3A_319] {strides = array<i32>} : memref<112xf32, #tpu.memory_space<vmem>>, vector<16xf32>,
          %max3A_321 = arith.maximumf %gather3A_275, %get3A_312 : vector<16xf32>
          %max3A_322 = arith.maximumf %gather3A_276, %get3A_314 : vector<16xf32>
          %min3A_323 = arith.minimumf %gather3A_277, %get3A_316 : vector<16xf32>
          %min3A_324 = arith.minimumf %gather3A_278, %get3A_318 : vector<16xf32>
          %sub3A_325 = arith.subf %min3A_323, %max3A_321 : vector<16xf32>
          %max3A_326 = arith.constant 0.000000e+00 : f32
          %max3A_327 = vector.broadcast %max3A_326 : f32 to vector<16xf32>
          %max3A_328 = arith.maximumf %sub3A_325, %max3A_327 : vector<16xf32>
          %sub3A_329 = arith.subf %min3A_324, %max3A_322 : vector<16xf32>
          %max3A_330 = arith.constant 0.000000e+00 : f32
          %max3A_331 = vector.broadcast %max3A_330 : f32 to vector<16xf32>
          %max3A_332 = arith.maximumf %sub3A_329, %max3A_331 : vector<16xf32>
          %mul3A_333 = arith.mulf %max3A_328, %max3A_332 : vector<16xf32>
          %add3A_334 = arith.addf %mul3A, %get3A_320 : vector<16xf32>
          %sub3A_335 = arith.subf %add3A_334, %mul3A_333 : vector<16xf32>
          %add3A_336 = arith.constant 9.99999971E-10 : f32
          %add3A_337 = vector.broadcast %add3A_336 : f32 to vector<16xf32>
          %add3A_338 = arith.addf %sub3A_335, %add3A_337 : vector<16xf32>
          %div3A_339 = arith.divf %mul3A_333, %add3A_338 : vector<16xf32>
          %max3A_340 = arith.maximumf %max3A_310, %div3A_339 : vector<16xf32>
          %get3A_341 = arith.constant 32 : index
          %get3A_342 = tpu.vector_load %arg15[%get3A_341] {strides = array<i32>} : memref<112xf32, #tpu.memory_space<vmem>>, vector<16xf32>,
          %get3A_343 = arith.constant 32 : index
          %get3A_344 = tpu.vector_load %arg16[%get3A_343] {strides = array<i32>} : memref<112xf32, #tpu.memory_space<vmem>>, vector<16xf32>,
          %get3A_345 = arith.constant 32 : index
          %get3A_346 = tpu.vector_load %arg17[%get3A_345] {strides = array<i32>} : memref<112xf32, #tpu.memory_space<vmem>>, vector<16xf32>,
          %get3A_347 = arith.constant 32 : index
          %get3A_348 = tpu.vector_load %arg18[%get3A_347] {strides = array<i32>} : memref<112xf32, #tpu.memory_space<vmem>>, vector<16xf32>,
          %get3A_349 = arith.constant 32 : index
          %get3A_350 = tpu.vector_load %arg19[%get3A_349] {strides = array<i32>} : memref<112xf32, #tpu.memory_space<vmem>>, vector<16xf32>,
          %max3A_351 = arith.maximumf %gather3A_275, %get3A_342 : vector<16xf32>
          %max3A_352 = arith.maximumf %gather3A_276, %get3A_344 : vector<16xf32>
          %min3A_353 = arith.minimumf %gather3A_277, %get3A_346 : vector<16xf32>
          %min3A_354 = arith.minimumf %gather3A_278, %get3A_348 : vector<16xf32>
          %sub3A_355 = arith.subf %min3A_353, %max3A_351 : vector<16xf32>
          %max3A_356 = arith.constant 0.000000e+00 : f32
          %max3A_357 = vector.broadcast %max3A_356 : f32 to vector<16xf32>
          %max3A_358 = arith.maximumf %sub3A_355, %max3A_357 : vector<16xf32>
          %sub3A_359 = arith.subf %min3A_354, %max3A_352 : vector<16xf32>
          %max3A_360 = arith.constant 0.000000e+00 : f32
          %max3A_361 = vector.broadcast %max3A_360 : f32 to vector<16xf32>
          %max3A_362 = arith.maximumf %sub3A_359, %max3A_361 : vector<16xf32>
          %mul3A_363 = arith.mulf %max3A_358, %max3A_362 : vector<16xf32>
          %add3A_364 = arith.addf %mul3A, %get3A_350 : vector<16xf32>
          %sub3A_365 = arith.subf %add3A_364, %mul3A_363 : vector<16xf32>
          %add3A_366 = arith.constant 9.99999971E-10 : f32
          %add3A_367 = vector.broadcast %add3A_366 : f32 to vector<16xf32>
          %add3A_368 = arith.addf %sub3A_365, %add3A_367 : vector<16xf32>
          %div3A_369 = arith.divf %mul3A_363, %add3A_368 : vector<16xf32>
          %max3A_370 = arith.maximumf %max3A_340, %div3A_369 : vector<16xf32>
          %get3A_371 = arith.constant 48 : index
          %get3A_372 = tpu.vector_load %arg15[%get3A_371] {strides = array<i32>} : memref<112xf32, #tpu.memory_space<vmem>>, vector<16xf32>,
          %get3A_373 = arith.constant 48 : index
          %get3A_374 = tpu.vector_load %arg16[%get3A_373] {strides = array<i32>} : memref<112xf32, #tpu.memory_space<vmem>>, vector<16xf32>,
          %get3A_375 = arith.constant 48 : index
          %get3A_376 = tpu.vector_load %arg17[%get3A_375] {strides = array<i32>} : memref<112xf32, #tpu.memory_space<vmem>>, vector<16xf32>,
          %get3A_377 = arith.constant 48 : index
          %get3A_378 = tpu.vector_load %arg18[%get3A_377] {strides = array<i32>} : memref<112xf32, #tpu.memory_space<vmem>>, vector<16xf32>,
          %get3A_379 = arith.constant 48 : index
          %get3A_380 = tpu.vector_load %arg19[%get3A_379] {strides = array<i32>} : memref<112xf32, #tpu.memory_space<vmem>>, vector<16xf32>,
          %max3A_381 = arith.maximumf %gather3A_275, %get3A_372 : vector<16xf32>
          %max3A_382 = arith.maximumf %gather3A_276, %get3A_374 : vector<16xf32>
          %min3A_383 = arith.minimumf %gather3A_277, %get3A_376 : vector<16xf32>
          %min3A_384 = arith.minimumf %gather3A_278, %get3A_378 : vector<16xf32>
          %sub3A_385 = arith.subf %min3A_383, %max3A_381 : vector<16xf32>
          %max3A_386 = arith.constant 0.000000e+00 : f32
          %max3A_387 = vector.broadcast %max3A_386 : f32 to vector<16xf32>
          %max3A_388 = arith.maximumf %sub3A_385, %max3A_387 : vector<16xf32>
          %sub3A_389 = arith.subf %min3A_384, %max3A_382 : vector<16xf32>
          %max3A_390 = arith.constant 0.000000e+00 : f32
          %max3A_391 = vector.broadcast %max3A_390 : f32 to vector<16xf32>
          %max3A_392 = arith.maximumf %sub3A_389, %max3A_391 : vector<16xf32>
          %mul3A_393 = arith.mulf %max3A_388, %max3A_392 : vector<16xf32>
          %add3A_394 = arith.addf %mul3A, %get3A_380 : vector<16xf32>
          %sub3A_395 = arith.subf %add3A_394, %mul3A_393 : vector<16xf32>
          %add3A_396 = arith.constant 9.99999971E-10 : f32
          %add3A_397 = vector.broadcast %add3A_396 : f32 to vector<16xf32>
          %add3A_398 = arith.addf %sub3A_395, %add3A_397 : vector<16xf32>
          %div3A_399 = arith.divf %mul3A_393, %add3A_398 : vector<16xf32>
          %max3A_400 = arith.maximumf %max3A_370, %div3A_399 : vector<16xf32>
          %get3A_401 = arith.constant 64 : index
          %get3A_402 = tpu.vector_load %arg15[%get3A_401] {strides = array<i32>} : memref<112xf32, #tpu.memory_space<vmem>>, vector<16xf32>,
          %get3A_403 = arith.constant 64 : index
          %get3A_404 = tpu.vector_load %arg16[%get3A_403] {strides = array<i32>} : memref<112xf32, #tpu.memory_space<vmem>>, vector<16xf32>,
          %get3A_405 = arith.constant 64 : index
          %get3A_406 = tpu.vector_load %arg17[%get3A_405] {strides = array<i32>} : memref<112xf32, #tpu.memory_space<vmem>>, vector<16xf32>,
          %get3A_407 = arith.constant 64 : index
          %get3A_408 = tpu.vector_load %arg18[%get3A_407] {strides = array<i32>} : memref<112xf32, #tpu.memory_space<vmem>>, vector<16xf32>,
          %get3A_409 = arith.constant 64 : index
          %get3A_410 = tpu.vector_load %arg19[%get3A_409] {strides = array<i32>} : memref<112xf32, #tpu.memory_space<vmem>>, vector<16xf32>,
          %max3A_411 = arith.maximumf %gather3A_275, %get3A_402 : vector<16xf32>
          %max3A_412 = arith.maximumf %gather3A_276, %get3A_404 : vector<16xf32>
          %min3A_413 = arith.minimumf %gather3A_277, %get3A_406 : vector<16xf32>
          %min3A_414 = arith.minimumf %gather3A_278, %get3A_408 : vector<16xf32>
          %sub3A_415 = arith.subf %min3A_413, %max3A_411 : vector<16xf32>
          %max3A_416 = arith.constant 0.000000e+00 : f32
          %max3A_417 = vector.broadcast %max3A_416 : f32 to vector<16xf32>
          %max3A_418 = arith.maximumf %sub3A_415, %max3A_417 : vector<16xf32>
          %sub3A_419 = arith.subf %min3A_414, %max3A_412 : vector<16xf32>
          %max3A_420 = arith.constant 0.000000e+00 : f32
          %max3A_421 = vector.broadcast %max3A_420 : f32 to vector<16xf32>
          %max3A_422 = arith.maximumf %sub3A_419, %max3A_421 : vector<16xf32>
          %mul3A_423 = arith.mulf %max3A_418, %max3A_422 : vector<16xf32>
          %add3A_424 = arith.addf %mul3A, %get3A_410 : vector<16xf32>
          %sub3A_425 = arith.subf %add3A_424, %mul3A_423 : vector<16xf32>
          %add3A_426 = arith.constant 9.99999971E-10 : f32
          %add3A_427 = vector.broadcast %add3A_426 : f32 to vector<16xf32>
          %add3A_428 = arith.addf %sub3A_425, %add3A_427 : vector<16xf32>
          %div3A_429 = arith.divf %mul3A_423, %add3A_428 : vector<16xf32>
          %max3A_430 = arith.maximumf %max3A_400, %div3A_429 : vector<16xf32>
          %get3A_431 = arith.constant 80 : index
          %get3A_432 = tpu.vector_load %arg15[%get3A_431] {strides = array<i32>} : memref<112xf32, #tpu.memory_space<vmem>>, vector<16xf32>,
          %get3A_433 = arith.constant 80 : index
          %get3A_434 = tpu.vector_load %arg16[%get3A_433] {strides = array<i32>} : memref<112xf32, #tpu.memory_space<vmem>>, vector<16xf32>,
          %get3A_435 = arith.constant 80 : index
          %get3A_436 = tpu.vector_load %arg17[%get3A_435] {strides = array<i32>} : memref<112xf32, #tpu.memory_space<vmem>>, vector<16xf32>,
          %get3A_437 = arith.constant 80 : index
          %get3A_438 = tpu.vector_load %arg18[%get3A_437] {strides = array<i32>} : memref<112xf32, #tpu.memory_space<vmem>>, vector<16xf32>,
          %get3A_439 = arith.constant 80 : index
          %get3A_440 = tpu.vector_load %arg19[%get3A_439] {strides = array<i32>} : memref<112xf32, #tpu.memory_space<vmem>>, vector<16xf32>,
          %max3A_441 = arith.maximumf %gather3A_275, %get3A_432 : vector<16xf32>
          %max3A_442 = arith.maximumf %gather3A_276, %get3A_434 : vector<16xf32>
          %min3A_443 = arith.minimumf %gather3A_277, %get3A_436 : vector<16xf32>
          %min3A_444 = arith.minimumf %gather3A_278, %get3A_438 : vector<16xf32>
          %sub3A_445 = arith.subf %min3A_443, %max3A_441 : vector<16xf32>
          %max3A_446 = arith.constant 0.000000e+00 : f32
          %max3A_447 = vector.broadcast %max3A_446 : f32 to vector<16xf32>
          %max3A_448 = arith.maximumf %sub3A_445, %max3A_447 : vector<16xf32>
          %sub3A_449 = arith.subf %min3A_444, %max3A_442 : vector<16xf32>
          %max3A_450 = arith.constant 0.000000e+00 : f32
          %max3A_451 = vector.broadcast %max3A_450 : f32 to vector<16xf32>
          %max3A_452 = arith.maximumf %sub3A_449, %max3A_451 : vector<16xf32>
          %mul3A_453 = arith.mulf %max3A_448, %max3A_452 : vector<16xf32>
          %add3A_454 = arith.addf %mul3A, %get3A_440 : vector<16xf32>
          %sub3A_455 = arith.subf %add3A_454, %mul3A_453 : vector<16xf32>
          %add3A_456 = arith.constant 9.99999971E-10 : f32
          %add3A_457 = vector.broadcast %add3A_456 : f32 to vector<16xf32>
          %add3A_458 = arith.addf %sub3A_455, %add3A_457 : vector<16xf32>
          %div3A_459 = arith.divf %mul3A_453, %add3A_458 : vector<16xf32>
          %max3A_460 = arith.maximumf %max3A_430, %div3A_459 : vector<16xf32>
          %get3A_461 = arith.constant 96 : index
          %get3A_462 = tpu.vector_load %arg15[%get3A_461] {strides = array<i32>} : memref<112xf32, #tpu.memory_space<vmem>>, vector<16xf32>,
          %get3A_463 = arith.constant 96 : index
          %get3A_464 = tpu.vector_load %arg16[%get3A_463] {strides = array<i32>} : memref<112xf32, #tpu.memory_space<vmem>>, vector<16xf32>,
          %get3A_465 = arith.constant 96 : index
          %get3A_466 = tpu.vector_load %arg17[%get3A_465] {strides = array<i32>} : memref<112xf32, #tpu.memory_space<vmem>>, vector<16xf32>,
          %get3A_467 = arith.constant 96 : index
          %get3A_468 = tpu.vector_load %arg18[%get3A_467] {strides = array<i32>} : memref<112xf32, #tpu.memory_space<vmem>>, vector<16xf32>,
          %get3A_469 = arith.constant 96 : index
          %get3A_470 = tpu.vector_load %arg19[%get3A_469] {strides = array<i32>} : memref<112xf32, #tpu.memory_space<vmem>>, vector<16xf32>,
          %max3A_471 = arith.maximumf %gather3A_275, %get3A_462 : vector<16xf32>
          %max3A_472 = arith.maximumf %gather3A_276, %get3A_464 : vector<16xf32>
          %min3A_473 = arith.minimumf %gather3A_277, %get3A_466 : vector<16xf32>
          %min3A_474 = arith.minimumf %gather3A_278, %get3A_468 : vector<16xf32>
          %sub3A_475 = arith.subf %min3A_473, %max3A_471 : vector<16xf32>
          %max3A_476 = arith.constant 0.000000e+00 : f32
          %max3A_477 = vector.broadcast %max3A_476 : f32 to vector<16xf32>
          %max3A_478 = arith.maximumf %sub3A_475, %max3A_477 : vector<16xf32>
          %sub3A_479 = arith.subf %min3A_474, %max3A_472 : vector<16xf32>
          %max3A_480 = arith.constant 0.000000e+00 : f32
          %max3A_481 = vector.broadcast %max3A_480 : f32 to vector<16xf32>
          %max3A_482 = arith.maximumf %sub3A_479, %max3A_481 : vector<16xf32>
          %mul3A_483 = arith.mulf %max3A_478, %max3A_482 : vector<16xf32>
          %add3A_484 = arith.addf %mul3A, %get3A_470 : vector<16xf32>
          %sub3A_485 = arith.subf %add3A_484, %mul3A_483 : vector<16xf32>
          %add3A_486 = arith.constant 9.99999971E-10 : f32
          %add3A_487 = vector.broadcast %add3A_486 : f32 to vector<16xf32>
          %add3A_488 = arith.addf %sub3A_485, %add3A_487 : vector<16xf32>
          %div3A_489 = arith.divf %mul3A_483, %add3A_488 : vector<16xf32>
          %max3A_490 = arith.maximumf %max3A_460, %div3A_489 : vector<16xf32>
          %gt3A = arith.constant 5.000000e-01 : f32
          %gt3A_491 = vector.broadcast %gt3A : f32 to vector<16xf32>
          %gt3A_492 = arith.cmpf ogt, %max3A_490, %gt3A_491 : vector<16xf32>
          %all_reduce_population_count3A = tpu.all_reduce %gt3A_492 {dim = 0 : i64, kind = #tpu.reduction_kind<sum>} : vector<16xi1> -> vector<16xi32>
          %gt3A_493 = arith.constant 0 : i32
          %gt3A_494 = vector.broadcast %gt3A_493 : i32 to vector<16xi32>
          %gt3A_495 = arith.cmpi sgt, %all_reduce_population_count3A, %gt3A_494 : vector<16xi32>
          %lt3A_496 = arith.constant 5.000000e-02 : f32
          %lt3A_497 = vector.broadcast %lt3A_496 : f32 to vector<16xf32>
          %lt3A_498 = arith.cmpf olt, %gather3A_279, %lt3A_497 : vector<16xf32>
          %or3A = arith.ori %gt3A_495, %lt3A_498 : vector<16xi1>
          %convert_element_type3A_499 = arith.extui %or3A : vector<16xi1> to vector<16xi32>
          %broadcast_in_dim3A_500 = arith.constant 0 : i32
          %broadcast_in_dim3A_501 = vector.broadcast %broadcast_in_dim3A_500 : i32 to vector<16xi32>
          %add3A_502 = vector.broadcast %scan3A_250 : i32 to vector<16xi32>
          %add3A_503 = arith.addi %broadcast_in_dim3A_501, %add3A_502 : vector<16xi32>
          %not3A_504 = arith.constant dense<true> : vector<16xi1>
          %not3A_505 = arith.xori %or3A, %not3A_504 : vector<16xi1>
          %and3A_506 = arith.andi %eq3A_73, %not3A_505 : vector<16xi1>
          tpu.vector_store_idx %arg15[%add3A_503], %gather3A_275 masked %and3A_506 : memref<112xf32, #tpu.memory_space<vmem>>[vector<16xi32>], vector<16xf32>, vector<16xi1>
          tpu.vector_store_idx %arg16[%add3A_503], %gather3A_276 masked %and3A_506 : memref<112xf32, #tpu.memory_space<vmem>>[vector<16xi32>], vector<16xf32>, vector<16xi1>
          tpu.vector_store_idx %arg17[%add3A_503], %gather3A_277 masked %and3A_506 : memref<112xf32, #tpu.memory_space<vmem>>[vector<16xi32>], vector<16xf32>, vector<16xi1>
          tpu.vector_store_idx %arg18[%add3A_503], %gather3A_278 masked %and3A_506 : memref<112xf32, #tpu.memory_space<vmem>>[vector<16xi32>], vector<16xf32>, vector<16xi1>
          tpu.vector_store_idx %arg19[%add3A_503], %mul3A masked %and3A_506 : memref<112xf32, #tpu.memory_space<vmem>>[vector<16xi32>], vector<16xf32>, vector<16xi1>
          %mul3A_507 = arith.constant 5 : i32
          %mul3A_508 = vector.broadcast %mul3A_507 : i32 to vector<16xi32>
          %mul3A_509 = arith.muli %add3A_503, %mul3A_508 : vector<16xi32>
          tpu.vector_store_idx %arg21[%mul3A_509], %gather3A_275 masked %and3A_506 : memref<500xf32, #tpu.memory_space<vmem>>[vector<16xi32>], vector<16xf32>, vector<16xi1>
          %add3A_510 = arith.constant 1 : i32
          %add3A_511 = vector.broadcast %add3A_510 : i32 to vector<16xi32>
          %add3A_512 = arith.addi %mul3A_509, %add3A_511 : vector<16xi32>
          tpu.vector_store_idx %arg21[%add3A_512], %gather3A_276 masked %and3A_506 : memref<500xf32, #tpu.memory_space<vmem>>[vector<16xi32>], vector<16xf32>, vector<16xi1>
          %add3A_513 = arith.constant 2 : i32
          %add3A_514 = vector.broadcast %add3A_513 : i32 to vector<16xi32>
          %add3A_515 = arith.addi %mul3A_509, %add3A_514 : vector<16xi32>
          tpu.vector_store_idx %arg21[%add3A_515], %gather3A_277 masked %and3A_506 : memref<500xf32, #tpu.memory_space<vmem>>[vector<16xi32>], vector<16xf32>, vector<16xi1>
          %add3A_516 = arith.constant 3 : i32
          %add3A_517 = vector.broadcast %add3A_516 : i32 to vector<16xi32>
          %add3A_518 = arith.addi %mul3A_509, %add3A_517 : vector<16xi32>
          tpu.vector_store_idx %arg21[%add3A_518], %gather3A_278 masked %and3A_506 : memref<500xf32, #tpu.memory_space<vmem>>[vector<16xi32>], vector<16xf32>, vector<16xi1>
          %add3A_519 = arith.constant 4 : i32
          %add3A_520 = vector.broadcast %add3A_519 : i32 to vector<16xi32>
          %add3A_521 = arith.addi %mul3A_509, %add3A_520 : vector<16xi32>
          tpu.vector_store_idx %arg21[%add3A_521], %gather3A_279 masked %and3A_506 : memref<500xf32, #tpu.memory_space<vmem>>[vector<16xi32>], vector<16xf32>, vector<16xi1>
          %broadcast_in_dim3A_522 = arith.constant 0 : i32
          %broadcast_in_dim3A_523 = vector.broadcast %broadcast_in_dim3A_522 : i32 to vector<16xi32>
          %add3A_524 = vector.broadcast %scan3A_249 : i32 to vector<16xi32>
          %add3A_525 = arith.addi %broadcast_in_dim3A_523, %add3A_524 : vector<16xi32>
          tpu.vector_store_idx %arg20[%add3A_525], %convert_element_type3A_499 masked %eq3A_73 : memref<5000xi32, #tpu.memory_space<vmem>>[vector<16xi32>], vector<16xi32>, vector<16xi1>
        } else {
        }
        %broadcast_in_dim3A_256 = arith.constant 0 : i32
        %broadcast_in_dim3A_257 = vector.broadcast %broadcast_in_dim3A_256 : i32 to vector<16xi32>
        %add3A = vector.broadcast %scan3A_249 : i32 to vector<16xi32>
        %add3A_258 = arith.addi %broadcast_in_dim3A_257, %add3A : vector<16xi32>
        %gather3A_259 = tpu.vector_load_idx %arg20[%add3A_258] : memref<5000xi32, #tpu.memory_space<vmem>>[vector<16xi32>], vector<16xi32>,
        %reduce_max3A_260 = arith.constant true
        %reduce_max3A_261 = vector.broadcast %reduce_max3A_260 : i1 to vector<16xi1>
        %reduce_max3A_262 = arith.constant -2147483648 : i32
        %reduce_max3A_263 = vector.broadcast %reduce_max3A_262 : i32 to vector<16xi32>
        %reduce_max3A_264 = arith.xori %gather3A_259, %reduce_max3A_263 : vector<16xi32>
        %reduce_max3A_265 = tpu.scan <max>, %reduce_max3A_264 masked %reduce_max3A_261 : vector<16xi32>, vector<16xi1> -> vector<16xi32>
        %reduce_max3A_266 = arith.xori %reduce_max3A_265, %reduce_max3A_263 : vector<16xi32>
        %reduce_max3A_267 = vector.extract %reduce_max3A_266[15] : i32 from vector<16xi32>
        %sub3A = arith.constant 1 : i32
        %sub3A_268 = arith.subi %sub3A, %reduce_max3A_267 : i32
        %jit3A = arith.constant 0 : i32
        %select_n3A = arith.select %ge3A_251, %jit3A, %sub3A_268 : i32
        %add3A_269 = arith.addi %scan3A_250, %select_n3A : i32
        scf.yield %add3A_269 : i32
      }
      %scan3A_242 = arith.constant 4872 : i32
      %scan3A_243 = arith.constant 0 : i32
      %scan3A_244 = arith.constant 5000 : i32
      %scan3A_245 = arith.addi %scan3A_243, %scan3A_244 : i32
      %scan3A_246 = arith.constant 1 : i32
      %scan3A_247 = scf.for %scan3A_249 = %scan3A_243 to %scan3A_245 step %scan3A_246 iter_args(%scan3A_250 = %scan3A_241) -> (i32)  : i32 {
        %ge3A = arith.constant 100 : i32
        %ge3A_251 = arith.cmpi sge, %scan3A_250, %ge3A : i32
        %broadcast_in_dim3A_252 = arith.constant 0 : i32
        %broadcast_in_dim3A_253 = vector.broadcast %broadcast_in_dim3A_252 : i32 to vector<16xi32>
        %add3A = vector.broadcast %scan3A_249 : i32 to vector<16xi32>
        %add3A_254 = arith.addi %broadcast_in_dim3A_253, %add3A : vector<16xi32>
        %gather3A_255 = tpu.vector_load_idx %arg20[%add3A_254] : memref<5000xi32, #tpu.memory_space<vmem>>[vector<16xi32>], vector<16xi32>,
        %reduce_max3A_256 = arith.constant true
        %reduce_max3A_257 = vector.broadcast %reduce_max3A_256 : i1 to vector<16xi1>
        %reduce_max3A_258 = arith.constant -2147483648 : i32
        %reduce_max3A_259 = vector.broadcast %reduce_max3A_258 : i32 to vector<16xi32>
        %reduce_max3A_260 = arith.xori %gather3A_255, %reduce_max3A_259 : vector<16xi32>
        %reduce_max3A_261 = tpu.scan <max>, %reduce_max3A_260 masked %reduce_max3A_257 : vector<16xi32>, vector<16xi1> -> vector<16xi32>
        %reduce_max3A_262 = arith.xori %reduce_max3A_261, %reduce_max3A_259 : vector<16xi32>
        %reduce_max3A_263 = vector.extract %reduce_max3A_262[15] : i32 from vector<16xi32>
        %broadcast_in_dim3A_264 = arith.constant 0 : i32
        %broadcast_in_dim3A_265 = vector.broadcast %broadcast_in_dim3A_264 : i32 to vector<16xi32>
        %add3A_266 = vector.broadcast %scan3A_249 : i32 to vector<16xi32>
        %add3A_267 = arith.addi %broadcast_in_dim3A_265, %add3A_266 : vector<16xi32>
        %gather3A_268 = tpu.vector_load_idx %arg14[%add3A_267] : memref<5000xi32, #tpu.memory_space<vmem>>[vector<16xi32>], vector<16xi32>,
        %gather3A_269 = tpu.vector_load_idx %arg9[%gather3A_268] : memref<5000xf32, #tpu.memory_space<vmem>>[vector<16xi32>], vector<16xf32>,
        %gather3A_270 = tpu.vector_load_idx %arg10[%gather3A_268] : memref<5000xf32, #tpu.memory_space<vmem>>[vector<16xi32>], vector<16xf32>,
        %gather3A_271 = tpu.vector_load_idx %arg11[%gather3A_268] : memref<5000xf32, #tpu.memory_space<vmem>>[vector<16xi32>], vector<16xf32>,
        %gather3A_272 = tpu.vector_load_idx %arg12[%gather3A_268] : memref<5000xf32, #tpu.memory_space<vmem>>[vector<16xi32>], vector<16xf32>,
        %gather3A_273 = tpu.vector_load_idx %arg13[%gather3A_268] : memref<5000xf32, #tpu.memory_space<vmem>>[vector<16xi32>], vector<16xf32>,
        %eq3A_274 = arith.constant 1 : i32
        %eq3A_275 = arith.cmpi eq, %reduce_max3A_263, %eq3A_274 : i32
        %and3A_276 = vector.broadcast %eq3A_275 : i1 to vector<16xi1>
        %and3A_277 = arith.andi %eq3A_73, %and3A_276 : vector<16xi1>
        %not3A = arith.constant true
        %not3A_278 = arith.xori %ge3A_251, %not3A : i1
        %and3A_279 = vector.broadcast %not3A_278 : i1 to vector<16xi1>
        %and3A_280 = arith.andi %and3A_277, %and3A_279 : vector<16xi1>
        %broadcast_in_dim3A_281 = arith.constant 0 : i32
        %broadcast_in_dim3A_282 = vector.broadcast %broadcast_in_dim3A_281 : i32 to vector<16xi32>
        %add3A_283 = vector.broadcast %scan3A_250 : i32 to vector<16xi32>
        %add3A_284 = arith.addi %broadcast_in_dim3A_282, %add3A_283 : vector<16xi32>
        %mul3A = arith.constant 5 : i32
        %mul3A_285 = vector.broadcast %mul3A : i32 to vector<16xi32>
        %mul3A_286 = arith.muli %add3A_284, %mul3A_285 : vector<16xi32>
        tpu.vector_store_idx %arg21[%mul3A_286], %gather3A_269 masked %and3A_280 : memref<500xf32, #tpu.memory_space<vmem>>[vector<16xi32>], vector<16xf32>, vector<16xi1>
        %add3A_287 = arith.constant 1 : i32
        %add3A_288 = vector.broadcast %add3A_287 : i32 to vector<16xi32>
        %add3A_289 = arith.addi %mul3A_286, %add3A_288 : vector<16xi32>
        tpu.vector_store_idx %arg21[%add3A_289], %gather3A_270 masked %and3A_280 : memref<500xf32, #tpu.memory_space<vmem>>[vector<16xi32>], vector<16xf32>, vector<16xi1>
        %add3A_290 = arith.constant 2 : i32
        %add3A_291 = vector.broadcast %add3A_290 : i32 to vector<16xi32>
        %add3A_292 = arith.addi %mul3A_286, %add3A_291 : vector<16xi32>
        tpu.vector_store_idx %arg21[%add3A_292], %gather3A_271 masked %and3A_280 : memref<500xf32, #tpu.memory_space<vmem>>[vector<16xi32>], vector<16xf32>, vector<16xi1>
        %add3A_293 = arith.constant 3 : i32
        %add3A_294 = vector.broadcast %add3A_293 : i32 to vector<16xi32>
        %add3A_295 = arith.addi %mul3A_286, %add3A_294 : vector<16xi32>
        tpu.vector_store_idx %arg21[%add3A_295], %gather3A_272 masked %and3A_280 : memref<500xf32, #tpu.memory_space<vmem>>[vector<16xi32>], vector<16xf32>, vector<16xi1>
        %add3A_296 = arith.constant 4 : i32
        %add3A_297 = vector.broadcast %add3A_296 : i32 to vector<16xi32>
        %add3A_298 = arith.addi %mul3A_286, %add3A_297 : vector<16xi32>
        tpu.vector_store_idx %arg21[%add3A_298], %gather3A_273 masked %and3A_280 : memref<500xf32, #tpu.memory_space<vmem>>[vector<16xi32>], vector<16xf32>, vector<16xi1>
        %jit3A = arith.constant 0 : i32
        %select_n3A = arith.select %ge3A_251, %jit3A, %reduce_max3A_263 : i32
        %add3A_299 = arith.addi %scan3A_250, %select_n3A : i32
        scf.yield %add3A_299 : i32
      }
      %scan3A_248 = arith.constant 5000 : i32
    } else {
    }
    %eq3A_230 = arith.constant 0 : i32
    %eq3A_231 = arith.cmpi eq, %arg0, %eq3A_230 : i32
    %eq3A_232 = arith.constant 0 : i32
    %eq3A_233 = arith.cmpi eq, %arg1, %eq3A_232 : i32
    %and3A = arith.andi %eq3A_231, %eq3A_233 : i1
    %convert_element_type3A_234 = arith.extui %and3A : i1 to i32
    %cond3A_235 = arith.constant 0 : i32
    %cond3A_236 = arith.cmpi ne, %convert_element_type3A_234, %cond3A_235 : i32
    scf.if %cond3A_236 {
      "tpu.region"() ({
        %run_scoped3A = tpu.sem_alloc : memref<!tpu.dma_semaphore, #tpu.memory_space<semaphore_mem>>
        tpu.enqueue_dma source(%arg21 : memref<500xf32, #tpu.memory_space<vmem>>) target(%arg8 : memref<500xf32, #tpu.memory_space<hbm>>) target_semaphore(%run_scoped3A : memref<!tpu.dma_semaphore, #tpu.memory_space<semaphore_mem>>)
        tpu.wait_dma2 semaphore(%run_scoped3A : memref<!tpu.dma_semaphore, #tpu.memory_space<semaphore_mem>>) src(%arg21 : memref<500xf32, #tpu.memory_space<vmem>>) dst(%arg8 : memref<500xf32, #tpu.memory_space<hbm>>)
        tpu.yield
      }) : () -> ()
    } else {
    }
    return
  }
}

#map = affine_map<(d0, d1) -> (0)>
module attributes {stable_mosaic.version = 14 : i64} {
  func.func @sc_greedy_nms_fast(%arg0: i32, %arg1: i32, %arg2: memref<5000xf32, #tpu.memory_space<hbm>>, %arg3: memref<5000xf32, #tpu.memory_space<hbm>>, %arg4: memref<5000xf32, #tpu.memory_space<hbm>>, %arg5: memref<5000xf32, #tpu.memory_space<hbm>>, %arg6: memref<5000xf32, #tpu.memory_space<hbm>>, %arg7: memref<128xi32, #tpu.memory_space<hbm>>, %arg8: memref<500xf32, #tpu.memory_space<hbm>>, %arg9: memref<16xi32, #tpu.memory_space<hbm>>, %arg10: memref<128xi32, #tpu.memory_space<vmem>>, %arg11: memref<128xf32, #tpu.memory_space<vmem>>, %arg12: memref<128xf32, #tpu.memory_space<vmem>>, %arg13: memref<128xf32, #tpu.memory_space<vmem>>, %arg14: memref<128xf32, #tpu.memory_space<vmem>>, %arg15: memref<128xf32, #tpu.memory_space<vmem>>, %arg16: memref<112xf32, #tpu.memory_space<vmem>>, %arg17: memref<112xf32, #tpu.memory_space<vmem>>, %arg18: memref<112xf32, #tpu.memory_space<vmem>>, %arg19: memref<112xf32, #tpu.memory_space<vmem>>, %arg20: memref<112xf32, #tpu.memory_space<vmem>>, %arg21: memref<500xf32, #tpu.memory_space<vmem>>, %arg22: memref<16xi32, #tpu.memory_space<vmem>>, %arg23: memref<!tpu.dma_semaphore, #tpu.memory_space<semaphore_mem>>) attributes {dimension_semantics = [#tpu.dimension_semantics<core_parallel>, #tpu.dimension_semantics<subcore_parallel>], iteration_bounds = array<i64: 1, 16>, scalar_prefetch = 0 : i64, scratch_operands = 14 : i64, tpu.core_type = #tpu.core_type<sc_vector_subcore>, window_params = [{transform_indices = #map}, {transform_indices = #map}, {transform_indices = #map}, {transform_indices = #map}, {transform_indices = #map}, {transform_indices = #map}, {transform_indices = #map}, {transform_indices = #map}]} {
    "tpu.region"() ({
      %run_scoped3A = tpu.sem_alloc : memref<!tpu.dma_semaphore, #tpu.memory_space<semaphore_mem>>
      tpu.enqueue_dma source(%arg7 : memref<128xi32, #tpu.memory_space<hbm>>) target(%arg10 : memref<128xi32, #tpu.memory_space<vmem>>) target_semaphore(%run_scoped3A : memref<!tpu.dma_semaphore, #tpu.memory_space<semaphore_mem>>)
      tpu.wait_dma2 semaphore(%run_scoped3A : memref<!tpu.dma_semaphore, #tpu.memory_space<semaphore_mem>>) src(%arg7 : memref<128xi32, #tpu.memory_space<hbm>>) dst(%arg10 : memref<128xi32, #tpu.memory_space<vmem>>)
      tpu.yield
    }) : () -> ()
    %dma_start3A = arith.constant 0 : i32
    %dma_start3A_0 = tpu.memref_slice %arg2[%dma_start3A] : memref<5000xf32, #tpu.memory_space<hbm>> -> memref<5000xf32, #tpu.memory_space<hbm>>
    tpu.enqueue_indirect_dma source(%dma_start3A_0 : memref<5000xf32, #tpu.memory_space<hbm>>) target(%arg11 : memref<128xf32, #tpu.memory_space<vmem>>) offsets(%arg10 : memref<128xi32, #tpu.memory_space<vmem>>) semaphore(%arg23 : memref<!tpu.dma_semaphore, #tpu.memory_space<semaphore_mem>>)
    %dma_start3A_1 = arith.constant 0 : i32
    %dma_start3A_2 = tpu.memref_slice %arg3[%dma_start3A_1] : memref<5000xf32, #tpu.memory_space<hbm>> -> memref<5000xf32, #tpu.memory_space<hbm>>
    tpu.enqueue_indirect_dma source(%dma_start3A_2 : memref<5000xf32, #tpu.memory_space<hbm>>) target(%arg12 : memref<128xf32, #tpu.memory_space<vmem>>) offsets(%arg10 : memref<128xi32, #tpu.memory_space<vmem>>) semaphore(%arg23 : memref<!tpu.dma_semaphore, #tpu.memory_space<semaphore_mem>>)
    %dma_start3A_3 = arith.constant 0 : i32
    %dma_start3A_4 = tpu.memref_slice %arg4[%dma_start3A_3] : memref<5000xf32, #tpu.memory_space<hbm>> -> memref<5000xf32, #tpu.memory_space<hbm>>
    tpu.enqueue_indirect_dma source(%dma_start3A_4 : memref<5000xf32, #tpu.memory_space<hbm>>) target(%arg13 : memref<128xf32, #tpu.memory_space<vmem>>) offsets(%arg10 : memref<128xi32, #tpu.memory_space<vmem>>) semaphore(%arg23 : memref<!tpu.dma_semaphore, #tpu.memory_space<semaphore_mem>>)
    %dma_start3A_5 = arith.constant 0 : i32
    %dma_start3A_6 = tpu.memref_slice %arg5[%dma_start3A_5] : memref<5000xf32, #tpu.memory_space<hbm>> -> memref<5000xf32, #tpu.memory_space<hbm>>
    tpu.enqueue_indirect_dma source(%dma_start3A_6 : memref<5000xf32, #tpu.memory_space<hbm>>) target(%arg14 : memref<128xf32, #tpu.memory_space<vmem>>) offsets(%arg10 : memref<128xi32, #tpu.memory_space<vmem>>) semaphore(%arg23 : memref<!tpu.dma_semaphore, #tpu.memory_space<semaphore_mem>>)
    %dma_start3A_7 = arith.constant 0 : i32
    %dma_start3A_8 = tpu.memref_slice %arg6[%dma_start3A_7] : memref<5000xf32, #tpu.memory_space<hbm>> -> memref<5000xf32, #tpu.memory_space<hbm>>
    tpu.enqueue_indirect_dma source(%dma_start3A_8 : memref<5000xf32, #tpu.memory_space<hbm>>) target(%arg15 : memref<128xf32, #tpu.memory_space<vmem>>) offsets(%arg10 : memref<128xi32, #tpu.memory_space<vmem>>) semaphore(%arg23 : memref<!tpu.dma_semaphore, #tpu.memory_space<semaphore_mem>>)
    %dma_wait3A = arith.constant 0 : i32
    %dma_wait3A_9 = tpu.memref_slice %arg2[%dma_wait3A] : memref<5000xf32, #tpu.memory_space<hbm>> -> memref<5000xf32, #tpu.memory_space<hbm>>
    tpu.wait_indirect_dma semaphore(%arg23 : memref<!tpu.dma_semaphore, #tpu.memory_space<semaphore_mem>>) src(%dma_wait3A_9 : memref<5000xf32, #tpu.memory_space<hbm>>) dst(%arg11 : memref<128xf32, #tpu.memory_space<vmem>>)
    %dma_wait3A_10 = arith.constant 0 : i32
    %dma_wait3A_11 = tpu.memref_slice %arg3[%dma_wait3A_10] : memref<5000xf32, #tpu.memory_space<hbm>> -> memref<5000xf32, #tpu.memory_space<hbm>>
    tpu.wait_indirect_dma semaphore(%arg23 : memref<!tpu.dma_semaphore, #tpu.memory_space<semaphore_mem>>) src(%dma_wait3A_11 : memref<5000xf32, #tpu.memory_space<hbm>>) dst(%arg12 : memref<128xf32, #tpu.memory_space<vmem>>)
    %dma_wait3A_12 = arith.constant 0 : i32
    %dma_wait3A_13 = tpu.memref_slice %arg4[%dma_wait3A_12] : memref<5000xf32, #tpu.memory_space<hbm>> -> memref<5000xf32, #tpu.memory_space<hbm>>
    tpu.wait_indirect_dma semaphore(%arg23 : memref<!tpu.dma_semaphore, #tpu.memory_space<semaphore_mem>>) src(%dma_wait3A_13 : memref<5000xf32, #tpu.memory_space<hbm>>) dst(%arg13 : memref<128xf32, #tpu.memory_space<vmem>>)
    %dma_wait3A_14 = arith.constant 0 : i32
    %dma_wait3A_15 = tpu.memref_slice %arg5[%dma_wait3A_14] : memref<5000xf32, #tpu.memory_space<hbm>> -> memref<5000xf32, #tpu.memory_space<hbm>>
    tpu.wait_indirect_dma semaphore(%arg23 : memref<!tpu.dma_semaphore, #tpu.memory_space<semaphore_mem>>) src(%dma_wait3A_15 : memref<5000xf32, #tpu.memory_space<hbm>>) dst(%arg14 : memref<128xf32, #tpu.memory_space<vmem>>)
    %dma_wait3A_16 = arith.constant 0 : i32
    %dma_wait3A_17 = tpu.memref_slice %arg6[%dma_wait3A_16] : memref<5000xf32, #tpu.memory_space<hbm>> -> memref<5000xf32, #tpu.memory_space<hbm>>
    tpu.wait_indirect_dma semaphore(%arg23 : memref<!tpu.dma_semaphore, #tpu.memory_space<semaphore_mem>>) src(%dma_wait3A_17 : memref<5000xf32, #tpu.memory_space<hbm>>) dst(%arg15 : memref<128xf32, #tpu.memory_space<vmem>>)
    %broadcast_in_dim3A = arith.constant -1.000000e+06 : f32
    %broadcast_in_dim3A_18 = vector.broadcast %broadcast_in_dim3A : f32 to vector<16xf32>
    %broadcast_in_dim3A_19 = arith.constant 0.000000e+00 : f32
    %broadcast_in_dim3A_20 = vector.broadcast %broadcast_in_dim3A_19 : f32 to vector<16xf32>
    %swap3A = arith.constant 0 : index
    %swap3A_21 = tpu.vector_load %arg16[%swap3A] {strides = array<i32>} : memref<112xf32, #tpu.memory_space<vmem>>, vector<16xf32>,
    tpu.vector_store %arg16[%swap3A], %broadcast_in_dim3A_18 {strides = array<i32>} : memref<112xf32, #tpu.memory_space<vmem>>, vector<16xf32>,
    %swap3A_22 = arith.constant 0 : index
    %swap3A_23 = tpu.vector_load %arg17[%swap3A_22] {strides = array<i32>} : memref<112xf32, #tpu.memory_space<vmem>>, vector<16xf32>,
    tpu.vector_store %arg17[%swap3A_22], %broadcast_in_dim3A_18 {strides = array<i32>} : memref<112xf32, #tpu.memory_space<vmem>>, vector<16xf32>,
    %swap3A_24 = arith.constant 0 : index
    %swap3A_25 = tpu.vector_load %arg18[%swap3A_24] {strides = array<i32>} : memref<112xf32, #tpu.memory_space<vmem>>, vector<16xf32>,
    tpu.vector_store %arg18[%swap3A_24], %broadcast_in_dim3A_18 {strides = array<i32>} : memref<112xf32, #tpu.memory_space<vmem>>, vector<16xf32>,
    %swap3A_26 = arith.constant 0 : index
    %swap3A_27 = tpu.vector_load %arg19[%swap3A_26] {strides = array<i32>} : memref<112xf32, #tpu.memory_space<vmem>>, vector<16xf32>,
    tpu.vector_store %arg19[%swap3A_26], %broadcast_in_dim3A_18 {strides = array<i32>} : memref<112xf32, #tpu.memory_space<vmem>>, vector<16xf32>,
    %swap3A_28 = arith.constant 0 : index
    %swap3A_29 = tpu.vector_load %arg20[%swap3A_28] {strides = array<i32>} : memref<112xf32, #tpu.memory_space<vmem>>, vector<16xf32>,
    tpu.vector_store %arg20[%swap3A_28], %broadcast_in_dim3A_20 {strides = array<i32>} : memref<112xf32, #tpu.memory_space<vmem>>, vector<16xf32>,
    %swap3A_30 = arith.constant 16 : index
    %swap3A_31 = tpu.vector_load %arg16[%swap3A_30] {strides = array<i32>} : memref<112xf32, #tpu.memory_space<vmem>>, vector<16xf32>,
    tpu.vector_store %arg16[%swap3A_30], %broadcast_in_dim3A_18 {strides = array<i32>} : memref<112xf32, #tpu.memory_space<vmem>>, vector<16xf32>,
    %swap3A_32 = arith.constant 16 : index
    %swap3A_33 = tpu.vector_load %arg17[%swap3A_32] {strides = array<i32>} : memref<112xf32, #tpu.memory_space<vmem>>, vector<16xf32>,
    tpu.vector_store %arg17[%swap3A_32], %broadcast_in_dim3A_18 {strides = array<i32>} : memref<112xf32, #tpu.memory_space<vmem>>, vector<16xf32>,
    %swap3A_34 = arith.constant 16 : index
    %swap3A_35 = tpu.vector_load %arg18[%swap3A_34] {strides = array<i32>} : memref<112xf32, #tpu.memory_space<vmem>>, vector<16xf32>,
    tpu.vector_store %arg18[%swap3A_34], %broadcast_in_dim3A_18 {strides = array<i32>} : memref<112xf32, #tpu.memory_space<vmem>>, vector<16xf32>,
    %swap3A_36 = arith.constant 16 : index
    %swap3A_37 = tpu.vector_load %arg19[%swap3A_36] {strides = array<i32>} : memref<112xf32, #tpu.memory_space<vmem>>, vector<16xf32>,
    tpu.vector_store %arg19[%swap3A_36], %broadcast_in_dim3A_18 {strides = array<i32>} : memref<112xf32, #tpu.memory_space<vmem>>, vector<16xf32>,
    %swap3A_38 = arith.constant 16 : index
    %swap3A_39 = tpu.vector_load %arg20[%swap3A_38] {strides = array<i32>} : memref<112xf32, #tpu.memory_space<vmem>>, vector<16xf32>,
    tpu.vector_store %arg20[%swap3A_38], %broadcast_in_dim3A_20 {strides = array<i32>} : memref<112xf32, #tpu.memory_space<vmem>>, vector<16xf32>,
    %swap3A_40 = arith.constant 32 : index
    %swap3A_41 = tpu.vector_load %arg16[%swap3A_40] {strides = array<i32>} : memref<112xf32, #tpu.memory_space<vmem>>, vector<16xf32>,
    tpu.vector_store %arg16[%swap3A_40], %broadcast_in_dim3A_18 {strides = array<i32>} : memref<112xf32, #tpu.memory_space<vmem>>, vector<16xf32>,
    %swap3A_42 = arith.constant 32 : index
    %swap3A_43 = tpu.vector_load %arg17[%swap3A_42] {strides = array<i32>} : memref<112xf32, #tpu.memory_space<vmem>>, vector<16xf32>,
    tpu.vector_store %arg17[%swap3A_42], %broadcast_in_dim3A_18 {strides = array<i32>} : memref<112xf32, #tpu.memory_space<vmem>>, vector<16xf32>,
    %swap3A_44 = arith.constant 32 : index
    %swap3A_45 = tpu.vector_load %arg18[%swap3A_44] {strides = array<i32>} : memref<112xf32, #tpu.memory_space<vmem>>, vector<16xf32>,
    tpu.vector_store %arg18[%swap3A_44], %broadcast_in_dim3A_18 {strides = array<i32>} : memref<112xf32, #tpu.memory_space<vmem>>, vector<16xf32>,
    %swap3A_46 = arith.constant 32 : index
    %swap3A_47 = tpu.vector_load %arg19[%swap3A_46] {strides = array<i32>} : memref<112xf32, #tpu.memory_space<vmem>>, vector<16xf32>,
    tpu.vector_store %arg19[%swap3A_46], %broadcast_in_dim3A_18 {strides = array<i32>} : memref<112xf32, #tpu.memory_space<vmem>>, vector<16xf32>,
    %swap3A_48 = arith.constant 32 : index
    %swap3A_49 = tpu.vector_load %arg20[%swap3A_48] {strides = array<i32>} : memref<112xf32, #tpu.memory_space<vmem>>, vector<16xf32>,
    tpu.vector_store %arg20[%swap3A_48], %broadcast_in_dim3A_20 {strides = array<i32>} : memref<112xf32, #tpu.memory_space<vmem>>, vector<16xf32>,
    %swap3A_50 = arith.constant 48 : index
    %swap3A_51 = tpu.vector_load %arg16[%swap3A_50] {strides = array<i32>} : memref<112xf32, #tpu.memory_space<vmem>>, vector<16xf32>,
    tpu.vector_store %arg16[%swap3A_50], %broadcast_in_dim3A_18 {strides = array<i32>} : memref<112xf32, #tpu.memory_space<vmem>>, vector<16xf32>,
    %swap3A_52 = arith.constant 48 : index
    %swap3A_53 = tpu.vector_load %arg17[%swap3A_52] {strides = array<i32>} : memref<112xf32, #tpu.memory_space<vmem>>, vector<16xf32>,
    tpu.vector_store %arg17[%swap3A_52], %broadcast_in_dim3A_18 {strides = array<i32>} : memref<112xf32, #tpu.memory_space<vmem>>, vector<16xf32>,
    %swap3A_54 = arith.constant 48 : index
    %swap3A_55 = tpu.vector_load %arg18[%swap3A_54] {strides = array<i32>} : memref<112xf32, #tpu.memory_space<vmem>>, vector<16xf32>,
    tpu.vector_store %arg18[%swap3A_54], %broadcast_in_dim3A_18 {strides = array<i32>} : memref<112xf32, #tpu.memory_space<vmem>>, vector<16xf32>,
    %swap3A_56 = arith.constant 48 : index
    %swap3A_57 = tpu.vector_load %arg19[%swap3A_56] {strides = array<i32>} : memref<112xf32, #tpu.memory_space<vmem>>, vector<16xf32>,
    tpu.vector_store %arg19[%swap3A_56], %broadcast_in_dim3A_18 {strides = array<i32>} : memref<112xf32, #tpu.memory_space<vmem>>, vector<16xf32>,
    %swap3A_58 = arith.constant 48 : index
    %swap3A_59 = tpu.vector_load %arg20[%swap3A_58] {strides = array<i32>} : memref<112xf32, #tpu.memory_space<vmem>>, vector<16xf32>,
    tpu.vector_store %arg20[%swap3A_58], %broadcast_in_dim3A_20 {strides = array<i32>} : memref<112xf32, #tpu.memory_space<vmem>>, vector<16xf32>,
    %swap3A_60 = arith.constant 64 : index
    %swap3A_61 = tpu.vector_load %arg16[%swap3A_60] {strides = array<i32>} : memref<112xf32, #tpu.memory_space<vmem>>, vector<16xf32>,
    tpu.vector_store %arg16[%swap3A_60], %broadcast_in_dim3A_18 {strides = array<i32>} : memref<112xf32, #tpu.memory_space<vmem>>, vector<16xf32>,
    %swap3A_62 = arith.constant 64 : index
    %swap3A_63 = tpu.vector_load %arg17[%swap3A_62] {strides = array<i32>} : memref<112xf32, #tpu.memory_space<vmem>>, vector<16xf32>,
    tpu.vector_store %arg17[%swap3A_62], %broadcast_in_dim3A_18 {strides = array<i32>} : memref<112xf32, #tpu.memory_space<vmem>>, vector<16xf32>,
    %swap3A_64 = arith.constant 64 : index
    %swap3A_65 = tpu.vector_load %arg18[%swap3A_64] {strides = array<i32>} : memref<112xf32, #tpu.memory_space<vmem>>, vector<16xf32>,
    tpu.vector_store %arg18[%swap3A_64], %broadcast_in_dim3A_18 {strides = array<i32>} : memref<112xf32, #tpu.memory_space<vmem>>, vector<16xf32>,
    %swap3A_66 = arith.constant 64 : index
    %swap3A_67 = tpu.vector_load %arg19[%swap3A_66] {strides = array<i32>} : memref<112xf32, #tpu.memory_space<vmem>>, vector<16xf32>,
    tpu.vector_store %arg19[%swap3A_66], %broadcast_in_dim3A_18 {strides = array<i32>} : memref<112xf32, #tpu.memory_space<vmem>>, vector<16xf32>,
    %swap3A_68 = arith.constant 64 : index
    %swap3A_69 = tpu.vector_load %arg20[%swap3A_68] {strides = array<i32>} : memref<112xf32, #tpu.memory_space<vmem>>, vector<16xf32>,
    tpu.vector_store %arg20[%swap3A_68], %broadcast_in_dim3A_20 {strides = array<i32>} : memref<112xf32, #tpu.memory_space<vmem>>, vector<16xf32>,
    %swap3A_70 = arith.constant 80 : index
    %swap3A_71 = tpu.vector_load %arg16[%swap3A_70] {strides = array<i32>} : memref<112xf32, #tpu.memory_space<vmem>>, vector<16xf32>,
    tpu.vector_store %arg16[%swap3A_70], %broadcast_in_dim3A_18 {strides = array<i32>} : memref<112xf32, #tpu.memory_space<vmem>>, vector<16xf32>,
    %swap3A_72 = arith.constant 80 : index
    %swap3A_73 = tpu.vector_load %arg17[%swap3A_72] {strides = array<i32>} : memref<112xf32, #tpu.memory_space<vmem>>, vector<16xf32>,
    tpu.vector_store %arg17[%swap3A_72], %broadcast_in_dim3A_18 {strides = array<i32>} : memref<112xf32, #tpu.memory_space<vmem>>, vector<16xf32>,
    %swap3A_74 = arith.constant 80 : index
    %swap3A_75 = tpu.vector_load %arg18[%swap3A_74] {strides = array<i32>} : memref<112xf32, #tpu.memory_space<vmem>>, vector<16xf32>,
    tpu.vector_store %arg18[%swap3A_74], %broadcast_in_dim3A_18 {strides = array<i32>} : memref<112xf32, #tpu.memory_space<vmem>>, vector<16xf32>,
    %swap3A_76 = arith.constant 80 : index
    %swap3A_77 = tpu.vector_load %arg19[%swap3A_76] {strides = array<i32>} : memref<112xf32, #tpu.memory_space<vmem>>, vector<16xf32>,
    tpu.vector_store %arg19[%swap3A_76], %broadcast_in_dim3A_18 {strides = array<i32>} : memref<112xf32, #tpu.memory_space<vmem>>, vector<16xf32>,
    %swap3A_78 = arith.constant 80 : index
    %swap3A_79 = tpu.vector_load %arg20[%swap3A_78] {strides = array<i32>} : memref<112xf32, #tpu.memory_space<vmem>>, vector<16xf32>,
    tpu.vector_store %arg20[%swap3A_78], %broadcast_in_dim3A_20 {strides = array<i32>} : memref<112xf32, #tpu.memory_space<vmem>>, vector<16xf32>,
    %swap3A_80 = arith.constant 96 : index
    %swap3A_81 = tpu.vector_load %arg16[%swap3A_80] {strides = array<i32>} : memref<112xf32, #tpu.memory_space<vmem>>, vector<16xf32>,
    tpu.vector_store %arg16[%swap3A_80], %broadcast_in_dim3A_18 {strides = array<i32>} : memref<112xf32, #tpu.memory_space<vmem>>, vector<16xf32>,
    %swap3A_82 = arith.constant 96 : index
    %swap3A_83 = tpu.vector_load %arg17[%swap3A_82] {strides = array<i32>} : memref<112xf32, #tpu.memory_space<vmem>>, vector<16xf32>,
    tpu.vector_store %arg17[%swap3A_82], %broadcast_in_dim3A_18 {strides = array<i32>} : memref<112xf32, #tpu.memory_space<vmem>>, vector<16xf32>,
    %swap3A_84 = arith.constant 96 : index
    %swap3A_85 = tpu.vector_load %arg18[%swap3A_84] {strides = array<i32>} : memref<112xf32, #tpu.memory_space<vmem>>, vector<16xf32>,
    tpu.vector_store %arg18[%swap3A_84], %broadcast_in_dim3A_18 {strides = array<i32>} : memref<112xf32, #tpu.memory_space<vmem>>, vector<16xf32>,
    %swap3A_86 = arith.constant 96 : index
    %swap3A_87 = tpu.vector_load %arg19[%swap3A_86] {strides = array<i32>} : memref<112xf32, #tpu.memory_space<vmem>>, vector<16xf32>,
    tpu.vector_store %arg19[%swap3A_86], %broadcast_in_dim3A_18 {strides = array<i32>} : memref<112xf32, #tpu.memory_space<vmem>>, vector<16xf32>,
    %swap3A_88 = arith.constant 96 : index
    %swap3A_89 = tpu.vector_load %arg20[%swap3A_88] {strides = array<i32>} : memref<112xf32, #tpu.memory_space<vmem>>, vector<16xf32>,
    tpu.vector_store %arg20[%swap3A_88], %broadcast_in_dim3A_20 {strides = array<i32>} : memref<112xf32, #tpu.memory_space<vmem>>, vector<16xf32>,
    %iota3A = tpu.iota {dimensions = array<i32: 0>} : vector<16xi32>
    %eq3A = arith.constant 0 : i32
    %eq3A_90 = vector.broadcast %eq3A : i32 to vector<16xi32>
    %eq3A_91 = arith.cmpi eq, %iota3A, %eq3A_90 : vector<16xi32>
    %broadcast_in_dim3A_92 = arith.constant 0 : i32
    %broadcast_in_dim3A_93 = vector.broadcast %broadcast_in_dim3A_92 : i32 to vector<16xi32>
    %scan3A = arith.constant 0 : i32
    %scan3A_94 = arith.constant 26 : i32
    %scan3A_95 = arith.addi %scan3A, %scan3A_94 : i32
    %scan3A_96 = arith.constant 1 : i32
    %scan3A_97 = scf.for %scan3A_112 = %scan3A to %scan3A_95 step %scan3A_96 iter_args(%scan3A_113 = %broadcast_in_dim3A_93) -> (vector<16xi32>)  : i32 {
      %mul3A = arith.constant 2 : i32
      %mul3A_114 = arith.muli %scan3A_112, %mul3A : i32
      %jit3A = arith.constant 16 : i32
      %div3A = arith.divsi %mul3A_114, %jit3A : i32
      %sign3A = arith.constant 0 : i32
      %sign3A_115 = arith.cmpi sgt, %mul3A_114, %sign3A : i32
      %sign3A_116 = arith.extui %sign3A_115 : i1 to i32
      %sign3A_117 = arith.constant 0 : i32
      %sign3A_118 = arith.cmpi slt, %mul3A_114, %sign3A_117 : i32
      %sign3A_119 = arith.extui %sign3A_118 : i1 to i32
      %sign3A_120 = arith.subi %sign3A_116, %sign3A_119 : i32
      %sign3A_121 = arith.constant 0 : i32
      %sign3A_122 = arith.cmpi sgt, %jit3A, %sign3A_121 : i32
      %sign3A_123 = arith.extui %sign3A_122 : i1 to i32
      %sign3A_124 = arith.constant 0 : i32
      %sign3A_125 = arith.cmpi slt, %jit3A, %sign3A_124 : i32
      %sign3A_126 = arith.extui %sign3A_125 : i1 to i32
      %sign3A_127 = arith.subi %sign3A_123, %sign3A_126 : i32
      %ne3A = arith.cmpi ne, %sign3A_120, %sign3A_127 : i32
      %rem3A = arith.remsi %mul3A_114, %jit3A : i32
      %ne3A_128 = arith.constant 0 : i32
      %ne3A_129 = arith.cmpi ne, %rem3A, %ne3A_128 : i32
      %and3A_130 = arith.andi %ne3A, %ne3A_129 : i1
      %sub3A = arith.constant 1 : i32
      %sub3A_131 = arith.subi %div3A, %sub3A : i32
      %select_n3A = arith.select %and3A_130, %sub3A_131, %div3A : i32
      %mul3A_132 = arith.constant 16 : i32
      %mul3A_133 = arith.muli %select_n3A, %mul3A_132 : i32
      %multiple_of3A = tpu.assume_multiple %mul3A_133, 16 : i32
      %jit3A_134 = arith.constant 16 : i32
      %eq3A_135 = arith.constant 0 : i32
      %eq3A_136 = arith.cmpi eq, %jit3A_134, %eq3A_135 : i32
      %jit3A_137 = arith.constant 1 : i32
      %select_n3A_138 = arith.select %eq3A_136, %jit3A_137, %jit3A_134 : i32
      %rem3A_139 = arith.remsi %mul3A_114, %select_n3A_138 : i32
      %ne3A_140 = arith.constant 0 : i32
      %ne3A_141 = arith.cmpi ne, %rem3A_139, %ne3A_140 : i32
      %lt3A = arith.constant 0 : i32
      %lt3A_142 = arith.cmpi slt, %rem3A_139, %lt3A : i32
      %lt3A_143 = arith.constant 0 : i32
      %lt3A_144 = arith.cmpi slt, %select_n3A_138, %lt3A_143 : i32
      %ne3A_145 = arith.xori %lt3A_142, %lt3A_144 : i1
      %and3A_146 = arith.andi %ne3A_145, %ne3A_141 : i1
      %add3A = arith.addi %rem3A_139, %select_n3A_138 : i32
      %select_n3A_147 = arith.select %and3A_146, %add3A, %rem3A_139 : i32
      %get3A = arith.index_cast %multiple_of3A : i32 to index
      %get3A_148 = tpu.vector_load %arg11[%get3A] {strides = array<i32>} : memref<128xf32, #tpu.memory_space<vmem>>, vector<16xf32>,
      %broadcast_in_dim3A_149 = arith.constant 0 : i32
      %broadcast_in_dim3A_150 = vector.broadcast %broadcast_in_dim3A_149 : i32 to vector<16xi32>
      %add3A_151 = vector.broadcast %select_n3A_147 : i32 to vector<16xi32>
      %add3A_152 = arith.addi %broadcast_in_dim3A_150, %add3A_151 : vector<16xi32>
      %broadcast_in_dim3A_153 = vector.shape_cast %add3A_152 : vector<16xi32> to vector<16x1xi32>
      %gather3A = vector.shape_cast %broadcast_in_dim3A_153 : vector<16x1xi32> to vector<16xi32>
      %gather3A_154 = tpu.dynamic_gather %get3A_148[%gather3A] in [0] : vector<16xf32>, vector<16xi32> -> vector<16xf32>
      %get3A_155 = arith.index_cast %multiple_of3A : i32 to index
      %get3A_156 = tpu.vector_load %arg12[%get3A_155] {strides = array<i32>} : memref<128xf32, #tpu.memory_space<vmem>>, vector<16xf32>,
      %broadcast_in_dim3A_157 = arith.constant 0 : i32
      %broadcast_in_dim3A_158 = vector.broadcast %broadcast_in_dim3A_157 : i32 to vector<16xi32>
      %add3A_159 = vector.broadcast %select_n3A_147 : i32 to vector<16xi32>
      %add3A_160 = arith.addi %broadcast_in_dim3A_158, %add3A_159 : vector<16xi32>
      %broadcast_in_dim3A_161 = vector.shape_cast %add3A_160 : vector<16xi32> to vector<16x1xi32>
      %gather3A_162 = vector.shape_cast %broadcast_in_dim3A_161 : vector<16x1xi32> to vector<16xi32>
      %gather3A_163 = tpu.dynamic_gather %get3A_156[%gather3A_162] in [0] : vector<16xf32>, vector<16xi32> -> vector<16xf32>
      %get3A_164 = arith.index_cast %multiple_of3A : i32 to index
      %get3A_165 = tpu.vector_load %arg13[%get3A_164] {strides = array<i32>} : memref<128xf32, #tpu.memory_space<vmem>>, vector<16xf32>,
      %broadcast_in_dim3A_166 = arith.constant 0 : i32
      %broadcast_in_dim3A_167 = vector.broadcast %broadcast_in_dim3A_166 : i32 to vector<16xi32>
      %add3A_168 = vector.broadcast %select_n3A_147 : i32 to vector<16xi32>
      %add3A_169 = arith.addi %broadcast_in_dim3A_167, %add3A_168 : vector<16xi32>
      %broadcast_in_dim3A_170 = vector.shape_cast %add3A_169 : vector<16xi32> to vector<16x1xi32>
      %gather3A_171 = vector.shape_cast %broadcast_in_dim3A_170 : vector<16x1xi32> to vector<16xi32>
      %gather3A_172 = tpu.dynamic_gather %get3A_165[%gather3A_171] in [0] : vector<16xf32>, vector<16xi32> -> vector<16xf32>
      %get3A_173 = arith.index_cast %multiple_of3A : i32 to index
      %get3A_174 = tpu.vector_load %arg14[%get3A_173] {strides = array<i32>} : memref<128xf32, #tpu.memory_space<vmem>>, vector<16xf32>,
      %broadcast_in_dim3A_175 = arith.constant 0 : i32
      %broadcast_in_dim3A_176 = vector.broadcast %broadcast_in_dim3A_175 : i32 to vector<16xi32>
      %add3A_177 = vector.broadcast %select_n3A_147 : i32 to vector<16xi32>
      %add3A_178 = arith.addi %broadcast_in_dim3A_176, %add3A_177 : vector<16xi32>
      %broadcast_in_dim3A_179 = vector.shape_cast %add3A_178 : vector<16xi32> to vector<16x1xi32>
      %gather3A_180 = vector.shape_cast %broadcast_in_dim3A_179 : vector<16x1xi32> to vector<16xi32>
      %gather3A_181 = tpu.dynamic_gather %get3A_174[%gather3A_180] in [0] : vector<16xf32>, vector<16xi32> -> vector<16xf32>
      %get3A_182 = arith.index_cast %multiple_of3A : i32 to index
      %get3A_183 = tpu.vector_load %arg15[%get3A_182] {strides = array<i32>} : memref<128xf32, #tpu.memory_space<vmem>>, vector<16xf32>,
      %broadcast_in_dim3A_184 = arith.constant 0 : i32
      %broadcast_in_dim3A_185 = vector.broadcast %broadcast_in_dim3A_184 : i32 to vector<16xi32>
      %add3A_186 = vector.broadcast %select_n3A_147 : i32 to vector<16xi32>
      %add3A_187 = arith.addi %broadcast_in_dim3A_185, %add3A_186 : vector<16xi32>
      %broadcast_in_dim3A_188 = vector.shape_cast %add3A_187 : vector<16xi32> to vector<16x1xi32>
      %gather3A_189 = vector.shape_cast %broadcast_in_dim3A_188 : vector<16x1xi32> to vector<16xi32>
      %gather3A_190 = tpu.dynamic_gather %get3A_183[%gather3A_189] in [0] : vector<16xf32>, vector<16xi32> -> vector<16xf32>
      %add3A_191 = arith.constant 1 : i32
      %add3A_192 = arith.addi %mul3A_114, %add3A_191 : i32
      %jit3A_193 = arith.constant 16 : i32
      %div3A_194 = arith.divsi %add3A_192, %jit3A_193 : i32
      %sign3A_195 = arith.constant 0 : i32
      %sign3A_196 = arith.cmpi sgt, %add3A_192, %sign3A_195 : i32
      %sign3A_197 = arith.extui %sign3A_196 : i1 to i32
      %sign3A_198 = arith.constant 0 : i32
      %sign3A_199 = arith.cmpi slt, %add3A_192, %sign3A_198 : i32
      %sign3A_200 = arith.extui %sign3A_199 : i1 to i32
      %sign3A_201 = arith.subi %sign3A_197, %sign3A_200 : i32
      %sign3A_202 = arith.constant 0 : i32
      %sign3A_203 = arith.cmpi sgt, %jit3A_193, %sign3A_202 : i32
      %sign3A_204 = arith.extui %sign3A_203 : i1 to i32
      %sign3A_205 = arith.constant 0 : i32
      %sign3A_206 = arith.cmpi slt, %jit3A_193, %sign3A_205 : i32
      %sign3A_207 = arith.extui %sign3A_206 : i1 to i32
      %sign3A_208 = arith.subi %sign3A_204, %sign3A_207 : i32
      %ne3A_209 = arith.cmpi ne, %sign3A_201, %sign3A_208 : i32
      %rem3A_210 = arith.remsi %add3A_192, %jit3A_193 : i32
      %ne3A_211 = arith.constant 0 : i32
      %ne3A_212 = arith.cmpi ne, %rem3A_210, %ne3A_211 : i32
      %and3A_213 = arith.andi %ne3A_209, %ne3A_212 : i1
      %sub3A_214 = arith.constant 1 : i32
      %sub3A_215 = arith.subi %div3A_194, %sub3A_214 : i32
      %select_n3A_216 = arith.select %and3A_213, %sub3A_215, %div3A_194 : i32
      %mul3A_217 = arith.constant 16 : i32
      %mul3A_218 = arith.muli %select_n3A_216, %mul3A_217 : i32
      %multiple_of3A_219 = tpu.assume_multiple %mul3A_218, 16 : i32
      %jit3A_220 = arith.constant 16 : i32
      %eq3A_221 = arith.constant 0 : i32
      %eq3A_222 = arith.cmpi eq, %jit3A_220, %eq3A_221 : i32
      %jit3A_223 = arith.constant 1 : i32
      %select_n3A_224 = arith.select %eq3A_222, %jit3A_223, %jit3A_220 : i32
      %rem3A_225 = arith.remsi %add3A_192, %select_n3A_224 : i32
      %ne3A_226 = arith.constant 0 : i32
      %ne3A_227 = arith.cmpi ne, %rem3A_225, %ne3A_226 : i32
      %lt3A_228 = arith.constant 0 : i32
      %lt3A_229 = arith.cmpi slt, %rem3A_225, %lt3A_228 : i32
      %lt3A_230 = arith.constant 0 : i32
      %lt3A_231 = arith.cmpi slt, %select_n3A_224, %lt3A_230 : i32
      %ne3A_232 = arith.xori %lt3A_229, %lt3A_231 : i1
      %and3A_233 = arith.andi %ne3A_232, %ne3A_227 : i1
      %add3A_234 = arith.addi %rem3A_225, %select_n3A_224 : i32
      %select_n3A_235 = arith.select %and3A_233, %add3A_234, %rem3A_225 : i32
      %get3A_236 = arith.index_cast %multiple_of3A_219 : i32 to index
      %get3A_237 = tpu.vector_load %arg11[%get3A_236] {strides = array<i32>} : memref<128xf32, #tpu.memory_space<vmem>>, vector<16xf32>,
      %broadcast_in_dim3A_238 = arith.constant 0 : i32
      %broadcast_in_dim3A_239 = vector.broadcast %broadcast_in_dim3A_238 : i32 to vector<16xi32>
      %add3A_240 = vector.broadcast %select_n3A_235 : i32 to vector<16xi32>
      %add3A_241 = arith.addi %broadcast_in_dim3A_239, %add3A_240 : vector<16xi32>
      %broadcast_in_dim3A_242 = vector.shape_cast %add3A_241 : vector<16xi32> to vector<16x1xi32>
      %gather3A_243 = vector.shape_cast %broadcast_in_dim3A_242 : vector<16x1xi32> to vector<16xi32>
      %gather3A_244 = tpu.dynamic_gather %get3A_237[%gather3A_243] in [0] : vector<16xf32>, vector<16xi32> -> vector<16xf32>
      %get3A_245 = arith.index_cast %multiple_of3A_219 : i32 to index
      %get3A_246 = tpu.vector_load %arg12[%get3A_245] {strides = array<i32>} : memref<128xf32, #tpu.memory_space<vmem>>, vector<16xf32>,
      %broadcast_in_dim3A_247 = arith.constant 0 : i32
      %broadcast_in_dim3A_248 = vector.broadcast %broadcast_in_dim3A_247 : i32 to vector<16xi32>
      %add3A_249 = vector.broadcast %select_n3A_235 : i32 to vector<16xi32>
      %add3A_250 = arith.addi %broadcast_in_dim3A_248, %add3A_249 : vector<16xi32>
      %broadcast_in_dim3A_251 = vector.shape_cast %add3A_250 : vector<16xi32> to vector<16x1xi32>
      %gather3A_252 = vector.shape_cast %broadcast_in_dim3A_251 : vector<16x1xi32> to vector<16xi32>
      %gather3A_253 = tpu.dynamic_gather %get3A_246[%gather3A_252] in [0] : vector<16xf32>, vector<16xi32> -> vector<16xf32>
      %get3A_254 = arith.index_cast %multiple_of3A_219 : i32 to index
      %get3A_255 = tpu.vector_load %arg13[%get3A_254] {strides = array<i32>} : memref<128xf32, #tpu.memory_space<vmem>>, vector<16xf32>,
      %broadcast_in_dim3A_256 = arith.constant 0 : i32
      %broadcast_in_dim3A_257 = vector.broadcast %broadcast_in_dim3A_256 : i32 to vector<16xi32>
      %add3A_258 = vector.broadcast %select_n3A_235 : i32 to vector<16xi32>
      %add3A_259 = arith.addi %broadcast_in_dim3A_257, %add3A_258 : vector<16xi32>
      %broadcast_in_dim3A_260 = vector.shape_cast %add3A_259 : vector<16xi32> to vector<16x1xi32>
      %gather3A_261 = vector.shape_cast %broadcast_in_dim3A_260 : vector<16x1xi32> to vector<16xi32>
      %gather3A_262 = tpu.dynamic_gather %get3A_255[%gather3A_261] in [0] : vector<16xf32>, vector<16xi32> -> vector<16xf32>
      %get3A_263 = arith.index_cast %multiple_of3A_219 : i32 to index
      %get3A_264 = tpu.vector_load %arg14[%get3A_263] {strides = array<i32>} : memref<128xf32, #tpu.memory_space<vmem>>, vector<16xf32>,
      %broadcast_in_dim3A_265 = arith.constant 0 : i32
      %broadcast_in_dim3A_266 = vector.broadcast %broadcast_in_dim3A_265 : i32 to vector<16xi32>
      %add3A_267 = vector.broadcast %select_n3A_235 : i32 to vector<16xi32>
      %add3A_268 = arith.addi %broadcast_in_dim3A_266, %add3A_267 : vector<16xi32>
      %broadcast_in_dim3A_269 = vector.shape_cast %add3A_268 : vector<16xi32> to vector<16x1xi32>
      %gather3A_270 = vector.shape_cast %broadcast_in_dim3A_269 : vector<16x1xi32> to vector<16xi32>
      %gather3A_271 = tpu.dynamic_gather %get3A_264[%gather3A_270] in [0] : vector<16xf32>, vector<16xi32> -> vector<16xf32>
      %get3A_272 = arith.index_cast %multiple_of3A_219 : i32 to index
      %get3A_273 = tpu.vector_load %arg15[%get3A_272] {strides = array<i32>} : memref<128xf32, #tpu.memory_space<vmem>>, vector<16xf32>,
      %broadcast_in_dim3A_274 = arith.constant 0 : i32
      %broadcast_in_dim3A_275 = vector.broadcast %broadcast_in_dim3A_274 : i32 to vector<16xi32>
      %add3A_276 = vector.broadcast %select_n3A_235 : i32 to vector<16xi32>
      %add3A_277 = arith.addi %broadcast_in_dim3A_275, %add3A_276 : vector<16xi32>
      %broadcast_in_dim3A_278 = vector.shape_cast %add3A_277 : vector<16xi32> to vector<16x1xi32>
      %gather3A_279 = vector.shape_cast %broadcast_in_dim3A_278 : vector<16x1xi32> to vector<16xi32>
      %gather3A_280 = tpu.dynamic_gather %get3A_273[%gather3A_279] in [0] : vector<16xf32>, vector<16xi32> -> vector<16xf32>
      %sub3A_281 = arith.subf %gather3A_172, %gather3A_154 : vector<16xf32>
      %sub3A_282 = arith.subf %gather3A_181, %gather3A_163 : vector<16xf32>
      %mul3A_283 = arith.mulf %sub3A_281, %sub3A_282 : vector<16xf32>
      %sub3A_284 = arith.subf %gather3A_262, %gather3A_244 : vector<16xf32>
      %sub3A_285 = arith.subf %gather3A_271, %gather3A_253 : vector<16xf32>
      %mul3A_286 = arith.mulf %sub3A_284, %sub3A_285 : vector<16xf32>
      %broadcast_in_dim3A_287 = arith.constant 0.000000e+00 : f32
      %broadcast_in_dim3A_288 = vector.broadcast %broadcast_in_dim3A_287 : f32 to vector<16xf32>
      %broadcast_in_dim3A_289 = arith.constant 0.000000e+00 : f32
      %broadcast_in_dim3A_290 = vector.broadcast %broadcast_in_dim3A_289 : f32 to vector<16xf32>
      %get3A_291 = arith.constant 0 : index
      %get3A_292 = tpu.vector_load %arg16[%get3A_291] {strides = array<i32>} : memref<112xf32, #tpu.memory_space<vmem>>, vector<16xf32>,
      %get3A_293 = arith.constant 0 : index
      %get3A_294 = tpu.vector_load %arg17[%get3A_293] {strides = array<i32>} : memref<112xf32, #tpu.memory_space<vmem>>, vector<16xf32>,
      %get3A_295 = arith.constant 0 : index
      %get3A_296 = tpu.vector_load %arg18[%get3A_295] {strides = array<i32>} : memref<112xf32, #tpu.memory_space<vmem>>, vector<16xf32>,
      %get3A_297 = arith.constant 0 : index
      %get3A_298 = tpu.vector_load %arg19[%get3A_297] {strides = array<i32>} : memref<112xf32, #tpu.memory_space<vmem>>, vector<16xf32>,
      %get3A_299 = arith.constant 0 : index
      %get3A_300 = tpu.vector_load %arg20[%get3A_299] {strides = array<i32>} : memref<112xf32, #tpu.memory_space<vmem>>, vector<16xf32>,
      %max3A = arith.maximumf %gather3A_154, %get3A_292 : vector<16xf32>
      %max3A_301 = arith.maximumf %gather3A_163, %get3A_294 : vector<16xf32>
      %min3A = arith.minimumf %gather3A_172, %get3A_296 : vector<16xf32>
      %min3A_302 = arith.minimumf %gather3A_181, %get3A_298 : vector<16xf32>
      %sub3A_303 = arith.subf %min3A, %max3A : vector<16xf32>
      %max3A_304 = arith.constant 0.000000e+00 : f32
      %max3A_305 = vector.broadcast %max3A_304 : f32 to vector<16xf32>
      %max3A_306 = arith.maximumf %sub3A_303, %max3A_305 : vector<16xf32>
      %sub3A_307 = arith.subf %min3A_302, %max3A_301 : vector<16xf32>
      %max3A_308 = arith.constant 0.000000e+00 : f32
      %max3A_309 = vector.broadcast %max3A_308 : f32 to vector<16xf32>
      %max3A_310 = arith.maximumf %sub3A_307, %max3A_309 : vector<16xf32>
      %mul3A_311 = arith.mulf %max3A_306, %max3A_310 : vector<16xf32>
      %add3A_312 = arith.addf %mul3A_283, %get3A_300 : vector<16xf32>
      %sub3A_313 = arith.subf %add3A_312, %mul3A_311 : vector<16xf32>
      %add3A_314 = arith.constant 9.99999971E-10 : f32
      %add3A_315 = vector.broadcast %add3A_314 : f32 to vector<16xf32>
      %add3A_316 = arith.addf %sub3A_313, %add3A_315 : vector<16xf32>
      %div3A_317 = arith.divf %mul3A_311, %add3A_316 : vector<16xf32>
      %max3A_318 = arith.maximumf %broadcast_in_dim3A_288, %div3A_317 : vector<16xf32>
      %max3A_319 = arith.maximumf %gather3A_244, %get3A_292 : vector<16xf32>
      %max3A_320 = arith.maximumf %gather3A_253, %get3A_294 : vector<16xf32>
      %min3A_321 = arith.minimumf %gather3A_262, %get3A_296 : vector<16xf32>
      %min3A_322 = arith.minimumf %gather3A_271, %get3A_298 : vector<16xf32>
      %sub3A_323 = arith.subf %min3A_321, %max3A_319 : vector<16xf32>
      %max3A_324 = arith.constant 0.000000e+00 : f32
      %max3A_325 = vector.broadcast %max3A_324 : f32 to vector<16xf32>
      %max3A_326 = arith.maximumf %sub3A_323, %max3A_325 : vector<16xf32>
      %sub3A_327 = arith.subf %min3A_322, %max3A_320 : vector<16xf32>
      %max3A_328 = arith.constant 0.000000e+00 : f32
      %max3A_329 = vector.broadcast %max3A_328 : f32 to vector<16xf32>
      %max3A_330 = arith.maximumf %sub3A_327, %max3A_329 : vector<16xf32>
      %mul3A_331 = arith.mulf %max3A_326, %max3A_330 : vector<16xf32>
      %add3A_332 = arith.addf %mul3A_286, %get3A_300 : vector<16xf32>
      %sub3A_333 = arith.subf %add3A_332, %mul3A_331 : vector<16xf32>
      %add3A_334 = arith.constant 9.99999971E-10 : f32
      %add3A_335 = vector.broadcast %add3A_334 : f32 to vector<16xf32>
      %add3A_336 = arith.addf %sub3A_333, %add3A_335 : vector<16xf32>
      %div3A_337 = arith.divf %mul3A_331, %add3A_336 : vector<16xf32>
      %max3A_338 = arith.maximumf %broadcast_in_dim3A_290, %div3A_337 : vector<16xf32>
      %get3A_339 = arith.constant 16 : index
      %get3A_340 = tpu.vector_load %arg16[%get3A_339] {strides = array<i32>} : memref<112xf32, #tpu.memory_space<vmem>>, vector<16xf32>,
      %get3A_341 = arith.constant 16 : index
      %get3A_342 = tpu.vector_load %arg17[%get3A_341] {strides = array<i32>} : memref<112xf32, #tpu.memory_space<vmem>>, vector<16xf32>,
      %get3A_343 = arith.constant 16 : index
      %get3A_344 = tpu.vector_load %arg18[%get3A_343] {strides = array<i32>} : memref<112xf32, #tpu.memory_space<vmem>>, vector<16xf32>,
      %get3A_345 = arith.constant 16 : index
      %get3A_346 = tpu.vector_load %arg19[%get3A_345] {strides = array<i32>} : memref<112xf32, #tpu.memory_space<vmem>>, vector<16xf32>,
      %get3A_347 = arith.constant 16 : index
      %get3A_348 = tpu.vector_load %arg20[%get3A_347] {strides = array<i32>} : memref<112xf32, #tpu.memory_space<vmem>>, vector<16xf32>,
      %max3A_349 = arith.maximumf %gather3A_154, %get3A_340 : vector<16xf32>
      %max3A_350 = arith.maximumf %gather3A_163, %get3A_342 : vector<16xf32>
      %min3A_351 = arith.minimumf %gather3A_172, %get3A_344 : vector<16xf32>
      %min3A_352 = arith.minimumf %gather3A_181, %get3A_346 : vector<16xf32>
      %sub3A_353 = arith.subf %min3A_351, %max3A_349 : vector<16xf32>
      %max3A_354 = arith.constant 0.000000e+00 : f32
      %max3A_355 = vector.broadcast %max3A_354 : f32 to vector<16xf32>
      %max3A_356 = arith.maximumf %sub3A_353, %max3A_355 : vector<16xf32>
      %sub3A_357 = arith.subf %min3A_352, %max3A_350 : vector<16xf32>
      %max3A_358 = arith.constant 0.000000e+00 : f32
      %max3A_359 = vector.broadcast %max3A_358 : f32 to vector<16xf32>
      %max3A_360 = arith.maximumf %sub3A_357, %max3A_359 : vector<16xf32>
      %mul3A_361 = arith.mulf %max3A_356, %max3A_360 : vector<16xf32>
      %add3A_362 = arith.addf %mul3A_283, %get3A_348 : vector<16xf32>
      %sub3A_363 = arith.subf %add3A_362, %mul3A_361 : vector<16xf32>
      %add3A_364 = arith.constant 9.99999971E-10 : f32
      %add3A_365 = vector.broadcast %add3A_364 : f32 to vector<16xf32>
      %add3A_366 = arith.addf %sub3A_363, %add3A_365 : vector<16xf32>
      %div3A_367 = arith.divf %mul3A_361, %add3A_366 : vector<16xf32>
      %max3A_368 = arith.maximumf %max3A_318, %div3A_367 : vector<16xf32>
      %max3A_369 = arith.maximumf %gather3A_244, %get3A_340 : vector<16xf32>
      %max3A_370 = arith.maximumf %gather3A_253, %get3A_342 : vector<16xf32>
      %min3A_371 = arith.minimumf %gather3A_262, %get3A_344 : vector<16xf32>
      %min3A_372 = arith.minimumf %gather3A_271, %get3A_346 : vector<16xf32>
      %sub3A_373 = arith.subf %min3A_371, %max3A_369 : vector<16xf32>
      %max3A_374 = arith.constant 0.000000e+00 : f32
      %max3A_375 = vector.broadcast %max3A_374 : f32 to vector<16xf32>
      %max3A_376 = arith.maximumf %sub3A_373, %max3A_375 : vector<16xf32>
      %sub3A_377 = arith.subf %min3A_372, %max3A_370 : vector<16xf32>
      %max3A_378 = arith.constant 0.000000e+00 : f32
      %max3A_379 = vector.broadcast %max3A_378 : f32 to vector<16xf32>
      %max3A_380 = arith.maximumf %sub3A_377, %max3A_379 : vector<16xf32>
      %mul3A_381 = arith.mulf %max3A_376, %max3A_380 : vector<16xf32>
      %add3A_382 = arith.addf %mul3A_286, %get3A_348 : vector<16xf32>
      %sub3A_383 = arith.subf %add3A_382, %mul3A_381 : vector<16xf32>
      %add3A_384 = arith.constant 9.99999971E-10 : f32
      %add3A_385 = vector.broadcast %add3A_384 : f32 to vector<16xf32>
      %add3A_386 = arith.addf %sub3A_383, %add3A_385 : vector<16xf32>
      %div3A_387 = arith.divf %mul3A_381, %add3A_386 : vector<16xf32>
      %max3A_388 = arith.maximumf %max3A_338, %div3A_387 : vector<16xf32>
      %get3A_389 = arith.constant 32 : index
      %get3A_390 = tpu.vector_load %arg16[%get3A_389] {strides = array<i32>} : memref<112xf32, #tpu.memory_space<vmem>>, vector<16xf32>,
      %get3A_391 = arith.constant 32 : index
      %get3A_392 = tpu.vector_load %arg17[%get3A_391] {strides = array<i32>} : memref<112xf32, #tpu.memory_space<vmem>>, vector<16xf32>,
      %get3A_393 = arith.constant 32 : index
      %get3A_394 = tpu.vector_load %arg18[%get3A_393] {strides = array<i32>} : memref<112xf32, #tpu.memory_space<vmem>>, vector<16xf32>,
      %get3A_395 = arith.constant 32 : index
      %get3A_396 = tpu.vector_load %arg19[%get3A_395] {strides = array<i32>} : memref<112xf32, #tpu.memory_space<vmem>>, vector<16xf32>,
      %get3A_397 = arith.constant 32 : index
      %get3A_398 = tpu.vector_load %arg20[%get3A_397] {strides = array<i32>} : memref<112xf32, #tpu.memory_space<vmem>>, vector<16xf32>,
      %max3A_399 = arith.maximumf %gather3A_154, %get3A_390 : vector<16xf32>
      %max3A_400 = arith.maximumf %gather3A_163, %get3A_392 : vector<16xf32>
      %min3A_401 = arith.minimumf %gather3A_172, %get3A_394 : vector<16xf32>
      %min3A_402 = arith.minimumf %gather3A_181, %get3A_396 : vector<16xf32>
      %sub3A_403 = arith.subf %min3A_401, %max3A_399 : vector<16xf32>
      %max3A_404 = arith.constant 0.000000e+00 : f32
      %max3A_405 = vector.broadcast %max3A_404 : f32 to vector<16xf32>
      %max3A_406 = arith.maximumf %sub3A_403, %max3A_405 : vector<16xf32>
      %sub3A_407 = arith.subf %min3A_402, %max3A_400 : vector<16xf32>
      %max3A_408 = arith.constant 0.000000e+00 : f32
      %max3A_409 = vector.broadcast %max3A_408 : f32 to vector<16xf32>
      %max3A_410 = arith.maximumf %sub3A_407, %max3A_409 : vector<16xf32>
      %mul3A_411 = arith.mulf %max3A_406, %max3A_410 : vector<16xf32>
      %add3A_412 = arith.addf %mul3A_283, %get3A_398 : vector<16xf32>
      %sub3A_413 = arith.subf %add3A_412, %mul3A_411 : vector<16xf32>
      %add3A_414 = arith.constant 9.99999971E-10 : f32
      %add3A_415 = vector.broadcast %add3A_414 : f32 to vector<16xf32>
      %add3A_416 = arith.addf %sub3A_413, %add3A_415 : vector<16xf32>
      %div3A_417 = arith.divf %mul3A_411, %add3A_416 : vector<16xf32>
      %max3A_418 = arith.maximumf %max3A_368, %div3A_417 : vector<16xf32>
      %max3A_419 = arith.maximumf %gather3A_244, %get3A_390 : vector<16xf32>
      %max3A_420 = arith.maximumf %gather3A_253, %get3A_392 : vector<16xf32>
      %min3A_421 = arith.minimumf %gather3A_262, %get3A_394 : vector<16xf32>
      %min3A_422 = arith.minimumf %gather3A_271, %get3A_396 : vector<16xf32>
      %sub3A_423 = arith.subf %min3A_421, %max3A_419 : vector<16xf32>
      %max3A_424 = arith.constant 0.000000e+00 : f32
      %max3A_425 = vector.broadcast %max3A_424 : f32 to vector<16xf32>
      %max3A_426 = arith.maximumf %sub3A_423, %max3A_425 : vector<16xf32>
      %sub3A_427 = arith.subf %min3A_422, %max3A_420 : vector<16xf32>
      %max3A_428 = arith.constant 0.000000e+00 : f32
      %max3A_429 = vector.broadcast %max3A_428 : f32 to vector<16xf32>
      %max3A_430 = arith.maximumf %sub3A_427, %max3A_429 : vector<16xf32>
      %mul3A_431 = arith.mulf %max3A_426, %max3A_430 : vector<16xf32>
      %add3A_432 = arith.addf %mul3A_286, %get3A_398 : vector<16xf32>
      %sub3A_433 = arith.subf %add3A_432, %mul3A_431 : vector<16xf32>
      %add3A_434 = arith.constant 9.99999971E-10 : f32
      %add3A_435 = vector.broadcast %add3A_434 : f32 to vector<16xf32>
      %add3A_436 = arith.addf %sub3A_433, %add3A_435 : vector<16xf32>
      %div3A_437 = arith.divf %mul3A_431, %add3A_436 : vector<16xf32>
      %max3A_438 = arith.maximumf %max3A_388, %div3A_437 : vector<16xf32>
      %get3A_439 = arith.constant 48 : index
      %get3A_440 = tpu.vector_load %arg16[%get3A_439] {strides = array<i32>} : memref<112xf32, #tpu.memory_space<vmem>>, vector<16xf32>,
      %get3A_441 = arith.constant 48 : index
      %get3A_442 = tpu.vector_load %arg17[%get3A_441] {strides = array<i32>} : memref<112xf32, #tpu.memory_space<vmem>>, vector<16xf32>,
      %get3A_443 = arith.constant 48 : index
      %get3A_444 = tpu.vector_load %arg18[%get3A_443] {strides = array<i32>} : memref<112xf32, #tpu.memory_space<vmem>>, vector<16xf32>,
      %get3A_445 = arith.constant 48 : index
      %get3A_446 = tpu.vector_load %arg19[%get3A_445] {strides = array<i32>} : memref<112xf32, #tpu.memory_space<vmem>>, vector<16xf32>,
      %get3A_447 = arith.constant 48 : index
      %get3A_448 = tpu.vector_load %arg20[%get3A_447] {strides = array<i32>} : memref<112xf32, #tpu.memory_space<vmem>>, vector<16xf32>,
      %max3A_449 = arith.maximumf %gather3A_154, %get3A_440 : vector<16xf32>
      %max3A_450 = arith.maximumf %gather3A_163, %get3A_442 : vector<16xf32>
      %min3A_451 = arith.minimumf %gather3A_172, %get3A_444 : vector<16xf32>
      %min3A_452 = arith.minimumf %gather3A_181, %get3A_446 : vector<16xf32>
      %sub3A_453 = arith.subf %min3A_451, %max3A_449 : vector<16xf32>
      %max3A_454 = arith.constant 0.000000e+00 : f32
      %max3A_455 = vector.broadcast %max3A_454 : f32 to vector<16xf32>
      %max3A_456 = arith.maximumf %sub3A_453, %max3A_455 : vector<16xf32>
      %sub3A_457 = arith.subf %min3A_452, %max3A_450 : vector<16xf32>
      %max3A_458 = arith.constant 0.000000e+00 : f32
      %max3A_459 = vector.broadcast %max3A_458 : f32 to vector<16xf32>
      %max3A_460 = arith.maximumf %sub3A_457, %max3A_459 : vector<16xf32>
      %mul3A_461 = arith.mulf %max3A_456, %max3A_460 : vector<16xf32>
      %add3A_462 = arith.addf %mul3A_283, %get3A_448 : vector<16xf32>
      %sub3A_463 = arith.subf %add3A_462, %mul3A_461 : vector<16xf32>
      %add3A_464 = arith.constant 9.99999971E-10 : f32
      %add3A_465 = vector.broadcast %add3A_464 : f32 to vector<16xf32>
      %add3A_466 = arith.addf %sub3A_463, %add3A_465 : vector<16xf32>
      %div3A_467 = arith.divf %mul3A_461, %add3A_466 : vector<16xf32>
      %max3A_468 = arith.maximumf %max3A_418, %div3A_467 : vector<16xf32>
      %max3A_469 = arith.maximumf %gather3A_244, %get3A_440 : vector<16xf32>
      %max3A_470 = arith.maximumf %gather3A_253, %get3A_442 : vector<16xf32>
      %min3A_471 = arith.minimumf %gather3A_262, %get3A_444 : vector<16xf32>
      %min3A_472 = arith.minimumf %gather3A_271, %get3A_446 : vector<16xf32>
      %sub3A_473 = arith.subf %min3A_471, %max3A_469 : vector<16xf32>
      %max3A_474 = arith.constant 0.000000e+00 : f32
      %max3A_475 = vector.broadcast %max3A_474 : f32 to vector<16xf32>
      %max3A_476 = arith.maximumf %sub3A_473, %max3A_475 : vector<16xf32>
      %sub3A_477 = arith.subf %min3A_472, %max3A_470 : vector<16xf32>
      %max3A_478 = arith.constant 0.000000e+00 : f32
      %max3A_479 = vector.broadcast %max3A_478 : f32 to vector<16xf32>
      %max3A_480 = arith.maximumf %sub3A_477, %max3A_479 : vector<16xf32>
      %mul3A_481 = arith.mulf %max3A_476, %max3A_480 : vector<16xf32>
      %add3A_482 = arith.addf %mul3A_286, %get3A_448 : vector<16xf32>
      %sub3A_483 = arith.subf %add3A_482, %mul3A_481 : vector<16xf32>
      %add3A_484 = arith.constant 9.99999971E-10 : f32
      %add3A_485 = vector.broadcast %add3A_484 : f32 to vector<16xf32>
      %add3A_486 = arith.addf %sub3A_483, %add3A_485 : vector<16xf32>
      %div3A_487 = arith.divf %mul3A_481, %add3A_486 : vector<16xf32>
      %max3A_488 = arith.maximumf %max3A_438, %div3A_487 : vector<16xf32>
      %gt3A = arith.constant 5.000000e-01 : f32
      %gt3A_489 = vector.broadcast %gt3A : f32 to vector<16xf32>
      %gt3A_490 = arith.cmpf ogt, %max3A_468, %gt3A_489 : vector<16xf32>
      %all_reduce_population_count3A = tpu.all_reduce %gt3A_490 {dim = 0 : i64, kind = #tpu.reduction_kind<sum>} : vector<16xi1> -> vector<16xi32>
      %gt3A_491 = arith.constant 0 : i32
      %gt3A_492 = vector.broadcast %gt3A_491 : i32 to vector<16xi32>
      %gt3A_493 = arith.cmpi sgt, %all_reduce_population_count3A, %gt3A_492 : vector<16xi32>
      %lt3A_494 = arith.constant 5.000000e-02 : f32
      %lt3A_495 = vector.broadcast %lt3A_494 : f32 to vector<16xf32>
      %lt3A_496 = arith.cmpf olt, %gather3A_190, %lt3A_495 : vector<16xf32>
      %or3A = arith.ori %gt3A_493, %lt3A_496 : vector<16xi1>
      %convert_element_type3A_497 = arith.extui %or3A : vector<16xi1> to vector<16xi32>
      %lt3A_498 = arith.constant 100 : i32
      %lt3A_499 = vector.broadcast %lt3A_498 : i32 to vector<16xi32>
      %lt3A_500 = arith.cmpi slt, %scan3A_113, %lt3A_499 : vector<16xi32>
      %not3A = arith.constant dense<true> : vector<16xi1>
      %not3A_501 = arith.xori %or3A, %not3A : vector<16xi1>
      %and3A_502 = arith.andi %eq3A_91, %not3A_501 : vector<16xi1>
      %and3A_503 = arith.andi %and3A_502, %lt3A_500 : vector<16xi1>
      tpu.vector_store_idx %arg16[%scan3A_113], %gather3A_154 masked %and3A_503 : memref<112xf32, #tpu.memory_space<vmem>>[vector<16xi32>], vector<16xf32>, vector<16xi1>
      tpu.vector_store_idx %arg17[%scan3A_113], %gather3A_163 masked %and3A_503 : memref<112xf32, #tpu.memory_space<vmem>>[vector<16xi32>], vector<16xf32>, vector<16xi1>
      tpu.vector_store_idx %arg18[%scan3A_113], %gather3A_172 masked %and3A_503 : memref<112xf32, #tpu.memory_space<vmem>>[vector<16xi32>], vector<16xf32>, vector<16xi1>
      tpu.vector_store_idx %arg19[%scan3A_113], %gather3A_181 masked %and3A_503 : memref<112xf32, #tpu.memory_space<vmem>>[vector<16xi32>], vector<16xf32>, vector<16xi1>
      tpu.vector_store_idx %arg20[%scan3A_113], %mul3A_283 masked %and3A_503 : memref<112xf32, #tpu.memory_space<vmem>>[vector<16xi32>], vector<16xf32>, vector<16xi1>
      %mul3A_504 = arith.constant 5 : i32
      %mul3A_505 = vector.broadcast %mul3A_504 : i32 to vector<16xi32>
      %mul3A_506 = arith.muli %scan3A_113, %mul3A_505 : vector<16xi32>
      tpu.vector_store_idx %arg21[%mul3A_506], %gather3A_154 masked %and3A_503 : memref<500xf32, #tpu.memory_space<vmem>>[vector<16xi32>], vector<16xf32>, vector<16xi1>
      %add3A_507 = arith.constant 1 : i32
      %add3A_508 = vector.broadcast %add3A_507 : i32 to vector<16xi32>
      %add3A_509 = arith.addi %mul3A_506, %add3A_508 : vector<16xi32>
      tpu.vector_store_idx %arg21[%add3A_509], %gather3A_163 masked %and3A_503 : memref<500xf32, #tpu.memory_space<vmem>>[vector<16xi32>], vector<16xf32>, vector<16xi1>
      %add3A_510 = arith.constant 2 : i32
      %add3A_511 = vector.broadcast %add3A_510 : i32 to vector<16xi32>
      %add3A_512 = arith.addi %mul3A_506, %add3A_511 : vector<16xi32>
      tpu.vector_store_idx %arg21[%add3A_512], %gather3A_172 masked %and3A_503 : memref<500xf32, #tpu.memory_space<vmem>>[vector<16xi32>], vector<16xf32>, vector<16xi1>
      %add3A_513 = arith.constant 3 : i32
      %add3A_514 = vector.broadcast %add3A_513 : i32 to vector<16xi32>
      %add3A_515 = arith.addi %mul3A_506, %add3A_514 : vector<16xi32>
      tpu.vector_store_idx %arg21[%add3A_515], %gather3A_181 masked %and3A_503 : memref<500xf32, #tpu.memory_space<vmem>>[vector<16xi32>], vector<16xf32>, vector<16xi1>
      %add3A_516 = arith.constant 4 : i32
      %add3A_517 = vector.broadcast %add3A_516 : i32 to vector<16xi32>
      %add3A_518 = arith.addi %mul3A_506, %add3A_517 : vector<16xi32>
      tpu.vector_store_idx %arg21[%add3A_518], %gather3A_190 masked %and3A_503 : memref<500xf32, #tpu.memory_space<vmem>>[vector<16xi32>], vector<16xf32>, vector<16xi1>
      %max3A_519 = arith.maximumf %gather3A_154, %gather3A_244 : vector<16xf32>
      %max3A_520 = arith.maximumf %gather3A_163, %gather3A_253 : vector<16xf32>
      %min3A_521 = arith.minimumf %gather3A_172, %gather3A_262 : vector<16xf32>
      %min3A_522 = arith.minimumf %gather3A_181, %gather3A_271 : vector<16xf32>
      %sub3A_523 = arith.subf %min3A_521, %max3A_519 : vector<16xf32>
      %max3A_524 = arith.constant 0.000000e+00 : f32
      %max3A_525 = vector.broadcast %max3A_524 : f32 to vector<16xf32>
      %max3A_526 = arith.maximumf %sub3A_523, %max3A_525 : vector<16xf32>
      %sub3A_527 = arith.subf %min3A_522, %max3A_520 : vector<16xf32>
      %max3A_528 = arith.constant 0.000000e+00 : f32
      %max3A_529 = vector.broadcast %max3A_528 : f32 to vector<16xf32>
      %max3A_530 = arith.maximumf %sub3A_527, %max3A_529 : vector<16xf32>
      %mul3A_531 = arith.mulf %max3A_526, %max3A_530 : vector<16xf32>
      %add3A_532 = arith.addf %mul3A_283, %mul3A_286 : vector<16xf32>
      %sub3A_533 = arith.subf %add3A_532, %mul3A_531 : vector<16xf32>
      %add3A_534 = arith.constant 9.99999971E-10 : f32
      %add3A_535 = vector.broadcast %add3A_534 : f32 to vector<16xf32>
      %add3A_536 = arith.addf %sub3A_533, %add3A_535 : vector<16xf32>
      %div3A_537 = arith.divf %mul3A_531, %add3A_536 : vector<16xf32>
      %gt3A_538 = arith.constant 5.000000e-01 : f32
      %gt3A_539 = vector.broadcast %gt3A_538 : f32 to vector<16xf32>
      %gt3A_540 = arith.cmpf ogt, %max3A_488, %gt3A_539 : vector<16xf32>
      %all_reduce_population_count3A_541 = tpu.all_reduce %gt3A_540 {dim = 0 : i64, kind = #tpu.reduction_kind<sum>} : vector<16xi1> -> vector<16xi32>
      %gt3A_542 = arith.constant 0 : i32
      %gt3A_543 = vector.broadcast %gt3A_542 : i32 to vector<16xi32>
      %gt3A_544 = arith.cmpi sgt, %all_reduce_population_count3A_541, %gt3A_543 : vector<16xi32>
      %lt3A_545 = arith.constant 5.000000e-02 : f32
      %lt3A_546 = vector.broadcast %lt3A_545 : f32 to vector<16xf32>
      %lt3A_547 = arith.cmpf olt, %gather3A_280, %lt3A_546 : vector<16xf32>
      %or3A_548 = arith.ori %gt3A_544, %lt3A_547 : vector<16xi1>
      %not3A_549 = arith.constant dense<true> : vector<16xi1>
      %not3A_550 = arith.xori %or3A, %not3A_549 : vector<16xi1>
      %gt3A_551 = arith.constant 5.000000e-01 : f32
      %gt3A_552 = vector.broadcast %gt3A_551 : f32 to vector<16xf32>
      %gt3A_553 = arith.cmpf ogt, %div3A_537, %gt3A_552 : vector<16xf32>
      %and3A_554 = arith.andi %not3A_550, %gt3A_553 : vector<16xi1>
      %or3A_555 = arith.ori %or3A_548, %and3A_554 : vector<16xi1>
      %convert_element_type3A_556 = arith.extui %or3A_555 : vector<16xi1> to vector<16xi32>
      %sub3A_557 = arith.constant 1 : i32
      %sub3A_558 = vector.broadcast %sub3A_557 : i32 to vector<16xi32>
      %sub3A_559 = arith.subi %sub3A_558, %convert_element_type3A_497 : vector<16xi32>
      %jit3A_560 = arith.constant 0 : i32
      %broadcast_in_dim3A_561 = vector.broadcast %jit3A_560 : i32 to vector<16xi32>
      %select_n3A_562 = arith.select %lt3A_500, %sub3A_559, %broadcast_in_dim3A_561 : vector<16xi1>, vector<16xi32>
      %add3A_563 = arith.addi %scan3A_113, %select_n3A_562 : vector<16xi32>
      %lt3A_564 = arith.constant 100 : i32
      %lt3A_565 = vector.broadcast %lt3A_564 : i32 to vector<16xi32>
      %lt3A_566 = arith.cmpi slt, %add3A_563, %lt3A_565 : vector<16xi32>
      %not3A_567 = arith.constant dense<true> : vector<16xi1>
      %not3A_568 = arith.xori %or3A_555, %not3A_567 : vector<16xi1>
      %and3A_569 = arith.andi %eq3A_91, %not3A_568 : vector<16xi1>
      %and3A_570 = arith.andi %and3A_569, %lt3A_566 : vector<16xi1>
      tpu.vector_store_idx %arg16[%add3A_563], %gather3A_244 masked %and3A_570 : memref<112xf32, #tpu.memory_space<vmem>>[vector<16xi32>], vector<16xf32>, vector<16xi1>
      tpu.vector_store_idx %arg17[%add3A_563], %gather3A_253 masked %and3A_570 : memref<112xf32, #tpu.memory_space<vmem>>[vector<16xi32>], vector<16xf32>, vector<16xi1>
      tpu.vector_store_idx %arg18[%add3A_563], %gather3A_262 masked %and3A_570 : memref<112xf32, #tpu.memory_space<vmem>>[vector<16xi32>], vector<16xf32>, vector<16xi1>
      tpu.vector_store_idx %arg19[%add3A_563], %gather3A_271 masked %and3A_570 : memref<112xf32, #tpu.memory_space<vmem>>[vector<16xi32>], vector<16xf32>, vector<16xi1>
      tpu.vector_store_idx %arg20[%add3A_563], %mul3A_286 masked %and3A_570 : memref<112xf32, #tpu.memory_space<vmem>>[vector<16xi32>], vector<16xf32>, vector<16xi1>
      %mul3A_571 = arith.constant 5 : i32
      %mul3A_572 = vector.broadcast %mul3A_571 : i32 to vector<16xi32>
      %mul3A_573 = arith.muli %add3A_563, %mul3A_572 : vector<16xi32>
      tpu.vector_store_idx %arg21[%mul3A_573], %gather3A_244 masked %and3A_570 : memref<500xf32, #tpu.memory_space<vmem>>[vector<16xi32>], vector<16xf32>, vector<16xi1>
      %add3A_574 = arith.constant 1 : i32
      %add3A_575 = vector.broadcast %add3A_574 : i32 to vector<16xi32>
      %add3A_576 = arith.addi %mul3A_573, %add3A_575 : vector<16xi32>
      tpu.vector_store_idx %arg21[%add3A_576], %gather3A_253 masked %and3A_570 : memref<500xf32, #tpu.memory_space<vmem>>[vector<16xi32>], vector<16xf32>, vector<16xi1>
      %add3A_577 = arith.constant 2 : i32
      %add3A_578 = vector.broadcast %add3A_577 : i32 to vector<16xi32>
      %add3A_579 = arith.addi %mul3A_573, %add3A_578 : vector<16xi32>
      tpu.vector_store_idx %arg21[%add3A_579], %gather3A_262 masked %and3A_570 : memref<500xf32, #tpu.memory_space<vmem>>[vector<16xi32>], vector<16xf32>, vector<16xi1>
      %add3A_580 = arith.constant 3 : i32
      %add3A_581 = vector.broadcast %add3A_580 : i32 to vector<16xi32>
      %add3A_582 = arith.addi %mul3A_573, %add3A_581 : vector<16xi32>
      tpu.vector_store_idx %arg21[%add3A_582], %gather3A_271 masked %and3A_570 : memref<500xf32, #tpu.memory_space<vmem>>[vector<16xi32>], vector<16xf32>, vector<16xi1>
      %add3A_583 = arith.constant 4 : i32
      %add3A_584 = vector.broadcast %add3A_583 : i32 to vector<16xi32>
      %add3A_585 = arith.addi %mul3A_573, %add3A_584 : vector<16xi32>
      tpu.vector_store_idx %arg21[%add3A_585], %gather3A_280 masked %and3A_570 : memref<500xf32, #tpu.memory_space<vmem>>[vector<16xi32>], vector<16xf32>, vector<16xi1>
      %sub3A_586 = arith.constant 1 : i32
      %sub3A_587 = vector.broadcast %sub3A_586 : i32 to vector<16xi32>
      %sub3A_588 = arith.subi %sub3A_587, %convert_element_type3A_556 : vector<16xi32>
      %jit3A_589 = arith.constant 0 : i32
      %broadcast_in_dim3A_590 = vector.broadcast %jit3A_589 : i32 to vector<16xi32>
      %select_n3A_591 = arith.select %lt3A_566, %sub3A_588, %broadcast_in_dim3A_590 : vector<16xi1>, vector<16xi32>
      %add3A_592 = arith.addi %add3A_563, %select_n3A_591 : vector<16xi32>
      scf.yield %add3A_592 : vector<16xi32>
    }
    %scan3A_98 = arith.constant 26 : i32
    %scan3A_99 = arith.constant 26 : i32
    %scan3A_100 = arith.constant 38 : i32
    %scan3A_101 = arith.addi %scan3A_99, %scan3A_100 : i32
    %scan3A_102 = arith.constant 1 : i32
    %scan3A_103 = scf.for %scan3A_112 = %scan3A_99 to %scan3A_101 step %scan3A_102 iter_args(%scan3A_113 = %scan3A_97) -> (vector<16xi32>)  : i32 {
      %mul3A = arith.constant 2 : i32
      %mul3A_114 = arith.muli %scan3A_112, %mul3A : i32
      %jit3A = arith.constant 16 : i32
      %div3A = arith.divsi %mul3A_114, %jit3A : i32
      %sign3A = arith.constant 0 : i32
      %sign3A_115 = arith.cmpi sgt, %mul3A_114, %sign3A : i32
      %sign3A_116 = arith.extui %sign3A_115 : i1 to i32
      %sign3A_117 = arith.constant 0 : i32
      %sign3A_118 = arith.cmpi slt, %mul3A_114, %sign3A_117 : i32
      %sign3A_119 = arith.extui %sign3A_118 : i1 to i32
      %sign3A_120 = arith.subi %sign3A_116, %sign3A_119 : i32
      %sign3A_121 = arith.constant 0 : i32
      %sign3A_122 = arith.cmpi sgt, %jit3A, %sign3A_121 : i32
      %sign3A_123 = arith.extui %sign3A_122 : i1 to i32
      %sign3A_124 = arith.constant 0 : i32
      %sign3A_125 = arith.cmpi slt, %jit3A, %sign3A_124 : i32
      %sign3A_126 = arith.extui %sign3A_125 : i1 to i32
      %sign3A_127 = arith.subi %sign3A_123, %sign3A_126 : i32
      %ne3A = arith.cmpi ne, %sign3A_120, %sign3A_127 : i32
      %rem3A = arith.remsi %mul3A_114, %jit3A : i32
      %ne3A_128 = arith.constant 0 : i32
      %ne3A_129 = arith.cmpi ne, %rem3A, %ne3A_128 : i32
      %and3A_130 = arith.andi %ne3A, %ne3A_129 : i1
      %sub3A = arith.constant 1 : i32
      %sub3A_131 = arith.subi %div3A, %sub3A : i32
      %select_n3A = arith.select %and3A_130, %sub3A_131, %div3A : i32
      %mul3A_132 = arith.constant 16 : i32
      %mul3A_133 = arith.muli %select_n3A, %mul3A_132 : i32
      %multiple_of3A = tpu.assume_multiple %mul3A_133, 16 : i32
      %jit3A_134 = arith.constant 16 : i32
      %eq3A_135 = arith.constant 0 : i32
      %eq3A_136 = arith.cmpi eq, %jit3A_134, %eq3A_135 : i32
      %jit3A_137 = arith.constant 1 : i32
      %select_n3A_138 = arith.select %eq3A_136, %jit3A_137, %jit3A_134 : i32
      %rem3A_139 = arith.remsi %mul3A_114, %select_n3A_138 : i32
      %ne3A_140 = arith.constant 0 : i32
      %ne3A_141 = arith.cmpi ne, %rem3A_139, %ne3A_140 : i32
      %lt3A = arith.constant 0 : i32
      %lt3A_142 = arith.cmpi slt, %rem3A_139, %lt3A : i32
      %lt3A_143 = arith.constant 0 : i32
      %lt3A_144 = arith.cmpi slt, %select_n3A_138, %lt3A_143 : i32
      %ne3A_145 = arith.xori %lt3A_142, %lt3A_144 : i1
      %and3A_146 = arith.andi %ne3A_145, %ne3A_141 : i1
      %add3A = arith.addi %rem3A_139, %select_n3A_138 : i32
      %select_n3A_147 = arith.select %and3A_146, %add3A, %rem3A_139 : i32
      %get3A = arith.index_cast %multiple_of3A : i32 to index
      %get3A_148 = tpu.vector_load %arg11[%get3A] {strides = array<i32>} : memref<128xf32, #tpu.memory_space<vmem>>, vector<16xf32>,
      %broadcast_in_dim3A_149 = arith.constant 0 : i32
      %broadcast_in_dim3A_150 = vector.broadcast %broadcast_in_dim3A_149 : i32 to vector<16xi32>
      %add3A_151 = vector.broadcast %select_n3A_147 : i32 to vector<16xi32>
      %add3A_152 = arith.addi %broadcast_in_dim3A_150, %add3A_151 : vector<16xi32>
      %broadcast_in_dim3A_153 = vector.shape_cast %add3A_152 : vector<16xi32> to vector<16x1xi32>
      %gather3A = vector.shape_cast %broadcast_in_dim3A_153 : vector<16x1xi32> to vector<16xi32>
      %gather3A_154 = tpu.dynamic_gather %get3A_148[%gather3A] in [0] : vector<16xf32>, vector<16xi32> -> vector<16xf32>
      %get3A_155 = arith.index_cast %multiple_of3A : i32 to index
      %get3A_156 = tpu.vector_load %arg12[%get3A_155] {strides = array<i32>} : memref<128xf32, #tpu.memory_space<vmem>>, vector<16xf32>,
      %broadcast_in_dim3A_157 = arith.constant 0 : i32
      %broadcast_in_dim3A_158 = vector.broadcast %broadcast_in_dim3A_157 : i32 to vector<16xi32>
      %add3A_159 = vector.broadcast %select_n3A_147 : i32 to vector<16xi32>
      %add3A_160 = arith.addi %broadcast_in_dim3A_158, %add3A_159 : vector<16xi32>
      %broadcast_in_dim3A_161 = vector.shape_cast %add3A_160 : vector<16xi32> to vector<16x1xi32>
      %gather3A_162 = vector.shape_cast %broadcast_in_dim3A_161 : vector<16x1xi32> to vector<16xi32>
      %gather3A_163 = tpu.dynamic_gather %get3A_156[%gather3A_162] in [0] : vector<16xf32>, vector<16xi32> -> vector<16xf32>
      %get3A_164 = arith.index_cast %multiple_of3A : i32 to index
      %get3A_165 = tpu.vector_load %arg13[%get3A_164] {strides = array<i32>} : memref<128xf32, #tpu.memory_space<vmem>>, vector<16xf32>,
      %broadcast_in_dim3A_166 = arith.constant 0 : i32
      %broadcast_in_dim3A_167 = vector.broadcast %broadcast_in_dim3A_166 : i32 to vector<16xi32>
      %add3A_168 = vector.broadcast %select_n3A_147 : i32 to vector<16xi32>
      %add3A_169 = arith.addi %broadcast_in_dim3A_167, %add3A_168 : vector<16xi32>
      %broadcast_in_dim3A_170 = vector.shape_cast %add3A_169 : vector<16xi32> to vector<16x1xi32>
      %gather3A_171 = vector.shape_cast %broadcast_in_dim3A_170 : vector<16x1xi32> to vector<16xi32>
      %gather3A_172 = tpu.dynamic_gather %get3A_165[%gather3A_171] in [0] : vector<16xf32>, vector<16xi32> -> vector<16xf32>
      %get3A_173 = arith.index_cast %multiple_of3A : i32 to index
      %get3A_174 = tpu.vector_load %arg14[%get3A_173] {strides = array<i32>} : memref<128xf32, #tpu.memory_space<vmem>>, vector<16xf32>,
      %broadcast_in_dim3A_175 = arith.constant 0 : i32
      %broadcast_in_dim3A_176 = vector.broadcast %broadcast_in_dim3A_175 : i32 to vector<16xi32>
      %add3A_177 = vector.broadcast %select_n3A_147 : i32 to vector<16xi32>
      %add3A_178 = arith.addi %broadcast_in_dim3A_176, %add3A_177 : vector<16xi32>
      %broadcast_in_dim3A_179 = vector.shape_cast %add3A_178 : vector<16xi32> to vector<16x1xi32>
      %gather3A_180 = vector.shape_cast %broadcast_in_dim3A_179 : vector<16x1xi32> to vector<16xi32>
      %gather3A_181 = tpu.dynamic_gather %get3A_174[%gather3A_180] in [0] : vector<16xf32>, vector<16xi32> -> vector<16xf32>
      %get3A_182 = arith.index_cast %multiple_of3A : i32 to index
      %get3A_183 = tpu.vector_load %arg15[%get3A_182] {strides = array<i32>} : memref<128xf32, #tpu.memory_space<vmem>>, vector<16xf32>,
      %broadcast_in_dim3A_184 = arith.constant 0 : i32
      %broadcast_in_dim3A_185 = vector.broadcast %broadcast_in_dim3A_184 : i32 to vector<16xi32>
      %add3A_186 = vector.broadcast %select_n3A_147 : i32 to vector<16xi32>
      %add3A_187 = arith.addi %broadcast_in_dim3A_185, %add3A_186 : vector<16xi32>
      %broadcast_in_dim3A_188 = vector.shape_cast %add3A_187 : vector<16xi32> to vector<16x1xi32>
      %gather3A_189 = vector.shape_cast %broadcast_in_dim3A_188 : vector<16x1xi32> to vector<16xi32>
      %gather3A_190 = tpu.dynamic_gather %get3A_183[%gather3A_189] in [0] : vector<16xf32>, vector<16xi32> -> vector<16xf32>
      %add3A_191 = arith.constant 1 : i32
      %add3A_192 = arith.addi %mul3A_114, %add3A_191 : i32
      %jit3A_193 = arith.constant 16 : i32
      %div3A_194 = arith.divsi %add3A_192, %jit3A_193 : i32
      %sign3A_195 = arith.constant 0 : i32
      %sign3A_196 = arith.cmpi sgt, %add3A_192, %sign3A_195 : i32
      %sign3A_197 = arith.extui %sign3A_196 : i1 to i32
      %sign3A_198 = arith.constant 0 : i32
      %sign3A_199 = arith.cmpi slt, %add3A_192, %sign3A_198 : i32
      %sign3A_200 = arith.extui %sign3A_199 : i1 to i32
      %sign3A_201 = arith.subi %sign3A_197, %sign3A_200 : i32
      %sign3A_202 = arith.constant 0 : i32
      %sign3A_203 = arith.cmpi sgt, %jit3A_193, %sign3A_202 : i32
      %sign3A_204 = arith.extui %sign3A_203 : i1 to i32
      %sign3A_205 = arith.constant 0 : i32
      %sign3A_206 = arith.cmpi slt, %jit3A_193, %sign3A_205 : i32
      %sign3A_207 = arith.extui %sign3A_206 : i1 to i32
      %sign3A_208 = arith.subi %sign3A_204, %sign3A_207 : i32
      %ne3A_209 = arith.cmpi ne, %sign3A_201, %sign3A_208 : i32
      %rem3A_210 = arith.remsi %add3A_192, %jit3A_193 : i32
      %ne3A_211 = arith.constant 0 : i32
      %ne3A_212 = arith.cmpi ne, %rem3A_210, %ne3A_211 : i32
      %and3A_213 = arith.andi %ne3A_209, %ne3A_212 : i1
      %sub3A_214 = arith.constant 1 : i32
      %sub3A_215 = arith.subi %div3A_194, %sub3A_214 : i32
      %select_n3A_216 = arith.select %and3A_213, %sub3A_215, %div3A_194 : i32
      %mul3A_217 = arith.constant 16 : i32
      %mul3A_218 = arith.muli %select_n3A_216, %mul3A_217 : i32
      %multiple_of3A_219 = tpu.assume_multiple %mul3A_218, 16 : i32
      %jit3A_220 = arith.constant 16 : i32
      %eq3A_221 = arith.constant 0 : i32
      %eq3A_222 = arith.cmpi eq, %jit3A_220, %eq3A_221 : i32
      %jit3A_223 = arith.constant 1 : i32
      %select_n3A_224 = arith.select %eq3A_222, %jit3A_223, %jit3A_220 : i32
      %rem3A_225 = arith.remsi %add3A_192, %select_n3A_224 : i32
      %ne3A_226 = arith.constant 0 : i32
      %ne3A_227 = arith.cmpi ne, %rem3A_225, %ne3A_226 : i32
      %lt3A_228 = arith.constant 0 : i32
      %lt3A_229 = arith.cmpi slt, %rem3A_225, %lt3A_228 : i32
      %lt3A_230 = arith.constant 0 : i32
      %lt3A_231 = arith.cmpi slt, %select_n3A_224, %lt3A_230 : i32
      %ne3A_232 = arith.xori %lt3A_229, %lt3A_231 : i1
      %and3A_233 = arith.andi %ne3A_232, %ne3A_227 : i1
      %add3A_234 = arith.addi %rem3A_225, %select_n3A_224 : i32
      %select_n3A_235 = arith.select %and3A_233, %add3A_234, %rem3A_225 : i32
      %get3A_236 = arith.index_cast %multiple_of3A_219 : i32 to index
      %get3A_237 = tpu.vector_load %arg11[%get3A_236] {strides = array<i32>} : memref<128xf32, #tpu.memory_space<vmem>>, vector<16xf32>,
      %broadcast_in_dim3A_238 = arith.constant 0 : i32
      %broadcast_in_dim3A_239 = vector.broadcast %broadcast_in_dim3A_238 : i32 to vector<16xi32>
      %add3A_240 = vector.broadcast %select_n3A_235 : i32 to vector<16xi32>
      %add3A_241 = arith.addi %broadcast_in_dim3A_239, %add3A_240 : vector<16xi32>
      %broadcast_in_dim3A_242 = vector.shape_cast %add3A_241 : vector<16xi32> to vector<16x1xi32>
      %gather3A_243 = vector.shape_cast %broadcast_in_dim3A_242 : vector<16x1xi32> to vector<16xi32>
      %gather3A_244 = tpu.dynamic_gather %get3A_237[%gather3A_243] in [0] : vector<16xf32>, vector<16xi32> -> vector<16xf32>
      %get3A_245 = arith.index_cast %multiple_of3A_219 : i32 to index
      %get3A_246 = tpu.vector_load %arg12[%get3A_245] {strides = array<i32>} : memref<128xf32, #tpu.memory_space<vmem>>, vector<16xf32>,
      %broadcast_in_dim3A_247 = arith.constant 0 : i32
      %broadcast_in_dim3A_248 = vector.broadcast %broadcast_in_dim3A_247 : i32 to vector<16xi32>
      %add3A_249 = vector.broadcast %select_n3A_235 : i32 to vector<16xi32>
      %add3A_250 = arith.addi %broadcast_in_dim3A_248, %add3A_249 : vector<16xi32>
      %broadcast_in_dim3A_251 = vector.shape_cast %add3A_250 : vector<16xi32> to vector<16x1xi32>
      %gather3A_252 = vector.shape_cast %broadcast_in_dim3A_251 : vector<16x1xi32> to vector<16xi32>
      %gather3A_253 = tpu.dynamic_gather %get3A_246[%gather3A_252] in [0] : vector<16xf32>, vector<16xi32> -> vector<16xf32>
      %get3A_254 = arith.index_cast %multiple_of3A_219 : i32 to index
      %get3A_255 = tpu.vector_load %arg13[%get3A_254] {strides = array<i32>} : memref<128xf32, #tpu.memory_space<vmem>>, vector<16xf32>,
      %broadcast_in_dim3A_256 = arith.constant 0 : i32
      %broadcast_in_dim3A_257 = vector.broadcast %broadcast_in_dim3A_256 : i32 to vector<16xi32>
      %add3A_258 = vector.broadcast %select_n3A_235 : i32 to vector<16xi32>
      %add3A_259 = arith.addi %broadcast_in_dim3A_257, %add3A_258 : vector<16xi32>
      %broadcast_in_dim3A_260 = vector.shape_cast %add3A_259 : vector<16xi32> to vector<16x1xi32>
      %gather3A_261 = vector.shape_cast %broadcast_in_dim3A_260 : vector<16x1xi32> to vector<16xi32>
      %gather3A_262 = tpu.dynamic_gather %get3A_255[%gather3A_261] in [0] : vector<16xf32>, vector<16xi32> -> vector<16xf32>
      %get3A_263 = arith.index_cast %multiple_of3A_219 : i32 to index
      %get3A_264 = tpu.vector_load %arg14[%get3A_263] {strides = array<i32>} : memref<128xf32, #tpu.memory_space<vmem>>, vector<16xf32>,
      %broadcast_in_dim3A_265 = arith.constant 0 : i32
      %broadcast_in_dim3A_266 = vector.broadcast %broadcast_in_dim3A_265 : i32 to vector<16xi32>
      %add3A_267 = vector.broadcast %select_n3A_235 : i32 to vector<16xi32>
      %add3A_268 = arith.addi %broadcast_in_dim3A_266, %add3A_267 : vector<16xi32>
      %broadcast_in_dim3A_269 = vector.shape_cast %add3A_268 : vector<16xi32> to vector<16x1xi32>
      %gather3A_270 = vector.shape_cast %broadcast_in_dim3A_269 : vector<16x1xi32> to vector<16xi32>
      %gather3A_271 = tpu.dynamic_gather %get3A_264[%gather3A_270] in [0] : vector<16xf32>, vector<16xi32> -> vector<16xf32>
      %get3A_272 = arith.index_cast %multiple_of3A_219 : i32 to index
      %get3A_273 = tpu.vector_load %arg15[%get3A_272] {strides = array<i32>} : memref<128xf32, #tpu.memory_space<vmem>>, vector<16xf32>,
      %broadcast_in_dim3A_274 = arith.constant 0 : i32
      %broadcast_in_dim3A_275 = vector.broadcast %broadcast_in_dim3A_274 : i32 to vector<16xi32>
      %add3A_276 = vector.broadcast %select_n3A_235 : i32 to vector<16xi32>
      %add3A_277 = arith.addi %broadcast_in_dim3A_275, %add3A_276 : vector<16xi32>
      %broadcast_in_dim3A_278 = vector.shape_cast %add3A_277 : vector<16xi32> to vector<16x1xi32>
      %gather3A_279 = vector.shape_cast %broadcast_in_dim3A_278 : vector<16x1xi32> to vector<16xi32>
      %gather3A_280 = tpu.dynamic_gather %get3A_273[%gather3A_279] in [0] : vector<16xf32>, vector<16xi32> -> vector<16xf32>
      %sub3A_281 = arith.subf %gather3A_172, %gather3A_154 : vector<16xf32>
      %sub3A_282 = arith.subf %gather3A_181, %gather3A_163 : vector<16xf32>
      %mul3A_283 = arith.mulf %sub3A_281, %sub3A_282 : vector<16xf32>
      %sub3A_284 = arith.subf %gather3A_262, %gather3A_244 : vector<16xf32>
      %sub3A_285 = arith.subf %gather3A_271, %gather3A_253 : vector<16xf32>
      %mul3A_286 = arith.mulf %sub3A_284, %sub3A_285 : vector<16xf32>
      %broadcast_in_dim3A_287 = arith.constant 0.000000e+00 : f32
      %broadcast_in_dim3A_288 = vector.broadcast %broadcast_in_dim3A_287 : f32 to vector<16xf32>
      %broadcast_in_dim3A_289 = arith.constant 0.000000e+00 : f32
      %broadcast_in_dim3A_290 = vector.broadcast %broadcast_in_dim3A_289 : f32 to vector<16xf32>
      %get3A_291 = arith.constant 0 : index
      %get3A_292 = tpu.vector_load %arg16[%get3A_291] {strides = array<i32>} : memref<112xf32, #tpu.memory_space<vmem>>, vector<16xf32>,
      %get3A_293 = arith.constant 0 : index
      %get3A_294 = tpu.vector_load %arg17[%get3A_293] {strides = array<i32>} : memref<112xf32, #tpu.memory_space<vmem>>, vector<16xf32>,
      %get3A_295 = arith.constant 0 : index
      %get3A_296 = tpu.vector_load %arg18[%get3A_295] {strides = array<i32>} : memref<112xf32, #tpu.memory_space<vmem>>, vector<16xf32>,
      %get3A_297 = arith.constant 0 : index
      %get3A_298 = tpu.vector_load %arg19[%get3A_297] {strides = array<i32>} : memref<112xf32, #tpu.memory_space<vmem>>, vector<16xf32>,
      %get3A_299 = arith.constant 0 : index
      %get3A_300 = tpu.vector_load %arg20[%get3A_299] {strides = array<i32>} : memref<112xf32, #tpu.memory_space<vmem>>, vector<16xf32>,
      %max3A = arith.maximumf %gather3A_154, %get3A_292 : vector<16xf32>
      %max3A_301 = arith.maximumf %gather3A_163, %get3A_294 : vector<16xf32>
      %min3A = arith.minimumf %gather3A_172, %get3A_296 : vector<16xf32>
      %min3A_302 = arith.minimumf %gather3A_181, %get3A_298 : vector<16xf32>
      %sub3A_303 = arith.subf %min3A, %max3A : vector<16xf32>
      %max3A_304 = arith.constant 0.000000e+00 : f32
      %max3A_305 = vector.broadcast %max3A_304 : f32 to vector<16xf32>
      %max3A_306 = arith.maximumf %sub3A_303, %max3A_305 : vector<16xf32>
      %sub3A_307 = arith.subf %min3A_302, %max3A_301 : vector<16xf32>
      %max3A_308 = arith.constant 0.000000e+00 : f32
      %max3A_309 = vector.broadcast %max3A_308 : f32 to vector<16xf32>
      %max3A_310 = arith.maximumf %sub3A_307, %max3A_309 : vector<16xf32>
      %mul3A_311 = arith.mulf %max3A_306, %max3A_310 : vector<16xf32>
      %add3A_312 = arith.addf %mul3A_283, %get3A_300 : vector<16xf32>
      %sub3A_313 = arith.subf %add3A_312, %mul3A_311 : vector<16xf32>
      %add3A_314 = arith.constant 9.99999971E-10 : f32
      %add3A_315 = vector.broadcast %add3A_314 : f32 to vector<16xf32>
      %add3A_316 = arith.addf %sub3A_313, %add3A_315 : vector<16xf32>
      %div3A_317 = arith.divf %mul3A_311, %add3A_316 : vector<16xf32>
      %max3A_318 = arith.maximumf %broadcast_in_dim3A_288, %div3A_317 : vector<16xf32>
      %max3A_319 = arith.maximumf %gather3A_244, %get3A_292 : vector<16xf32>
      %max3A_320 = arith.maximumf %gather3A_253, %get3A_294 : vector<16xf32>
      %min3A_321 = arith.minimumf %gather3A_262, %get3A_296 : vector<16xf32>
      %min3A_322 = arith.minimumf %gather3A_271, %get3A_298 : vector<16xf32>
      %sub3A_323 = arith.subf %min3A_321, %max3A_319 : vector<16xf32>
      %max3A_324 = arith.constant 0.000000e+00 : f32
      %max3A_325 = vector.broadcast %max3A_324 : f32 to vector<16xf32>
      %max3A_326 = arith.maximumf %sub3A_323, %max3A_325 : vector<16xf32>
      %sub3A_327 = arith.subf %min3A_322, %max3A_320 : vector<16xf32>
      %max3A_328 = arith.constant 0.000000e+00 : f32
      %max3A_329 = vector.broadcast %max3A_328 : f32 to vector<16xf32>
      %max3A_330 = arith.maximumf %sub3A_327, %max3A_329 : vector<16xf32>
      %mul3A_331 = arith.mulf %max3A_326, %max3A_330 : vector<16xf32>
      %add3A_332 = arith.addf %mul3A_286, %get3A_300 : vector<16xf32>
      %sub3A_333 = arith.subf %add3A_332, %mul3A_331 : vector<16xf32>
      %add3A_334 = arith.constant 9.99999971E-10 : f32
      %add3A_335 = vector.broadcast %add3A_334 : f32 to vector<16xf32>
      %add3A_336 = arith.addf %sub3A_333, %add3A_335 : vector<16xf32>
      %div3A_337 = arith.divf %mul3A_331, %add3A_336 : vector<16xf32>
      %max3A_338 = arith.maximumf %broadcast_in_dim3A_290, %div3A_337 : vector<16xf32>
      %get3A_339 = arith.constant 16 : index
      %get3A_340 = tpu.vector_load %arg16[%get3A_339] {strides = array<i32>} : memref<112xf32, #tpu.memory_space<vmem>>, vector<16xf32>,
      %get3A_341 = arith.constant 16 : index
      %get3A_342 = tpu.vector_load %arg17[%get3A_341] {strides = array<i32>} : memref<112xf32, #tpu.memory_space<vmem>>, vector<16xf32>,
      %get3A_343 = arith.constant 16 : index
      %get3A_344 = tpu.vector_load %arg18[%get3A_343] {strides = array<i32>} : memref<112xf32, #tpu.memory_space<vmem>>, vector<16xf32>,
      %get3A_345 = arith.constant 16 : index
      %get3A_346 = tpu.vector_load %arg19[%get3A_345] {strides = array<i32>} : memref<112xf32, #tpu.memory_space<vmem>>, vector<16xf32>,
      %get3A_347 = arith.constant 16 : index
      %get3A_348 = tpu.vector_load %arg20[%get3A_347] {strides = array<i32>} : memref<112xf32, #tpu.memory_space<vmem>>, vector<16xf32>,
      %max3A_349 = arith.maximumf %gather3A_154, %get3A_340 : vector<16xf32>
      %max3A_350 = arith.maximumf %gather3A_163, %get3A_342 : vector<16xf32>
      %min3A_351 = arith.minimumf %gather3A_172, %get3A_344 : vector<16xf32>
      %min3A_352 = arith.minimumf %gather3A_181, %get3A_346 : vector<16xf32>
      %sub3A_353 = arith.subf %min3A_351, %max3A_349 : vector<16xf32>
      %max3A_354 = arith.constant 0.000000e+00 : f32
      %max3A_355 = vector.broadcast %max3A_354 : f32 to vector<16xf32>
      %max3A_356 = arith.maximumf %sub3A_353, %max3A_355 : vector<16xf32>
      %sub3A_357 = arith.subf %min3A_352, %max3A_350 : vector<16xf32>
      %max3A_358 = arith.constant 0.000000e+00 : f32
      %max3A_359 = vector.broadcast %max3A_358 : f32 to vector<16xf32>
      %max3A_360 = arith.maximumf %sub3A_357, %max3A_359 : vector<16xf32>
      %mul3A_361 = arith.mulf %max3A_356, %max3A_360 : vector<16xf32>
      %add3A_362 = arith.addf %mul3A_283, %get3A_348 : vector<16xf32>
      %sub3A_363 = arith.subf %add3A_362, %mul3A_361 : vector<16xf32>
      %add3A_364 = arith.constant 9.99999971E-10 : f32
      %add3A_365 = vector.broadcast %add3A_364 : f32 to vector<16xf32>
      %add3A_366 = arith.addf %sub3A_363, %add3A_365 : vector<16xf32>
      %div3A_367 = arith.divf %mul3A_361, %add3A_366 : vector<16xf32>
      %max3A_368 = arith.maximumf %max3A_318, %div3A_367 : vector<16xf32>
      %max3A_369 = arith.maximumf %gather3A_244, %get3A_340 : vector<16xf32>
      %max3A_370 = arith.maximumf %gather3A_253, %get3A_342 : vector<16xf32>
      %min3A_371 = arith.minimumf %gather3A_262, %get3A_344 : vector<16xf32>
      %min3A_372 = arith.minimumf %gather3A_271, %get3A_346 : vector<16xf32>
      %sub3A_373 = arith.subf %min3A_371, %max3A_369 : vector<16xf32>
      %max3A_374 = arith.constant 0.000000e+00 : f32
      %max3A_375 = vector.broadcast %max3A_374 : f32 to vector<16xf32>
      %max3A_376 = arith.maximumf %sub3A_373, %max3A_375 : vector<16xf32>
      %sub3A_377 = arith.subf %min3A_372, %max3A_370 : vector<16xf32>
      %max3A_378 = arith.constant 0.000000e+00 : f32
      %max3A_379 = vector.broadcast %max3A_378 : f32 to vector<16xf32>
      %max3A_380 = arith.maximumf %sub3A_377, %max3A_379 : vector<16xf32>
      %mul3A_381 = arith.mulf %max3A_376, %max3A_380 : vector<16xf32>
      %add3A_382 = arith.addf %mul3A_286, %get3A_348 : vector<16xf32>
      %sub3A_383 = arith.subf %add3A_382, %mul3A_381 : vector<16xf32>
      %add3A_384 = arith.constant 9.99999971E-10 : f32
      %add3A_385 = vector.broadcast %add3A_384 : f32 to vector<16xf32>
      %add3A_386 = arith.addf %sub3A_383, %add3A_385 : vector<16xf32>
      %div3A_387 = arith.divf %mul3A_381, %add3A_386 : vector<16xf32>
      %max3A_388 = arith.maximumf %max3A_338, %div3A_387 : vector<16xf32>
      %get3A_389 = arith.constant 32 : index
      %get3A_390 = tpu.vector_load %arg16[%get3A_389] {strides = array<i32>} : memref<112xf32, #tpu.memory_space<vmem>>, vector<16xf32>,
      %get3A_391 = arith.constant 32 : index
      %get3A_392 = tpu.vector_load %arg17[%get3A_391] {strides = array<i32>} : memref<112xf32, #tpu.memory_space<vmem>>, vector<16xf32>,
      %get3A_393 = arith.constant 32 : index
      %get3A_394 = tpu.vector_load %arg18[%get3A_393] {strides = array<i32>} : memref<112xf32, #tpu.memory_space<vmem>>, vector<16xf32>,
      %get3A_395 = arith.constant 32 : index
      %get3A_396 = tpu.vector_load %arg19[%get3A_395] {strides = array<i32>} : memref<112xf32, #tpu.memory_space<vmem>>, vector<16xf32>,
      %get3A_397 = arith.constant 32 : index
      %get3A_398 = tpu.vector_load %arg20[%get3A_397] {strides = array<i32>} : memref<112xf32, #tpu.memory_space<vmem>>, vector<16xf32>,
      %max3A_399 = arith.maximumf %gather3A_154, %get3A_390 : vector<16xf32>
      %max3A_400 = arith.maximumf %gather3A_163, %get3A_392 : vector<16xf32>
      %min3A_401 = arith.minimumf %gather3A_172, %get3A_394 : vector<16xf32>
      %min3A_402 = arith.minimumf %gather3A_181, %get3A_396 : vector<16xf32>
      %sub3A_403 = arith.subf %min3A_401, %max3A_399 : vector<16xf32>
      %max3A_404 = arith.constant 0.000000e+00 : f32
      %max3A_405 = vector.broadcast %max3A_404 : f32 to vector<16xf32>
      %max3A_406 = arith.maximumf %sub3A_403, %max3A_405 : vector<16xf32>
      %sub3A_407 = arith.subf %min3A_402, %max3A_400 : vector<16xf32>
      %max3A_408 = arith.constant 0.000000e+00 : f32
      %max3A_409 = vector.broadcast %max3A_408 : f32 to vector<16xf32>
      %max3A_410 = arith.maximumf %sub3A_407, %max3A_409 : vector<16xf32>
      %mul3A_411 = arith.mulf %max3A_406, %max3A_410 : vector<16xf32>
      %add3A_412 = arith.addf %mul3A_283, %get3A_398 : vector<16xf32>
      %sub3A_413 = arith.subf %add3A_412, %mul3A_411 : vector<16xf32>
      %add3A_414 = arith.constant 9.99999971E-10 : f32
      %add3A_415 = vector.broadcast %add3A_414 : f32 to vector<16xf32>
      %add3A_416 = arith.addf %sub3A_413, %add3A_415 : vector<16xf32>
      %div3A_417 = arith.divf %mul3A_411, %add3A_416 : vector<16xf32>
      %max3A_418 = arith.maximumf %max3A_368, %div3A_417 : vector<16xf32>
      %max3A_419 = arith.maximumf %gather3A_244, %get3A_390 : vector<16xf32>
      %max3A_420 = arith.maximumf %gather3A_253, %get3A_392 : vector<16xf32>
      %min3A_421 = arith.minimumf %gather3A_262, %get3A_394 : vector<16xf32>
      %min3A_422 = arith.minimumf %gather3A_271, %get3A_396 : vector<16xf32>
      %sub3A_423 = arith.subf %min3A_421, %max3A_419 : vector<16xf32>
      %max3A_424 = arith.constant 0.000000e+00 : f32
      %max3A_425 = vector.broadcast %max3A_424 : f32 to vector<16xf32>
      %max3A_426 = arith.maximumf %sub3A_423, %max3A_425 : vector<16xf32>
      %sub3A_427 = arith.subf %min3A_422, %max3A_420 : vector<16xf32>
      %max3A_428 = arith.constant 0.000000e+00 : f32
      %max3A_429 = vector.broadcast %max3A_428 : f32 to vector<16xf32>
      %max3A_430 = arith.maximumf %sub3A_427, %max3A_429 : vector<16xf32>
      %mul3A_431 = arith.mulf %max3A_426, %max3A_430 : vector<16xf32>
      %add3A_432 = arith.addf %mul3A_286, %get3A_398 : vector<16xf32>
      %sub3A_433 = arith.subf %add3A_432, %mul3A_431 : vector<16xf32>
      %add3A_434 = arith.constant 9.99999971E-10 : f32
      %add3A_435 = vector.broadcast %add3A_434 : f32 to vector<16xf32>
      %add3A_436 = arith.addf %sub3A_433, %add3A_435 : vector<16xf32>
      %div3A_437 = arith.divf %mul3A_431, %add3A_436 : vector<16xf32>
      %max3A_438 = arith.maximumf %max3A_388, %div3A_437 : vector<16xf32>
      %get3A_439 = arith.constant 48 : index
      %get3A_440 = tpu.vector_load %arg16[%get3A_439] {strides = array<i32>} : memref<112xf32, #tpu.memory_space<vmem>>, vector<16xf32>,
      %get3A_441 = arith.constant 48 : index
      %get3A_442 = tpu.vector_load %arg17[%get3A_441] {strides = array<i32>} : memref<112xf32, #tpu.memory_space<vmem>>, vector<16xf32>,
      %get3A_443 = arith.constant 48 : index
      %get3A_444 = tpu.vector_load %arg18[%get3A_443] {strides = array<i32>} : memref<112xf32, #tpu.memory_space<vmem>>, vector<16xf32>,
      %get3A_445 = arith.constant 48 : index
      %get3A_446 = tpu.vector_load %arg19[%get3A_445] {strides = array<i32>} : memref<112xf32, #tpu.memory_space<vmem>>, vector<16xf32>,
      %get3A_447 = arith.constant 48 : index
      %get3A_448 = tpu.vector_load %arg20[%get3A_447] {strides = array<i32>} : memref<112xf32, #tpu.memory_space<vmem>>, vector<16xf32>,
      %max3A_449 = arith.maximumf %gather3A_154, %get3A_440 : vector<16xf32>
      %max3A_450 = arith.maximumf %gather3A_163, %get3A_442 : vector<16xf32>
      %min3A_451 = arith.minimumf %gather3A_172, %get3A_444 : vector<16xf32>
      %min3A_452 = arith.minimumf %gather3A_181, %get3A_446 : vector<16xf32>
      %sub3A_453 = arith.subf %min3A_451, %max3A_449 : vector<16xf32>
      %max3A_454 = arith.constant 0.000000e+00 : f32
      %max3A_455 = vector.broadcast %max3A_454 : f32 to vector<16xf32>
      %max3A_456 = arith.maximumf %sub3A_453, %max3A_455 : vector<16xf32>
      %sub3A_457 = arith.subf %min3A_452, %max3A_450 : vector<16xf32>
      %max3A_458 = arith.constant 0.000000e+00 : f32
      %max3A_459 = vector.broadcast %max3A_458 : f32 to vector<16xf32>
      %max3A_460 = arith.maximumf %sub3A_457, %max3A_459 : vector<16xf32>
      %mul3A_461 = arith.mulf %max3A_456, %max3A_460 : vector<16xf32>
      %add3A_462 = arith.addf %mul3A_283, %get3A_448 : vector<16xf32>
      %sub3A_463 = arith.subf %add3A_462, %mul3A_461 : vector<16xf32>
      %add3A_464 = arith.constant 9.99999971E-10 : f32
      %add3A_465 = vector.broadcast %add3A_464 : f32 to vector<16xf32>
      %add3A_466 = arith.addf %sub3A_463, %add3A_465 : vector<16xf32>
      %div3A_467 = arith.divf %mul3A_461, %add3A_466 : vector<16xf32>
      %max3A_468 = arith.maximumf %max3A_418, %div3A_467 : vector<16xf32>
      %max3A_469 = arith.maximumf %gather3A_244, %get3A_440 : vector<16xf32>
      %max3A_470 = arith.maximumf %gather3A_253, %get3A_442 : vector<16xf32>
      %min3A_471 = arith.minimumf %gather3A_262, %get3A_444 : vector<16xf32>
      %min3A_472 = arith.minimumf %gather3A_271, %get3A_446 : vector<16xf32>
      %sub3A_473 = arith.subf %min3A_471, %max3A_469 : vector<16xf32>
      %max3A_474 = arith.constant 0.000000e+00 : f32
      %max3A_475 = vector.broadcast %max3A_474 : f32 to vector<16xf32>
      %max3A_476 = arith.maximumf %sub3A_473, %max3A_475 : vector<16xf32>
      %sub3A_477 = arith.subf %min3A_472, %max3A_470 : vector<16xf32>
      %max3A_478 = arith.constant 0.000000e+00 : f32
      %max3A_479 = vector.broadcast %max3A_478 : f32 to vector<16xf32>
      %max3A_480 = arith.maximumf %sub3A_477, %max3A_479 : vector<16xf32>
      %mul3A_481 = arith.mulf %max3A_476, %max3A_480 : vector<16xf32>
      %add3A_482 = arith.addf %mul3A_286, %get3A_448 : vector<16xf32>
      %sub3A_483 = arith.subf %add3A_482, %mul3A_481 : vector<16xf32>
      %add3A_484 = arith.constant 9.99999971E-10 : f32
      %add3A_485 = vector.broadcast %add3A_484 : f32 to vector<16xf32>
      %add3A_486 = arith.addf %sub3A_483, %add3A_485 : vector<16xf32>
      %div3A_487 = arith.divf %mul3A_481, %add3A_486 : vector<16xf32>
      %max3A_488 = arith.maximumf %max3A_438, %div3A_487 : vector<16xf32>
      %get3A_489 = arith.constant 64 : index
      %get3A_490 = tpu.vector_load %arg16[%get3A_489] {strides = array<i32>} : memref<112xf32, #tpu.memory_space<vmem>>, vector<16xf32>,
      %get3A_491 = arith.constant 64 : index
      %get3A_492 = tpu.vector_load %arg17[%get3A_491] {strides = array<i32>} : memref<112xf32, #tpu.memory_space<vmem>>, vector<16xf32>,
      %get3A_493 = arith.constant 64 : index
      %get3A_494 = tpu.vector_load %arg18[%get3A_493] {strides = array<i32>} : memref<112xf32, #tpu.memory_space<vmem>>, vector<16xf32>,
      %get3A_495 = arith.constant 64 : index
      %get3A_496 = tpu.vector_load %arg19[%get3A_495] {strides = array<i32>} : memref<112xf32, #tpu.memory_space<vmem>>, vector<16xf32>,
      %get3A_497 = arith.constant 64 : index
      %get3A_498 = tpu.vector_load %arg20[%get3A_497] {strides = array<i32>} : memref<112xf32, #tpu.memory_space<vmem>>, vector<16xf32>,
      %max3A_499 = arith.maximumf %gather3A_154, %get3A_490 : vector<16xf32>
      %max3A_500 = arith.maximumf %gather3A_163, %get3A_492 : vector<16xf32>
      %min3A_501 = arith.minimumf %gather3A_172, %get3A_494 : vector<16xf32>
      %min3A_502 = arith.minimumf %gather3A_181, %get3A_496 : vector<16xf32>
      %sub3A_503 = arith.subf %min3A_501, %max3A_499 : vector<16xf32>
      %max3A_504 = arith.constant 0.000000e+00 : f32
      %max3A_505 = vector.broadcast %max3A_504 : f32 to vector<16xf32>
      %max3A_506 = arith.maximumf %sub3A_503, %max3A_505 : vector<16xf32>
      %sub3A_507 = arith.subf %min3A_502, %max3A_500 : vector<16xf32>
      %max3A_508 = arith.constant 0.000000e+00 : f32
      %max3A_509 = vector.broadcast %max3A_508 : f32 to vector<16xf32>
      %max3A_510 = arith.maximumf %sub3A_507, %max3A_509 : vector<16xf32>
      %mul3A_511 = arith.mulf %max3A_506, %max3A_510 : vector<16xf32>
      %add3A_512 = arith.addf %mul3A_283, %get3A_498 : vector<16xf32>
      %sub3A_513 = arith.subf %add3A_512, %mul3A_511 : vector<16xf32>
      %add3A_514 = arith.constant 9.99999971E-10 : f32
      %add3A_515 = vector.broadcast %add3A_514 : f32 to vector<16xf32>
      %add3A_516 = arith.addf %sub3A_513, %add3A_515 : vector<16xf32>
      %div3A_517 = arith.divf %mul3A_511, %add3A_516 : vector<16xf32>
      %max3A_518 = arith.maximumf %max3A_468, %div3A_517 : vector<16xf32>
      %max3A_519 = arith.maximumf %gather3A_244, %get3A_490 : vector<16xf32>
      %max3A_520 = arith.maximumf %gather3A_253, %get3A_492 : vector<16xf32>
      %min3A_521 = arith.minimumf %gather3A_262, %get3A_494 : vector<16xf32>
      %min3A_522 = arith.minimumf %gather3A_271, %get3A_496 : vector<16xf32>
      %sub3A_523 = arith.subf %min3A_521, %max3A_519 : vector<16xf32>
      %max3A_524 = arith.constant 0.000000e+00 : f32
      %max3A_525 = vector.broadcast %max3A_524 : f32 to vector<16xf32>
      %max3A_526 = arith.maximumf %sub3A_523, %max3A_525 : vector<16xf32>
      %sub3A_527 = arith.subf %min3A_522, %max3A_520 : vector<16xf32>
      %max3A_528 = arith.constant 0.000000e+00 : f32
      %max3A_529 = vector.broadcast %max3A_528 : f32 to vector<16xf32>
      %max3A_530 = arith.maximumf %sub3A_527, %max3A_529 : vector<16xf32>
      %mul3A_531 = arith.mulf %max3A_526, %max3A_530 : vector<16xf32>
      %add3A_532 = arith.addf %mul3A_286, %get3A_498 : vector<16xf32>
      %sub3A_533 = arith.subf %add3A_532, %mul3A_531 : vector<16xf32>
      %add3A_534 = arith.constant 9.99999971E-10 : f32
      %add3A_535 = vector.broadcast %add3A_534 : f32 to vector<16xf32>
      %add3A_536 = arith.addf %sub3A_533, %add3A_535 : vector<16xf32>
      %div3A_537 = arith.divf %mul3A_531, %add3A_536 : vector<16xf32>
      %max3A_538 = arith.maximumf %max3A_488, %div3A_537 : vector<16xf32>
      %get3A_539 = arith.constant 80 : index
      %get3A_540 = tpu.vector_load %arg16[%get3A_539] {strides = array<i32>} : memref<112xf32, #tpu.memory_space<vmem>>, vector<16xf32>,
      %get3A_541 = arith.constant 80 : index
      %get3A_542 = tpu.vector_load %arg17[%get3A_541] {strides = array<i32>} : memref<112xf32, #tpu.memory_space<vmem>>, vector<16xf32>,
      %get3A_543 = arith.constant 80 : index
      %get3A_544 = tpu.vector_load %arg18[%get3A_543] {strides = array<i32>} : memref<112xf32, #tpu.memory_space<vmem>>, vector<16xf32>,
      %get3A_545 = arith.constant 80 : index
      %get3A_546 = tpu.vector_load %arg19[%get3A_545] {strides = array<i32>} : memref<112xf32, #tpu.memory_space<vmem>>, vector<16xf32>,
      %get3A_547 = arith.constant 80 : index
      %get3A_548 = tpu.vector_load %arg20[%get3A_547] {strides = array<i32>} : memref<112xf32, #tpu.memory_space<vmem>>, vector<16xf32>,
      %max3A_549 = arith.maximumf %gather3A_154, %get3A_540 : vector<16xf32>
      %max3A_550 = arith.maximumf %gather3A_163, %get3A_542 : vector<16xf32>
      %min3A_551 = arith.minimumf %gather3A_172, %get3A_544 : vector<16xf32>
      %min3A_552 = arith.minimumf %gather3A_181, %get3A_546 : vector<16xf32>
      %sub3A_553 = arith.subf %min3A_551, %max3A_549 : vector<16xf32>
      %max3A_554 = arith.constant 0.000000e+00 : f32
      %max3A_555 = vector.broadcast %max3A_554 : f32 to vector<16xf32>
      %max3A_556 = arith.maximumf %sub3A_553, %max3A_555 : vector<16xf32>
      %sub3A_557 = arith.subf %min3A_552, %max3A_550 : vector<16xf32>
      %max3A_558 = arith.constant 0.000000e+00 : f32
      %max3A_559 = vector.broadcast %max3A_558 : f32 to vector<16xf32>
      %max3A_560 = arith.maximumf %sub3A_557, %max3A_559 : vector<16xf32>
      %mul3A_561 = arith.mulf %max3A_556, %max3A_560 : vector<16xf32>
      %add3A_562 = arith.addf %mul3A_283, %get3A_548 : vector<16xf32>
      %sub3A_563 = arith.subf %add3A_562, %mul3A_561 : vector<16xf32>
      %add3A_564 = arith.constant 9.99999971E-10 : f32
      %add3A_565 = vector.broadcast %add3A_564 : f32 to vector<16xf32>
      %add3A_566 = arith.addf %sub3A_563, %add3A_565 : vector<16xf32>
      %div3A_567 = arith.divf %mul3A_561, %add3A_566 : vector<16xf32>
      %max3A_568 = arith.maximumf %max3A_518, %div3A_567 : vector<16xf32>
      %max3A_569 = arith.maximumf %gather3A_244, %get3A_540 : vector<16xf32>
      %max3A_570 = arith.maximumf %gather3A_253, %get3A_542 : vector<16xf32>
      %min3A_571 = arith.minimumf %gather3A_262, %get3A_544 : vector<16xf32>
      %min3A_572 = arith.minimumf %gather3A_271, %get3A_546 : vector<16xf32>
      %sub3A_573 = arith.subf %min3A_571, %max3A_569 : vector<16xf32>
      %max3A_574 = arith.constant 0.000000e+00 : f32
      %max3A_575 = vector.broadcast %max3A_574 : f32 to vector<16xf32>
      %max3A_576 = arith.maximumf %sub3A_573, %max3A_575 : vector<16xf32>
      %sub3A_577 = arith.subf %min3A_572, %max3A_570 : vector<16xf32>
      %max3A_578 = arith.constant 0.000000e+00 : f32
      %max3A_579 = vector.broadcast %max3A_578 : f32 to vector<16xf32>
      %max3A_580 = arith.maximumf %sub3A_577, %max3A_579 : vector<16xf32>
      %mul3A_581 = arith.mulf %max3A_576, %max3A_580 : vector<16xf32>
      %add3A_582 = arith.addf %mul3A_286, %get3A_548 : vector<16xf32>
      %sub3A_583 = arith.subf %add3A_582, %mul3A_581 : vector<16xf32>
      %add3A_584 = arith.constant 9.99999971E-10 : f32
      %add3A_585 = vector.broadcast %add3A_584 : f32 to vector<16xf32>
      %add3A_586 = arith.addf %sub3A_583, %add3A_585 : vector<16xf32>
      %div3A_587 = arith.divf %mul3A_581, %add3A_586 : vector<16xf32>
      %max3A_588 = arith.maximumf %max3A_538, %div3A_587 : vector<16xf32>
      %get3A_589 = arith.constant 96 : index
      %get3A_590 = tpu.vector_load %arg16[%get3A_589] {strides = array<i32>} : memref<112xf32, #tpu.memory_space<vmem>>, vector<16xf32>,
      %get3A_591 = arith.constant 96 : index
      %get3A_592 = tpu.vector_load %arg17[%get3A_591] {strides = array<i32>} : memref<112xf32, #tpu.memory_space<vmem>>, vector<16xf32>,
      %get3A_593 = arith.constant 96 : index
      %get3A_594 = tpu.vector_load %arg18[%get3A_593] {strides = array<i32>} : memref<112xf32, #tpu.memory_space<vmem>>, vector<16xf32>,
      %get3A_595 = arith.constant 96 : index
      %get3A_596 = tpu.vector_load %arg19[%get3A_595] {strides = array<i32>} : memref<112xf32, #tpu.memory_space<vmem>>, vector<16xf32>,
      %get3A_597 = arith.constant 96 : index
      %get3A_598 = tpu.vector_load %arg20[%get3A_597] {strides = array<i32>} : memref<112xf32, #tpu.memory_space<vmem>>, vector<16xf32>,
      %max3A_599 = arith.maximumf %gather3A_154, %get3A_590 : vector<16xf32>
      %max3A_600 = arith.maximumf %gather3A_163, %get3A_592 : vector<16xf32>
      %min3A_601 = arith.minimumf %gather3A_172, %get3A_594 : vector<16xf32>
      %min3A_602 = arith.minimumf %gather3A_181, %get3A_596 : vector<16xf32>
      %sub3A_603 = arith.subf %min3A_601, %max3A_599 : vector<16xf32>
      %max3A_604 = arith.constant 0.000000e+00 : f32
      %max3A_605 = vector.broadcast %max3A_604 : f32 to vector<16xf32>
      %max3A_606 = arith.maximumf %sub3A_603, %max3A_605 : vector<16xf32>
      %sub3A_607 = arith.subf %min3A_602, %max3A_600 : vector<16xf32>
      %max3A_608 = arith.constant 0.000000e+00 : f32
      %max3A_609 = vector.broadcast %max3A_608 : f32 to vector<16xf32>
      %max3A_610 = arith.maximumf %sub3A_607, %max3A_609 : vector<16xf32>
      %mul3A_611 = arith.mulf %max3A_606, %max3A_610 : vector<16xf32>
      %add3A_612 = arith.addf %mul3A_283, %get3A_598 : vector<16xf32>
      %sub3A_613 = arith.subf %add3A_612, %mul3A_611 : vector<16xf32>
      %add3A_614 = arith.constant 9.99999971E-10 : f32
      %add3A_615 = vector.broadcast %add3A_614 : f32 to vector<16xf32>
      %add3A_616 = arith.addf %sub3A_613, %add3A_615 : vector<16xf32>
      %div3A_617 = arith.divf %mul3A_611, %add3A_616 : vector<16xf32>
      %max3A_618 = arith.maximumf %max3A_568, %div3A_617 : vector<16xf32>
      %max3A_619 = arith.maximumf %gather3A_244, %get3A_590 : vector<16xf32>
      %max3A_620 = arith.maximumf %gather3A_253, %get3A_592 : vector<16xf32>
      %min3A_621 = arith.minimumf %gather3A_262, %get3A_594 : vector<16xf32>
      %min3A_622 = arith.minimumf %gather3A_271, %get3A_596 : vector<16xf32>
      %sub3A_623 = arith.subf %min3A_621, %max3A_619 : vector<16xf32>
      %max3A_624 = arith.constant 0.000000e+00 : f32
      %max3A_625 = vector.broadcast %max3A_624 : f32 to vector<16xf32>
      %max3A_626 = arith.maximumf %sub3A_623, %max3A_625 : vector<16xf32>
      %sub3A_627 = arith.subf %min3A_622, %max3A_620 : vector<16xf32>
      %max3A_628 = arith.constant 0.000000e+00 : f32
      %max3A_629 = vector.broadcast %max3A_628 : f32 to vector<16xf32>
      %max3A_630 = arith.maximumf %sub3A_627, %max3A_629 : vector<16xf32>
      %mul3A_631 = arith.mulf %max3A_626, %max3A_630 : vector<16xf32>
      %add3A_632 = arith.addf %mul3A_286, %get3A_598 : vector<16xf32>
      %sub3A_633 = arith.subf %add3A_632, %mul3A_631 : vector<16xf32>
      %add3A_634 = arith.constant 9.99999971E-10 : f32
      %add3A_635 = vector.broadcast %add3A_634 : f32 to vector<16xf32>
      %add3A_636 = arith.addf %sub3A_633, %add3A_635 : vector<16xf32>
      %div3A_637 = arith.divf %mul3A_631, %add3A_636 : vector<16xf32>
      %max3A_638 = arith.maximumf %max3A_588, %div3A_637 : vector<16xf32>
      %gt3A = arith.constant 5.000000e-01 : f32
      %gt3A_639 = vector.broadcast %gt3A : f32 to vector<16xf32>
      %gt3A_640 = arith.cmpf ogt, %max3A_618, %gt3A_639 : vector<16xf32>
      %all_reduce_population_count3A = tpu.all_reduce %gt3A_640 {dim = 0 : i64, kind = #tpu.reduction_kind<sum>} : vector<16xi1> -> vector<16xi32>
      %gt3A_641 = arith.constant 0 : i32
      %gt3A_642 = vector.broadcast %gt3A_641 : i32 to vector<16xi32>
      %gt3A_643 = arith.cmpi sgt, %all_reduce_population_count3A, %gt3A_642 : vector<16xi32>
      %lt3A_644 = arith.constant 5.000000e-02 : f32
      %lt3A_645 = vector.broadcast %lt3A_644 : f32 to vector<16xf32>
      %lt3A_646 = arith.cmpf olt, %gather3A_190, %lt3A_645 : vector<16xf32>
      %or3A = arith.ori %gt3A_643, %lt3A_646 : vector<16xi1>
      %convert_element_type3A_647 = arith.extui %or3A : vector<16xi1> to vector<16xi32>
      %lt3A_648 = arith.constant 100 : i32
      %lt3A_649 = vector.broadcast %lt3A_648 : i32 to vector<16xi32>
      %lt3A_650 = arith.cmpi slt, %scan3A_113, %lt3A_649 : vector<16xi32>
      %not3A = arith.constant dense<true> : vector<16xi1>
      %not3A_651 = arith.xori %or3A, %not3A : vector<16xi1>
      %and3A_652 = arith.andi %eq3A_91, %not3A_651 : vector<16xi1>
      %and3A_653 = arith.andi %and3A_652, %lt3A_650 : vector<16xi1>
      tpu.vector_store_idx %arg16[%scan3A_113], %gather3A_154 masked %and3A_653 : memref<112xf32, #tpu.memory_space<vmem>>[vector<16xi32>], vector<16xf32>, vector<16xi1>
      tpu.vector_store_idx %arg17[%scan3A_113], %gather3A_163 masked %and3A_653 : memref<112xf32, #tpu.memory_space<vmem>>[vector<16xi32>], vector<16xf32>, vector<16xi1>
      tpu.vector_store_idx %arg18[%scan3A_113], %gather3A_172 masked %and3A_653 : memref<112xf32, #tpu.memory_space<vmem>>[vector<16xi32>], vector<16xf32>, vector<16xi1>
      tpu.vector_store_idx %arg19[%scan3A_113], %gather3A_181 masked %and3A_653 : memref<112xf32, #tpu.memory_space<vmem>>[vector<16xi32>], vector<16xf32>, vector<16xi1>
      tpu.vector_store_idx %arg20[%scan3A_113], %mul3A_283 masked %and3A_653 : memref<112xf32, #tpu.memory_space<vmem>>[vector<16xi32>], vector<16xf32>, vector<16xi1>
      %mul3A_654 = arith.constant 5 : i32
      %mul3A_655 = vector.broadcast %mul3A_654 : i32 to vector<16xi32>
      %mul3A_656 = arith.muli %scan3A_113, %mul3A_655 : vector<16xi32>
      tpu.vector_store_idx %arg21[%mul3A_656], %gather3A_154 masked %and3A_653 : memref<500xf32, #tpu.memory_space<vmem>>[vector<16xi32>], vector<16xf32>, vector<16xi1>
      %add3A_657 = arith.constant 1 : i32
      %add3A_658 = vector.broadcast %add3A_657 : i32 to vector<16xi32>
      %add3A_659 = arith.addi %mul3A_656, %add3A_658 : vector<16xi32>
      tpu.vector_store_idx %arg21[%add3A_659], %gather3A_163 masked %and3A_653 : memref<500xf32, #tpu.memory_space<vmem>>[vector<16xi32>], vector<16xf32>, vector<16xi1>
      %add3A_660 = arith.constant 2 : i32
      %add3A_661 = vector.broadcast %add3A_660 : i32 to vector<16xi32>
      %add3A_662 = arith.addi %mul3A_656, %add3A_661 : vector<16xi32>
      tpu.vector_store_idx %arg21[%add3A_662], %gather3A_172 masked %and3A_653 : memref<500xf32, #tpu.memory_space<vmem>>[vector<16xi32>], vector<16xf32>, vector<16xi1>
      %add3A_663 = arith.constant 3 : i32
      %add3A_664 = vector.broadcast %add3A_663 : i32 to vector<16xi32>
      %add3A_665 = arith.addi %mul3A_656, %add3A_664 : vector<16xi32>
      tpu.vector_store_idx %arg21[%add3A_665], %gather3A_181 masked %and3A_653 : memref<500xf32, #tpu.memory_space<vmem>>[vector<16xi32>], vector<16xf32>, vector<16xi1>
      %add3A_666 = arith.constant 4 : i32
      %add3A_667 = vector.broadcast %add3A_666 : i32 to vector<16xi32>
      %add3A_668 = arith.addi %mul3A_656, %add3A_667 : vector<16xi32>
      tpu.vector_store_idx %arg21[%add3A_668], %gather3A_190 masked %and3A_653 : memref<500xf32, #tpu.memory_space<vmem>>[vector<16xi32>], vector<16xf32>, vector<16xi1>
      %max3A_669 = arith.maximumf %gather3A_154, %gather3A_244 : vector<16xf32>
      %max3A_670 = arith.maximumf %gather3A_163, %gather3A_253 : vector<16xf32>
      %min3A_671 = arith.minimumf %gather3A_172, %gather3A_262 : vector<16xf32>
      %min3A_672 = arith.minimumf %gather3A_181, %gather3A_271 : vector<16xf32>
      %sub3A_673 = arith.subf %min3A_671, %max3A_669 : vector<16xf32>
      %max3A_674 = arith.constant 0.000000e+00 : f32
      %max3A_675 = vector.broadcast %max3A_674 : f32 to vector<16xf32>
      %max3A_676 = arith.maximumf %sub3A_673, %max3A_675 : vector<16xf32>
      %sub3A_677 = arith.subf %min3A_672, %max3A_670 : vector<16xf32>
      %max3A_678 = arith.constant 0.000000e+00 : f32
      %max3A_679 = vector.broadcast %max3A_678 : f32 to vector<16xf32>
      %max3A_680 = arith.maximumf %sub3A_677, %max3A_679 : vector<16xf32>
      %mul3A_681 = arith.mulf %max3A_676, %max3A_680 : vector<16xf32>
      %add3A_682 = arith.addf %mul3A_283, %mul3A_286 : vector<16xf32>
      %sub3A_683 = arith.subf %add3A_682, %mul3A_681 : vector<16xf32>
      %add3A_684 = arith.constant 9.99999971E-10 : f32
      %add3A_685 = vector.broadcast %add3A_684 : f32 to vector<16xf32>
      %add3A_686 = arith.addf %sub3A_683, %add3A_685 : vector<16xf32>
      %div3A_687 = arith.divf %mul3A_681, %add3A_686 : vector<16xf32>
      %gt3A_688 = arith.constant 5.000000e-01 : f32
      %gt3A_689 = vector.broadcast %gt3A_688 : f32 to vector<16xf32>
      %gt3A_690 = arith.cmpf ogt, %max3A_638, %gt3A_689 : vector<16xf32>
      %all_reduce_population_count3A_691 = tpu.all_reduce %gt3A_690 {dim = 0 : i64, kind = #tpu.reduction_kind<sum>} : vector<16xi1> -> vector<16xi32>
      %gt3A_692 = arith.constant 0 : i32
      %gt3A_693 = vector.broadcast %gt3A_692 : i32 to vector<16xi32>
      %gt3A_694 = arith.cmpi sgt, %all_reduce_population_count3A_691, %gt3A_693 : vector<16xi32>
      %lt3A_695 = arith.constant 5.000000e-02 : f32
      %lt3A_696 = vector.broadcast %lt3A_695 : f32 to vector<16xf32>
      %lt3A_697 = arith.cmpf olt, %gather3A_280, %lt3A_696 : vector<16xf32>
      %or3A_698 = arith.ori %gt3A_694, %lt3A_697 : vector<16xi1>
      %not3A_699 = arith.constant dense<true> : vector<16xi1>
      %not3A_700 = arith.xori %or3A, %not3A_699 : vector<16xi1>
      %gt3A_701 = arith.constant 5.000000e-01 : f32
      %gt3A_702 = vector.broadcast %gt3A_701 : f32 to vector<16xf32>
      %gt3A_703 = arith.cmpf ogt, %div3A_687, %gt3A_702 : vector<16xf32>
      %and3A_704 = arith.andi %not3A_700, %gt3A_703 : vector<16xi1>
      %or3A_705 = arith.ori %or3A_698, %and3A_704 : vector<16xi1>
      %convert_element_type3A_706 = arith.extui %or3A_705 : vector<16xi1> to vector<16xi32>
      %sub3A_707 = arith.constant 1 : i32
      %sub3A_708 = vector.broadcast %sub3A_707 : i32 to vector<16xi32>
      %sub3A_709 = arith.subi %sub3A_708, %convert_element_type3A_647 : vector<16xi32>
      %jit3A_710 = arith.constant 0 : i32
      %broadcast_in_dim3A_711 = vector.broadcast %jit3A_710 : i32 to vector<16xi32>
      %select_n3A_712 = arith.select %lt3A_650, %sub3A_709, %broadcast_in_dim3A_711 : vector<16xi1>, vector<16xi32>
      %add3A_713 = arith.addi %scan3A_113, %select_n3A_712 : vector<16xi32>
      %lt3A_714 = arith.constant 100 : i32
      %lt3A_715 = vector.broadcast %lt3A_714 : i32 to vector<16xi32>
      %lt3A_716 = arith.cmpi slt, %add3A_713, %lt3A_715 : vector<16xi32>
      %not3A_717 = arith.constant dense<true> : vector<16xi1>
      %not3A_718 = arith.xori %or3A_705, %not3A_717 : vector<16xi1>
      %and3A_719 = arith.andi %eq3A_91, %not3A_718 : vector<16xi1>
      %and3A_720 = arith.andi %and3A_719, %lt3A_716 : vector<16xi1>
      tpu.vector_store_idx %arg16[%add3A_713], %gather3A_244 masked %and3A_720 : memref<112xf32, #tpu.memory_space<vmem>>[vector<16xi32>], vector<16xf32>, vector<16xi1>
      tpu.vector_store_idx %arg17[%add3A_713], %gather3A_253 masked %and3A_720 : memref<112xf32, #tpu.memory_space<vmem>>[vector<16xi32>], vector<16xf32>, vector<16xi1>
      tpu.vector_store_idx %arg18[%add3A_713], %gather3A_262 masked %and3A_720 : memref<112xf32, #tpu.memory_space<vmem>>[vector<16xi32>], vector<16xf32>, vector<16xi1>
      tpu.vector_store_idx %arg19[%add3A_713], %gather3A_271 masked %and3A_720 : memref<112xf32, #tpu.memory_space<vmem>>[vector<16xi32>], vector<16xf32>, vector<16xi1>
      tpu.vector_store_idx %arg20[%add3A_713], %mul3A_286 masked %and3A_720 : memref<112xf32, #tpu.memory_space<vmem>>[vector<16xi32>], vector<16xf32>, vector<16xi1>
      %mul3A_721 = arith.constant 5 : i32
      %mul3A_722 = vector.broadcast %mul3A_721 : i32 to vector<16xi32>
      %mul3A_723 = arith.muli %add3A_713, %mul3A_722 : vector<16xi32>
      tpu.vector_store_idx %arg21[%mul3A_723], %gather3A_244 masked %and3A_720 : memref<500xf32, #tpu.memory_space<vmem>>[vector<16xi32>], vector<16xf32>, vector<16xi1>
      %add3A_724 = arith.constant 1 : i32
      %add3A_725 = vector.broadcast %add3A_724 : i32 to vector<16xi32>
      %add3A_726 = arith.addi %mul3A_723, %add3A_725 : vector<16xi32>
      tpu.vector_store_idx %arg21[%add3A_726], %gather3A_253 masked %and3A_720 : memref<500xf32, #tpu.memory_space<vmem>>[vector<16xi32>], vector<16xf32>, vector<16xi1>
      %add3A_727 = arith.constant 2 : i32
      %add3A_728 = vector.broadcast %add3A_727 : i32 to vector<16xi32>
      %add3A_729 = arith.addi %mul3A_723, %add3A_728 : vector<16xi32>
      tpu.vector_store_idx %arg21[%add3A_729], %gather3A_262 masked %and3A_720 : memref<500xf32, #tpu.memory_space<vmem>>[vector<16xi32>], vector<16xf32>, vector<16xi1>
      %add3A_730 = arith.constant 3 : i32
      %add3A_731 = vector.broadcast %add3A_730 : i32 to vector<16xi32>
      %add3A_732 = arith.addi %mul3A_723, %add3A_731 : vector<16xi32>
      tpu.vector_store_idx %arg21[%add3A_732], %gather3A_271 masked %and3A_720 : memref<500xf32, #tpu.memory_space<vmem>>[vector<16xi32>], vector<16xf32>, vector<16xi1>
      %add3A_733 = arith.constant 4 : i32
      %add3A_734 = vector.broadcast %add3A_733 : i32 to vector<16xi32>
      %add3A_735 = arith.addi %mul3A_723, %add3A_734 : vector<16xi32>
      tpu.vector_store_idx %arg21[%add3A_735], %gather3A_280 masked %and3A_720 : memref<500xf32, #tpu.memory_space<vmem>>[vector<16xi32>], vector<16xf32>, vector<16xi1>
      %sub3A_736 = arith.constant 1 : i32
      %sub3A_737 = vector.broadcast %sub3A_736 : i32 to vector<16xi32>
      %sub3A_738 = arith.subi %sub3A_737, %convert_element_type3A_706 : vector<16xi32>
      %jit3A_739 = arith.constant 0 : i32
      %broadcast_in_dim3A_740 = vector.broadcast %jit3A_739 : i32 to vector<16xi32>
      %select_n3A_741 = arith.select %lt3A_716, %sub3A_738, %broadcast_in_dim3A_740 : vector<16xi1>, vector<16xi32>
      %add3A_742 = arith.addi %add3A_713, %select_n3A_741 : vector<16xi32>
      scf.yield %add3A_742 : vector<16xi32>
    }
    %scan3A_104 = arith.constant 38 : i32
    %swap3A_105 = arith.constant 0 : index
    %swap3A_106 = tpu.vector_load %arg22[%swap3A_105] {strides = array<i32>} : memref<16xi32, #tpu.memory_space<vmem>>, vector<16xi32>,
    tpu.vector_store %arg22[%swap3A_105], %scan3A_103 {strides = array<i32>} : memref<16xi32, #tpu.memory_space<vmem>>, vector<16xi32>,
    %eq3A_107 = arith.constant 0 : i32
    %eq3A_108 = arith.cmpi eq, %arg0, %eq3A_107 : i32
    %eq3A_109 = arith.constant 0 : i32
    %eq3A_110 = arith.cmpi eq, %arg1, %eq3A_109 : i32
    %and3A = arith.andi %eq3A_108, %eq3A_110 : i1
    %convert_element_type3A = arith.extui %and3A : i1 to i32
    %cond3A = arith.constant 0 : i32
    %cond3A_111 = arith.cmpi ne, %convert_element_type3A, %cond3A : i32
    scf.if %cond3A_111 {
      "tpu.region"() ({
        %run_scoped3A = tpu.sem_alloc : memref<!tpu.dma_semaphore, #tpu.memory_space<semaphore_mem>>
        tpu.enqueue_dma source(%arg21 : memref<500xf32, #tpu.memory_space<vmem>>) target(%arg8 : memref<500xf32, #tpu.memory_space<hbm>>) target_semaphore(%run_scoped3A : memref<!tpu.dma_semaphore, #tpu.memory_space<semaphore_mem>>)
        tpu.wait_dma2 semaphore(%run_scoped3A : memref<!tpu.dma_semaphore, #tpu.memory_space<semaphore_mem>>) src(%arg21 : memref<500xf32, #tpu.memory_space<vmem>>) dst(%arg8 : memref<500xf32, #tpu.memory_space<hbm>>)
        tpu.yield
      }) : () -> ()
      "tpu.region"() ({
        %run_scoped3A = tpu.sem_alloc : memref<!tpu.dma_semaphore, #tpu.memory_space<semaphore_mem>>
        tpu.enqueue_dma source(%arg22 : memref<16xi32, #tpu.memory_space<vmem>>) target(%arg9 : memref<16xi32, #tpu.memory_space<hbm>>) target_semaphore(%run_scoped3A : memref<!tpu.dma_semaphore, #tpu.memory_space<semaphore_mem>>)
        tpu.wait_dma2 semaphore(%run_scoped3A : memref<!tpu.dma_semaphore, #tpu.memory_space<semaphore_mem>>) src(%arg22 : memref<16xi32, #tpu.memory_space<vmem>>) dst(%arg9 : memref<16xi32, #tpu.memory_space<hbm>>)
        tpu.yield
      }) : () -> ()
    } else {
    }
    return
  }
}

</mosaic_0001>

<sc_bundles>
// kernel: sc_greedy_nms.3.cloned.1.call-start
scs
__scs_entry_jumppad:
0x0: {  	(pc) =	sbr.rel $0x88, $3  }
0x1: {  	(tag) =	ssettag $0x0;
	lr =	simm.s32 $0x1  }
0x2: {  	[smem:$0x3F9F] =	sst lr;
	_ =	strace $0xD0000000  }
0x3: {  	_ = 	snop  }
0x4: {  	_ = 	snop  }
0x5: {  	_ = 	snop  }
0x6: {  	_ = 	snop  }
0x7: {  	_ = 	snop  }
__scs_overlays_trampoline_lowered:
0x8: {  	[smem:$0x3FAE] =	sst s0  }
0x9: {  	[smem:$0x3FAF] =	sst s1  }
0xa: {  	[smem:$0x3FB0] =	sst s2  }
0xb: {  	[smem:$0x3FB1] =	sst s3  }
0xc: {  	[smem:$0x3FB2] =	sst s4  }
0xd: {  	[smem:$0x3FB3] =	sst s5  }
0xe: {  	[smem:$0x3FB4] =	sst s6  }
0xf: {  	[smem:$0x3FB5] =	sst s7  }
0x10: {  	[smem:$0x3FB6] =	sst s8  }
0x11: {  	[smem:$0x3FB7] =	sst s9;
	s0 =	simm.s32 @!p0 $0x0  }
0x12: {  	s1 =	sld [smem:$0x3F9D];
	s0 =	simm.s32 @p0 $0x1  }
0x13: {  	[smem:$0x3FB8] =	sst s0;
	s0 =	simm.s32 @!p1 $0x0  }
0x14: {  	s2 =	sld [smem:$0x3F9C];
	s0 =	simm.s32 @p1 $0x1  }
0x15: {  	[smem:$0x3FB9] =	sst s0;
	s0 =	simm.s32 @!p2 $0x0  }
0x16: {  	s3 =	sld [smem:$0x3FDB];
	s0 =	simm.s32 @p2 $0x1  }
0x17: {  	s4 =	simm.s32 $0x1BF5;
	[smem:$0x3FBB] =	sst s0  }
0x18: {  	s0 =	sld [smem:$0x3F9E];
	_ =	swait.ge [sflag:s4], $0x0  }
0x19: {  	s7 =	sld [smem:$0x3F9F]  }
0x1a: {  	s8 =	sadd.s32 $0xFFFFE003, lr  }
0x1b: {  	s9 =	sadd.s32 $0xFFFFFEF7, lr;
	s5 =	simm.s32 $0xFFFFFFFF;
	p2 =	slt.u32 s8, $0xFFFFF086  }
0x1c: {  	p1 =	slt.u32 s9, $0xF7A;
	s5 =	simm.s32 @!p2 $0x0  }
0x1d: {  	s5 =	simm.s32 @p1 $0x1;
	p0 =	seq.s32 s7, s2  }
0x1e: {  	s7 =	smul.u32 @!p0 $0xF7A, s2;
	p2 =	seq.s32 @!p0 s5, $0x0  }
0x1f: {  	s9 =	smul.u32 $0xF7A, s1;
	s8 =	simm.s32 @!p0 $0x1BF5;
	p2 =	por !p2, p0  }
0x20: {  	[sflag:s8] =	ssyncset.s32 @!p0 $0xFFFFF086;
	s6 =	sadd.s32 @!p0 s3, s7;
	s7 =	simm.s32 @!p0 $0x108  }
0x21: {  	s3 =	sadd.s32 s3, s9;
	s6 =	sadd.s32 @!p0 $0x88, s6;
	s7 =	simm.s32 @p2 $0x1082  }
0x22: {  	[simem:s7], [sflag:s8] =	dma.local @!p0 [hbm:s6], $0xF7A  }
0x23: {  	s9 =	sor.u32 $0xD0000000, s2;
	s6 =	simm.s32 $0x108;
	_ =	swait.ge @!p0 [sflag:s8], $0x0  }
0x24: {  	s3 =	sadd.s32 $0x88, s3;
	s6 =	simm.s32 @!p1 $0x1082;
	[sflag:s4] =	ssyncset.s32 $0xFFFFF086  }
0x25: {  	[simem:s6], [sflag:s4] =	dma.local [hbm:s3], $0xF7A  }
0x26: {  	[smem:$0x3F9F] =	sst s1;
	(tag) =	ssettag s2;
	_ =	strace s9  }
0x27: {  	s1 =	sld [smem:$0x3FAF]  }
0x28: {  	s2 =	sld [smem:$0x3FB0]  }
0x29: {  	s4 =	sld [smem:$0x3FB2]  }
0x2a: {  	p0 =	seq.s32 s5, $0x0;
	s5 =	sld [smem:$0x3FB3]  }
0x2b: {  	s6 =	sld [smem:$0x3FB4]  }
0x2c: {  	s7 =	sld [smem:$0x3FB5]  }
0x2d: {  	s3 =	simm.s32 $0x108;
	s8 =	sld [smem:$0x3FB6]  }
0x2e: {  	s3 =	simm.s32 @!p0 $0x1082;
	s9 =	sld [smem:$0x3FB7]  }
0x2f: {  	lr =	sadd.s32 s0, s3;
	s0 =	sld [smem:$0x3FAE]  }
0x30: {  	s3 =	sld [smem:$0x3FB1]  }
0x31: {  	[smem:$0x3FBA] =	sst s10  }
0x32: {  	s10 =	sld [smem:$0x3FB8];
	_ =	sdelay $0x3  }
0x33: {  	p0 =	seq.s32 s10, $0x1;
	s10 =	sld [smem:$0x3FBA];
	_ =	sdelay $0x3  }
0x34: {  	[smem:$0x3FBA] =	sst s10  }
0x35: {  	s10 =	sld [smem:$0x3FB9];
	_ =	sdelay $0x3  }
0x36: {  	p1 =	seq.s32 s10, $0x1;
	s10 =	sld [smem:$0x3FBA];
	_ =	sdelay $0x3  }
0x37: {  	[smem:$0x3FBA] =	sst s10  }
0x38: {  	s10 =	sld [smem:$0x3FBB]  }
0x39: {  	_ = 	snop;
	(pc) =	sbr.ind lr, $3  }
0x3a: {  	_ = 	snop  }
0x3b: {  	_ = 	snop  }
0x3c: {  	p2 =	seq.s32 s10, $0x1;
	s10 =	sld [smem:$0x3FBA]  }
0x3d: {  	_ =	shalt  }
0x3e: {  	_ =	shalt  }
0x3f: {  	_ =	shalt  }
0x40: {  	_ =	shalt  }
0x41: {  	_ =	shalt  }
0x42: {  	_ =	shalt  }
0x43: {  	_ =	shalt  }
0x44: {  	_ =	shalt  }
0x45: {  	_ =	shalt  }
0x46: {  	_ =	shalt  }
0x47: {  	_ =	shalt  }
0x48: {  	_ =	shalt  }
0x49: {  	_ =	shalt  }
0x4a: {  	_ =	shalt  }
0x4b: {  	_ =	shalt  }
0x4c: {  	_ =	shalt  }
0x4d: {  	_ =	shalt  }
0x4e: {  	_ =	shalt  }
0x4f: {  	_ =	shalt  }
0x50: {  	_ =	shalt  }
0x51: {  	_ =	shalt  }
0x52: {  	_ =	shalt  }
0x53: {  	_ =	shalt  }
0x54: {  	_ =	shalt  }
0x55: {  	_ =	shalt  }
0x56: {  	_ =	shalt  }
0x57: {  	_ =	shalt  }
0x58: {  	_ =	shalt  }
0x59: {  	_ =	shalt  }
0x5a: {  	_ =	shalt  }
0x5b: {  	_ =	shalt  }
0x5c: {  	_ =	shalt  }
0x5d: {  	_ =	shalt  }
0x5e: {  	_ =	shalt  }
0x5f: {  	_ =	shalt  }
0x60: {  	_ =	shalt  }
0x61: {  	_ =	shalt  }
0x62: {  	_ =	shalt  }
0x63: {  	_ =	shalt  }
0x64: {  	_ =	shalt  }
0x65: {  	_ =	shalt  }
0x66: {  	_ =	shalt  }
0x67: {  	_ =	shalt  }
0x68: {  	_ =	shalt  }
0x69: {  	_ =	shalt  }
0x6a: {  	_ =	shalt  }
0x6b: {  	_ =	shalt  }
0x6c: {  	_ =	shalt  }
0x6d: {  	_ =	shalt  }
0x6e: {  	_ =	shalt  }
0x6f: {  	_ =	shalt  }
0x70: {  	_ =	shalt  }
0x71: {  	_ =	shalt  }
0x72: {  	_ =	shalt  }
0x73: {  	_ =	shalt  }
0x74: {  	_ =	shalt  }
0x75: {  	_ =	shalt  }
0x76: {  	_ =	shalt  }
0x77: {  	_ =	shalt  }
0x78: {  	_ =	shalt  }
0x79: {  	_ =	shalt  }
0x7a: {  	_ =	shalt  }
0x7b: {  	_ =	shalt  }
0x7c: {  	_ =	shalt  }
0x7d: {  	_ =	shalt  }
0x7e: {  	_ =	shalt  }
0x7f: {  	_ =	shalt  }
0x80: {  	_ =	shalt  }
0x81: {  	_ =	shalt  }
0x82: {  	_ =	shalt  }
0x83: {  	_ =	shalt  }
0x84: {  	_ =	shalt  }
0x85: {  	_ =	shalt  }
0x86: {  	_ =	shalt  }
0x87: {  	_ =	shalt  }
.Lfunc_end0:
.L_simem_size_0:
called_computation_lowered:
.L_overlay_start_0:
0x88: {  	s0 =	sld [smem:$0x3FD9]  }
0x89: {  	s1 =	sld [smem:$0x3FFE];
	_ =	sdelay $0x3  }
0x8a: {  	s0 =	sadd.s32 s1, s0  }
0x8b: {  	[smem:$0x3FC6] =	sst s0  }
0x8c: {  	_ = 	snop  }
0x8d: {  	s0 =	sld [smem:$0x3FD0];
	(tm) =	ssettm $0x1  }
0x8e: {  	s16 =	sld [smem:$0x3FFB];
	_ =	sdelay $0x3  }
0x8f: {  	_ =	strace s16  }
0x90: {  	s1 =	sld [smem:$0x3FFC];
	_ =	sdelay $0x3  }
0x91: {  	_ =	strace s1  }
0x92: {  	s1 =	sld [smem:$0x3FFD];
	_ =	sdelay $0x3  }
0x93: {  	_ =	strace s1  }
0x94: {  	_ =	strace $0x8FFFFFFF  }
0x95: {  	s17 =	sld [smem:$0x3FDB];
	_ =	sdelay $0x1  }
0x96: {  	s2 =	simm.s32 $_scs_section_size  }
0x97: {  	s3 =	simm.s32 $_size__tile_overlayer_lowered;
	s4 =	simm.s32 $_tile_overlayer_lowered  }
0x98: {  	s20 =	simm.s32 $0x1BFF;
	s19 =	sshll.u32 s4, $0x1;
	s1 =	sadd.s32 s2, s17  }
0x99: {  	s5 =	simm.s32 $0x0;
	s18 =	sshll.u32 s3, $0x1;
	s3 =	sadd.s32 s19, s1  }
0x9a: {  	[timem:s5], [sflag:s20] =	dma.local [hbm:s3], s18  }
0x9b: {  	_ =	swait.ge [sflag:s20], s18  }
0x9c: {  	s2 =	ssub.s32 $0x0, s18;
	[sflag:s20] =	ssyncset.done $0x0  }
0x9d: {  	[sflag:s20] =	ssyncadd.s32 s2;
	_ =	sdelay $0x1  }
0x9e: {  	s21 =	simm.s32 $0x1B8B  }
0x9f: {  	_ =	swait.ge [sflag:s21], $0x1  }
0xa0: {  	[sflag:s21] =	ssyncset.done $0x0  }
0xa1: {  	s23 =	simm.s32 $0x1B8E;
	s22 =	sld [smem:$0x3FFE];
	[sflag:s21] =	ssyncadd.s32 $0xFFFFFFFF  }
0xa2: {  	s24 =	simm.s32 $execute0_lowered;
	[smem:$0x3FD2] =	sst s23  }
0xa3: {  	s3 =	sshll.u32 s24, $0x1;
	_ =	strace $0x80000046;
	[dreg:$0x1] =	wrdreg $0xFFFFFFFF  }
0xa4: {  	s25 =	simm.s32 $_size_execute0_lowered;
	s1 =	sadd.s32 s1, s3;
	[dreg:$0x0] =	wrdreg $0x0  }
0xa5: {  	s3 =	sshll.u32 s25, $0x1;
	[dreg:$0x2] =	wrdreg s1  }
0xa6: {  	[dreg:$0x3] =	wrdreg s3  }
0xa7: {  	[dreg:$0x4] =	wrdreg $0xC0  }
0xa8: {  	_ =	task [dreg:s5], $0x5FFFF  }
0xa9: {  	[dreg:$0x1] =	wrdreg $0xFFFFFFFF  }
0xaa: {  	[dreg:$0x0] =	wrdreg $0x60  }
0xab: {  	[dreg:$0x2] =	wrdreg s22  }
0xac: {  	[dreg:$0x3] =	wrdreg s0  }
0xad: {  	[dreg:$0x4] =	wrdreg $0x9  }
0xae: {  	_ =	task.clear_ibuf [dreg:s5], $0x5FFFF;
	_ =	strace $0x90000046  }
0xaf: {  	s26 =	simm.s32 $0x9;
	_ =	strace $0x80000048  }
0xb0: {  	_ =	swait.ge [sflag:s26], $0x1  }
0xb1: {  	[sflag:s26] =	ssyncadd.s32 $0xFFFFFFFF  }
0xb2: {  	_ =	strace $0x90000048  }
0xb3: {  	_ =	sfence  }
0xb4: {  	s28 =	sld [smem:$0x0];
	_ =	sdelay $0x1  }
0xb5: {  	s29 =	srdreg.scid  }
0xb6: {  	s30 =	sshll.u32 s29, $0xD;
	s31 =	sshrl.u32 s29, $0x2  }
0xb7: {  	s2 =	sand.u32 $0x4000, s30;
	s1 =	sand.u32 $0x1, s29;
	s0 =	sadd.s32 s31, s28  }
0xb8: {  	s1 =	sor.u32 s2, s1;
	s0 =	sshll.u32 s0, $0x11  }
0xb9: {  	s0 =	sor.u32 s0, s1  }
0xba: {  	s0 =	sadd.s32 $0x8F2B, s0  }
0xbb: {  	[sflag:s0] =	ssyncadd.remote.s32 $0x1  }
0xbc: {  	_ =	sfence.sel $0xFFFF  }
0xbd: {  	[dreg:$0x0] =	wrdreg $0xFFFFFFFF;
	(pc) =	sbr.abs _section_cstart, $3  }
0xbe: {  	[dreg:$0x1] =	wrdreg $0xFFFFFFFF  }
0xbf: {  	_ =	task.clear_ibuf [dreg:s5], $0x2FFFF;
	_ =	strace $0x9FFFFFFF  }
0xc0: {  	(tm) =	ssettm $0x7FFFFFFF  }
0xc1: {  	_ =	shalt  }
tec
execute0_lowered:
.L_overlay_start_1:
0x0: {  	(tag) =	ssettag $0x1  }
0x1: {  	s8 =	rddreg [dreg:$0x0]  }
0x2: {  	s1 =	rddreg [dreg:$0x1]  }
0x3: {  	s0 =	rddreg [dreg:$0x2]  }
0x4: {  	_ =	strace $0x80000047;
	s2 =	simm.s32 $0x0;
	s3 =	sadd.s32 $0x1200, s8  }
0x5: {  	[tilespmem:s2], [sflag:$0x1] =	stream.linear.gather [hbm4b:s3+s2], $0x1400, $0x38;
	[tilespmem:$0x9300] =	vst v63  }
0x6: {  	s3 =	simm.s32 $0x1  }
0x7: {  	_ =	swait.ge [sflag:s3], $0x1400  }
0x8: {  	[sflag:s3] =	ssyncset.done $0x0  }
0x9: {  	s4 =	simm.s32 $0x1400;
	s5 =	sadd.s32 $0xE00, s8;
	[sflag:s3] =	ssyncadd.s32 $0xFFFFEC00  }
0xa: {  	[tilespmem:s4], [sflag:$0x1] =	stream.linear.gather [hbm4b:s5+s2], $0x1400, $0x38;
	[tilespmem:$0x9300] =	vst v63  }
0xb: {  	_ =	swait.ge [sflag:s3], $0x1400  }
0xc: {  	[sflag:s3] =	ssyncset.done $0x0  }
0xd: {  	s28 =	simm.s32 $0x2800;
	s6 =	sadd.s32 $0xA00, s8;
	[sflag:s3] =	ssyncadd.s32 $0xFFFFEC00  }
0xe: {  	[tilespmem:s28], [sflag:$0x1] =	stream.linear.gather [hbm4b:s6+s2], $0x1400, $0x38;
	[tilespmem:$0x9300] =	vst v63  }
0xf: {  	_ =	swait.ge [sflag:s3], $0x1400  }
0x10: {  	[sflag:s3] =	ssyncset.done $0x0  }
0x11: {  	s29 =	simm.s32 $0x3C00;
	s7 =	sadd.s32 $0x600, s8;
	[sflag:s3] =	ssyncadd.s32 $0xFFFFEC00  }
0x12: {  	[tilespmem:s29], [sflag:$0x1] =	stream.linear.gather [hbm4b:s7+s2], $0x1400, $0x38;
	[tilespmem:$0x9300] =	vst v63  }
0x13: {  	_ =	swait.ge [sflag:s3], $0x1400  }
0x14: {  	[sflag:s3] =	ssyncset.done $0x0  }
0x15: {  	s30 =	simm.s32 $0x5000;
	s9 =	sadd.s32 $0x200, s8;
	[sflag:s3] =	ssyncadd.s32 $0xFFFFEC00  }
0x16: {  	[tilespmem:s30], [sflag:$0x1] =	stream.linear.gather [hbm4b:s9+s2], $0x1400, $0x38;
	[tilespmem:$0x9300] =	vst v63  }
0x17: {  	_ =	swait.ge [sflag:s3], $0x1400  }
0x18: {  	[sflag:s3] =	ssyncset.done $0x0  }
0x19: {  	s31 =	simm.s32 $0x6400;
	s8 =	sadd.s32 $0x1A00, s8;
	[sflag:s3] =	ssyncadd.s32 $0xFFFFEC00  }
0x1a: {  	[tilespmem:s31], [sflag:$0x1] =	stream.linear.gather [hbm4b:s8+s2], $0x1400, $0x38;
	[tilespmem:$0x9300] =	vst v63  }
0x1b: {  	_ =	swait.ge [sflag:s3], $0x1400  }
0x1c: {  	[sflag:s3] =	ssyncset.done $0x0  }
0x1d: {  	v0 =	vimm.f32 $-1.000000000e+06;
	[sflag:s3] =	ssyncadd.s32 $0xFFFFEC00  }
0x1e: {  	[tilespmem:$0x7800] =	vst v0  }
0x1f: {  	[tilespmem:$0x7880] =	vst v0  }
0x20: {  	[tilespmem:$0x7900] =	vst v0  }
0x21: {  	v1 =	vimm.f32 $0.0e+00;
	[tilespmem:$0x7980] =	vst v0  }
0x22: {  	[tilespmem:$0x7A00] =	vst v1  }
0x23: {  	[tilespmem:$0x7810] =	vst v0  }
0x24: {  	[tilespmem:$0x7890] =	vst v0  }
0x25: {  	[tilespmem:$0x7910] =	vst v0  }
0x26: {  	[tilespmem:$0x7990] =	vst v0  }
0x27: {  	[tilespmem:$0x7A10] =	vst v1  }
0x28: {  	[tilespmem:$0x7820] =	vst v0  }
0x29: {  	[tilespmem:$0x78A0] =	vst v0  }
0x2a: {  	[tilespmem:$0x7920] =	vst v0  }
0x2b: {  	[tilespmem:$0x79A0] =	vst v0  }
0x2c: {  	[tilespmem:$0x7A20] =	vst v1  }
0x2d: {  	[tilespmem:$0x7830] =	vst v0  }
0x2e: {  	[tilespmem:$0x78B0] =	vst v0  }
0x2f: {  	[tilespmem:$0x7930] =	vst v0  }
0x30: {  	[tilespmem:$0x79B0] =	vst v0  }
0x31: {  	[tilespmem:$0x7A30] =	vst v1  }
0x32: {  	[tilespmem:$0x7840] =	vst v0  }
0x33: {  	[tilespmem:$0x78C0] =	vst v0  }
0x34: {  	[tilespmem:$0x7940] =	vst v0  }
0x35: {  	[tilespmem:$0x79C0] =	vst v0  }
0x36: {  	[tilespmem:$0x7A40] =	vst v1  }
0x37: {  	[tilespmem:$0x7850] =	vst v0  }
0x38: {  	[tilespmem:$0x78D0] =	vst v0  }
0x39: {  	[tilespmem:$0x7950] =	vst v0;
	v2 =	vld [tilespmem:$0x6400]  }
0x3a: {  	[tilespmem:$0x79D0] =	vst v0  }
0x3b: {  	[tilespmem:$0x7A50] =	vst v1  }
0x3c: {  	[tilespmem:$0x7860] =	vst v0  }
0x3d: {  	[tilespmem:$0x78E0] =	vst v0  }
0x3e: {  	[tilespmem:$0x7960] =	vst v0  }
0x3f: {  	[tilespmem:$0x79E0] =	vst v0  }
0x40: {  	[tilespmem:$0x7A60] =	vst v1  }
0x41: {  	v0 =	vld.idx.msk [tilespmem:v2+s2+$0x0], $0xffff;
	_ =	sdelay $0x4  }
0x42: {  	[tilespmem:$0x9080] =	vst v0  }
0x43: {  	v0 =	vld.idx.msk [tilespmem:v2+s4+$0x0], $0xffff;
	_ =	sdelay $0x4  }
0x44: {  	[tilespmem:$0x9100] =	vst v0  }
0x45: {  	v0 =	vld.idx.msk [tilespmem:v2+s28+$0x0], $0xffff;
	_ =	sdelay $0x4  }
0x46: {  	[tilespmem:$0x9180] =	vst v0  }
0x47: {  	v0 =	vld.idx.msk [tilespmem:v2+s29+$0x0], $0xffff;
	_ =	sdelay $0x3  }
0x48: {  	v1 =	vld [tilespmem:$0x6410]  }
0x49: {  	[tilespmem:$0x9200] =	vst v0  }
0x4a: {  	v0 =	vld.idx.msk [tilespmem:v2+s30+$0x0], $0xffff;
	_ =	sdelay $0x4  }
0x4b: {  	[tilespmem:$0x9280] =	vst v0  }
0x4c: {  	v0 =	vld.idx.msk [tilespmem:v1+s2+$0x0], $0xffff;
	_ =	sdelay $0x4  }
0x4d: {  	[tilespmem:$0x9090] =	vst v0  }
0x4e: {  	v0 =	vld.idx.msk [tilespmem:v1+s4+$0x0], $0xffff;
	_ =	sdelay $0x4  }
0x4f: {  	[tilespmem:$0x9110] =	vst v0  }
0x50: {  	v0 =	vld.idx.msk [tilespmem:v1+s28+$0x0], $0xffff;
	_ =	sdelay $0x4  }
0x51: {  	[tilespmem:$0x9190] =	vst v0  }
0x52: {  	v0 =	vld.idx.msk [tilespmem:v1+s29+$0x0], $0xffff;
	_ =	sdelay $0x3  }
0x53: {  	v2 =	vld [tilespmem:$0x6420]  }
0x54: {  	[tilespmem:$0x9210] =	vst v0  }
0x55: {  	v0 =	vld.idx.msk [tilespmem:v1+s30+$0x0], $0xffff;
	_ =	sdelay $0x4  }
0x56: {  	[tilespmem:$0x9290] =	vst v0  }
0x57: {  	v0 =	vld.idx.msk [tilespmem:v2+s2+$0x0], $0xffff;
	_ =	sdelay $0x4  }
0x58: {  	[tilespmem:$0x90A0] =	vst v0  }
0x59: {  	v0 =	vld.idx.msk [tilespmem:v2+s4+$0x0], $0xffff;
	_ =	sdelay $0x4  }
0x5a: {  	[tilespmem:$0x9120] =	vst v0  }
0x5b: {  	v0 =	vld.idx.msk [tilespmem:v2+s28+$0x0], $0xffff;
	_ =	sdelay $0x4  }
0x5c: {  	[tilespmem:$0x91A0] =	vst v0  }
0x5d: {  	v0 =	vld.idx.msk [tilespmem:v2+s29+$0x0], $0xffff;
	_ =	sdelay $0x3  }
0x5e: {  	v1 =	vld [tilespmem:$0x6430]  }
0x5f: {  	[tilespmem:$0x9220] =	vst v0  }
0x60: {  	v0 =	vld.idx.msk [tilespmem:v2+s30+$0x0], $0xffff;
	_ =	sdelay $0x4  }
0x61: {  	[tilespmem:$0x92A0] =	vst v0  }
0x62: {  	v0 =	vld.idx.msk [tilespmem:v1+s2+$0x0], $0xffff;
	_ =	sdelay $0x4  }
0x63: {  	[tilespmem:$0x90B0] =	vst v0  }
0x64: {  	v0 =	vld.idx.msk [tilespmem:v1+s4+$0x0], $0xffff;
	_ =	sdelay $0x4  }
0x65: {  	[tilespmem:$0x9130] =	vst v0  }
0x66: {  	v0 =	vld.idx.msk [tilespmem:v1+s28+$0x0], $0xffff;
	_ =	sdelay $0x4  }
0x67: {  	[tilespmem:$0x91B0] =	vst v0  }
0x68: {  	v0 =	vld.idx.msk [tilespmem:v1+s29+$0x0], $0xffff;
	_ =	sdelay $0x3  }
0x69: {  	v2 =	vld [tilespmem:$0x6440]  }
0x6a: {  	[tilespmem:$0x9230] =	vst v0  }
0x6b: {  	v0 =	vld.idx.msk [tilespmem:v1+s30+$0x0], $0xffff;
	_ =	sdelay $0x4  }
0x6c: {  	[tilespmem:$0x92B0] =	vst v0  }
0x6d: {  	v0 =	vld.idx.msk [tilespmem:v2+s2+$0x0], $0xffff;
	_ =	sdelay $0x4  }
0x6e: {  	[tilespmem:$0x90C0] =	vst v0  }
0x6f: {  	v0 =	vld.idx.msk [tilespmem:v2+s4+$0x0], $0xffff;
	_ =	sdelay $0x4  }
0x70: {  	[tilespmem:$0x9140] =	vst v0  }
0x71: {  	v0 =	vld.idx.msk [tilespmem:v2+s28+$0x0], $0xffff;
	_ =	sdelay $0x4  }
0x72: {  	[tilespmem:$0x91C0] =	vst v0  }
0x73: {  	v0 =	vld.idx.msk [tilespmem:v2+s29+$0x0], $0xffff;
	_ =	sdelay $0x3  }
0x74: {  	v1 =	vld [tilespmem:$0x6450]  }
0x75: {  	[tilespmem:$0x9240] =	vst v0  }
0x76: {  	v0 =	vld.idx.msk [tilespmem:v2+s30+$0x0], $0xffff;
	_ =	sdelay $0x4  }
0x77: {  	[tilespmem:$0x92C0] =	vst v0  }
0x78: {  	v0 =	vld.idx.msk [tilespmem:v1+s2+$0x0], $0xffff;
	_ =	sdelay $0x4  }
0x79: {  	[tilespmem:$0x90D0] =	vst v0  }
0x7a: {  	v0 =	vld.idx.msk [tilespmem:v1+s4+$0x0], $0xffff;
	_ =	sdelay $0x4  }
0x7b: {  	[tilespmem:$0x9150] =	vst v0  }
0x7c: {  	v0 =	vld.idx.msk [tilespmem:v1+s28+$0x0], $0xffff;
	_ =	sdelay $0x4  }
0x7d: {  	[tilespmem:$0x91D0] =	vst v0  }
0x7e: {  	v0 =	vld.idx.msk [tilespmem:v1+s29+$0x0], $0xffff;
	_ =	sdelay $0x3  }
0x7f: {  	v2 =	vld [tilespmem:$0x6460]  }
0x80: {  	[tilespmem:$0x9250] =	vst v0  }
0x81: {  	v0 =	vld.idx.msk [tilespmem:v1+s30+$0x0], $0xffff;
	_ =	sdelay $0x4  }
0x82: {  	[tilespmem:$0x92D0] =	vst v0  }
0x83: {  	v0 =	vld.idx.msk [tilespmem:v2+s2+$0x0], $0xffff;
	_ =	sdelay $0x4  }
0x84: {  	[tilespmem:$0x90E0] =	vst v0  }
0x85: {  	v0 =	vld.idx.msk [tilespmem:v2+s4+$0x0], $0xffff;
	_ =	sdelay $0x4  }
0x86: {  	[tilespmem:$0x9160] =	vst v0  }
0x87: {  	v0 =	vld.idx.msk [tilespmem:v2+s28+$0x0], $0xffff;
	_ =	sdelay $0x4  }
0x88: {  	[tilespmem:$0x91E0] =	vst v0  }
0x89: {  	v0 =	vld.idx.msk [tilespmem:v2+s29+$0x0], $0xffff;
	_ =	sdelay $0x3  }
0x8a: {  	v1 =	vld [tilespmem:$0x6470]  }
0x8b: {  	[tilespmem:$0x9260] =	vst v0  }
0x8c: {  	v0 =	vld.idx.msk [tilespmem:v2+s30+$0x0], $0xffff;
	_ =	sdelay $0x4  }
0x8d: {  	[tilespmem:$0x92E0] =	vst v0  }
0x8e: {  	v0 =	vld.idx.msk [tilespmem:v1+s2+$0x0], $0xffff;
	_ =	sdelay $0x4  }
0x8f: {  	[tilespmem:$0x90F0] =	vst v0  }
0x90: {  	v0 =	vld.idx.msk [tilespmem:v1+s4+$0x0], $0xffff;
	_ =	sdelay $0x4  }
0x91: {  	[tilespmem:$0x9170] =	vst v0  }
0x92: {  	v0 =	vld.idx.msk [tilespmem:v1+s28+$0x0], $0xffff;
	_ =	sdelay $0x4  }
0x93: {  	[tilespmem:$0x91F0] =	vst v0  }
0x94: {  	v0 =	vld.idx.msk [tilespmem:v1+s29+$0x0], $0xffff;
	_ =	sdelay $0x4  }
0x95: {  	[tilespmem:$0x9270] =	vst v0  }
0x96: {  	v0 =	vld.idx.msk [tilespmem:v1+s30+$0x0], $0xffff;
	_ =	sdelay $0x2  }
0x97: {  	s10 =	simm.s32 $0x7A80;
	s5 =	simm.s32 $0x7880  }
0x98: {  	s6 =	simm.s32 $0x7900;
	s7 =	simm.s32 $0x7980;
	s9 =	simm.s32 $0x8E80  }
0x99: {  	vm0 =	vmmov $0x1;
	s8 =	simm.s32 $0x7A00;
	s2 =	stileid.u32;
	s4 =	simm.s32 $0x7800;
	v1 =	vimm.s32 $0x0;
	[tilespmem:$0x92F0] =	vst v0;
	v0 =	vimm.s32 $0x0  }
.LBB2_1:
0x9a: {  	v14 =	vld [tilespmem:$0x7800]  }
0x9b: {  	v15 =	vld [tilespmem:$0x7880]  }
0x9c: {  	v16 =	vld [tilespmem:$0x7900]  }
0x9d: {  	v17 =	vld [tilespmem:$0x7980]  }
0x9e: {  	v56 =	vld [tilespmem:$0x7810]  }
0x9f: {  	s11 =	sadd.s32 $0xFFFFFFFF, s3;
	v23 =	vld [tilespmem:$0x7910]  }
0xa0: {  	v61 =	vld [tilespmem:$0x7890];
	s12 =	sand.u32 $0x30, s11  }
0xa1: {  	v2 =	vld [tilespmem:s12+$0x9080]  }
0xa2: {  	v3 =	vld [tilespmem:s12+$0x9100]  }
0xa3: {  	v4 =	vld [tilespmem:s12+$0x9180]  }
0xa4: {  	v10 =	vld [tilespmem:s12+$0x9200]  }
0xa5: {  	v25 =	vld [tilespmem:$0x7990]  }
0xa6: {  	v39 =	vld [tilespmem:$0x7820];
	s13 =	sand.u32 $0xE, s11  }
0xa7: {  	v27 =	vld [tilespmem:$0x78A0];
	v13 =	vmov s13  }
0xa8: {  	s31 =	sand.u32 $0xF, s3;
	v41 =	vld [tilespmem:$0x7920];
	v7 =	vperm.xlane v2, v13;
	v6 =	vperm.xlane v3, v13  }
0xa9: {  	v28 =	vld [tilespmem:$0x79A0];
	v12 =	vmov s31;
	v8 =	vperm.xlane v4, v13;
	v9 =	vperm.xlane v10, v13  }
0xaa: {  	v42 =	vld [tilespmem:$0x7830];
	v2 =	vperm.xlane v2, v12;
	v3 =	vperm.xlane v3, v12  }
0xab: {  	v44 =	vld [tilespmem:$0x78B0];
	v11 =	vsub.f32 v8, v7;
	v18 =	vsub.f32 v9, v6;
	v5 =	vmax.f32 v7, v14  }
0xac: {  	v46 =	vld [tilespmem:$0x7930];
	v20 =	vmax.f32 v6, v15;
	v21 =	vmin.f32 v8, v16;
	v22 =	vmin.f32 v9, v17  }
0xad: {  	v59 =	vmax.f32 v2, v14;
	v15 =	vmax.f32 v3, v15;
	v36 =	vmax.f32 v7, v56  }
0xae: {  	v37 =	vmin.f32 v8, v23;
	v40 =	vmax.f32 v6, v61;
	v26 =	vmin.f32 v9, v25  }
0xaf: {  	v47 =	vmax.f32 v7, v39;
	v29 =	vmin.f32 v8, v41;
	v31 =	vmax.f32 v6, v27  }
0xb0: {  	v32 =	vmin.f32 v9, v28;
	v27 =	vmax.f32 v3, v27;
	v50 =	vmax.f32 v7, v42  }
0xb1: {  	v51 =	vmin.f32 v8, v46;
	v53 =	vmax.f32 v6, v44;
	v21 =	vsub.f32 v21, v5  }
0xb2: {  	v19 =	vld [tilespmem:$0x7A00];
	v20 =	vsub.f32 v22, v20;
	v5 =	vperm.xlane v4, v12;
	v4 =	vperm.xlane v10, v12  }
0xb3: {  	v38 =	vsub.f32 v37, v36;
	v48 =	vsub.f32 v32, v31;
	v22 =	vmax.f32 v2, v39  }
0xb4: {  	v63 =	vld [tilespmem:$0x7A10];
	v11 =	vmul.f32 v18, v11;
	v54 =	vmax.f32 v21, $0.0e+00;
	v55 =	vmax.f32 v20, $0.0e+00  }
0xb5: {  	v30 =	vld [tilespmem:$0x79B0];
	v57 =	vsub.f32 v5, v2;
	v58 =	vsub.f32 v4, v3;
	v60 =	vmin.f32 v5, v16  }
0xb6: {  	v52 =	vld [tilespmem:$0x7A20];
	v17 =	vmin.f32 v4, v17;
	v20 =	vmax.f32 v2, v56;
	v16 =	vmax.f32 v3, v61  }
0xb7: {  	v23 =	vmin.f32 v5, v23;
	v24 =	vadd.f32 v19, v11;
	v14 =	vsub.f32 v60, v59  }
0xb8: {  	v25 =	vmin.f32 v4, v25;
	v15 =	vsub.f32 v17, v15;
	v20 =	vsub.f32 v23, v20  }
0xb9: {  	v28 =	vmin.f32 v4, v28;
	v16 =	vsub.f32 v25, v16;
	v45 =	vadd.f32 v63, v11  }
0xba: {  	v18 =	vmul.f32 v55, v54;
	v49 =	vsub.f32 v28, v27;
	v27 =	vsub.f32 v51, v50  }
0xbb: {  	v54 =	vmin.f32 v9, v30;
	v56 =	vadd.f32 v52, v11;
	v10 =	vmul.f32 v58, v57  }
0xbc: {  	v28 =	vsub.f32 v54, v53;
	v62 =	vsub.f32 v24, v18;
	v14 =	vmax.f32 v14, $0.0e+00  }
0xbd: {  	v15 =	vmax.f32 v15, $0.0e+00;
	v24 =	vsub.f32 v26, v40;
	v20 =	vmax.f32 v20, $0.0e+00  }
0xbe: {  	v16 =	vmax.f32 v16, $0.0e+00;
	v26 =	vmin.f32 v5, v41;
	v27 =	vmax.f32 v27, $0.0e+00  }
0xbf: {  	v14 =	vmul.f32 v15, v14;
	v19 =	vadd.f32 v19, v10;
	v15 =	vmax.f32 v38, $0.0e+00  }
0xc0: {  	v55 =	vld [tilespmem:$0x7A30];
	v16 =	vmul.f32 v16, v20;
	v20 =	vsub.f32 v29, v47;
	v22 =	vsub.f32 v26, v22  }
0xc1: {  	v29 =	vmax.f32 v48, $0.0e+00;
	v21 =	vadd.f32 v63, v10;
	v26 =	vmax.f32 v49, $0.0e+00  }
0xc2: {  	v28 =	vmax.f32 v28, $0.0e+00;
	v57 =	vadd.f32 v52, v10;
	v24 =	vmax.f32 v24, $0.0e+00  }
0xc3: {  	v17 =	vadd.f32 $9.999999710e-10, v62;
	v43 =	vsub.f32 v19, v14;
	v15 =	vmul.f32 v24, v15  }
0xc4: {  	v20 =	vmax.f32 v20, $0.0e+00;
	v22 =	vmax.f32 v22, $0.0e+00;
	v21 =	vsub.f32 v21, v16  }
0xc5: {  	v58 =	vadd.f32 v55, v11;
	v20 =	vmul.f32 v29, v20;
	v24 =	vsub.f32 v45, v15  }
0xc6: {  	(erf) = vrcp.f32 v17;
	v22 =	vmul.f32 v26, v22;
	v17 =	vadd.f32 $9.999999710e-10, v43  }
0xc7: {  	v27 =	vmul.f32 v28, v27;
	v60 =	vsub.f32 v56, v20;
	v24 =	vadd.f32 $9.999999710e-10, v24  }
0xc8: {  	v59 =	vadd.f32 $9.999999710e-10, v21;
	v61 =	vsub.f32 v57, v22;
	(erf) = vrcp.f32 v17  }
0xc9: {  	v62 =	vsub.f32 v58, v27;
	v63 =	vadd.f32 $9.999999710e-10, v60;
	(erf) = vrcp.f32 v24  }
0xca: {  	v28 =	vadd.f32 $9.999999710e-10, v61;
	(erf) = vrcp.f32 v59  }
0xcb: {  	v34 =	vmax.f32 v7, v2;
	v29 =	vadd.f32 $9.999999710e-10, v62;
	(erf) = vrcp.f32 v63  }
0xcc: {  	v23 =	vmax.f32 v2, v42;
	v25 =	vmin.f32 v5, v46;
	(erf) = vrcp.f32 v28  }
0xcd: {  	v30 =	vmin.f32 v4, v30;
	v19 =	vmax.f32 v3, v44;
	(erf) = vrcp.f32 v29  }
0xce: {  	v37 =	vmin.f32 v8, v5;
	v31 =	vsub.f32 v25, v23;
	v19 =	vsub.f32 v30, v19  }
0xcf: {  	v36 =	vmax.f32 v6, v3;
	v23 =	vsub.f32 v37, v34  }
0xd0: {  	v38 =	vmin.f32 v9, v4;
	v19 =	vmax.f32 v19, $0.0e+00;
	v17 =	vmax.f32 v31, $0.0e+00;
	v33 =	vpop (erf)  }
0xd1: {  	v25 =	vsub.f32 v38, v36;
	v32 =	vadd.f32 v55, v10;
	v17 =	vmul.f32 v19, v17;
	v35 =	vpop (erf)  }
0xd2: {  	v39 =	vpop (erf)  }
0xd3: {  	v23 =	vmax.f32 v23, $0.0e+00;
	v25 =	vmax.f32 v25, $0.0e+00;
	v19 =	vsub.f32 v32, v17;
	v40 =	vpop (erf)  }
0xd4: {  	v44 =	vmul.f32 v25, v23;
	v45 =	vadd.f32 v10, v11;
	v18 =	vmul.f32 v33, v18;
	v41 =	vpop (erf)  }
0xd5: {  	v42 =	vld [tilespmem:s12+$0x9280];
	v19 =	vadd.f32 $9.999999710e-10, v19;
	v15 =	vmul.f32 v39, v15;
	v43 =	vpop (erf)  }
0xd6: {  	v48 =	vsub.f32 v45, v44;
	v18 =	vmax.f32 v18, $0.0e+00;
	v20 =	vmul.f32 v41, v20;
	v46 =	vpop (erf)  }
0xd7: {  	(erf) = vrcp.f32 v19;
	v15 =	vmax.f32 v18, v15;
	v47 =	vmul.f32 v46, v27  }
0xd8: {  	v15 =	vmax.f32 v15, v20  }
0xd9: {  	v49 =	vadd.f32 $9.999999710e-10, v48;
	v15 =	vmax.f32 v15, v47  }
0xda: {  	v13 =	vperm.xlane v42, v13;
	vm1 =	vgt.f32 v15, $5.000000000e-01  }
0xdb: {  	(erf) = vrcp.f32 v49;
	v15 =	vmpcnt.ones.xlane vm1;
	_ =	sdelay $0x1  }
0xdc: {  	vm2 =	vlt.f32 v13, $5.000000070e-02;
	vm1 =	vgt.s32 v15, $0x0  }
0xdd: {  	vm4 =	vlt.s32 v0, $0x64;
	v14 =	vmul.f32 v35, v14;
	vm1 =	vmor vm2, vm1  }
0xde: {  	v16 =	vmul.f32 v40, v16;
	vm2 =	vmand vm4, vm0;
	vm5 =	vmneg vm1  }
0xdf: {  	v14 =	vmax.f32 v14, $0.0e+00;
	v51 =	vmul.f32 v43, v22;
	v50 =	vpop (erf);
	vm3 =	vmand vm2, vm5  }
0xe0: {  	v52 =	vmul.u32 $0x5, v0;
	v14 =	vmax.f32 v14, v16;
	v15 =	vmul.f32 v50, v17  }
0xe1: {  	v14 =	vmax.f32 v14, v51  }
0xe2: {  	v12 =	vperm.xlane v42, v12;
	v53 =	vadd.s32 $0x1, v52;
	v14 =	vmax.f32 v14, v15  }
0xe3: {  	v54 =	vadd.s32 $0x2, v52;
	v55 =	vadd.s32 $0x3, v52;
	v18 =	vpop (erf);
	vm6 =	vgt.f32 v14, $5.000000000e-01  }
0xe4: {  	vm7 =	vlt.f32 v12, $5.000000070e-02;
	v18 =	vmul.f32 v18, v44;
	v14 =	vmpcnt.ones.xlane vm6  }
0xe5: {  	v58 =	vmov s11;
	v56 =	vadd.s32 $0x4, v52;
	vm4 =	vmand vm4, vm5;
	[tilespmem:v0+s4+$0x0] =	vst.idx.msk vm3, v7  }
0xe6: {  	vm12 =	vgt.f32 v18, $5.000000000e-01;
	v57 =	vsel vm4, $0x1, v1;
	vm6 =	vgt.s32 v14, $0x0;
	[tilespmem:v0+s5+$0x0] =	vst.idx.msk vm3, v6  }
0xe7: {  	vm13 =	vmand vm12, vm5;
	v18 =	vadd.s32 v57, v0;
	vm6 =	vmor vm7, vm6;
	[tilespmem:v0+s6+$0x0] =	vst.idx.msk vm3, v8  }
0xe8: {  	v20 =	vand.u32 $0xFFFFFFFE, v58;
	vm14 =	vlt.s32 v18, $0x64;
	vm4 =	vmor vm13, vm6;
	[tilespmem:v0+s7+$0x0] =	vst.idx.msk vm3, v9  }
0xe9: {  	vm15 =	vmand vm14, vm0;
	vm6 =	vmneg vm4;
	[tilespmem:v0+s8+$0x0] =	vst.idx.msk vm3, v11;
	v0 =	vbroadcast v20, $0x0  }
0xea: {  	vm8 =	vmand vm15, vm6;
	[tilespmem:v52+s9+$0x0] =	vst.idx.msk vm3, v7  }
0xeb: {  	[tilespmem:v53+s9+$0x0] =	vst.idx.msk vm3, v6  }
0xec: {  	[tilespmem:v54+s9+$0x0] =	vst.idx.msk vm3, v8  }
0xed: {  	[tilespmem:v55+s9+$0x0] =	vst.idx.msk vm3, v9  }
0xee: {  	v59 =	vsel vm1, $0x1, v1;
	[tilespmem:v56+s9+$0x0] =	vst.idx.msk vm3, v13  }
0xef: {  	[tilespmem:v0+s10+$0x0] =	vst.idx.msk vm2, v59;
	v0 =	vmul.u32 $0x5, v18  }
0xf0: {  	[tilespmem:v18+s4+$0x0] =	vst.idx.msk vm8, v2  }
0xf1: {  	[tilespmem:v18+s5+$0x0] =	vst.idx.msk vm8, v3;
	v60 =	vadd.s32 $0x1, v0  }
0xf2: {  	v61 =	vadd.s32 $0x2, v0;
	[tilespmem:v18+s6+$0x0] =	vst.idx.msk vm8, v5  }
0xf3: {  	v62 =	vadd.s32 $0x3, v0;
	[tilespmem:v18+s7+$0x0] =	vst.idx.msk vm8, v4  }
0xf4: {  	v63 =	vadd.s32 $0x4, v0;
	[tilespmem:v18+s8+$0x0] =	vst.idx.msk vm8, v10  }
0xf5: {  	p0 =	sne.s32 s3, $0x33;
	[tilespmem:v0+s9+$0x0] =	vst.idx.msk vm8, v2;
	v0 =	vmov s3  }
.Ltmp0:
0xf6: {  	[tilespmem:v60+s9+$0x0] =	vst.idx.msk vm8, v3;
	(pc) =	sbr.rel @p0 .LBB2_1-.Ltmp0, $4  }
0xf7: {  	[tilespmem:v61+s9+$0x0] =	vst.idx.msk vm8, v5  }
0xf8: {  	vm1 =	vmand vm14, vm6;
	[tilespmem:v62+s9+$0x0] =	vst.idx.msk vm8, v4  }
0xf9: {  	v2 =	vsel vm4, $0x1, v1;
	v3 =	vsel vm1, $0x1, v1;
	[tilespmem:v63+s9+$0x0] =	vst.idx.msk vm8, v12  }
0xfa: {  	s3 =	sadd.s32 $0x2, s3;
	[tilespmem:v0+s10+$0x0] =	vst.idx.msk vm15, v2;
	v0 =	vadd.s32 v3, v18  }
0xfb: {  	s3 =	simm.s32 $0x35;
	s4 =	simm.s32 $0x7800  }
0xfc: {  	s5 =	simm.s32 $0x7880;
	s6 =	simm.s32 $0x7900;
	s7 =	simm.s32 $0x7980  }
0xfd: {  	v1 =	vimm.s32 $0x0;
	s8 =	simm.s32 $0x7A00;
	s9 =	simm.s32 $0x8E80;
	s10 =	simm.s32 $0x7A80  }
.LBB2_3:
0xfe: {  	v11 =	vld [tilespmem:$0x7800]  }
0xff: {  	s11 =	sadd.s32 $0xFFFFFFFF, s3;
	v14 =	vld [tilespmem:$0x7880]  }
0x100: {  	v15 =	vld [tilespmem:$0x7900];
	s12 =	sand.u32 $0x70, s11  }
0x101: {  	v2 =	vld [tilespmem:s12+$0x9080]  }
0x102: {  	v3 =	vld [tilespmem:s12+$0x9100]  }
0x103: {  	v4 =	vld [tilespmem:s12+$0x9180]  }
0x104: {  	v10 =	vld [tilespmem:s12+$0x9200]  }
0x105: {  	v16 =	vld [tilespmem:$0x7980]  }
0x106: {  	v46 =	vld [tilespmem:$0x7810];
	s13 =	sand.u32 $0xE, s11  }
0x107: {  	v25 =	vld [tilespmem:$0x7890];
	v13 =	vmov s13  }
0x108: {  	s31 =	sand.u32 $0xF, s3;
	v47 =	vld [tilespmem:$0x7910];
	v7 =	vperm.xlane v2, v13;
	v6 =	vperm.xlane v3, v13  }
0x109: {  	v50 =	vld [tilespmem:$0x7990];
	v12 =	vmov s31;
	v8 =	vperm.xlane v4, v13;
	v9 =	vperm.xlane v10, v13  }
0x10a: {  	v58 =	vld [tilespmem:$0x7820];
	v5 =	vperm.xlane v2, v12;
	v3 =	vperm.xlane v3, v12  }
0x10b: {  	v59 =	vld [tilespmem:$0x7920];
	v4 =	vperm.xlane v4, v12;
	v2 =	vperm.xlane v10, v12  }
0x10c: {  	v60 =	vld [tilespmem:$0x78A0];
	v44 =	vsub.f32 v8, v7;
	v17 =	vsub.f32 v9, v6  }
0x10d: {  	v63 =	vld [tilespmem:$0x79A0];
	v18 =	vsub.f32 v4, v5;
	v19 =	vsub.f32 v2, v3;
	v20 =	vmax.f32 v7, v11  }
0x10e: {  	v30 =	vld [tilespmem:$0x78B0];
	v22 =	vmax.f32 v6, v14;
	v23 =	vmin.f32 v8, v15;
	v24 =	vmin.f32 v9, v16  }
0x10f: {  	v45 =	vmax.f32 v5, v11;
	v14 =	vmax.f32 v3, v14;
	v15 =	vmin.f32 v4, v15  }
0x110: {  	v16 =	vmin.f32 v2, v16;
	v53 =	vmax.f32 v7, v46;
	v55 =	vmax.f32 v6, v25  }
0x111: {  	v56 =	vmin.f32 v8, v47;
	v26 =	vmin.f32 v9, v50;
	v57 =	vmax.f32 v5, v46  }
0x112: {  	v37 =	vld [tilespmem:$0x7830];
	v25 =	vmax.f32 v3, v25;
	v36 =	vmax.f32 v7, v58;
	v28 =	vmin.f32 v8, v59  }
0x113: {  	v38 =	vmax.f32 v6, v60;
	v29 =	vmin.f32 v9, v63;
	v46 =	vmax.f32 v6, v30  }
0x114: {  	v30 =	vmax.f32 v3, v30;
	v20 =	vsub.f32 v23, v20;
	v22 =	vsub.f32 v24, v22  }
0x115: {  	v21 =	vld [tilespmem:$0x7A00];
	v15 =	vsub.f32 v15, v45;
	v14 =	vsub.f32 v16, v14;
	v24 =	vmax.f32 v5, v58  }
0x116: {  	v54 =	vld [tilespmem:$0x7A10];
	v23 =	vmax.f32 v3, v60;
	v11 =	vmul.f32 v17, v44;
	v10 =	vmul.f32 v19, v18  }
0x117: {  	v39 =	vld [tilespmem:$0x7930];
	v17 =	vmin.f32 v4, v47;
	v19 =	vmin.f32 v2, v50;
	v44 =	vmax.f32 v7, v37  }
0x118: {  	v35 =	vld [tilespmem:$0x7A20];
	v48 =	vmax.f32 v20, $0.0e+00;
	v49 =	vmax.f32 v22, $0.0e+00;
	v15 =	vmax.f32 v15, $0.0e+00  }
0x119: {  	v14 =	vmax.f32 v14, $0.0e+00;
	v20 =	vsub.f32 v56, v53;
	v22 =	vsub.f32 v26, v55  }
0x11a: {  	v17 =	vsub.f32 v17, v57;
	v19 =	vsub.f32 v19, v25;
	v26 =	vmin.f32 v4, v59  }
0x11b: {  	v25 =	vmax.f32 v5, v37;
	v51 =	vadd.f32 v21, v11;
	v52 =	vadd.f32 v21, v10  }
0x11c: {  	v53 =	vmin.f32 v4, v39;
	v33 =	vadd.f32 v54, v11;
	v34 =	vadd.f32 v54, v10  }
0x11d: {  	v45 =	vld [tilespmem:$0x7A30];
	v16 =	vmul.f32 v49, v48;
	v24 =	vsub.f32 v26, v24;
	v41 =	vadd.f32 v35, v11  }
0x11e: {  	v50 =	vld [tilespmem:$0x7840];
	v14 =	vmul.f32 v14, v15;
	v43 =	vadd.f32 v35, v10;
	v25 =	vsub.f32 v53, v25  }
0x11f: {  	v62 =	vmax.f32 v20, $0.0e+00;
	v32 =	vmax.f32 v22, $0.0e+00;
	v17 =	vmax.f32 v17, $0.0e+00  }
0x120: {  	v19 =	vmax.f32 v19, $0.0e+00;
	v20 =	vmin.f32 v2, v63;
	v18 =	vsub.f32 v51, v16  }
0x121: {  	v54 =	vld [tilespmem:$0x78C0];
	v15 =	vsub.f32 v52, v14;
	v20 =	vsub.f32 v20, v23;
	v42 =	vmax.f32 v24, $0.0e+00  }
0x122: {  	v52 =	vadd.f32 v45, v11;
	v25 =	vmax.f32 v25, $0.0e+00;
	v24 =	vadd.f32 v45, v10  }
0x123: {  	v31 =	vld [tilespmem:$0x79B0];
	v59 =	vmax.f32 v7, v50;
	v26 =	vmax.f32 v5, v50;
	v61 =	vadd.f32 $9.999999710e-10, v18  }
0x124: {  	v27 =	vadd.f32 $9.999999710e-10, v15;
	v18 =	vmul.f32 v32, v62;
	v15 =	vmul.f32 v19, v17  }
0x125: {  	v58 =	vld [tilespmem:$0x7A40];
	v19 =	vsub.f32 v28, v36;
	v28 =	vsub.f32 v29, v38;
	v32 =	vmin.f32 v8, v39  }
0x126: {  	v51 =	vld [tilespmem:$0x7940];
	v20 =	vmax.f32 v20, $0.0e+00;
	v21 =	vsub.f32 v32, v44;
	v29 =	vmax.f32 v3, v54  }
0x127: {  	v55 =	vld [tilespmem:$0x79C0];
	(erf) = vrcp.f32 v61;
	v22 =	vsub.f32 v33, v18;
	v17 =	vsub.f32 v34, v15  }
0x128: {  	v19 =	vmax.f32 v19, $0.0e+00;
	v28 =	vmax.f32 v28, $0.0e+00;
	v33 =	vmin.f32 v9, v31  }
0x129: {  	v45 =	vld [tilespmem:$0x7860];
	v31 =	vmin.f32 v2, v31;
	v19 =	vmul.f32 v28, v19;
	(erf) = vrcp.f32 v27  }
0x12a: {  	v47 =	vsub.f32 v33, v46;
	v21 =	vmax.f32 v21, $0.0e+00;
	v56 =	vsub.f32 v31, v30  }
0x12b: {  	v60 =	vmin.f32 v8, v51;
	v23 =	vmin.f32 v4, v51;
	v27 =	vadd.f32 v58, v10  }
0x12c: {  	v63 =	vld [tilespmem:$0x7850];
	v28 =	vmin.f32 v2, v55;
	v22 =	vadd.f32 $9.999999710e-10, v22;
	v40 =	vadd.f32 $9.999999710e-10, v17  }
0x12d: {  	v17 =	vmul.f32 v20, v42;
	v62 =	vsub.f32 v60, v59;
	v23 =	vsub.f32 v23, v26  }
0x12e: {  	v34 =	vld [tilespmem:$0x79D0];
	v44 =	vsub.f32 v28, v29;
	v28 =	vmax.f32 v5, v45;
	v48 =	vsub.f32 v41, v19  }
0x12f: {  	v49 =	vmax.f32 v47, $0.0e+00;
	v41 =	vmin.f32 v9, v55;
	v47 =	vadd.f32 v58, v11  }
0x130: {  	v46 =	vld [tilespmem:$0x78E0];
	(erf) = vrcp.f32 v22;
	v20 =	vsub.f32 v43, v17;
	v21 =	vmul.f32 v49, v21  }
0x131: {  	v42 =	vld [tilespmem:$0x78D0];
	v23 =	vmax.f32 v23, $0.0e+00;
	v26 =	vmax.f32 v44, $0.0e+00;
	v49 =	vmax.f32 v7, v63  }
0x132: {  	v36 =	vld [tilespmem:$0x79E0];
	(erf) = vrcp.f32 v40;
	v22 =	vadd.f32 $9.999999710e-10, v48;
	v40 =	vmax.f32 v6, v54  }
0x133: {  	v23 =	vmul.f32 v26, v23;
	v38 =	vmin.f32 v9, v34;
	v20 =	vadd.f32 $9.999999710e-10, v20  }
0x134: {  	v34 =	vmin.f32 v2, v34;
	v57 =	vsub.f32 v52, v21;
	v30 =	vsub.f32 v41, v40  }
0x135: {  	v52 =	vmax.f32 v7, v45;
	v55 =	vmax.f32 v6, v46;
	(erf) = vrcp.f32 v22  }
0x136: {  	v43 =	vld [tilespmem:$0x7950];
	v22 =	vmax.f32 v56, $0.0e+00;
	v37 =	vmax.f32 v6, v42;
	v33 =	vmax.f32 v3, v42  }
0x137: {  	v56 =	vmin.f32 v9, v36;
	v27 =	vsub.f32 v27, v23;
	(erf) = vrcp.f32 v20  }
0x138: {  	v48 =	vld [tilespmem:$0x7960];
	v61 =	vadd.f32 $9.999999710e-10, v57;
	v20 =	vmul.f32 v22, v25;
	v22 =	vmax.f32 v62, $0.0e+00  }
0x139: {  	v54 =	vld [tilespmem:$0x7A50];
	v30 =	vmax.f32 v30, $0.0e+00;
	v50 =	vsub.f32 v38, v37;
	v25 =	vmax.f32 v5, v63  }
0x13a: {  	v51 =	vsub.f32 v34, v33;
	v34 =	vsub.f32 v56, v55;
	v22 =	vmul.f32 v30, v22  }
0x13b: {  	v35 =	vmin.f32 v8, v43;
	v31 =	vmin.f32 v4, v43;
	v24 =	vsub.f32 v24, v20  }
0x13c: {  	(erf) = vrcp.f32 v61;
	v26 =	vsub.f32 v35, v49;
	v25 =	vsub.f32 v31, v25  }
0x13d: {  	v57 =	vld [tilespmem:$0x7A60];
	v53 =	vmin.f32 v8, v48;
	v35 =	vmax.f32 v50, $0.0e+00;
	v31 =	vmax.f32 v51, $0.0e+00  }
0x13e: {  	v58 =	vadd.f32 v54, v11;
	v34 =	vmax.f32 v34, $0.0e+00;
	v59 =	vadd.f32 v54, v10  }
0x13f: {  	v33 =	vsub.f32 v53, v52;
	v30 =	vsub.f32 v47, v22;
	v26 =	vmax.f32 v26, $0.0e+00  }
0x140: {  	v24 =	vadd.f32 $9.999999710e-10, v24;
	v25 =	vmax.f32 v25, $0.0e+00;
	v26 =	vmul.f32 v35, v26  }
0x141: {  	v30 =	vadd.f32 $9.999999710e-10, v30;
	v25 =	vmul.f32 v31, v25;
	v33 =	vmax.f32 v33, $0.0e+00  }
0x142: {  	v60 =	vadd.f32 v57, v11;
	v33 =	vmul.f32 v34, v33;
	v62 =	vsub.f32 v58, v26  }
0x143: {  	v61 =	vadd.f32 $9.999999710e-10, v27;
	(erf) = vrcp.f32 v24;
	v37 =	vsub.f32 v59, v25  }
0x144: {  	v63 =	vpop (erf);
	(erf) = vrcp.f32 v30;
	v34 =	vsub.f32 v60, v33;
	v39 =	vadd.f32 $9.999999710e-10, v62  }
0x145: {  	v29 =	vmax.f32 v3, v46;
	v42 =	vpop (erf);
	(erf) = vrcp.f32 v61;
	v40 =	vadd.f32 $9.999999710e-10, v37  }
0x146: {  	v43 =	vmin.f32 v2, v36;
	v44 =	vpop (erf);
	v41 =	vadd.f32 $9.999999710e-10, v34;
	(erf) = vrcp.f32 v39  }
0x147: {  	v16 =	vmul.f32 v63, v16;
	v46 =	vsub.f32 v43, v29;
	v47 =	vpop (erf);
	(erf) = vrcp.f32 v40  }
0x148: {  	v55 =	vmax.f32 v7, v5;
	v32 =	vmin.f32 v4, v48;
	(erf) = vrcp.f32 v41  }
0x149: {  	v45 =	vsub.f32 v32, v28;
	v28 =	vmax.f32 v46, $0.0e+00;
	v16 =	vmax.f32 v16, $0.0e+00;
	v48 =	vpop (erf)  }
0x14a: {  	v50 =	vadd.f32 v57, v10;
	v57 =	vmax.f32 v6, v3;
	v18 =	vmul.f32 v44, v18;
	v49 =	vpop (erf)  }
0x14b: {  	v24 =	vmax.f32 v45, $0.0e+00;
	v58 =	vmin.f32 v8, v4;
	v59 =	vmin.f32 v9, v2;
	v51 =	vpop (erf)  }
0x14c: {  	v24 =	vmul.f32 v28, v24;
	v61 =	vsub.f32 v58, v55;
	v62 =	vsub.f32 v59, v57;
	v56 =	vpop (erf)  }
0x14d: {  	v14 =	vmul.f32 v42, v14;
	v16 =	vmax.f32 v16, v18;
	v52 =	vmul.f32 v48, v19;
	v60 =	vpop (erf)  }
0x14e: {  	v54 =	vsub.f32 v50, v24;
	v18 =	vmax.f32 v61, $0.0e+00;
	v27 =	vmax.f32 v62, $0.0e+00;
	v63 =	vpop (erf)  }
0x14f: {  	v53 =	vmul.f32 v51, v21;
	v18 =	vmul.f32 v27, v18;
	v41 =	vadd.f32 v10, v11;
	v38 =	vpop (erf)  }
0x150: {  	v16 =	vmax.f32 v16, v52;
	v37 =	vadd.f32 $9.999999710e-10, v54;
	v40 =	vld [tilespmem:s12+$0x9280];
	v22 =	vmul.f32 v60, v22;
	v39 =	vpop (erf)  }
0x151: {  	v16 =	vmax.f32 v16, v53;
	v43 =	vsub.f32 v41, v18;
	v21 =	vmul.f32 v38, v26;
	v42 =	vpop (erf)  }
0x152: {  	(erf) = vrcp.f32 v37;
	v16 =	vmax.f32 v16, v22;
	v22 =	vmul.f32 v42, v33  }
0x153: {  	v16 =	vmax.f32 v16, v21  }
0x154: {  	v46 =	vadd.f32 $9.999999710e-10, v43;
	v16 =	vmax.f32 v16, v22  }
0x155: {  	v15 =	vmul.f32 v47, v15;
	v13 =	vperm.xlane v40, v13;
	vm1 =	vgt.f32 v16, $5.000000000e-01  }
0x156: {  	(erf) = vrcp.f32 v46;
	v48 =	vmpcnt.ones.xlane vm1  }
0x157: {  	vm4 =	vlt.s32 v0, $0x64;
	v14 =	vmax.f32 v14, $0.0e+00;
	v44 =	vmul.f32 v49, v17  }
0x158: {  	v14 =	vmax.f32 v14, v15;
	vm2 =	vlt.f32 v13, $5.000000070e-02;
	vm1 =	vgt.s32 v48, $0x0  }
0x159: {  	v14 =	vmax.f32 v14, v44;
	v45 =	vmul.f32 v56, v20;
	vm1 =	vmor vm2, vm1  }
0x15a: {  	v47 =	vmul.f32 v63, v23;
	vm2 =	vmand vm4, vm0;
	vm5 =	vmneg vm1  }
0x15b: {  	v14 =	vmax.f32 v14, v45;
	v50 =	vmul.f32 v39, v25;
	v49 =	vpop (erf);
	vm3 =	vmand vm2, vm5  }
0x15c: {  	v51 =	vmul.u32 $0x5, v0;
	v14 =	vmax.f32 v14, v47;
	v15 =	vmul.f32 v49, v24  }
0x15d: {  	v14 =	vmax.f32 v14, v50  }
0x15e: {  	v58 =	vmov s11;
	v52 =	vadd.s32 $0x1, v51;
	v14 =	vmax.f32 v14, v15  }
0x15f: {  	v53 =	vadd.s32 $0x2, v51;
	v12 =	vperm.xlane v40, v12;
	vm6 =	vgt.f32 v14, $5.000000000e-01;
	v54 =	vpop (erf)  }
0x160: {  	v55 =	vadd.s32 $0x3, v51;
	v14 =	vmpcnt.ones.xlane vm6;
	v18 =	vmul.f32 v54, v18  }
0x161: {  	v56 =	vadd.s32 $0x4, v51;
	vm7 =	vlt.f32 v12, $5.000000070e-02;
	vm4 =	vmand vm4, vm5;
	[tilespmem:v0+s4+$0x0] =	vst.idx.msk vm3, v7  }
0x162: {  	vm6 =	vgt.s32 v14, $0x0;
	vm12 =	vgt.f32 v18, $5.000000000e-01;
	v57 =	vsel vm4, $0x1, v1;
	[tilespmem:v0+s5+$0x0] =	vst.idx.msk vm3, v6  }
0x163: {  	vm6 =	vmor vm7, vm6;
	vm13 =	vmand vm12, vm5;
	v18 =	vadd.s32 v57, v0;
	[tilespmem:v0+s6+$0x0] =	vst.idx.msk vm3, v8  }
0x164: {  	v20 =	vand.u32 $0xFFFFFFFE, v58;
	vm4 =	vmor vm13, vm6;
	vm14 =	vlt.s32 v18, $0x64;
	[tilespmem:v0+s7+$0x0] =	vst.idx.msk vm3, v9  }
0x165: {  	vm6 =	vmneg vm4;
	vm15 =	vmand vm14, vm0;
	[tilespmem:v0+s8+$0x0] =	vst.idx.msk vm3, v11;
	v0 =	vbroadcast v20, $0x0  }
0x166: {  	vm8 =	vmand vm15, vm6;
	[tilespmem:v51+s9+$0x0] =	vst.idx.msk vm3, v7  }
0x167: {  	[tilespmem:v52+s9+$0x0] =	vst.idx.msk vm3, v6  }
0x168: {  	[tilespmem:v53+s9+$0x0] =	vst.idx.msk vm3, v8  }
0x169: {  	[tilespmem:v55+s9+$0x0] =	vst.idx.msk vm3, v9  }
0x16a: {  	v59 =	vsel vm1, $0x1, v1;
	[tilespmem:v56+s9+$0x0] =	vst.idx.msk vm3, v13  }
0x16b: {  	[tilespmem:v0+s10+$0x0] =	vst.idx.msk vm2, v59;
	v0 =	vmul.u32 $0x5, v18  }
0x16c: {  	[tilespmem:v18+s4+$0x0] =	vst.idx.msk vm8, v5  }
0x16d: {  	[tilespmem:v18+s5+$0x0] =	vst.idx.msk vm8, v3;
	v60 =	vadd.s32 $0x1, v0  }
0x16e: {  	v61 =	vadd.s32 $0x2, v0;
	[tilespmem:v18+s6+$0x0] =	vst.idx.msk vm8, v4  }
0x16f: {  	v62 =	vadd.s32 $0x3, v0;
	[tilespmem:v18+s7+$0x0] =	vst.idx.msk vm8, v2  }
0x170: {  	v63 =	vadd.s32 $0x4, v0;
	[tilespmem:v18+s8+$0x0] =	vst.idx.msk vm8, v10  }
0x171: {  	p0 =	sne.s32 s3, $0x7F;
	[tilespmem:v0+s9+$0x0] =	vst.idx.msk vm8, v5;
	v0 =	vmov s3  }
.Ltmp1:
0x172: {  	[tilespmem:v60+s9+$0x0] =	vst.idx.msk vm8, v3;
	(pc) =	sbr.rel @p0 .LBB2_3-.Ltmp1, $4  }
0x173: {  	[tilespmem:v61+s9+$0x0] =	vst.idx.msk vm8, v4  }
0x174: {  	vm1 =	vmand vm14, vm6;
	[tilespmem:v62+s9+$0x0] =	vst.idx.msk vm8, v2  }
0x175: {  	v3 =	vsel vm1, $0x1, v1;
	v2 =	vsel vm4, $0x1, v1;
	[tilespmem:v63+s9+$0x0] =	vst.idx.msk vm8, v12  }
0x176: {  	s3 =	sadd.s32 $0x2, s3;
	[tilespmem:v0+s10+$0x0] =	vst.idx.msk vm15, v2;
	v0 =	vadd.s32 v3, v18  }
0x177: {  	v0 =	vxor.u32 $0x80000000, v0  }
0x178: {  	(xrf0) =	vmax.scan.msk.u32 $0xffff, v0;
	_ =	sdelay $0x5  }
0x179: {  	v0, _, _ =	vpop (xrf0)  }
0x17a: {  	(v2sf) =	vpush v0, $0xF;
	_ =	sdelay $0xe  }
0x17b: {  	s3 =	spop (v2sf)  }
0x17c: {  	s3 =	sxor.u32 $0x80000000, s3  }
0x17d: {  	p0 =	sgt.s32 s3, $0x63  }
.Ltmp2:
0x17e: {  	_ = 	snop;
	(pc) =	sbr.rel @p0 .LBB2_12-.Ltmp2, $1  }
0x17f: {  	_ =	sdelay $0x3  }
.Ltmp3:
0x180: {  	s4 =	simm.s32 $0x80;
	s5 =	simm.s32 $0x6400;
	(pc) =	sbr.rel .LBB2_6-.Ltmp3, $4  }
0x181: {  	s6 =	simm.s32 $0x0;
	s7 =	simm.s32 $0x1400;
	s8 =	simm.s32 $0x2800  }
0x182: {  	s9 =	simm.s32 $0x3C00;
	s10 =	simm.s32 $0x5000;
	s11 =	simm.s32 $0x7800  }
0x183: {  	s12 =	simm.s32 $0x7880;
	s13 =	simm.s32 $0x7900;
	s14 =	simm.s32 $0x7980  }
0x184: {  	v0 =	vimm.s32 $0x0;
	s15 =	simm.s32 $0x7A00;
	s16 =	simm.s32 $0x8E80;
	s17 =	simm.s32 $0x7A80  }
.LBB2_8:
0x185: {  	_ =	sdelay $0x3  }
0x186: {  	v1 =	vld.idx.msk [tilespmem:v1+s17+$0x0], $0xffff;
	_ =	sdelay $0x4  }
0x187: {  	v1 =	vxor.u32 $0x80000000, v1  }
0x188: {  	(xrf0) =	vmax.scan.msk.u32 $0xffff, v1;
	_ =	sdelay $0x5  }
0x189: {  	v1, _, _ =	vpop (xrf0)  }
0x18a: {  	(v2sf) =	vpush v1, $0xF;
	_ =	sdelay $0xe  }
0x18b: {  	s18 =	spop (v2sf)  }
0x18c: {  	s18 =	sxor.u32 $0x80000000, s18  }
0x18d: {  	s4 =	sadd.s32 $0x1, s4;
	s18 =	ssub.s32 $0x1, s18  }
0x18e: {  	s18 =	simm.s32 @p0 $0x0;
	p0 =	sne.s32 s4, $0x1388  }
.Ltmp4:
0x18f: {  	_ = 	snop;
	(pc) =	sbr.rel @!p0 .LBB2_9-.Ltmp4, $2  }
0x190: {  	_ =	sdelay $0x2  }
0x191: {  	s3 =	sadd.s32 s3, s18  }
.LBB2_6:
0x192: {  	p0 =	sgt.s32 s3, $0x63  }
.Ltmp5:
0x193: {  	_ = 	snop;
	(pc) =	sbr.rel @p0 .LBB2_8-.Ltmp5, $2  }
0x194: {  	_ =	sdelay $0x2  }
0x195: {  	v1 =	vmov s4  }
0x196: {  	_ =	sdelay $0x3  }
0x197: {  	v6 =	vld.idx.msk [tilespmem:v1+s5+$0x0], $0xffff  }
0x198: {  	v7 =	vld [tilespmem:$0x7800]  }
0x199: {  	v8 =	vld [tilespmem:$0x7880]  }
0x19a: {  	v9 =	vld [tilespmem:$0x7900]  }
0x19b: {  	v10 =	vld [tilespmem:$0x7980]  }
0x19c: {  	v11 =	vld [tilespmem:$0x7A00]  }
0x19d: {  	v12 =	vld [tilespmem:$0x7810]  }
0x19e: {  	v13 =	vld [tilespmem:$0x7890]  }
0x19f: {  	v14 =	vld [tilespmem:$0x7910]  }
0x1a0: {  	v15 =	vld [tilespmem:$0x7990]  }
0x1a1: {  	v16 =	vld [tilespmem:$0x7A10]  }
0x1a2: {  	v19 =	vld [tilespmem:$0x7820]  }
0x1a3: {  	v20 =	vld [tilespmem:$0x78A0]  }
0x1a4: {  	v44 =	vld [tilespmem:$0x7920]  }
0x1a5: {  	v45 =	vld [tilespmem:$0x79A0]  }
0x1a6: {  	v21 =	vld [tilespmem:$0x78B0]  }
0x1a7: {  	v22 =	vld [tilespmem:$0x7930]  }
0x1a8: {  	v2 =	vld.idx.msk [tilespmem:v6+s6+$0x0], $0xffff  }
0x1a9: {  	v3 =	vld.idx.msk [tilespmem:v6+s7+$0x0], $0xffff  }
0x1aa: {  	v4 =	vld.idx.msk [tilespmem:v6+s8+$0x0], $0xffff  }
0x1ab: {  	v5 =	vld.idx.msk [tilespmem:v6+s9+$0x0], $0xffff  }
0x1ac: {  	v23 =	vld [tilespmem:$0x79B0]  }
0x1ad: {  	v24 =	vld [tilespmem:$0x7840]  }
0x1ae: {  	v51 =	vld [tilespmem:$0x7940]  }
0x1af: {  	v60 =	vld [tilespmem:$0x79D0];
	v17 =	vsub.f32 v4, v2  }
0x1b0: {  	v27 =	vld [tilespmem:$0x7960];
	v18 =	vsub.f32 v5, v3;
	v7 =	vmax.f32 v2, v7;
	v8 =	vmax.f32 v3, v8  }
0x1b1: {  	v63 =	vld [tilespmem:$0x78E0];
	v9 =	vmin.f32 v4, v9;
	v10 =	vmin.f32 v5, v10;
	v12 =	vmax.f32 v2, v12  }
0x1b2: {  	v49 =	vld [tilespmem:$0x78C0];
	v14 =	vmin.f32 v4, v14;
	v13 =	vmax.f32 v3, v13;
	v15 =	vmin.f32 v5, v15  }
0x1b3: {  	v52 =	vld [tilespmem:$0x79C0];
	v50 =	vmax.f32 v2, v19;
	v20 =	vmax.f32 v3, v20;
	v59 =	vmin.f32 v4, v22  }
0x1b4: {  	v46 =	vld [tilespmem:$0x7A20];
	v21 =	vmax.f32 v3, v21;
	v23 =	vmin.f32 v5, v23;
	v62 =	vmax.f32 v2, v24  }
0x1b5: {  	v28 =	vld [tilespmem:$0x79E0];
	v19 =	vmin.f32 v4, v51;
	v30 =	vmin.f32 v5, v60;
	v32 =	vmin.f32 v4, v27  }
0x1b6: {  	v48 =	vld [tilespmem:$0x7830];
	v34 =	vmax.f32 v3, v63;
	v9 =	vsub.f32 v9, v7;
	v8 =	vsub.f32 v10, v8  }
0x1b7: {  	v53 =	vld [tilespmem:$0x7850];
	v12 =	vsub.f32 v14, v12;
	v13 =	vsub.f32 v15, v13;
	v10 =	vmin.f32 v4, v44  }
0x1b8: {  	v55 =	vld [tilespmem:$0x78D0];
	v21 =	vsub.f32 v23, v21;
	v14 =	vmax.f32 v3, v49;
	v15 =	vmin.f32 v5, v52  }
0x1b9: {  	v61 =	vld [tilespmem:$0x7860];
	v19 =	vsub.f32 v19, v62;
	v7 =	vmul.f32 v18, v17;
	v17 =	vmin.f32 v5, v45  }
0x1ba: {  	v29 =	vld [tilespmem:$0x7A30];
	v10 =	vsub.f32 v10, v50;
	v14 =	vsub.f32 v15, v14;
	v15 =	vmin.f32 v5, v28  }
0x1bb: {  	v31 =	vld [tilespmem:$0x7A40];
	v9 =	vmax.f32 v9, $0.0e+00;
	v8 =	vmax.f32 v8, $0.0e+00;
	v12 =	vmax.f32 v12, $0.0e+00  }
0x1bc: {  	v33 =	vld [tilespmem:$0x7A50];
	v13 =	vmax.f32 v13, $0.0e+00;
	v17 =	vsub.f32 v17, v20;
	v21 =	vmax.f32 v21, $0.0e+00  }
0x1bd: {  	v35 =	vld [tilespmem:$0x7A60];
	v20 =	vmax.f32 v2, v53;
	v19 =	vmax.f32 v19, $0.0e+00;
	v15 =	vsub.f32 v15, v34  }
0x1be: {  	v58 =	vld [tilespmem:$0x7950];
	v8 =	vmul.f32 v8, v9;
	v47 =	vadd.f32 v11, v7;
	v54 =	vmul.f32 v13, v12  }
0x1bf: {  	v56 =	vadd.f32 v16, v7;
	v10 =	vmax.f32 v10, $0.0e+00;
	v11 =	vmax.f32 v2, v48  }
0x1c0: {  	v18 =	vadd.f32 v46, v7;
	v12 =	vmax.f32 v3, v55;
	v16 =	vmax.f32 v2, v61  }
0x1c1: {  	v14 =	vmax.f32 v14, $0.0e+00;
	v36 =	vadd.f32 v29, v7;
	v38 =	vadd.f32 v31, v7  }
0x1c2: {  	v39 =	vadd.f32 v33, v7;
	v41 =	vadd.f32 v35, v7;
	v57 =	vmax.f32 v17, $0.0e+00  }
0x1c3: {  	v11 =	vsub.f32 v59, v11;
	v17 =	vmin.f32 v4, v58;
	v12 =	vsub.f32 v30, v12  }
0x1c4: {  	v16 =	vsub.f32 v32, v16;
	v14 =	vmul.f32 v14, v19;
	v15 =	vmax.f32 v15, $0.0e+00  }
0x1c5: {  	v9 =	vsub.f32 v47, v8;
	v10 =	vmul.f32 v57, v10;
	v13 =	vsub.f32 v56, v54  }
0x1c6: {  	v17 =	vsub.f32 v17, v20;
	v11 =	vmax.f32 v11, $0.0e+00;
	v12 =	vmax.f32 v12, $0.0e+00  }
0x1c7: {  	v16 =	vmax.f32 v16, $0.0e+00;
	v40 =	vsub.f32 v38, v14;
	v11 =	vmul.f32 v21, v11  }
0x1c8: {  	v9 =	vadd.f32 $9.999999710e-10, v9;
	v18 =	vsub.f32 v18, v10;
	v17 =	vmax.f32 v17, $0.0e+00  }
0x1c9: {  	v13 =	vadd.f32 $9.999999710e-10, v13;
	v12 =	vmul.f32 v12, v17;
	v37 =	vsub.f32 v36, v11  }
0x1ca: {  	v15 =	vmul.f32 v15, v16;
	(erf) = vrcp.f32 v9;
	v18 =	vadd.f32 $9.999999710e-10, v18  }
0x1cb: {  	(erf) = vrcp.f32 v13;
	v43 =	vsub.f32 v39, v12;
	v42 =	vadd.f32 $9.999999710e-10, v37  }
0x1cc: {  	v16 =	vadd.f32 $9.999999710e-10, v40;
	v44 =	vsub.f32 v41, v15;
	(erf) = vrcp.f32 v18  }
0x1cd: {  	v45 =	vadd.f32 $9.999999710e-10, v43;
	(erf) = vrcp.f32 v42  }
0x1ce: {  	v46 =	vadd.f32 $9.999999710e-10, v44;
	(erf) = vrcp.f32 v16  }
0x1cf: {  	(erf) = vrcp.f32 v45  }
0x1d0: {  	(erf) = vrcp.f32 v46;
	_ =	sdelay $0x2  }
0x1d1: {  	v47 =	vpop (erf)  }
0x1d2: {  	v48 =	vpop (erf);
	v8 =	vmul.f32 v47, v8  }
0x1d3: {  	v49 =	vpop (erf);
	v9 =	vmul.f32 v48, v54  }
0x1d4: {  	v8 =	vmax.f32 v8, $0.0e+00;
	v10 =	vmul.f32 v49, v10;
	v50 =	vpop (erf)  }
0x1d5: {  	v8 =	vmax.f32 v8, v9;
	v51 =	vpop (erf);
	v52 =	vmul.f32 v50, v11  }
0x1d6: {  	v8 =	vmax.f32 v8, v10;
	v53 =	vpop (erf);
	v54 =	vmul.f32 v51, v14  }
0x1d7: {  	v8 =	vmax.f32 v8, v52;
	v55 =	vmul.f32 v53, v12;
	v56 =	vpop (erf)  }
0x1d8: {  	v8 =	vmax.f32 v8, v54;
	v57 =	vmul.f32 v56, v15  }
0x1d9: {  	v6 =	vld.idx.msk [tilespmem:v6+s10+$0x0], $0xffff;
	v8 =	vmax.f32 v8, v55  }
0x1da: {  	v8 =	vmax.f32 v8, v57  }
0x1db: {  	vm1 =	vgt.f32 v8, $5.000000000e-01  }
0x1dc: {  	v8 =	vmpcnt.ones.xlane vm1;
	_ =	sdelay $0x1  }
0x1dd: {  	vm2 =	vlt.f32 v6, $5.000000070e-02;
	vm1 =	vgt.s32 v8, $0x0  }
0x1de: {  	vm1 =	vmor vm2, vm1  }
0x1df: {  	vm2 =	vmneg vm1  }
0x1e0: {  	vm2 =	vmand vm2, vm0  }
0x1e1: {  	v58 =	vmov s3;
	_ =	sdelay $0x3  }
0x1e2: {  	v59 =	vmul.u32 $0x5, v58  }
0x1e3: {  	[tilespmem:v58+s11+$0x0] =	vst.idx.msk vm2, v2  }
0x1e4: {  	v60 =	vadd.s32 $0x1, v59;
	[tilespmem:v58+s12+$0x0] =	vst.idx.msk vm2, v3  }
0x1e5: {  	v61 =	vadd.s32 $0x2, v59;
	[tilespmem:v58+s13+$0x0] =	vst.idx.msk vm2, v4  }
0x1e6: {  	v62 =	vadd.s32 $0x3, v59;
	[tilespmem:v58+s14+$0x0] =	vst.idx.msk vm2, v5  }
0x1e7: {  	v63 =	vadd.s32 $0x4, v59;
	[tilespmem:v58+s15+$0x0] =	vst.idx.msk vm2, v7  }
0x1e8: {  	[tilespmem:v59+s16+$0x0] =	vst.idx.msk vm2, v2  }
.Ltmp6:
0x1e9: {  	[tilespmem:v60+s16+$0x0] =	vst.idx.msk vm2, v3;
	(pc) =	sbr.rel .LBB2_8-.Ltmp6, $4  }
0x1ea: {  	[tilespmem:v61+s16+$0x0] =	vst.idx.msk vm2, v4  }
0x1eb: {  	[tilespmem:v62+s16+$0x0] =	vst.idx.msk vm2, v5  }
0x1ec: {  	v2 =	vsel vm1, $0x1, v0;
	[tilespmem:v63+s16+$0x0] =	vst.idx.msk vm2, v6  }
0x1ed: {  	[tilespmem:v1+s17+$0x0] =	vst.idx.msk $0x1, v2  }
.LBB2_9:
0x1ee: {  	s4 =	simm.s32 $0x0  }
0x1ef: {  	v0 =	vmov s4;
	_ =	sdelay $0x3  }
0x1f0: {  	s5 =	simm.s32 $0x7A80  }
0x1f1: {  	v1 =	vld.idx.msk [tilespmem:v0+s5+$0x0], $0xffff;
	_ =	sdelay $0x4  }
0x1f2: {  	v1 =	vxor.u32 $0x80000000, v1  }
0x1f3: {  	(xrf0) =	vmax.scan.msk.u32 $0xffff, v1;
	_ =	sdelay $0x5  }
0x1f4: {  	v1, _, _ =	vpop (xrf0)  }
0x1f5: {  	(v2sf) =	vpush v1, $0xF;
	_ =	sdelay $0xb  }
0x1f6: {  	s6 =	simm.s32 $0x6400  }
0x1f7: {  	v0 =	vld.idx.msk [tilespmem:v0+s6+$0x0], $0xffff;
	_ =	sdelay $0x1  }
0x1f8: {  	s12 =	spop (v2sf)  }
0x1f9: {  	p1 =	slt.s32 s3, $0x64;
	p0 =	seq.s32 s12, $0x80000001  }
0x1fa: {  	vm1 =	vmxor vm1, vm1;
	v1 =	vmov s3;
	p0 =	por !p1, !p0  }
0x1fb: {  	vm2 =	vmmov vm1;
	v1 =	vmul.u32 $0x5, v1;
	p0 =	por !p0, !p0  }
0x1fc: {  	vm2 =	vmneg @p0 vm2  }
0x1fd: {  	v1 =	vbroadcast v1, $0x0;
	vm2 =	vmand vm2, vm0  }
0x1fe: {  	v3 =	vld.idx.msk [tilespmem:v0+s4+$0x0], $0xffff  }
0x1ff: {  	s8 =	simm.s32 $0x1400  }
0x200: {  	s9 =	simm.s32 $0x2800;
	v4 =	vld.idx.msk [tilespmem:v0+s8+$0x0], $0xffff;
	v5 =	vadd.s32 $0x1, v1  }
0x201: {  	s10 =	simm.s32 $0x3C00;
	v6 =	vld.idx.msk [tilespmem:v0+s9+$0x0], $0xffff;
	v7 =	vadd.s32 $0x2, v1  }
0x202: {  	s11 =	simm.s32 $0x5000;
	s7 =	simm.s32 $0x8E80;
	v8 =	vld.idx.msk [tilespmem:v0+s10+$0x0], $0xffff;
	v9 =	vadd.s32 $0x3, v1  }
0x203: {  	s13 =	simm.s32 $0x1;
	v2 =	vld.idx.msk [tilespmem:v0+s11+$0x0], $0xffff;
	s12 =	sxor.u32 $0x80000000, s12;
	p0 =	sgt.s32 s3, $0x63;
	[tilespmem:v1+s7+$0x0] =	vst.idx.msk vm2, v3;
	v3 =	vadd.s32 $0x4, v1  }
0x204: {  	s12 =	simm.s32 @p0 $0x0;
	v1 =	vmov s13  }
0x205: {  	s3 =	sadd.s32 s3, s12;
	[tilespmem:v5+s7+$0x0] =	vst.idx.msk vm2, v4  }
0x206: {  	v0 =	vmov s3;
	[tilespmem:v7+s7+$0x0] =	vst.idx.msk vm2, v6  }
0x207: {  	s12 =	simm.s32 $0x2;
	v0 =	vmul.u32 $0x5, v0;
	[tilespmem:v9+s7+$0x0] =	vst.idx.msk vm2, v8  }
.LBB2_10:
0x208: {  	p0 =	sne.s32 s12, $0x1387;
	[tilespmem:v3+s7+$0x0] =	vst.idx.msk vm2, v2;
	s13 =	smov.u32 s12;
	s12 =	sadd.s32 $0x1, s12  }
0x209: {  	v2 =	vld.idx.msk [tilespmem:v1+s5+$0x0], $0xffff;
	_ =	sdelay $0x5  }
0x20a: {  	v2 =	vxor.u32 $0x80000000, v2  }
0x20b: {  	(xrf0) =	vmax.scan.msk.u32 $0xffff, v2;
	_ =	sdelay $0x5  }
0x20c: {  	v2, _, _ =	vpop (xrf0)  }
0x20d: {  	(v2sf) =	vpush v2, $0xF;
	_ =	sdelay $0xb  }
0x20e: {  	v1 =	vld.idx.msk [tilespmem:v1+s6+$0x0], $0xffff;
	_ =	sdelay $0x2  }
0x20f: {  	p1 =	sgt.s32 s3, $0x63;
	s14 =	spop (v2sf)  }
0x210: {  	p3 =	slt.s32 s3, $0x64;
	s15 =	sxor.u32 $0x80000000, s14;
	p2 =	seq.s32 s14, $0x80000001  }
0x211: {  	p2 =	por !p3, !p2;
	s15 =	simm.s32 @p1 $0x0  }
0x212: {  	vm2 =	vmmov vm1;
	p1 =	por !p2, !p2;
	s3 =	sadd.s32 s3, s15  }
0x213: {  	v2 =	vmov s3;
	vm2 =	vmneg @p1 vm2  }
0x214: {  	v5 =	vbroadcast v0, $0x0;
	v4 =	vld.idx.msk [tilespmem:v1+s4+$0x0], $0xffff;
	vm2 =	vmand vm2, vm0;
	v0 =	vmul.u32 $0x5, v2  }
0x215: {  	v6 =	vld.idx.msk [tilespmem:v1+s8+$0x0], $0xffff  }
0x216: {  	v8 =	vadd.s32 $0x1, v5;
	v7 =	vld.idx.msk [tilespmem:v1+s9+$0x0], $0xffff  }
0x217: {  	v10 =	vadd.s32 $0x2, v5;
	v9 =	vld.idx.msk [tilespmem:v1+s10+$0x0], $0xffff  }
0x218: {  	v11 =	vadd.s32 $0x3, v5;
	v2 =	vld.idx.msk [tilespmem:v1+s11+$0x0], $0xffff  }
.Ltmp7:
0x219: {  	v3 =	vadd.s32 $0x4, v5;
	(pc) =	sbr.rel @p0 .LBB2_10-.Ltmp7, $4  }
0x21a: {  	v1 =	vmov s13;
	[tilespmem:v5+s7+$0x0] =	vst.idx.msk vm2, v4  }
0x21b: {  	[tilespmem:v8+s7+$0x0] =	vst.idx.msk vm2, v6  }
0x21c: {  	[tilespmem:v10+s7+$0x0] =	vst.idx.msk vm2, v7  }
0x21d: {  	[tilespmem:v11+s7+$0x0] =	vst.idx.msk vm2, v9  }
0x21e: {  	_ =	sdelay $0x4  }
0x21f: {  	[tilespmem:v3+s7+$0x0] =	vst.idx.msk vm2, v2  }
0x220: {  	v2 =	vld.idx.msk [tilespmem:v1+s5+$0x0], $0xffff;
	_ =	sdelay $0x4  }
0x221: {  	v2 =	vxor.u32 $0x80000000, v2  }
0x222: {  	(xrf0) =	vmax.scan.msk.u32 $0xffff, v2;
	_ =	sdelay $0x5  }
0x223: {  	v2, _, _ =	vpop (xrf0)  }
0x224: {  	(v2sf) =	vpush v2, $0xF;
	_ =	sdelay $0xc  }
0x225: {  	v62 =	vld.idx.msk [tilespmem:v1+s6+$0x0], $0xffff;
	_ =	sdelay $0x1  }
0x226: {  	s31 =	spop (v2sf)  }
0x227: {  	p1 =	slt.s32 s3, $0x64;
	p0 =	seq.s32 s31, $0x80000001  }
0x228: {  	p0 =	por !p1, !p0  }
0x229: {  	p0 =	por !p0, !p0  }
0x22a: {  	vm1 =	vmneg @p0 vm1  }
0x22b: {  	v0 =	vbroadcast v0, $0x0;
	vm0 =	vmand vm1, vm0  }
0x22c: {  	v63 =	vld.idx.msk [tilespmem:v62+s4+$0x0], $0xffff  }
0x22d: {  	v4 =	vadd.s32 $0x1, v0;
	v3 =	vld.idx.msk [tilespmem:v62+s8+$0x0], $0xffff  }
0x22e: {  	v6 =	vadd.s32 $0x2, v0;
	v5 =	vld.idx.msk [tilespmem:v62+s9+$0x0], $0xffff  }
0x22f: {  	v8 =	vadd.s32 $0x3, v0;
	v7 =	vld.idx.msk [tilespmem:v62+s10+$0x0], $0xffff  }
0x230: {  	v9 =	vadd.s32 $0x4, v0;
	v1 =	vld.idx.msk [tilespmem:v62+s11+$0x0], $0xffff  }
0x231: {  	[tilespmem:v0+s7+$0x0] =	vst.idx.msk vm0, v63  }
0x232: {  	[tilespmem:v4+s7+$0x0] =	vst.idx.msk vm0, v3  }
0x233: {  	[tilespmem:v6+s7+$0x0] =	vst.idx.msk vm0, v5  }
0x234: {  	[tilespmem:v8+s7+$0x0] =	vst.idx.msk vm0, v7  }
0x235: {  	[tilespmem:v9+s7+$0x0] =	vst.idx.msk vm0, v1  }
.LBB2_12:
0x236: {  	p0 =	sne.s32 s2, $0x0  }
0x237: {  	_ =	sfence.sel @p0 $0x180000  }
0x238: {  	[bflag:$0x0] =	sbarrier.arrive @p0 $0xFFFF  }
0x239: {  	_ =	strace @p0 $0x90000047  }
0x23a: {  	s2 =	simm.s32 @!p0 $0x0;
	s3 =	simm.s32 @!p0 $0x8E80;
	[bflag:$0x2] =	sbarrier.arrive @p0 $0xFFFF  }
0x23b: {  	[hbm4b:s1+s2] =	stream.linear.scatter @!p0 [tilespmem:s3], [sflag:$0x1], $0x200, $0x38;
	[tilespmem:$0x9300] =	vst v63  }
0x23c: {  	s1 =	simm.s32 @!p0 $0x1  }
0x23d: {  	_ =	swait.ge @!p0 [sflag:s1], $0x200  }
0x23e: {  	[sflag:s1] =	ssyncset.done @!p0 $0x0  }
0x23f: {  	[sflag:s1] =	ssyncadd.s32 @!p0 $0xFFFFFE00  }
0x240: {  	_ =	sfence.sel @!p0 $0x180000  }
0x241: {  	[bflag:$0x0] =	sbarrier.arrive @!p0 $0xFFFF  }
0x242: {  	_ =	strace @!p0 $0x90000047  }
0x243: {  	s0 =	sadd.s32 @!p0 $0x100000, s0;
	[bflag:$0x2] =	sbarrier.arrive @!p0 $0xFFFF  }
0x244: {  	[sflag:s0] =	ssyncadd.tile.s32 @!p0 $0x1;
	_ =	shalt  }
.Lfunc_end2:
_tile_overlayer_lowered:
.L_overlay_start_2:
0x245: {  	(tag) =	ssettag $0x2  }
0x246: {  	s0 =	rddreg [dreg:$0x0];
	s2 =	stileid.u32  }
0x247: {  	s1 =	rddreg [dreg:$0x1];
	p0 =	sne.s32 s2, $0x0  }
0x248: {  	s3 =	rddreg [dreg:$0x2];
	[bflag:$0x3] =	sbarrier.arrive $0xFFFF;
	s2 =	simm.s32 @!p0 $0x1C01  }
0x249: {  	[timem:s3], [sflag:s2] =	dma.local @!p0 [hbm:s0], s1  }
0x24a: {  	s0 =	simm.s32 @!p0 $0x1  }
0x24b: {  	_ =	swait.ge @!p0 [sflag:s0], s1  }
0x24c: {  	s1 =	ssub.s32 @!p0 $0x0, s1;
	[sflag:s0] =	ssyncset.done @!p0 $0x0  }
0x24d: {  	[sflag:s0] =	ssyncadd.s32 @!p0 s1  }
0x24e: {  	[bflag:$0x3] =	sbarrier.arrive $0xFFFF  }
0x24f: {  	_ =	shalt  }

// kernel: sc_greedy_nms_fast.3.cloned.1.call-start
scs
__scs_entry_jumppad:
0x0: {  	(pc) =	sbr.rel $0x88, $3  }
0x1: {  	(tag) =	ssettag $0x0;
	lr =	simm.s32 $0x1  }
0x2: {  	[smem:$0x3F9F] =	sst lr;
	_ =	strace $0xD0000000  }
0x3: {  	_ = 	snop  }
0x4: {  	_ = 	snop  }
0x5: {  	_ = 	snop  }
0x6: {  	_ = 	snop  }
0x7: {  	_ = 	snop  }
__scs_overlays_trampoline_lowered:
0x8: {  	[smem:$0x3FAE] =	sst s0  }
0x9: {  	[smem:$0x3FAF] =	sst s1  }
0xa: {  	[smem:$0x3FB0] =	sst s2  }
0xb: {  	[smem:$0x3FB1] =	sst s3  }
0xc: {  	[smem:$0x3FB2] =	sst s4  }
0xd: {  	[smem:$0x3FB3] =	sst s5  }
0xe: {  	[smem:$0x3FB4] =	sst s6  }
0xf: {  	[smem:$0x3FB5] =	sst s7  }
0x10: {  	[smem:$0x3FB6] =	sst s8  }
0x11: {  	[smem:$0x3FB7] =	sst s9;
	s0 =	simm.s32 @!p0 $0x0  }
0x12: {  	s1 =	sld [smem:$0x3F9D];
	s0 =	simm.s32 @p0 $0x1  }
0x13: {  	[smem:$0x3FB8] =	sst s0;
	s0 =	simm.s32 @!p1 $0x0  }
0x14: {  	s2 =	sld [smem:$0x3F9C];
	s0 =	simm.s32 @p1 $0x1  }
0x15: {  	[smem:$0x3FB9] =	sst s0;
	s0 =	simm.s32 @!p2 $0x0  }
0x16: {  	s3 =	sld [smem:$0x3FDB];
	s0 =	simm.s32 @p2 $0x1  }
0x17: {  	s4 =	simm.s32 $0x1BF5;
	[smem:$0x3FBB] =	sst s0  }
0x18: {  	s0 =	sld [smem:$0x3F9E];
	_ =	swait.ge [sflag:s4], $0x0  }
0x19: {  	s7 =	sld [smem:$0x3F9F]  }
0x1a: {  	s8 =	sadd.s32 $0xFFFFE003, lr  }
0x1b: {  	s9 =	sadd.s32 $0xFFFFFEF7, lr;
	s5 =	simm.s32 $0xFFFFFFFF;
	p2 =	slt.u32 s8, $0xFFFFF086  }
0x1c: {  	p1 =	slt.u32 s9, $0xF7A;
	s5 =	simm.s32 @!p2 $0x0  }
0x1d: {  	s5 =	simm.s32 @p1 $0x1;
	p0 =	seq.s32 s7, s2  }
0x1e: {  	s7 =	smul.u32 @!p0 $0xF7A, s2;
	p2 =	seq.s32 @!p0 s5, $0x0  }
0x1f: {  	s9 =	smul.u32 $0xF7A, s1;
	s8 =	simm.s32 @!p0 $0x1BF5;
	p2 =	por !p2, p0  }
0x20: {  	[sflag:s8] =	ssyncset.s32 @!p0 $0xFFFFF086;
	s6 =	sadd.s32 @!p0 s3, s7;
	s7 =	simm.s32 @!p0 $0x108  }
0x21: {  	s3 =	sadd.s32 s3, s9;
	s6 =	sadd.s32 @!p0 $0x88, s6;
	s7 =	simm.s32 @p2 $0x1082  }
0x22: {  	[simem:s7], [sflag:s8] =	dma.local @!p0 [hbm:s6], $0xF7A  }
0x23: {  	s9 =	sor.u32 $0xD0000000, s2;
	s6 =	simm.s32 $0x108;
	_ =	swait.ge @!p0 [sflag:s8], $0x0  }
0x24: {  	s3 =	sadd.s32 $0x88, s3;
	s6 =	simm.s32 @!p1 $0x1082;
	[sflag:s4] =	ssyncset.s32 $0xFFFFF086  }
0x25: {  	[simem:s6], [sflag:s4] =	dma.local [hbm:s3], $0xF7A  }
0x26: {  	[smem:$0x3F9F] =	sst s1;
	(tag) =	ssettag s2;
	_ =	strace s9  }
0x27: {  	s1 =	sld [smem:$0x3FAF]  }
0x28: {  	s2 =	sld [smem:$0x3FB0]  }
0x29: {  	s4 =	sld [smem:$0x3FB2]  }
0x2a: {  	p0 =	seq.s32 s5, $0x0;
	s5 =	sld [smem:$0x3FB3]  }
0x2b: {  	s6 =	sld [smem:$0x3FB4]  }
0x2c: {  	s7 =	sld [smem:$0x3FB5]  }
0x2d: {  	s3 =	simm.s32 $0x108;
	s8 =	sld [smem:$0x3FB6]  }
0x2e: {  	s3 =	simm.s32 @!p0 $0x1082;
	s9 =	sld [smem:$0x3FB7]  }
0x2f: {  	lr =	sadd.s32 s0, s3;
	s0 =	sld [smem:$0x3FAE]  }
0x30: {  	s3 =	sld [smem:$0x3FB1]  }
0x31: {  	[smem:$0x3FBA] =	sst s10  }
0x32: {  	s10 =	sld [smem:$0x3FB8];
	_ =	sdelay $0x3  }
0x33: {  	p0 =	seq.s32 s10, $0x1;
	s10 =	sld [smem:$0x3FBA];
	_ =	sdelay $0x3  }
0x34: {  	[smem:$0x3FBA] =	sst s10  }
0x35: {  	s10 =	sld [smem:$0x3FB9];
	_ =	sdelay $0x3  }
0x36: {  	p1 =	seq.s32 s10, $0x1;
	s10 =	sld [smem:$0x3FBA];
	_ =	sdelay $0x3  }
0x37: {  	[smem:$0x3FBA] =	sst s10  }
0x38: {  	s10 =	sld [smem:$0x3FBB]  }
0x39: {  	_ = 	snop;
	(pc) =	sbr.ind lr, $3  }
0x3a: {  	_ = 	snop  }
0x3b: {  	_ = 	snop  }
0x3c: {  	p2 =	seq.s32 s10, $0x1;
	s10 =	sld [smem:$0x3FBA]  }
0x3d: {  	_ =	shalt  }
0x3e: {  	_ =	shalt  }
0x3f: {  	_ =	shalt  }
0x40: {  	_ =	shalt  }
0x41: {  	_ =	shalt  }
0x42: {  	_ =	shalt  }
0x43: {  	_ =	shalt  }
0x44: {  	_ =	shalt  }
0x45: {  	_ =	shalt  }
0x46: {  	_ =	shalt  }
0x47: {  	_ =	shalt  }
0x48: {  	_ =	shalt  }
0x49: {  	_ =	shalt  }
0x4a: {  	_ =	shalt  }
0x4b: {  	_ =	shalt  }
0x4c: {  	_ =	shalt  }
0x4d: {  	_ =	shalt  }
0x4e: {  	_ =	shalt  }
0x4f: {  	_ =	shalt  }
0x50: {  	_ =	shalt  }
0x51: {  	_ =	shalt  }
0x52: {  	_ =	shalt  }
0x53: {  	_ =	shalt  }
0x54: {  	_ =	shalt  }
0x55: {  	_ =	shalt  }
0x56: {  	_ =	shalt  }
0x57: {  	_ =	shalt  }
0x58: {  	_ =	shalt  }
0x59: {  	_ =	shalt  }
0x5a: {  	_ =	shalt  }
0x5b: {  	_ =	shalt  }
0x5c: {  	_ =	shalt  }
0x5d: {  	_ =	shalt  }
0x5e: {  	_ =	shalt  }
0x5f: {  	_ =	shalt  }
0x60: {  	_ =	shalt  }
0x61: {  	_ =	shalt  }
0x62: {  	_ =	shalt  }
0x63: {  	_ =	shalt  }
0x64: {  	_ =	shalt  }
0x65: {  	_ =	shalt  }
0x66: {  	_ =	shalt  }
0x67: {  	_ =	shalt  }
0x68: {  	_ =	shalt  }
0x69: {  	_ =	shalt  }
0x6a: {  	_ =	shalt  }
0x6b: {  	_ =	shalt  }
0x6c: {  	_ =	shalt  }
0x6d: {  	_ =	shalt  }
0x6e: {  	_ =	shalt  }
0x6f: {  	_ =	shalt  }
0x70: {  	_ =	shalt  }
0x71: {  	_ =	shalt  }
0x72: {  	_ =	shalt  }
0x73: {  	_ =	shalt  }
0x74: {  	_ =	shalt  }
0x75: {  	_ =	shalt  }
0x76: {  	_ =	shalt  }
0x77: {  	_ =	shalt  }
0x78: {  	_ =	shalt  }
0x79: {  	_ =	shalt  }
0x7a: {  	_ =	shalt  }
0x7b: {  	_ =	shalt  }
0x7c: {  	_ =	shalt  }
0x7d: {  	_ =	shalt  }
0x7e: {  	_ =	shalt  }
0x7f: {  	_ =	shalt  }
0x80: {  	_ =	shalt  }
0x81: {  	_ =	shalt  }
0x82: {  	_ =	shalt  }
0x83: {  	_ =	shalt  }
0x84: {  	_ =	shalt  }
0x85: {  	_ =	shalt  }
0x86: {  	_ =	shalt  }
0x87: {  	_ =	shalt  }
.Lfunc_end0:
.L_simem_size_0:
called_computation.1_lowered:
.L_overlay_start_0:
0x88: {  	s0 =	sld [smem:$0x3FD9]  }
0x89: {  	s1 =	sld [smem:$0x3FFE];
	_ =	sdelay $0x3  }
0x8a: {  	s0 =	sadd.s32 s1, s0  }
0x8b: {  	[smem:$0x3FC6] =	sst s0  }
0x8c: {  	_ = 	snop  }
0x8d: {  	s0 =	sld [smem:$0x3FC8]  }
0x8e: {  	s16 =	sld [smem:$0x3FD0];
	(tm) =	ssettm $0x1  }
0x8f: {  	s2 =	sld [smem:$0x3FFB];
	_ =	sdelay $0x3  }
0x90: {  	_ =	strace s2  }
0x91: {  	s2 =	sld [smem:$0x3FFC];
	_ =	sdelay $0x3  }
0x92: {  	_ =	strace s2  }
0x93: {  	s2 =	sld [smem:$0x3FFD];
	_ =	sdelay $0x3  }
0x94: {  	_ =	strace s2  }
0x95: {  	_ =	strace $0x8FFFFFFF  }
0x96: {  	s17 =	sld [smem:$0x3FDB];
	_ =	sdelay $0x1  }
0x97: {  	s3 =	simm.s32 $_scs_section_size  }
0x98: {  	s4 =	simm.s32 $_size__tile_overlayer_lowered;
	s5 =	simm.s32 $_tile_overlayer_lowered  }
0x99: {  	s20 =	simm.s32 $0x1BFF;
	s19 =	sshll.u32 s5, $0x1;
	s2 =	sadd.s32 s3, s17  }
0x9a: {  	s6 =	simm.s32 $0x0;
	s18 =	sshll.u32 s4, $0x1;
	s4 =	sadd.s32 s19, s2  }
0x9b: {  	[timem:s6], [sflag:s20] =	dma.local [hbm:s4], s18  }
0x9c: {  	_ =	swait.ge [sflag:s20], s18  }
0x9d: {  	s3 =	ssub.s32 $0x0, s18;
	[sflag:s20] =	ssyncset.done $0x0  }
0x9e: {  	[sflag:s20] =	ssyncadd.s32 s3;
	_ =	sdelay $0x1  }
0x9f: {  	s21 =	simm.s32 $0x1B8B  }
0xa0: {  	_ =	swait.ge [sflag:s21], $0x1  }
0xa1: {  	[sflag:s21] =	ssyncset.done $0x0  }
0xa2: {  	s23 =	simm.s32 $0x1B8E;
	s22 =	sld [smem:$0x3FFE];
	[sflag:s21] =	ssyncadd.s32 $0xFFFFFFFF  }
0xa3: {  	s24 =	simm.s32 $execute0_lowered;
	[smem:$0x3FD2] =	sst s23  }
0xa4: {  	s4 =	sshll.u32 s24, $0x1;
	_ =	strace $0x80000049;
	[dreg:$0x1] =	wrdreg $0xFFFFFFFF  }
0xa5: {  	s25 =	simm.s32 $_size_execute0_lowered;
	s2 =	sadd.s32 s2, s4;
	[dreg:$0x0] =	wrdreg $0x0  }
0xa6: {  	s4 =	sshll.u32 s25, $0x1;
	[dreg:$0x2] =	wrdreg s2  }
0xa7: {  	[dreg:$0x3] =	wrdreg s4  }
0xa8: {  	[dreg:$0x4] =	wrdreg $0xC0  }
0xa9: {  	_ =	task [dreg:s6], $0x5FFFF  }
0xaa: {  	[dreg:$0x1] =	wrdreg $0xFFFFFFFF  }
0xab: {  	[dreg:$0x0] =	wrdreg $0x60  }
0xac: {  	[dreg:$0x2] =	wrdreg s22  }
0xad: {  	[dreg:$0x3] =	wrdreg s0  }
0xae: {  	[dreg:$0x4] =	wrdreg s16  }
0xaf: {  	[dreg:$0x5] =	wrdreg $0x9  }
0xb0: {  	_ =	task.clear_ibuf [dreg:s6], $0x6FFFF;
	_ =	strace $0x90000049  }
0xb1: {  	s26 =	simm.s32 $0x9;
	_ =	strace $0x8000004B  }
0xb2: {  	_ =	swait.ge [sflag:s26], $0x1  }
0xb3: {  	[sflag:s26] =	ssyncadd.s32 $0xFFFFFFFF  }
0xb4: {  	_ =	strace $0x9000004B  }
0xb5: {  	_ =	sfence  }
0xb6: {  	s28 =	sld [smem:$0x0];
	_ =	sdelay $0x1  }
0xb7: {  	s29 =	srdreg.scid  }
0xb8: {  	s30 =	sshll.u32 s29, $0xD;
	s31 =	sshrl.u32 s29, $0x2  }
0xb9: {  	s1 =	sand.u32 $0x1, s29;
	s2 =	sand.u32 $0x4000, s30;
	s0 =	sadd.s32 s31, s28  }
0xba: {  	s1 =	sor.u32 s2, s1;
	s0 =	sshll.u32 s0, $0x11  }
0xbb: {  	s0 =	sor.u32 s0, s1  }
0xbc: {  	s0 =	sadd.s32 $0x8F2B, s0  }
0xbd: {  	[sflag:s0] =	ssyncadd.remote.s32 $0x1  }
0xbe: {  	_ =	sfence.sel $0xFFFF  }
0xbf: {  	[dreg:$0x0] =	wrdreg $0xFFFFFFFF;
	(pc) =	sbr.abs _section_cstart, $3  }
0xc0: {  	[dreg:$0x1] =	wrdreg $0xFFFFFFFF  }
0xc1: {  	_ =	task.clear_ibuf [dreg:s6], $0x2FFFF;
	_ =	strace $0x9FFFFFFF  }
0xc2: {  	(tm) =	ssettm $0x7FFFFFFF  }
0xc3: {  	_ =	shalt  }
tec
execute0_lowered:
.L_overlay_start_1:
0x0: {  	(tag) =	ssettag $0x1  }
0x1: {  	s2 =	rddreg [dreg:$0x0]  }
0x2: {  	s3 =	rddreg [dreg:$0x1]  }
0x3: {  	s1 =	rddreg [dreg:$0x2]  }
0x4: {  	s0 =	rddreg [dreg:$0x3]  }
0x5: {  	_ =	strace $0x8000004A;
	s4 =	simm.s32 $0x0;
	s5 =	simm.s32 $0x2  }
0x6: {  	[tilespmem:s4], [sflag:$0x2] =	stream.linear.gather [hbm4b:s2+s4], $0x80, $0x38;
	[tilespmem:$0x800] =	vst v63  }
0x7: {  	_ =	swait.ge [sflag:s5], $0x80  }
0x8: {  	[sflag:s5] =	ssyncset.done $0x0  }
0x9: {  	s23 =	simm.s32 $0x80;
	s6 =	sadd.s32 $0xE00, s2;
	[sflag:s5] =	ssyncadd.s32 $0xFFFFFF80  }
0xa: {  	[tilespmem:s23], [sflag:$0x1] =	stream.indirect.gather [hbm4b:s6+s23], $0x1, s4, s23, $0xb8;
	[tilespmem:$0x800] =	vst v63  }
0xb: {  	s7 =	simm.s32 $0x100;
	s24 =	sadd.s32 $0xA00, s2  }
0xc: {  	[tilespmem:s7], [sflag:$0x1] =	stream.indirect.gather [hbm4b:s24+s23], $0x1, s4, s23, $0xb8;
	[tilespmem:$0x800] =	vst v63  }
0xd: {  	s26 =	simm.s32 $0x180;
	s25 =	sadd.s32 $0x600, s2  }
0xe: {  	[tilespmem:s26], [sflag:$0x1] =	stream.indirect.gather [hbm4b:s25+s23], $0x1, s4, s23, $0xb8;
	[tilespmem:$0x800] =	vst v63  }
0xf: {  	s29 =	simm.s32 $0x200;
	s28 =	sadd.s32 $0x200, s2  }
0x10: {  	[tilespmem:s29], [sflag:$0x1] =	stream.indirect.gather [hbm4b:s28+s23], $0x1, s4, s23, $0xb8;
	[tilespmem:$0x800] =	vst v63  }
0x11: {  	s30 =	simm.s32 $0x280;
	s31 =	simm.s32 $0x1  }
0x12: {  	[tilespmem:s30], [sflag:$0x1] =	stream.indirect.gather [hbm4b:s3+s23], $0x1, s4, s23, $0xb8;
	[tilespmem:$0x800] =	vst v63  }
0x13: {  	_ =	swait.ge [sflag:s31], $0x80  }
0x14: {  	[sflag:s31] =	ssyncset.done $0x0  }
0x15: {  	[sflag:s31] =	ssyncadd.s32 $0xFFFFFF80  }
0x16: {  	_ =	swait.ge [sflag:s31], $0x80  }
0x17: {  	[sflag:s31] =	ssyncset.done $0x0  }
0x18: {  	[sflag:s31] =	ssyncadd.s32 $0xFFFFFF80  }
0x19: {  	_ =	swait.ge [sflag:s31], $0x80  }
0x1a: {  	[sflag:s31] =	ssyncset.done $0x0  }
0x1b: {  	[sflag:s31] =	ssyncadd.s32 $0xFFFFFF80  }
0x1c: {  	_ =	swait.ge [sflag:s31], $0x80  }
0x1d: {  	[sflag:s31] =	ssyncset.done $0x0  }
0x1e: {  	[sflag:s31] =	ssyncadd.s32 $0xFFFFFF80  }
0x1f: {  	_ =	swait.ge [sflag:s31], $0x80  }
0x20: {  	[sflag:s31] =	ssyncset.done $0x0  }
0x21: {  	v0 =	vimm.f32 $-1.000000000e+06;
	[sflag:s31] =	ssyncadd.s32 $0xFFFFFF80  }
0x22: {  	[tilespmem:$0x300] =	vst v0  }
0x23: {  	[tilespmem:$0x380] =	vst v0  }
0x24: {  	[tilespmem:$0x400] =	vst v0  }
0x25: {  	v1 =	vimm.f32 $0.0e+00;
	[tilespmem:$0x480] =	vst v0  }
0x26: {  	[tilespmem:$0x500] =	vst v1  }
0x27: {  	[tilespmem:$0x310] =	vst v0  }
0x28: {  	[tilespmem:$0x390] =	vst v0  }
0x29: {  	[tilespmem:$0x410] =	vst v0  }
0x2a: {  	[tilespmem:$0x490] =	vst v0  }
0x2b: {  	[tilespmem:$0x510] =	vst v1  }
0x2c: {  	[tilespmem:$0x320] =	vst v0  }
0x2d: {  	[tilespmem:$0x3A0] =	vst v0  }
0x2e: {  	[tilespmem:$0x420] =	vst v0  }
0x2f: {  	[tilespmem:$0x4A0] =	vst v0  }
0x30: {  	[tilespmem:$0x520] =	vst v1  }
0x31: {  	[tilespmem:$0x330] =	vst v0  }
0x32: {  	[tilespmem:$0x3B0] =	vst v0  }
0x33: {  	[tilespmem:$0x430] =	vst v0  }
0x34: {  	[tilespmem:$0x4B0] =	vst v0  }
0x35: {  	[tilespmem:$0x530] =	vst v1  }
0x36: {  	[tilespmem:$0x340] =	vst v0  }
0x37: {  	[tilespmem:$0x3C0] =	vst v0  }
0x38: {  	[tilespmem:$0x440] =	vst v0  }
0x39: {  	[tilespmem:$0x4C0] =	vst v0  }
0x3a: {  	[tilespmem:$0x540] =	vst v1  }
0x3b: {  	[tilespmem:$0x350] =	vst v0  }
0x3c: {  	[tilespmem:$0x3D0] =	vst v0  }
0x3d: {  	[tilespmem:$0x450] =	vst v0  }
0x3e: {  	[tilespmem:$0x4D0] =	vst v0  }
0x3f: {  	[tilespmem:$0x550] =	vst v1  }
0x40: {  	[tilespmem:$0x360] =	vst v0  }
0x41: {  	[tilespmem:$0x3E0] =	vst v0  }
0x42: {  	s8 =	simm.s32 $0x480;
	s9 =	simm.s32 $0x500;
	[tilespmem:$0x460] =	vst v0  }
0x43: {  	s10 =	simm.s32 $0x580;
	s2 =	sadd.s32 $0x1200, s2;
	s5 =	simm.s32 $0x300;
	[tilespmem:$0x4E0] =	vst v0  }
0x44: {  	vm0 =	vmmov $0x1;
	s6 =	simm.s32 $0x380;
	s7 =	simm.s32 $0x400;
	s3 =	stileid.u32;
	[tilespmem:$0x560] =	vst v1;
	v1 =	vimm.s32 $0x0;
	v0 =	vimm.s32 $0x0  }
.LBB2_1:
0x45: {  	v11 =	vld [tilespmem:$0x300]  }
0x46: {  	s11 =	sand.u32 $0x30, s4;
	v14 =	vld [tilespmem:$0x380]  }
0x47: {  	v2 =	vld [tilespmem:s11+$0x80]  }
0x48: {  	v3 =	vld [tilespmem:s11+$0x100]  }
0x49: {  	v6 =	vld [tilespmem:s11+$0x180]  }
0x4a: {  	v7 =	vld [tilespmem:s11+$0x200]  }
0x4b: {  	v15 =	vld [tilespmem:$0x400]  }
0x4c: {  	s12 =	sand.u32 $0xE, s4;
	v16 =	vld [tilespmem:$0x480]  }
0x4d: {  	v58 =	vld [tilespmem:$0x310];
	v13 =	vmov s12  }
0x4e: {  	v61 =	vld [tilespmem:$0x410];
	s12 =	sor.u32 $0x1, s12;
	v4 =	vperm.xlane v2, v13;
	v5 =	vperm.xlane v3, v13  }
0x4f: {  	v24 =	vld [tilespmem:$0x390];
	v12 =	vmov s12;
	v8 =	vperm.xlane v6, v13;
	v9 =	vperm.xlane v7, v13  }
0x50: {  	v25 =	vld [tilespmem:$0x490];
	v2 =	vperm.xlane v2, v12;
	v3 =	vperm.xlane v3, v12  }
0x51: {  	v38 =	vld [tilespmem:$0x320];
	v6 =	vperm.xlane v6, v12;
	v7 =	vperm.xlane v7, v12  }
0x52: {  	v27 =	vld [tilespmem:$0x3A0];
	v10 =	vsub.f32 v8, v4;
	v17 =	vsub.f32 v9, v5;
	v18 =	vmax.f32 v4, v11  }
0x53: {  	v40 =	vld [tilespmem:$0x420];
	v20 =	vmax.f32 v5, v14;
	v21 =	vmin.f32 v8, v15;
	v22 =	vmin.f32 v9, v16  }
0x54: {  	v28 =	vld [tilespmem:$0x4A0];
	v59 =	vsub.f32 v6, v2;
	v60 =	vsub.f32 v7, v3;
	v11 =	vmax.f32 v2, v11  }
0x55: {  	v42 =	vld [tilespmem:$0x330];
	v15 =	vmin.f32 v6, v15;
	v14 =	vmax.f32 v3, v14;
	v16 =	vmin.f32 v7, v16  }
0x56: {  	v46 =	vld [tilespmem:$0x430];
	v35 =	vmax.f32 v4, v58;
	v36 =	vmin.f32 v8, v61;
	v39 =	vmax.f32 v5, v24  }
0x57: {  	v44 =	vld [tilespmem:$0x3B0];
	v26 =	vmin.f32 v9, v25;
	v24 =	vmax.f32 v3, v24;
	v25 =	vmin.f32 v7, v25  }
0x58: {  	v30 =	vld [tilespmem:$0x4B0];
	v47 =	vmax.f32 v4, v38;
	v29 =	vmin.f32 v8, v40;
	v31 =	vmax.f32 v5, v27  }
0x59: {  	v32 =	vmin.f32 v9, v28;
	v27 =	vmax.f32 v3, v27;
	v28 =	vmin.f32 v7, v28  }
0x5a: {  	v50 =	vmax.f32 v4, v42;
	v18 =	vsub.f32 v21, v18;
	v20 =	vsub.f32 v22, v20  }
0x5b: {  	v51 =	vmin.f32 v8, v46;
	v15 =	vsub.f32 v15, v11;
	v14 =	vsub.f32 v16, v14  }
0x5c: {  	v53 =	vmax.f32 v5, v44;
	v37 =	vsub.f32 v36, v35;
	v41 =	vsub.f32 v25, v24  }
0x5d: {  	v54 =	vmin.f32 v9, v30;
	v48 =	vsub.f32 v32, v31;
	v49 =	vsub.f32 v28, v27  }
0x5e: {  	v19 =	vld [tilespmem:$0x500];
	v22 =	vmax.f32 v2, v38;
	v27 =	vsub.f32 v51, v50;
	v28 =	vsub.f32 v54, v53  }
0x5f: {  	v63 =	vld [tilespmem:$0x510];
	v24 =	vmax.f32 v2, v42;
	v25 =	vmin.f32 v6, v46;
	v10 =	vmul.f32 v17, v10  }
0x60: {  	v52 =	vld [tilespmem:$0x520];
	v11 =	vmul.f32 v60, v59;
	v56 =	vmax.f32 v18, $0.0e+00;
	v57 =	vmax.f32 v20, $0.0e+00  }
0x61: {  	v55 =	vld [tilespmem:$0x530];
	v15 =	vmax.f32 v15, $0.0e+00;
	v14 =	vmax.f32 v14, $0.0e+00;
	v20 =	vmax.f32 v2, v58  }
0x62: {  	v18 =	vmin.f32 v6, v61;
	v27 =	vmax.f32 v27, $0.0e+00;
	v28 =	vmax.f32 v28, $0.0e+00  }
0x63: {  	v17 =	vmul.f32 v57, v56;
	v23 =	vadd.f32 v19, v10;
	v19 =	vadd.f32 v19, v11  }
0x64: {  	v14 =	vmul.f32 v14, v15;
	v18 =	vsub.f32 v18, v20;
	v45 =	vadd.f32 v63, v10  }
0x65: {  	v15 =	vmax.f32 v37, $0.0e+00;
	v21 =	vadd.f32 v63, v11;
	v56 =	vadd.f32 v52, v10  }
0x66: {  	v20 =	vmax.f32 v41, $0.0e+00;
	v57 =	vadd.f32 v52, v11;
	v58 =	vadd.f32 v55, v10  }
0x67: {  	v62 =	vsub.f32 v23, v17;
	v23 =	vsub.f32 v26, v39;
	v18 =	vmax.f32 v18, $0.0e+00  }
0x68: {  	v43 =	vsub.f32 v19, v14;
	v26 =	vmin.f32 v6, v40;
	v18 =	vmul.f32 v20, v18  }
0x69: {  	v20 =	vsub.f32 v29, v47;
	v22 =	vsub.f32 v26, v22;
	v23 =	vmax.f32 v23, $0.0e+00  }
0x6a: {  	v29 =	vmax.f32 v48, $0.0e+00;
	v26 =	vmax.f32 v49, $0.0e+00;
	v15 =	vmul.f32 v23, v15  }
0x6b: {  	v16 =	vadd.f32 $9.999999710e-10, v62;
	v20 =	vmax.f32 v20, $0.0e+00;
	v22 =	vmax.f32 v22, $0.0e+00  }
0x6c: {  	v21 =	vsub.f32 v21, v18;
	v20 =	vmul.f32 v29, v20;
	v23 =	vsub.f32 v45, v15  }
0x6d: {  	(erf) = vrcp.f32 v16;
	v16 =	vadd.f32 $9.999999710e-10, v43;
	v22 =	vmul.f32 v26, v22  }
0x6e: {  	v27 =	vmul.f32 v28, v27;
	v60 =	vsub.f32 v56, v20;
	v23 =	vadd.f32 $9.999999710e-10, v23  }
0x6f: {  	v59 =	vadd.f32 $9.999999710e-10, v21;
	(erf) = vrcp.f32 v16;
	v61 =	vsub.f32 v57, v22  }
0x70: {  	v62 =	vsub.f32 v58, v27;
	v63 =	vadd.f32 $9.999999710e-10, v60;
	(erf) = vrcp.f32 v23  }
0x71: {  	v31 =	vmin.f32 v7, v30;
	v28 =	vadd.f32 $9.999999710e-10, v61;
	(erf) = vrcp.f32 v59  }
0x72: {  	v19 =	vmax.f32 v3, v44;
	v29 =	vadd.f32 $9.999999710e-10, v62;
	(erf) = vrcp.f32 v63  }
0x73: {  	v33 =	vsub.f32 v25, v24;
	v19 =	vsub.f32 v31, v19;
	(erf) = vrcp.f32 v28  }
0x74: {  	v35 =	vmax.f32 v4, v2;
	v36 =	vmax.f32 v5, v3;
	(erf) = vrcp.f32 v29  }
0x75: {  	v38 =	vmin.f32 v9, v7;
	v19 =	vmax.f32 v19, $0.0e+00;
	v16 =	vmax.f32 v33, $0.0e+00  }
0x76: {  	v34 =	vadd.f32 v55, v11;
	v37 =	vmin.f32 v8, v6;
	v16 =	vmul.f32 v19, v16  }
0x77: {  	v21 =	vsub.f32 v37, v35;
	v23 =	vsub.f32 v38, v36;
	v39 =	vpop (erf)  }
0x78: {  	v19 =	vsub.f32 v34, v16;
	v40 =	vpop (erf)  }
0x79: {  	v21 =	vmax.f32 v21, $0.0e+00;
	v23 =	vmax.f32 v23, $0.0e+00;
	v41 =	vpop (erf)  }
0x7a: {  	v43 =	vadd.f32 v11, v10;
	v19 =	vadd.f32 $9.999999710e-10, v19;
	v21 =	vmul.f32 v23, v21;
	v42 =	vpop (erf)  }
0x7b: {  	v17 =	vmul.f32 v39, v17;
	v44 =	vpop (erf)  }
0x7c: {  	v46 =	vld [tilespmem:s11+$0x280];
	(erf) = vrcp.f32 v19;
	v23 =	vsub.f32 v43, v21;
	v15 =	vmul.f32 v41, v15;
	v45 =	vpop (erf)  }
0x7d: {  	v17 =	vmax.f32 v17, $0.0e+00;
	v20 =	vmul.f32 v44, v20;
	v47 =	vpop (erf)  }
0x7e: {  	v23 =	vadd.f32 $9.999999710e-10, v23;
	v15 =	vmax.f32 v17, v15;
	v48 =	vmul.f32 v47, v27  }
0x7f: {  	v15 =	vmax.f32 v15, v20  }
0x80: {  	(erf) = vrcp.f32 v23;
	v15 =	vmax.f32 v15, v48  }
0x81: {  	v13 =	vperm.xlane v46, v13;
	v14 =	vmul.f32 v40, v14;
	vm1 =	vgt.f32 v15, $5.000000000e-01  }
0x82: {  	v15 =	vmpcnt.ones.xlane vm1  }
0x83: {  	v14 =	vmax.f32 v14, $0.0e+00;
	vm1 =	vlt.f32 v13, $5.000000070e-02  }
0x84: {  	v49 =	vmul.f32 v42, v18;
	vm1 =	vmneg vm1;
	vm2 =	vlt.s32 v15, $0x1  }
0x85: {  	v51 =	vmul.f32 v45, v22;
	v50 =	vpop (erf);
	vm2 =	vmand vm1, vm2;
	vm1 =	vlt.s32 v0, $0x64  }
0x86: {  	v14 =	vmax.f32 v14, v49;
	v15 =	vmul.f32 v50, v16;
	vm3 =	vmand vm1, vm2  }
0x87: {  	v14 =	vmax.f32 v14, v51;
	vm1 =	vmand vm3, vm0  }
0x88: {  	v14 =	vmax.f32 v14, v15  }
0x89: {  	v12 =	vperm.xlane v46, v12;
	v52 =	vpop (erf);
	vm4 =	vgt.f32 v14, $5.000000000e-01  }
0x8a: {  	v53 =	vmul.f32 v52, v21;
	v54 =	vmpcnt.ones.xlane vm4  }
0x8b: {  	v55 =	vmul.u32 $0x5, v0  }
0x8c: {  	vm5 =	vlt.f32 v12, $5.000000070e-02;
	vm6 =	vgt.f32 v53, $5.000000000e-01;
	vm4 =	vgt.s32 v54, $0x0  }
0x8d: {  	vm2 =	vmand vm6, vm2;
	v56 =	vsel vm3, $0x1, v1;
	vm4 =	vmor vm5, vm4;
	[tilespmem:v0+s5+$0x0] =	vst.idx.msk vm1, v4  }
0x8e: {  	v57 =	vadd.s32 $0x1, v55;
	v14 =	vadd.s32 v56, v0;
	vm2 =	vmor vm2, vm4;
	[tilespmem:v0+s6+$0x0] =	vst.idx.msk vm1, v5  }
0x8f: {  	v58 =	vadd.s32 $0x2, v55;
	vm3 =	vlt.s32 v14, $0x64;
	vm2 =	vmneg vm2;
	[tilespmem:v0+s7+$0x0] =	vst.idx.msk vm1, v8  }
0x90: {  	v59 =	vadd.s32 $0x3, v55;
	vm2 =	vmand vm3, vm2;
	[tilespmem:v0+s8+$0x0] =	vst.idx.msk vm1, v9  }
0x91: {  	vm3 =	vmand vm2, vm0;
	[tilespmem:v0+s9+$0x0] =	vst.idx.msk vm1, v10;
	v0 =	vadd.s32 $0x4, v55  }
0x92: {  	[tilespmem:v55+s10+$0x0] =	vst.idx.msk vm1, v4  }
0x93: {  	[tilespmem:v57+s10+$0x0] =	vst.idx.msk vm1, v5  }
0x94: {  	[tilespmem:v58+s10+$0x0] =	vst.idx.msk vm1, v8  }
0x95: {  	[tilespmem:v59+s10+$0x0] =	vst.idx.msk vm1, v9  }
0x96: {  	[tilespmem:v0+s10+$0x0] =	vst.idx.msk vm1, v13;
	v0 =	vmul.u32 $0x5, v14  }
0x97: {  	[tilespmem:v14+s5+$0x0] =	vst.idx.msk vm3, v2  }
0x98: {  	[tilespmem:v14+s6+$0x0] =	vst.idx.msk vm3, v3;
	v60 =	vadd.s32 $0x1, v0  }
0x99: {  	v61 =	vadd.s32 $0x2, v0;
	[tilespmem:v14+s7+$0x0] =	vst.idx.msk vm3, v6  }
0x9a: {  	v62 =	vadd.s32 $0x3, v0;
	[tilespmem:v14+s8+$0x0] =	vst.idx.msk vm3, v7  }
0x9b: {  	p0 =	sne.s32 s4, $0x32;
	v63 =	vadd.s32 $0x4, v0;
	[tilespmem:v14+s9+$0x0] =	vst.idx.msk vm3, v11  }
.Ltmp0:
0x9c: {  	[tilespmem:v0+s10+$0x0] =	vst.idx.msk vm3, v2;
	(pc) =	sbr.rel @p0 .LBB2_1-.Ltmp0, $4  }
0x9d: {  	[tilespmem:v60+s10+$0x0] =	vst.idx.msk vm3, v3  }
0x9e: {  	[tilespmem:v61+s10+$0x0] =	vst.idx.msk vm3, v6  }
0x9f: {  	v0 =	vsel vm2, $0x1, v1;
	[tilespmem:v62+s10+$0x0] =	vst.idx.msk vm3, v7  }
0xa0: {  	s4 =	sadd.s32 $0x2, s4;
	v0 =	vadd.s32 v0, v14;
	[tilespmem:v63+s10+$0x0] =	vst.idx.msk vm3, v12  }
0xa1: {  	s4 =	simm.s32 $0x34  }
0xa2: {  	s5 =	simm.s32 $0x300;
	s6 =	simm.s32 $0x380;
	s7 =	simm.s32 $0x400  }
0xa3: {  	s8 =	simm.s32 $0x480;
	s9 =	simm.s32 $0x500;
	s10 =	simm.s32 $0x580;
	v1 =	vimm.s32 $0x0  }
.LBB2_3:
0xa4: {  	v10 =	vld [tilespmem:$0x300]  }
0xa5: {  	s11 =	sand.u32 $0x70, s4;
	v11 =	vld [tilespmem:$0x380]  }
0xa6: {  	v2 =	vld [tilespmem:s11+$0x80]  }
0xa7: {  	v3 =	vld [tilespmem:s11+$0x100]  }
0xa8: {  	v4 =	vld [tilespmem:s11+$0x180]  }
0xa9: {  	v5 =	vld [tilespmem:s11+$0x200]  }
0xaa: {  	v14 =	vld [tilespmem:$0x400]  }
0xab: {  	s12 =	sand.u32 $0xE, s4;
	v15 =	vld [tilespmem:$0x480]  }
0xac: {  	v46 =	vld [tilespmem:$0x310];
	v13 =	vmov s12  }
0xad: {  	v25 =	vld [tilespmem:$0x390];
	s12 =	sor.u32 $0x1, s12;
	v6 =	vperm.xlane v2, v13;
	v7 =	vperm.xlane v3, v13  }
0xae: {  	v48 =	vld [tilespmem:$0x410];
	v12 =	vmov s12;
	v8 =	vperm.xlane v4, v13;
	v9 =	vperm.xlane v5, v13  }
0xaf: {  	v51 =	vld [tilespmem:$0x490];
	v2 =	vperm.xlane v2, v12;
	v3 =	vperm.xlane v3, v12  }
0xb0: {  	v58 =	vld [tilespmem:$0x320];
	v4 =	vperm.xlane v4, v12;
	v5 =	vperm.xlane v5, v12  }
0xb1: {  	v59 =	vld [tilespmem:$0x420];
	v16 =	vsub.f32 v8, v6;
	v17 =	vsub.f32 v9, v7  }
0xb2: {  	v60 =	vld [tilespmem:$0x3A0];
	v18 =	vsub.f32 v4, v2;
	v19 =	vsub.f32 v5, v3;
	v20 =	vmax.f32 v6, v10  }
0xb3: {  	v63 =	vld [tilespmem:$0x4A0];
	v22 =	vmax.f32 v7, v11;
	v23 =	vmin.f32 v8, v14;
	v24 =	vmin.f32 v9, v15  }
0xb4: {  	v37 =	vld [tilespmem:$0x330];
	v10 =	vmax.f32 v2, v10;
	v47 =	vmax.f32 v3, v11;
	v14 =	vmin.f32 v4, v14  }
0xb5: {  	v30 =	vld [tilespmem:$0x3B0];
	v15 =	vmin.f32 v5, v15;
	v54 =	vmax.f32 v6, v46;
	v56 =	vmax.f32 v7, v25  }
0xb6: {  	v57 =	vmin.f32 v8, v48;
	v26 =	vmin.f32 v9, v51;
	v25 =	vmax.f32 v3, v25  }
0xb7: {  	v36 =	vmax.f32 v6, v58;
	v28 =	vmin.f32 v8, v59;
	v38 =	vmax.f32 v7, v60  }
0xb8: {  	v29 =	vmin.f32 v9, v63;
	v20 =	vsub.f32 v23, v20;
	v22 =	vsub.f32 v24, v22  }
0xb9: {  	v44 =	vmax.f32 v6, v37;
	v14 =	vsub.f32 v14, v10;
	v15 =	vsub.f32 v15, v47  }
0xba: {  	v23 =	vmax.f32 v2, v46;
	v24 =	vmax.f32 v2, v58;
	v46 =	vmax.f32 v7, v30  }
0xbb: {  	v21 =	vld [tilespmem:$0x500];
	v30 =	vmax.f32 v3, v30;
	v11 =	vmul.f32 v17, v16;
	v10 =	vmul.f32 v19, v18  }
0xbc: {  	v55 =	vld [tilespmem:$0x510];
	v17 =	vmin.f32 v4, v48;
	v19 =	vmin.f32 v5, v51;
	v49 =	vmax.f32 v20, $0.0e+00  }
0xbd: {  	v35 =	vld [tilespmem:$0x520];
	v50 =	vmax.f32 v22, $0.0e+00;
	v14 =	vmax.f32 v14, $0.0e+00;
	v20 =	vsub.f32 v57, v54  }
0xbe: {  	v15 =	vmax.f32 v15, $0.0e+00;
	v22 =	vsub.f32 v26, v56;
	v17 =	vsub.f32 v17, v23  }
0xbf: {  	v19 =	vsub.f32 v19, v25;
	v23 =	vmax.f32 v3, v60;
	v26 =	vmin.f32 v4, v59  }
0xc0: {  	v39 =	vld [tilespmem:$0x430];
	v25 =	vmax.f32 v2, v37;
	v52 =	vadd.f32 v21, v11;
	v53 =	vadd.f32 v21, v10  }
0xc1: {  	v45 =	vld [tilespmem:$0x530];
	v16 =	vmul.f32 v50, v49;
	v33 =	vadd.f32 v55, v11;
	v34 =	vadd.f32 v55, v10  }
0xc2: {  	v51 =	vld [tilespmem:$0x440];
	v14 =	vmul.f32 v15, v14;
	v24 =	vsub.f32 v26, v24;
	v41 =	vadd.f32 v35, v11  }
0xc3: {  	v43 =	vadd.f32 v35, v10;
	v62 =	vmax.f32 v20, $0.0e+00;
	v32 =	vmax.f32 v22, $0.0e+00  }
0xc4: {  	v17 =	vmax.f32 v17, $0.0e+00;
	v20 =	vmin.f32 v5, v63;
	v18 =	vsub.f32 v52, v16  }
0xc5: {  	v19 =	vmax.f32 v19, $0.0e+00;
	v15 =	vsub.f32 v53, v14;
	v20 =	vsub.f32 v20, v23  }
0xc6: {  	v54 =	vld [tilespmem:$0x3C0];
	v42 =	vmax.f32 v24, $0.0e+00;
	v52 =	vadd.f32 v45, v11;
	v53 =	vmin.f32 v4, v39  }
0xc7: {  	v50 =	vld [tilespmem:$0x340];
	v24 =	vadd.f32 v45, v10;
	v25 =	vsub.f32 v53, v25;
	v60 =	vmin.f32 v8, v51  }
0xc8: {  	v23 =	vmin.f32 v4, v51;
	v61 =	vadd.f32 $9.999999710e-10, v18;
	v27 =	vadd.f32 $9.999999710e-10, v15  }
0xc9: {  	v31 =	vld [tilespmem:$0x4B0];
	v18 =	vmul.f32 v32, v62;
	v15 =	vmul.f32 v19, v17;
	v19 =	vsub.f32 v28, v36  }
0xca: {  	v28 =	vsub.f32 v29, v38;
	v20 =	vmax.f32 v20, $0.0e+00;
	v32 =	vmin.f32 v8, v39  }
0xcb: {  	v58 =	vld [tilespmem:$0x540];
	v39 =	vmax.f32 v7, v54;
	v29 =	vmax.f32 v3, v54;
	v21 =	vsub.f32 v32, v44  }
0xcc: {  	v55 =	vld [tilespmem:$0x4C0];
	v25 =	vmax.f32 v25, $0.0e+00;
	v59 =	vmax.f32 v6, v50;
	v26 =	vmax.f32 v2, v50  }
0xcd: {  	v45 =	vld [tilespmem:$0x3E0];
	(erf) = vrcp.f32 v61;
	v22 =	vsub.f32 v33, v18;
	v17 =	vsub.f32 v34, v15  }
0xce: {  	v19 =	vmax.f32 v19, $0.0e+00;
	v28 =	vmax.f32 v28, $0.0e+00;
	v33 =	vmin.f32 v9, v31  }
0xcf: {  	v53 =	vld [tilespmem:$0x550];
	v31 =	vmin.f32 v5, v31;
	v62 =	vsub.f32 v60, v59;
	v23 =	vsub.f32 v23, v26  }
0xd0: {  	v19 =	vmul.f32 v28, v19;
	(erf) = vrcp.f32 v27;
	v47 =	vsub.f32 v33, v46  }
0xd1: {  	v44 =	vld [tilespmem:$0x360];
	v21 =	vmax.f32 v21, $0.0e+00;
	v56 =	vsub.f32 v31, v30;
	v28 =	vmin.f32 v5, v55  }
0xd2: {  	v46 =	vadd.f32 v58, v11;
	v54 =	vmax.f32 v7, v45;
	v27 =	vadd.f32 v58, v10  }
0xd3: {  	v63 =	vld [tilespmem:$0x350];
	v22 =	vadd.f32 $9.999999710e-10, v22;
	v40 =	vadd.f32 $9.999999710e-10, v17;
	v17 =	vmul.f32 v20, v42  }
0xd4: {  	v34 =	vld [tilespmem:$0x4D0];
	v23 =	vmax.f32 v23, $0.0e+00;
	v58 =	vadd.f32 v53, v10;
	v48 =	vsub.f32 v41, v19  }
0xd5: {  	v36 =	vld [tilespmem:$0x4E0];
	v49 =	vmax.f32 v47, $0.0e+00;
	(erf) = vrcp.f32 v22;
	v20 =	vsub.f32 v43, v17  }
0xd6: {  	v21 =	vmul.f32 v49, v21;
	v43 =	vsub.f32 v28, v29;
	v51 =	vmax.f32 v6, v44  }
0xd7: {  	v42 =	vld [tilespmem:$0x450];
	v28 =	vmax.f32 v2, v44;
	v29 =	vmax.f32 v3, v45;
	(erf) = vrcp.f32 v40  }
0xd8: {  	v22 =	vadd.f32 $9.999999710e-10, v48;
	v40 =	vmin.f32 v9, v55;
	v48 =	vmax.f32 v6, v63  }
0xd9: {  	v38 =	vmin.f32 v9, v34;
	v34 =	vmin.f32 v5, v34;
	v20 =	vadd.f32 $9.999999710e-10, v20  }
0xda: {  	v41 =	vld [tilespmem:$0x3D0];
	v55 =	vmin.f32 v9, v36;
	v57 =	vsub.f32 v52, v21;
	v30 =	vsub.f32 v40, v39  }
0xdb: {  	v47 =	vld [tilespmem:$0x460];
	v26 =	vmax.f32 v43, $0.0e+00;
	(erf) = vrcp.f32 v22;
	v22 =	vmax.f32 v56, $0.0e+00  }
0xdc: {  	v23 =	vmul.f32 v26, v23;
	v35 =	vmin.f32 v8, v42;
	v31 =	vmin.f32 v4, v42  }
0xdd: {  	v42 =	vmin.f32 v5, v36;
	(erf) = vrcp.f32 v20;
	v61 =	vadd.f32 $9.999999710e-10, v57  }
0xde: {  	v20 =	vmul.f32 v22, v25;
	v22 =	vmax.f32 v62, $0.0e+00;
	v30 =	vmax.f32 v30, $0.0e+00  }
0xdf: {  	v37 =	vmax.f32 v7, v41;
	v26 =	vsub.f32 v35, v48;
	v25 =	vmax.f32 v2, v63  }
0xe0: {  	v33 =	vmax.f32 v3, v41;
	v52 =	vmin.f32 v8, v47;
	v57 =	vadd.f32 v53, v11  }
0xe1: {  	v32 =	vmin.f32 v4, v47;
	v49 =	vsub.f32 v38, v37;
	v25 =	vsub.f32 v31, v25  }
0xe2: {  	v56 =	vld [tilespmem:$0x560];
	v22 =	vmul.f32 v30, v22;
	v50 =	vsub.f32 v34, v33;
	v33 =	vsub.f32 v52, v51  }
0xe3: {  	v34 =	vsub.f32 v55, v54;
	v27 =	vsub.f32 v27, v23;
	(erf) = vrcp.f32 v61  }
0xe4: {  	v24 =	vsub.f32 v24, v20;
	v26 =	vmax.f32 v26, $0.0e+00;
	v35 =	vmax.f32 v49, $0.0e+00  }
0xe5: {  	v30 =	vsub.f32 v46, v22;
	v25 =	vmax.f32 v25, $0.0e+00;
	v31 =	vmax.f32 v50, $0.0e+00  }
0xe6: {  	v33 =	vmax.f32 v33, $0.0e+00;
	v34 =	vmax.f32 v34, $0.0e+00;
	v26 =	vmul.f32 v35, v26  }
0xe7: {  	v24 =	vadd.f32 $9.999999710e-10, v24;
	v25 =	vmul.f32 v31, v25;
	v59 =	vadd.f32 v56, v11  }
0xe8: {  	v33 =	vmul.f32 v34, v33;
	v30 =	vadd.f32 $9.999999710e-10, v30;
	v61 =	vsub.f32 v57, v26  }
0xe9: {  	v60 =	vadd.f32 $9.999999710e-10, v27;
	(erf) = vrcp.f32 v24;
	v63 =	vsub.f32 v58, v25  }
0xea: {  	v62 =	vpop (erf);
	v34 =	vsub.f32 v59, v33;
	(erf) = vrcp.f32 v30;
	v37 =	vadd.f32 $9.999999710e-10, v61  }
0xeb: {  	v45 =	vsub.f32 v42, v29;
	v41 =	vpop (erf);
	(erf) = vrcp.f32 v60;
	v39 =	vadd.f32 $9.999999710e-10, v63  }
0xec: {  	v53 =	vmin.f32 v9, v5;
	v43 =	vpop (erf);
	v40 =	vadd.f32 $9.999999710e-10, v34;
	(erf) = vrcp.f32 v37  }
0xed: {  	v44 =	vsub.f32 v32, v28;
	v51 =	vmax.f32 v7, v3;
	(erf) = vrcp.f32 v39  }
0xee: {  	v52 =	vmin.f32 v8, v4;
	v16 =	vmul.f32 v62, v16;
	v46 =	vpop (erf);
	(erf) = vrcp.f32 v40  }
0xef: {  	v28 =	vmax.f32 v45, $0.0e+00;
	v62 =	vadd.f32 v10, v11;
	v24 =	vmax.f32 v44, $0.0e+00;
	v47 =	vpop (erf)  }
0xf0: {  	v49 =	vmax.f32 v6, v2;
	v48 =	vadd.f32 v56, v10;
	v24 =	vmul.f32 v28, v24;
	v50 =	vpop (erf)  }
0xf1: {  	v14 =	vmul.f32 v41, v14;
	v30 =	vsub.f32 v52, v49;
	v34 =	vsub.f32 v53, v51;
	v54 =	vpop (erf)  }
0xf2: {  	v16 =	vmax.f32 v16, $0.0e+00;
	v18 =	vmul.f32 v43, v18;
	v57 =	vsub.f32 v48, v24;
	v55 =	vpop (erf)  }
0xf3: {  	v56 =	vmul.f32 v47, v19;
	v59 =	vmax.f32 v30, $0.0e+00;
	v60 =	vmax.f32 v34, $0.0e+00;
	v58 =	vpop (erf)  }
0xf4: {  	v16 =	vmax.f32 v16, v18;
	v19 =	vadd.f32 $9.999999710e-10, v57;
	v29 =	vmul.f32 v60, v59;
	v61 =	vpop (erf)  }
0xf5: {  	v14 =	vmax.f32 v14, $0.0e+00;
	v16 =	vmax.f32 v16, v56;
	v21 =	vmul.f32 v54, v21;
	v63 =	vpop (erf)  }
0xf6: {  	v42 =	vld [tilespmem:s11+$0x280];
	v43 =	vsub.f32 v62, v29;
	(erf) = vrcp.f32 v19;
	v40 =	vmul.f32 v58, v22;
	v41 =	vpop (erf)  }
0xf7: {  	v15 =	vmul.f32 v46, v15;
	v16 =	vmax.f32 v16, v21;
	v44 =	vmul.f32 v63, v26;
	v45 =	vpop (erf)  }
0xf8: {  	v22 =	vadd.f32 $9.999999710e-10, v43;
	v16 =	vmax.f32 v16, v40;
	v26 =	vmul.f32 v45, v33  }
0xf9: {  	v14 =	vmax.f32 v14, v15;
	v46 =	vmax.f32 v16, v44  }
0xfa: {  	v47 =	vmul.f32 v50, v17;
	(erf) = vrcp.f32 v22;
	v15 =	vmax.f32 v46, v26  }
0xfb: {  	v13 =	vperm.xlane v42, v13;
	v48 =	vmul.f32 v55, v20;
	vm1 =	vgt.f32 v15, $5.000000000e-01  }
0xfc: {  	v14 =	vmax.f32 v14, v47;
	v15 =	vmpcnt.ones.xlane vm1  }
0xfd: {  	v14 =	vmax.f32 v14, v48;
	vm1 =	vlt.f32 v13, $5.000000070e-02  }
0xfe: {  	v49 =	vmul.f32 v61, v23;
	vm1 =	vmneg vm1;
	vm2 =	vlt.s32 v15, $0x1  }
0xff: {  	v51 =	vmul.f32 v41, v25;
	v50 =	vpop (erf);
	vm2 =	vmand vm1, vm2;
	vm1 =	vlt.s32 v0, $0x64  }
0x100: {  	v14 =	vmax.f32 v14, v49;
	v15 =	vmul.f32 v50, v24;
	vm3 =	vmand vm1, vm2  }
0x101: {  	v14 =	vmax.f32 v14, v51;
	vm1 =	vmand vm3, vm0  }
0x102: {  	v14 =	vmax.f32 v14, v15  }
0x103: {  	v12 =	vperm.xlane v42, v12;
	v52 =	vpop (erf);
	vm4 =	vgt.f32 v14, $5.000000000e-01  }
0x104: {  	v53 =	vmul.f32 v52, v29;
	v54 =	vmpcnt.ones.xlane vm4  }
0x105: {  	vm5 =	vlt.f32 v12, $5.000000070e-02  }
0x106: {  	v55 =	vmul.u32 $0x5, v0;
	vm6 =	vgt.f32 v53, $5.000000000e-01;
	vm4 =	vgt.s32 v54, $0x0  }
0x107: {  	v56 =	vsel vm3, $0x1, v1;
	vm2 =	vmand vm6, vm2;
	vm4 =	vmor vm5, vm4;
	[tilespmem:v0+s5+$0x0] =	vst.idx.msk vm1, v6  }
0x108: {  	v57 =	vadd.s32 $0x1, v55;
	v14 =	vadd.s32 v56, v0;
	vm2 =	vmor vm2, vm4;
	[tilespmem:v0+s6+$0x0] =	vst.idx.msk vm1, v7  }
0x109: {  	v58 =	vadd.s32 $0x2, v55;
	vm3 =	vlt.s32 v14, $0x64;
	vm2 =	vmneg vm2;
	[tilespmem:v0+s7+$0x0] =	vst.idx.msk vm1, v8  }
0x10a: {  	v59 =	vadd.s32 $0x3, v55;
	vm2 =	vmand vm3, vm2;
	[tilespmem:v0+s8+$0x0] =	vst.idx.msk vm1, v9  }
0x10b: {  	vm3 =	vmand vm2, vm0;
	[tilespmem:v0+s9+$0x0] =	vst.idx.msk vm1, v11;
	v0 =	vadd.s32 $0x4, v55  }
0x10c: {  	[tilespmem:v55+s10+$0x0] =	vst.idx.msk vm1, v6  }
0x10d: {  	[tilespmem:v57+s10+$0x0] =	vst.idx.msk vm1, v7  }
0x10e: {  	[tilespmem:v58+s10+$0x0] =	vst.idx.msk vm1, v8  }
0x10f: {  	[tilespmem:v59+s10+$0x0] =	vst.idx.msk vm1, v9  }
0x110: {  	[tilespmem:v0+s10+$0x0] =	vst.idx.msk vm1, v13;
	v0 =	vmul.u32 $0x5, v14  }
0x111: {  	[tilespmem:v14+s5+$0x0] =	vst.idx.msk vm3, v2  }
0x112: {  	[tilespmem:v14+s6+$0x0] =	vst.idx.msk vm3, v3;
	v60 =	vadd.s32 $0x1, v0  }
0x113: {  	v61 =	vadd.s32 $0x2, v0;
	[tilespmem:v14+s7+$0x0] =	vst.idx.msk vm3, v4  }
0x114: {  	v62 =	vadd.s32 $0x3, v0;
	[tilespmem:v14+s8+$0x0] =	vst.idx.msk vm3, v5  }
0x115: {  	p0 =	sne.s32 s4, $0x7E;
	v63 =	vadd.s32 $0x4, v0;
	[tilespmem:v14+s9+$0x0] =	vst.idx.msk vm3, v10  }
.Ltmp1:
0x116: {  	[tilespmem:v0+s10+$0x0] =	vst.idx.msk vm3, v2;
	(pc) =	sbr.rel @p0 .LBB2_3-.Ltmp1, $4  }
0x117: {  	[tilespmem:v60+s10+$0x0] =	vst.idx.msk vm3, v3  }
0x118: {  	[tilespmem:v61+s10+$0x0] =	vst.idx.msk vm3, v4  }
0x119: {  	v0 =	vsel vm2, $0x1, v1;
	[tilespmem:v62+s10+$0x0] =	vst.idx.msk vm3, v5  }
0x11a: {  	s4 =	sadd.s32 $0x2, s4;
	v0 =	vadd.s32 v0, v14;
	[tilespmem:v63+s10+$0x0] =	vst.idx.msk vm3, v12  }
0x11b: {  	p0 =	sne.s32 s3, $0x0;
	[tilespmem:$0x780] =	vst v0  }
0x11c: {  	_ =	sfence.sel @p0 $0x180000  }
0x11d: {  	[bflag:$0x0] =	sbarrier.arrive @p0 $0xFFFF  }
0x11e: {  	_ =	strace @p0 $0x9000004A  }
0x11f: {  	s3 =	simm.s32 @!p0 $0x0;
	s4 =	simm.s32 @!p0 $0x580;
	[bflag:$0x2] =	sbarrier.arrive @p0 $0xFFFF  }
0x120: {  	[hbm4b:s1+s3] =	stream.linear.scatter @!p0 [tilespmem:s4], [sflag:$0x2], $0x200, $0x38;
	[tilespmem:$0x800] =	vst v63  }
0x121: {  	s1 =	simm.s32 @!p0 $0x2  }
0x122: {  	_ =	swait.ge @!p0 [sflag:s1], $0x200  }
0x123: {  	[sflag:s1] =	ssyncset.done @!p0 $0x0  }
0x124: {  	s4 =	simm.s32 @!p0 $0x780;
	[sflag:s1] =	ssyncadd.s32 @!p0 $0xFFFFFE00  }
0x125: {  	[hbm4b:s2+s3] =	stream.linear.scatter @!p0 [tilespmem:s4], [sflag:$0x2], $0x80, $0x38;
	[tilespmem:$0x800] =	vst v63  }
0x126: {  	_ =	swait.ge @!p0 [sflag:s1], $0x80  }
0x127: {  	[sflag:s1] =	ssyncset.done @!p0 $0x0  }
0x128: {  	[sflag:s1] =	ssyncadd.s32 @!p0 $0xFFFFFF80  }
0x129: {  	_ =	sfence.sel @!p0 $0x180000  }
0x12a: {  	[bflag:$0x0] =	sbarrier.arrive @!p0 $0xFFFF  }
0x12b: {  	_ =	strace @!p0 $0x9000004A  }
0x12c: {  	s0 =	sadd.s32 @!p0 $0x100000, s0;
	[bflag:$0x2] =	sbarrier.arrive @!p0 $0xFFFF  }
0x12d: {  	[sflag:s0] =	ssyncadd.tile.s32 @!p0 $0x1;
	_ =	shalt  }
.Lfunc_end2:
_tile_overlayer_lowered:
.L_overlay_start_2:
0x12e: {  	(tag) =	ssettag $0x2  }
0x12f: {  	s0 =	rddreg [dreg:$0x0];
	s2 =	stileid.u32  }
0x130: {  	s1 =	rddreg [dreg:$0x1];
	p0 =	sne.s32 s2, $0x0  }
0x131: {  	s3 =	rddreg [dreg:$0x2];
	[bflag:$0x3] =	sbarrier.arrive $0xFFFF;
	s2 =	simm.s32 @!p0 $0x1C02  }
0x132: {  	[timem:s3], [sflag:s2] =	dma.local @!p0 [hbm:s0], s1  }
0x133: {  	s0 =	simm.s32 @!p0 $0x2  }
0x134: {  	_ =	swait.ge @!p0 [sflag:s0], s1  }
0x135: {  	s1 =	ssub.s32 @!p0 $0x0, s1;
	[sflag:s0] =	ssyncset.done @!p0 $0x0  }
0x136: {  	[sflag:s0] =	ssyncadd.s32 @!p0 s1  }
0x137: {  	[bflag:$0x3] =	sbarrier.arrive $0xFFFF  }
0x138: {  	_ =	shalt  }

</sc_bundles>
